<compile_context>
chip_gen: v7x
topology: tpu7x:2x2x1
jax: 0.10.2.dev20260603
libtpu: 0.0.44.dev20260713+nightly
codegen_flags: <defaults>
</compile_context>

<pallas_src>
import jax
import jax.numpy as jnp
from jax import lax
from jax.experimental import pallas as pl
from jax.experimental.pallas import tpu as pltpu
from jax.experimental.pallas import tpu_sc as plsc

_N = 10000
_E = 320000
_DIN = 128
_HID = 256
_OUT = 128
_PIN = 1280
_NPROT = 19

_NC = 2
_NS = 16
_NW = _NC * _NS
_EPW = _E // _NW
_CH = 40
_NCHUNK = _EPW // _CH
_NPAD = 10240
_RPT = _NPAD // _NS
_DEGPAD = 10240
_DPT = _DEGPAD // _NS
_SCH = 50
_NSUP = _NCHUNK // _SCH
_EPS = _SCH * _CH
_K = 5
_GPS = _SCH // _K
_PADROW = 10016

_F32 = jnp.float32
_HIGH = lax.Precision.HIGHEST

def _mesh():
    return plsc.VectorSubcoreMesh(core_axis_name="c", subcore_axis_name="s",
                                  num_cores=_NC, num_subcores=_NS)


def _degree_body(ei_hbm, ones_hbm, zeros_hbm, gidx_hbm, out_hbm, idx_v,
                 ones_v, buf_v, gidx_v, dego_sh, degi_sh, sem0, sem1, sem2,
                 sem3):
    cid = lax.axis_index("c")
    sid = lax.axis_index("s")
    wid = sid * _NC + cid

    pltpu.sync_copy(ei_hbm.at[0, wid], idx_v.at[0])
    pltpu.sync_copy(ei_hbm.at[1, wid], idx_v.at[1])
    pltpu.sync_copy(ones_hbm, ones_v)
    pltpu.sync_copy(gidx_hbm, gidx_v)

    pltpu.sync_copy(zeros_hbm.at[pl.ds(sid * _DPT, _DPT)], buf_v)
    pltpu.sync_copy(buf_v, dego_sh.at[pl.ds(sid * _DPT, _DPT)])
    pltpu.sync_copy(buf_v, degi_sh.at[pl.ds(sid * _DPT, _DPT)])
    plsc.subcore_barrier()

    pltpu.async_copy(ones_v, dego_sh.at[gidx_v], sem0, add=True)
    pltpu.async_copy(ones_v, degi_sh.at[gidx_v], sem1, add=True)
    pltpu.async_copy(ones_v, dego_sh.at[gidx_v], sem2, add=True)
    pltpu.async_copy(ones_v, degi_sh.at[gidx_v], sem3, add=True)

    def _scat_s(s, _):
        def _scat(jj, _):
            j0 = 2 * jj
            j1 = j0 + 1
            pltpu.make_async_copy(ones_v, dego_sh.at[gidx_v], sem0).wait()
            pltpu.async_copy(ones_v, dego_sh.at[idx_v.at[0, s, j0]], sem0,
                             add=True)
            pltpu.make_async_copy(ones_v, degi_sh.at[gidx_v], sem1).wait()
            pltpu.async_copy(ones_v, degi_sh.at[idx_v.at[1, s, j0]], sem1,
                             add=True)
            pltpu.make_async_copy(ones_v, dego_sh.at[gidx_v], sem2).wait()
            pltpu.async_copy(ones_v, dego_sh.at[idx_v.at[0, s, j1]], sem2,
                             add=True)
            pltpu.make_async_copy(ones_v, degi_sh.at[gidx_v], sem3).wait()
            pltpu.async_copy(ones_v, degi_sh.at[idx_v.at[1, s, j1]], sem3,
                             add=True)
            return ()
        lax.fori_loop(0, _SCH // 2, _scat, ())
        return ()
    lax.fori_loop(0, _NSUP, _scat_s, ())
    pltpu.make_async_copy(ones_v, dego_sh.at[gidx_v], sem0).wait()
    pltpu.make_async_copy(ones_v, degi_sh.at[gidx_v], sem1).wait()
    pltpu.make_async_copy(ones_v, dego_sh.at[gidx_v], sem2).wait()
    pltpu.make_async_copy(ones_v, degi_sh.at[gidx_v], sem3).wait()
    plsc.subcore_barrier()

    pltpu.sync_copy(dego_sh.at[pl.ds(sid * _DPT, _DPT)], buf_v)
    pltpu.sync_copy(buf_v, out_hbm.at[cid, 0, pl.ds(sid * _DPT, _DPT)])
    pltpu.sync_copy(degi_sh.at[pl.ds(sid * _DPT, _DPT)], buf_v)
    pltpu.sync_copy(buf_v, out_hbm.at[cid, 1, pl.ds(sid * _DPT, _DPT)])


def _degrees(ei_r, ones80, zeros1d, gidx):
    return pl.kernel(
        _degree_body,
        out_type=jax.ShapeDtypeStruct((_NC, 2, _DEGPAD), _F32),
        mesh=_mesh(),
        compiler_params=pltpu.CompilerParams(needs_layout_passes=False),
        scratch_types=[
            pltpu.VMEM((2, _NSUP, _SCH, _CH), jnp.int32),
            pltpu.VMEM((_CH,), _F32),
            pltpu.VMEM((_DPT,), _F32),
            pltpu.VMEM((_CH,), jnp.int32),
            pltpu.VMEM_SHARED((_DEGPAD,), _F32),
            pltpu.VMEM_SHARED((_DEGPAD,), _F32),
            pltpu.SemaphoreType.DMA,
            pltpu.SemaphoreType.DMA,
            pltpu.SemaphoreType.DMA,
            pltpu.SemaphoreType.DMA,
        ],
    )(ei_r, ones80, zeros1d, gidx)


_BD_ROWS = 1000
_BD_GRID = _N // _BD_ROWS


def _dense_body(h_ref, w1_ref, b1_ref, w2_ref, b2_ref, wg_ref,
                z_ref, wf_ref, bf_ref):
    i = pl.program_id(0)

    @pl.when(i == 0)
    def _():
        wf_ref[...] = jnp.dot(w2_ref[...], wg_ref[...],
                              preferred_element_type=_F32, precision=_HIGH)
        bf_ref[...] = jnp.dot(b2_ref[...], wg_ref[...],
                              preferred_element_type=_F32, precision=_HIGH)

    hm = jnp.dot(h_ref[...], w1_ref[...],
                 preferred_element_type=_F32) + b1_ref[...]
    hm = jnp.maximum(hm, 0.0)
    z_ref[...] = jnp.dot(hm, wf_ref[...],
                         preferred_element_type=_F32) + bf_ref[...]


def _scale_body(z_ref, deg_ref, zs_ref):
    d = deg_ref[0, 0] + deg_ref[1, 0]
    zs_ref[...] = z_ref[...] * lax.rsqrt(jnp.maximum(d, 1.0))


def _scale_z(z, deg4):
    return pl.pallas_call(
        _scale_body,
        grid=(_BD_GRID,),
        in_specs=[
            pl.BlockSpec((_BD_ROWS, _OUT), lambda i: (i, 0)),
            pl.BlockSpec((_NC, 1, _BD_ROWS, 1), lambda i: (0, 0, i, 0)),
        ],
        out_specs=pl.BlockSpec((_BD_ROWS, _OUT), lambda i: (i, 0)),
        out_shape=jax.ShapeDtypeStruct((_N, _OUT), _F32),
    )(z, deg4[:, :1])


def _dense(h, W1r, b1r, W2r, b2r, Wg1):
    return pl.pallas_call(
        _dense_body,
        grid=(_BD_GRID,),
        in_specs=[
            pl.BlockSpec((_BD_ROWS, _DIN), lambda i: (i, 0)),
            pl.BlockSpec((_DIN, _HID), lambda i: (0, 0)),
            pl.BlockSpec((1, _HID), lambda i: (0, 0)),
            pl.BlockSpec((_HID, _OUT), lambda i: (0, 0)),
            pl.BlockSpec((1, _OUT), lambda i: (0, 0)),
            pl.BlockSpec((_OUT, _OUT), lambda i: (0, 0)),
        ],
        out_specs=pl.BlockSpec((_BD_ROWS, _OUT), lambda i: (i, 0)),
        out_shape=jax.ShapeDtypeStruct((_N, _OUT), _F32),
        scratch_shapes=[
            pltpu.VMEM((_HID, _OUT), _F32),
            pltpu.VMEM((1, _OUT), _F32),
        ],
    )(h, W1r, b1r, W2r, b2r, Wg1)


def _edge_kernel_body(zs_hbm, ei_hbm, ew_hbm, zeros_hbm, gidx_hbm, out_hbm,
                      src_i, dst_i, ew_v, rows, gidx_v,
                      agg_sh, gs0, gs1, gs2, gs3, gs4, ss0, ss1, ss2, ss3,
                      ss4):
    cid = lax.axis_index("c")
    sid = lax.axis_index("s")
    wid = sid * _NC + cid
    gs = (gs0, gs1, gs2, gs3, gs4)
    ss = (ss0, ss1, ss2, ss3, ss4)

    pltpu.sync_copy(gidx_hbm, gidx_v)

    pltpu.sync_copy(zeros_hbm, agg_sh.at[pl.ds(sid * _RPT, _RPT)])

    for k in range(_K):
        pltpu.async_copy(rows.at[k], agg_sh.at[gidx_v], ss[k], add=True)
    plsc.subcore_barrier()

    def _sup(s, _):
        pltpu.sync_copy(ei_hbm.at[0, wid, s], src_i)
        pltpu.sync_copy(ei_hbm.at[1, wid, s], dst_i)
        pltpu.sync_copy(ew_hbm.at[wid, s], ew_v)

        for k in range(3):
            pltpu.make_async_copy(rows.at[k], agg_sh.at[gidx_v],
                                  ss[k]).wait()
            pltpu.async_copy(zs_hbm.at[src_i.at[k]], rows.at[k], gs[k])

        def _prefetch(g, kp):
            jn = (g + 1) * _K + kp

            @pl.when(g + 1 < _GPS)
            def _():
                pltpu.make_async_copy(rows.at[kp], agg_sh.at[gidx_v],
                                      ss[kp]).wait()
                pltpu.async_copy(zs_hbm.at[src_i.at[jn]], rows.at[kp],
                                 gs[kp])

        def _grp(g, _):
            for k in range(_K):
                j = g * _K + k
                if k < 2:
                    b = k + 3
                    jb = g * _K + b
                    pltpu.make_async_copy(rows.at[b], agg_sh.at[gidx_v],
                                          ss[b]).wait()
                    pltpu.async_copy(zs_hbm.at[src_i.at[jb]], rows.at[b],
                                     gs[b])
                pltpu.make_async_copy(zs_hbm.at[src_i.at[j]], rows.at[k],
                                      gs[k]).wait()

                def _scale(e4, _, k=k, j=j):
                    for u in range(4):
                        e = e4 * 4 + u
                        ewv = plsc.load_gather(
                            ew_v, [jnp.full((16,), j * _CH + e, jnp.int32)])
                        for gg in range(8):
                            sl = pl.ds(gg * 16, 16)
                            rows[k, e, sl] = rows[k, e, sl] * ewv
                    return ()
                lax.fori_loop(0, _CH // 4, _scale, ())

                pltpu.async_copy(rows.at[k], agg_sh.at[dst_i.at[j]], ss[k],
                                 add=True)
                if k >= 2:
                    _prefetch(g, k - 2)
            return ()
        lax.fori_loop(0, _GPS, _grp, ())
        return ()
    lax.fori_loop(0, _NSUP, _sup, ())

    for k in range(_K):
        pltpu.make_async_copy(rows.at[k], agg_sh.at[gidx_v], ss[k]).wait()
    plsc.subcore_barrier()

    pltpu.sync_copy(agg_sh.at[pl.ds(sid * _RPT, _RPT)],
                    out_hbm.at[cid, pl.ds(sid * _RPT, _RPT)])


def _edges(zs, ei_r, ew_r, zeros2d, gidx):
    return pl.kernel(
        _edge_kernel_body,
        out_type=jax.ShapeDtypeStruct((_NC, _NPAD, _OUT), _F32),
        mesh=_mesh(),
        compiler_params=pltpu.CompilerParams(needs_layout_passes=False),
        scratch_types=[
            pltpu.VMEM((_SCH, _CH), jnp.int32),
            pltpu.VMEM((_SCH, _CH), jnp.int32),
            pltpu.VMEM((_EPS,), _F32),
            pltpu.VMEM((_K, _CH, _OUT), _F32),
            pltpu.VMEM((_CH,), jnp.int32),
            pltpu.VMEM_SHARED((_NPAD, _OUT), _F32),
        ] + [pltpu.SemaphoreType.DMA] * (2 * _K),
    )(zs, ei_r, ew_r, zeros2d, gidx)


def _final_body(a0_ref, a1_ref, deg_ref, bg_ref, ph_ref, w1p_ref, b1p_ref,
                w2p_ref, b2p_ref, hf_ref, po_ref):
    i = pl.program_id(0)

    a = a0_ref[0] + a1_ref[0]
    d = deg_ref[0, 0] + deg_ref[1, 0]
    hl = a * lax.rsqrt(jnp.maximum(d, 1.0)) + bg_ref[...]
    h1 = jnp.where(hl >= 0.0, hl, 0.01 * hl)
    part = jnp.sum(h1, axis=0, keepdims=True)

    @pl.when(i == 0)
    def _():
        hf_ref[...] = jnp.zeros_like(hf_ref)
        hm = jnp.dot(ph_ref[...], w1p_ref[...], preferred_element_type=_F32,
                     precision=_HIGH) + b1p_ref[...]
        hm = jnp.maximum(hm, 0.0)
        po_ref[...] = jnp.dot(hm, w2p_ref[...], preferred_element_type=_F32,
                              precision=_HIGH) + b2p_ref[...]

    hf_ref[...] += part

    @pl.when(i == _BD_GRID - 1)
    def _():
        hf_ref[...] = hf_ref[...] * (1.0 / _N)


def _final(aggs, deg4, bg1, ph, W1p, b1p, W2p, b2p):
    return pl.pallas_call(
        _final_body,
        grid=(_BD_GRID,),
        in_specs=[
            pl.BlockSpec((1, _BD_ROWS, _OUT), lambda i: (0, i, 0)),
            pl.BlockSpec((1, _BD_ROWS, _OUT), lambda i: (1, i, 0)),
            pl.BlockSpec((_NC, 1, _BD_ROWS, 1), lambda i: (0, 0, i, 0)),
            pl.BlockSpec((1, _OUT), lambda i: (0, 0)),
            pl.BlockSpec((_NPROT, _PIN), lambda i: (0, 0)),
            pl.BlockSpec((_PIN, _HID), lambda i: (0, 0)),
            pl.BlockSpec((1, _HID), lambda i: (0, 0)),
            pl.BlockSpec((_HID, _OUT), lambda i: (0, 0)),
            pl.BlockSpec((1, _OUT), lambda i: (0, 0)),
        ],
        out_specs=[
            pl.BlockSpec((1, _OUT), lambda i: (0, 0)),
            pl.BlockSpec((_NPROT, _OUT), lambda i: (0, 0)),
        ],
        out_shape=[
            jax.ShapeDtypeStruct((1, _OUT), _F32),
            jax.ShapeDtypeStruct((_NPROT, _OUT), _F32),
        ],
    )(aggs, aggs, deg4[:, 1:], bg1, ph, W1p, b1p, W2p, b2p)


def kernel(h, edge_index, edge_weight, protein_h, W1r, b1r, W2r, b2r,
           Wg0, bg0, Wg1, bg1, W1p, b1p, W2p, b2p):
    del Wg0, bg0

    ei_r = edge_index.reshape(2, _NW, _NSUP, _SCH, _CH)
    ew_r = edge_weight.reshape(_NW, _NSUP, _EPS)

    ones80 = jnp.ones((_CH,), _F32)
    zeros1d = jnp.zeros((_DEGPAD,), _F32)
    zeros2d = jnp.zeros((_RPT, _OUT), _F32)
    gidx = jnp.full((_CH,), _PADROW, jnp.int32)

    deg = _degrees(ei_r, ones80, zeros1d, gidx)
    deg4 = deg.reshape(_NC, 2, _DEGPAD, 1)

    z = _dense(h, W1r, b1r.reshape(1, _HID), W2r, b2r.reshape(1, _OUT),
               Wg1)
    zs = _scale_z(z, deg4)
    aggs = _edges(zs, ei_r, ew_r, zeros2d, gidx)

    hf, po = _final(aggs, deg4, bg1.reshape(1, _OUT), protein_h,
                    W1p, b1p.reshape(1, _HID), W2p, b2p.reshape(1, _OUT))
    return (hf, po)

# --- scband reference (transcript-rebuilt; emitter-appended) ---
"""Pipeline reference for scband-gnnnet-4157528342758 (READ-ONLY COPY).

The authoritative reference and input builder live on the scoring server;
editing this copy changes nothing except your own understanding.
"""

import jax, jax.numpy as jnp
import numpy as np

N = 10000
E = 320000
D_IN = 128
HID = 256
OUT = 128
P_IN = 1280
N_PROT = 19


def _mlp(x, W1, b1, W2, b2):
    # MLP(num_layers=2): Linear -> Dropout(eval: identity) -> ReLU -> Linear
    h = x @ W1 + b1
    h = jax.nn.relu(h)
    return h @ W2 + b2


def _gcn_conv(x, src, dst, ew, W, b):
    # DGL GraphConv, norm='both', with edge_weight multiplying messages.
    ones = jnp.ones((E,), jnp.float32)
    deg_out = jnp.clip(jnp.zeros((N,), jnp.float32).at[src].add(ones), 1.0)
    deg_in = jnp.clip(jnp.zeros((N,), jnp.float32).at[dst].add(ones), 1.0)
    norm_o = deg_out ** -0.5
    norm_i = deg_in ** -0.5
    m = x[src] * norm_o[src][:, None] * ew[:, None]
    agg = jnp.zeros((N, x.shape[1]), jnp.float32).at[dst].add(m)
    return (agg * norm_i[:, None]) @ W + b


def setup_inputs(seed: int = 0) -> dict:
    key = jax.random.key(seed)
    ks = jax.random.split(key, 20)
    s = 0.02
    return {
        "h": jax.random.normal(ks[0], (N, D_IN), jnp.float32),
        "edge_index": jax.random.randint(ks[1], (2, E), 0, N, jnp.int32),
        "edge_weight": jax.random.uniform(ks[2], (E,), jnp.float32),
        "protein_h": jax.random.normal(ks[3], (N_PROT, P_IN), jnp.float32),
        "W1r": jax.random.normal(ks[4], (D_IN, HID), jnp.float32) * s,
        "b1r": jnp.zeros((HID,), jnp.float32),
        "W2r": jax.random.normal(ks[5], (HID, OUT), jnp.float32) * s,
        "b2r": jnp.zeros((OUT,), jnp.float32),
        "Wg0": jax.random.normal(ks[6], (OUT, OUT), jnp.float32) * s,
        "bg0": jnp.zeros((OUT,), jnp.float32),
        "Wg1": jax.random.normal(ks[7], (OUT, OUT), jnp.float32) * s,
        "bg1": jnp.zeros((OUT,), jnp.float32),
        "W1p": jax.random.normal(ks[8], (P_IN, HID), jnp.float32) * s,
        "b1p": jnp.zeros((HID,), jnp.float32),
        "W2p": jax.random.normal(ks[9], (HID, OUT), jnp.float32) * s,
        "b2p": jnp.zeros((OUT,), jnp.float32),
    }


def reference(h, edge_index, edge_weight, protein_h, W1r, b1r, W2r, b2r, Wg0, bg0, Wg1, bg1, W1p, b1p, W2p, b2p):
    src = edge_index[0]
    dst = edge_index[1]
    h_rna = _mlp(h, W1r, b1r, W2r, b2r)
    # NOTE: faithful to the original forward: each layer is applied to h_rna
    # (h1 = self.layers_gnn[i](g, h_rna, ...)), not chained.
    h1 = h_rna
    for (W, b) in ((Wg0, bg0), (Wg1, bg1)):
        h1 = jax.nn.leaky_relu(_gcn_conv(h_rna, src, dst, edge_weight, W, b), 0.01)
    h_final = jnp.mean(h1, axis=0, keepdims=True)  # AvgPooling over single graph
    p_out = _mlp(protein_h, W1p, b1p, W2p, b2p)
    return (h_final, p_out)

if __name__ == "__main__":
    import jax
    _d = setup_inputs()
    print(jax.jit(kernel)(*tuple(_d.values())))

</pallas_src>

<mosaic_0001>
#map = affine_map<(d0, d1) -> (0, 0, 0, 0, 0)>
#map1 = affine_map<(d0, d1) -> (0)>
#map2 = affine_map<(d0, d1) -> (0, 0, 0)>
module attributes {stable_mosaic.version = 14 : i64} {
  func.func @_degree_body(%arg0: i32, %arg1: i32, %arg2: memref<2x32x5x50x40xi32, #tpu.memory_space<hbm>>, %arg3: memref<40xf32, #tpu.memory_space<hbm>>, %arg4: memref<10240xf32, #tpu.memory_space<hbm>>, %arg5: memref<40xi32, #tpu.memory_space<hbm>>, %arg6: memref<2x2x10240xf32, #tpu.memory_space<hbm>>, %arg7: memref<2x5x50x40xi32, #tpu.memory_space<vmem>>, %arg8: memref<40xf32, #tpu.memory_space<vmem>>, %arg9: memref<640xf32, #tpu.memory_space<vmem>>, %arg10: memref<40xi32, #tpu.memory_space<vmem>>, %arg11: memref<10240xf32, #tpu.memory_space<vmem_shared>>, %arg12: memref<10240xf32, #tpu.memory_space<vmem_shared>>, %arg13: memref<!tpu.dma_semaphore, #tpu.memory_space<semaphore_mem>>, %arg14: memref<!tpu.dma_semaphore, #tpu.memory_space<semaphore_mem>>, %arg15: memref<!tpu.dma_semaphore, #tpu.memory_space<semaphore_mem>>, %arg16: memref<!tpu.dma_semaphore, #tpu.memory_space<semaphore_mem>>) attributes {dimension_semantics = [#tpu.dimension_semantics<core_parallel>, #tpu.dimension_semantics<subcore_parallel>], iteration_bounds = array<i64: 2, 16>, scalar_prefetch = 0 : i64, scratch_operands = 10 : i64, tpu.core_type = #tpu.core_type<sc_vector_subcore>, window_params = [{transform_indices = #map}, {transform_indices = #map1}, {transform_indices = #map1}, {transform_indices = #map1}, {transform_indices = #map2}]} {
    %mul3A = arith.constant 2 : i32
    %mul3A_0 = arith.muli %arg1, %mul3A : i32
    %add3A = arith.addi %mul3A_0, %arg0 : i32
    %run_scoped3A = arith.constant 0 : i32
    %run_scoped3A_1 = arith.constant 0 : i32
    "tpu.region"() ({
      %run_scoped3A_39 = tpu.sem_alloc : memref<!tpu.dma_semaphore, #tpu.memory_space<semaphore_mem>>
      %dma_start3A_40 = arith.constant 0 : i32
      %dma_start3A_41 = arith.constant 0 : i32
      %dma_start3A_42 = arith.constant 0 : i32
      %dma_start3A_43 = tpu.memref_slice %arg7[%run_scoped3A_1, %dma_start3A_40, %dma_start3A_41, %dma_start3A_42] : memref<2x5x50x40xi32, #tpu.memory_space<vmem>> -> memref<1x5x50x40xi32, #tpu.memory_space<vmem>>
      %dma_start3A_44 = tpu.memref_squeeze %dma_start3A_43 : memref<1x5x50x40xi32, #tpu.memory_space<vmem>> -> memref<5x50x40xi32, #tpu.memory_space<vmem>>
      %dma_start3A_45 = arith.constant 0 : i32
      %dma_start3A_46 = arith.constant 0 : i32
      %dma_start3A_47 = arith.constant 0 : i32
      %dma_start3A_48 = tpu.memref_slice %arg2[%run_scoped3A, %add3A, %dma_start3A_45, %dma_start3A_46, %dma_start3A_47] : memref<2x32x5x50x40xi32, #tpu.memory_space<hbm>> -> memref<1x1x5x50x40xi32, #tpu.memory_space<hbm>>
      %dma_start3A_49 = tpu.memref_squeeze %dma_start3A_48 : memref<1x1x5x50x40xi32, #tpu.memory_space<hbm>> -> memref<5x50x40xi32, #tpu.memory_space<hbm>>
      %dma_start3A_50 = arith.constant 0 : i32
      %dma_start3A_51 = arith.constant 0 : i32
      %dma_start3A_52 = arith.constant 0 : i32
      %dma_start3A_53 = tpu.memref_slice %arg7[%run_scoped3A_1, %dma_start3A_50, %dma_start3A_51, %dma_start3A_52] : memref<2x5x50x40xi32, #tpu.memory_space<vmem>> -> memref<1x5x50x40xi32, #tpu.memory_space<vmem>>
      %dma_start3A_54 = tpu.memref_squeeze %dma_start3A_53 : memref<1x5x50x40xi32, #tpu.memory_space<vmem>> -> memref<5x50x40xi32, #tpu.memory_space<vmem>>
      %dma_start3A_55 = arith.constant 0 : i32
      %dma_start3A_56 = arith.constant 0 : i32
      %dma_start3A_57 = arith.constant 0 : i32
      %dma_start3A_58 = tpu.memref_slice %arg2[%run_scoped3A, %add3A, %dma_start3A_55, %dma_start3A_56, %dma_start3A_57] : memref<2x32x5x50x40xi32, #tpu.memory_space<hbm>> -> memref<1x1x5x50x40xi32, #tpu.memory_space<hbm>>
      %dma_start3A_59 = tpu.memref_squeeze %dma_start3A_58 : memref<1x1x5x50x40xi32, #tpu.memory_space<hbm>> -> memref<5x50x40xi32, #tpu.memory_space<hbm>>
      tpu.enqueue_dma source(%dma_start3A_59 : memref<5x50x40xi32, #tpu.memory_space<hbm>>) target(%dma_start3A_54 : memref<5x50x40xi32, #tpu.memory_space<vmem>>) target_semaphore(%run_scoped3A_39 : memref<!tpu.dma_semaphore, #tpu.memory_space<semaphore_mem>>)
      %dma_wait3A_60 = arith.constant 0 : i32
      %dma_wait3A_61 = arith.constant 0 : i32
      %dma_wait3A_62 = arith.constant 0 : i32
      %dma_wait3A_63 = tpu.memref_slice %arg7[%run_scoped3A_1, %dma_wait3A_60, %dma_wait3A_61, %dma_wait3A_62] : memref<2x5x50x40xi32, #tpu.memory_space<vmem>> -> memref<1x5x50x40xi32, #tpu.memory_space<vmem>>
      %dma_wait3A_64 = tpu.memref_squeeze %dma_wait3A_63 : memref<1x5x50x40xi32, #tpu.memory_space<vmem>> -> memref<5x50x40xi32, #tpu.memory_space<vmem>>
      %dma_wait3A_65 = arith.constant 0 : i32
      %dma_wait3A_66 = arith.constant 0 : i32
      %dma_wait3A_67 = arith.constant 0 : i32
      %dma_wait3A_68 = tpu.memref_slice %arg2[%run_scoped3A, %add3A, %dma_wait3A_65, %dma_wait3A_66, %dma_wait3A_67] : memref<2x32x5x50x40xi32, #tpu.memory_space<hbm>> -> memref<1x1x5x50x40xi32, #tpu.memory_space<hbm>>
      %dma_wait3A_69 = tpu.memref_squeeze %dma_wait3A_68 : memref<1x1x5x50x40xi32, #tpu.memory_space<hbm>> -> memref<5x50x40xi32, #tpu.memory_space<hbm>>
      %dma_wait3A_70 = arith.constant 0 : i32
      %dma_wait3A_71 = arith.constant 0 : i32
      %dma_wait3A_72 = arith.constant 0 : i32
      %dma_wait3A_73 = tpu.memref_slice %arg7[%run_scoped3A_1, %dma_wait3A_70, %dma_wait3A_71, %dma_wait3A_72] : memref<2x5x50x40xi32, #tpu.memory_space<vmem>> -> memref<1x5x50x40xi32, #tpu.memory_space<vmem>>
      %dma_wait3A_74 = tpu.memref_squeeze %dma_wait3A_73 : memref<1x5x50x40xi32, #tpu.memory_space<vmem>> -> memref<5x50x40xi32, #tpu.memory_space<vmem>>
      %dma_wait3A_75 = arith.constant 0 : i32
      %dma_wait3A_76 = arith.constant 0 : i32
      %dma_wait3A_77 = arith.constant 0 : i32
      %dma_wait3A_78 = tpu.memref_slice %arg2[%run_scoped3A, %add3A, %dma_wait3A_75, %dma_wait3A_76, %dma_wait3A_77] : memref<2x32x5x50x40xi32, #tpu.memory_space<hbm>> -> memref<1x1x5x50x40xi32, #tpu.memory_space<hbm>>
      %dma_wait3A_79 = tpu.memref_squeeze %dma_wait3A_78 : memref<1x1x5x50x40xi32, #tpu.memory_space<hbm>> -> memref<5x50x40xi32, #tpu.memory_space<hbm>>
      tpu.wait_dma2 semaphore(%run_scoped3A_39 : memref<!tpu.dma_semaphore, #tpu.memory_space<semaphore_mem>>) src(%dma_wait3A_79 : memref<5x50x40xi32, #tpu.memory_space<hbm>>) dst(%dma_wait3A_74 : memref<5x50x40xi32, #tpu.memory_space<vmem>>)
      tpu.yield
    }) : () -> ()
    %run_scoped3A_2 = arith.constant 1 : i32
    %run_scoped3A_3 = arith.constant 1 : i32
    "tpu.region"() ({
      %run_scoped3A_39 = tpu.sem_alloc : memref<!tpu.dma_semaphore, #tpu.memory_space<semaphore_mem>>
      %dma_start3A_40 = arith.constant 0 : i32
      %dma_start3A_41 = arith.constant 0 : i32
      %dma_start3A_42 = arith.constant 0 : i32
      %dma_start3A_43 = tpu.memref_slice %arg7[%run_scoped3A_3, %dma_start3A_40, %dma_start3A_41, %dma_start3A_42] : memref<2x5x50x40xi32, #tpu.memory_space<vmem>> -> memref<1x5x50x40xi32, #tpu.memory_space<vmem>>
      %dma_start3A_44 = tpu.memref_squeeze %dma_start3A_43 : memref<1x5x50x40xi32, #tpu.memory_space<vmem>> -> memref<5x50x40xi32, #tpu.memory_space<vmem>>
      %dma_start3A_45 = arith.constant 0 : i32
      %dma_start3A_46 = arith.constant 0 : i32
      %dma_start3A_47 = arith.constant 0 : i32
      %dma_start3A_48 = tpu.memref_slice %arg2[%run_scoped3A_2, %add3A, %dma_start3A_45, %dma_start3A_46, %dma_start3A_47] : memref<2x32x5x50x40xi32, #tpu.memory_space<hbm>> -> memref<1x1x5x50x40xi32, #tpu.memory_space<hbm>>
      %dma_start3A_49 = tpu.memref_squeeze %dma_start3A_48 : memref<1x1x5x50x40xi32, #tpu.memory_space<hbm>> -> memref<5x50x40xi32, #tpu.memory_space<hbm>>
      %dma_start3A_50 = arith.constant 0 : i32
      %dma_start3A_51 = arith.constant 0 : i32
      %dma_start3A_52 = arith.constant 0 : i32
      %dma_start3A_53 = tpu.memref_slice %arg7[%run_scoped3A_3, %dma_start3A_50, %dma_start3A_51, %dma_start3A_52] : memref<2x5x50x40xi32, #tpu.memory_space<vmem>> -> memref<1x5x50x40xi32, #tpu.memory_space<vmem>>
      %dma_start3A_54 = tpu.memref_squeeze %dma_start3A_53 : memref<1x5x50x40xi32, #tpu.memory_space<vmem>> -> memref<5x50x40xi32, #tpu.memory_space<vmem>>
      %dma_start3A_55 = arith.constant 0 : i32
      %dma_start3A_56 = arith.constant 0 : i32
      %dma_start3A_57 = arith.constant 0 : i32
      %dma_start3A_58 = tpu.memref_slice %arg2[%run_scoped3A_2, %add3A, %dma_start3A_55, %dma_start3A_56, %dma_start3A_57] : memref<2x32x5x50x40xi32, #tpu.memory_space<hbm>> -> memref<1x1x5x50x40xi32, #tpu.memory_space<hbm>>
      %dma_start3A_59 = tpu.memref_squeeze %dma_start3A_58 : memref<1x1x5x50x40xi32, #tpu.memory_space<hbm>> -> memref<5x50x40xi32, #tpu.memory_space<hbm>>
      tpu.enqueue_dma source(%dma_start3A_59 : memref<5x50x40xi32, #tpu.memory_space<hbm>>) target(%dma_start3A_54 : memref<5x50x40xi32, #tpu.memory_space<vmem>>) target_semaphore(%run_scoped3A_39 : memref<!tpu.dma_semaphore, #tpu.memory_space<semaphore_mem>>)
      %dma_wait3A_60 = arith.constant 0 : i32
      %dma_wait3A_61 = arith.constant 0 : i32
      %dma_wait3A_62 = arith.constant 0 : i32
      %dma_wait3A_63 = tpu.memref_slice %arg7[%run_scoped3A_3, %dma_wait3A_60, %dma_wait3A_61, %dma_wait3A_62] : memref<2x5x50x40xi32, #tpu.memory_space<vmem>> -> memref<1x5x50x40xi32, #tpu.memory_space<vmem>>
      %dma_wait3A_64 = tpu.memref_squeeze %dma_wait3A_63 : memref<1x5x50x40xi32, #tpu.memory_space<vmem>> -> memref<5x50x40xi32, #tpu.memory_space<vmem>>
      %dma_wait3A_65 = arith.constant 0 : i32
      %dma_wait3A_66 = arith.constant 0 : i32
      %dma_wait3A_67 = arith.constant 0 : i32
      %dma_wait3A_68 = tpu.memref_slice %arg2[%run_scoped3A_2, %add3A, %dma_wait3A_65, %dma_wait3A_66, %dma_wait3A_67] : memref<2x32x5x50x40xi32, #tpu.memory_space<hbm>> -> memref<1x1x5x50x40xi32, #tpu.memory_space<hbm>>
      %dma_wait3A_69 = tpu.memref_squeeze %dma_wait3A_68 : memref<1x1x5x50x40xi32, #tpu.memory_space<hbm>> -> memref<5x50x40xi32, #tpu.memory_space<hbm>>
      %dma_wait3A_70 = arith.constant 0 : i32
      %dma_wait3A_71 = arith.constant 0 : i32
      %dma_wait3A_72 = arith.constant 0 : i32
      %dma_wait3A_73 = tpu.memref_slice %arg7[%run_scoped3A_3, %dma_wait3A_70, %dma_wait3A_71, %dma_wait3A_72] : memref<2x5x50x40xi32, #tpu.memory_space<vmem>> -> memref<1x5x50x40xi32, #tpu.memory_space<vmem>>
      %dma_wait3A_74 = tpu.memref_squeeze %dma_wait3A_73 : memref<1x5x50x40xi32, #tpu.memory_space<vmem>> -> memref<5x50x40xi32, #tpu.memory_space<vmem>>
      %dma_wait3A_75 = arith.constant 0 : i32
      %dma_wait3A_76 = arith.constant 0 : i32
      %dma_wait3A_77 = arith.constant 0 : i32
      %dma_wait3A_78 = tpu.memref_slice %arg2[%run_scoped3A_2, %add3A, %dma_wait3A_75, %dma_wait3A_76, %dma_wait3A_77] : memref<2x32x5x50x40xi32, #tpu.memory_space<hbm>> -> memref<1x1x5x50x40xi32, #tpu.memory_space<hbm>>
      %dma_wait3A_79 = tpu.memref_squeeze %dma_wait3A_78 : memref<1x1x5x50x40xi32, #tpu.memory_space<hbm>> -> memref<5x50x40xi32, #tpu.memory_space<hbm>>
      tpu.wait_dma2 semaphore(%run_scoped3A_39 : memref<!tpu.dma_semaphore, #tpu.memory_space<semaphore_mem>>) src(%dma_wait3A_79 : memref<5x50x40xi32, #tpu.memory_space<hbm>>) dst(%dma_wait3A_74 : memref<5x50x40xi32, #tpu.memory_space<vmem>>)
      tpu.yield
    }) : () -> ()
    "tpu.region"() ({
      %run_scoped3A_39 = tpu.sem_alloc : memref<!tpu.dma_semaphore, #tpu.memory_space<semaphore_mem>>
      tpu.enqueue_dma source(%arg3 : memref<40xf32, #tpu.memory_space<hbm>>) target(%arg8 : memref<40xf32, #tpu.memory_space<vmem>>) target_semaphore(%run_scoped3A_39 : memref<!tpu.dma_semaphore, #tpu.memory_space<semaphore_mem>>)
      tpu.wait_dma2 semaphore(%run_scoped3A_39 : memref<!tpu.dma_semaphore, #tpu.memory_space<semaphore_mem>>) src(%arg3 : memref<40xf32, #tpu.memory_space<hbm>>) dst(%arg8 : memref<40xf32, #tpu.memory_space<vmem>>)
      tpu.yield
    }) : () -> ()
    "tpu.region"() ({
      %run_scoped3A_39 = tpu.sem_alloc : memref<!tpu.dma_semaphore, #tpu.memory_space<semaphore_mem>>
      tpu.enqueue_dma source(%arg5 : memref<40xi32, #tpu.memory_space<hbm>>) target(%arg10 : memref<40xi32, #tpu.memory_space<vmem>>) target_semaphore(%run_scoped3A_39 : memref<!tpu.dma_semaphore, #tpu.memory_space<semaphore_mem>>)
      tpu.wait_dma2 semaphore(%run_scoped3A_39 : memref<!tpu.dma_semaphore, #tpu.memory_space<semaphore_mem>>) src(%arg5 : memref<40xi32, #tpu.memory_space<hbm>>) dst(%arg10 : memref<40xi32, #tpu.memory_space<vmem>>)
      tpu.yield
    }) : () -> ()
    %mul3A_4 = arith.constant 640 : i32
    %mul3A_5 = arith.muli %arg1, %mul3A_4 : i32
    "tpu.region"() ({
      %run_scoped3A_39 = tpu.sem_alloc : memref<!tpu.dma_semaphore, #tpu.memory_space<semaphore_mem>>
      %dma_start3A_40 = tpu.memref_slice %arg4[%mul3A_5] : memref<10240xf32, #tpu.memory_space<hbm>> -> memref<640xf32, #tpu.memory_space<hbm>>
      %dma_start3A_41 = tpu.memref_slice %arg4[%mul3A_5] : memref<10240xf32, #tpu.memory_space<hbm>> -> memref<640xf32, #tpu.memory_space<hbm>>
      tpu.enqueue_dma source(%dma_start3A_41 : memref<640xf32, #tpu.memory_space<hbm>>) target(%arg9 : memref<640xf32, #tpu.memory_space<vmem>>) target_semaphore(%run_scoped3A_39 : memref<!tpu.dma_semaphore, #tpu.memory_space<semaphore_mem>>)
      %dma_wait3A_42 = tpu.memref_slice %arg4[%mul3A_5] : memref<10240xf32, #tpu.memory_space<hbm>> -> memref<640xf32, #tpu.memory_space<hbm>>
      %dma_wait3A_43 = tpu.memref_slice %arg4[%mul3A_5] : memref<10240xf32, #tpu.memory_space<hbm>> -> memref<640xf32, #tpu.memory_space<hbm>>
      tpu.wait_dma2 semaphore(%run_scoped3A_39 : memref<!tpu.dma_semaphore, #tpu.memory_space<semaphore_mem>>) src(%dma_wait3A_43 : memref<640xf32, #tpu.memory_space<hbm>>) dst(%arg9 : memref<640xf32, #tpu.memory_space<vmem>>)
      tpu.yield
    }) : () -> ()
    %mul3A_6 = arith.constant 640 : i32
    %mul3A_7 = arith.muli %arg1, %mul3A_6 : i32
    "tpu.region"() ({
      %run_scoped3A_39 = tpu.sem_alloc : memref<!tpu.dma_semaphore, #tpu.memory_space<semaphore_mem>>
      %dma_start3A_40 = tpu.memref_slice %arg11[%mul3A_7] : memref<10240xf32, #tpu.memory_space<vmem_shared>> -> memref<640xf32, #tpu.memory_space<vmem_shared>>
      %dma_start3A_41 = tpu.memref_slice %arg11[%mul3A_7] : memref<10240xf32, #tpu.memory_space<vmem_shared>> -> memref<640xf32, #tpu.memory_space<vmem_shared>>
      tpu.enqueue_dma source(%arg9 : memref<640xf32, #tpu.memory_space<vmem>>) target(%dma_start3A_41 : memref<640xf32, #tpu.memory_space<vmem_shared>>) target_semaphore(%run_scoped3A_39 : memref<!tpu.dma_semaphore, #tpu.memory_space<semaphore_mem>>)
      %dma_wait3A_42 = tpu.memref_slice %arg11[%mul3A_7] : memref<10240xf32, #tpu.memory_space<vmem_shared>> -> memref<640xf32, #tpu.memory_space<vmem_shared>>
      %dma_wait3A_43 = tpu.memref_slice %arg11[%mul3A_7] : memref<10240xf32, #tpu.memory_space<vmem_shared>> -> memref<640xf32, #tpu.memory_space<vmem_shared>>
      tpu.wait_dma2 semaphore(%run_scoped3A_39 : memref<!tpu.dma_semaphore, #tpu.memory_space<semaphore_mem>>) src(%arg9 : memref<640xf32, #tpu.memory_space<vmem>>) dst(%dma_wait3A_43 : memref<640xf32, #tpu.memory_space<vmem_shared>>)
      tpu.yield
    }) : () -> ()
    %mul3A_8 = arith.constant 640 : i32
    %mul3A_9 = arith.muli %arg1, %mul3A_8 : i32
    "tpu.region"() ({
      %run_scoped3A_39 = tpu.sem_alloc : memref<!tpu.dma_semaphore, #tpu.memory_space<semaphore_mem>>
      %dma_start3A_40 = tpu.memref_slice %arg12[%mul3A_9] : memref<10240xf32, #tpu.memory_space<vmem_shared>> -> memref<640xf32, #tpu.memory_space<vmem_shared>>
      %dma_start3A_41 = tpu.memref_slice %arg12[%mul3A_9] : memref<10240xf32, #tpu.memory_space<vmem_shared>> -> memref<640xf32, #tpu.memory_space<vmem_shared>>
      tpu.enqueue_dma source(%arg9 : memref<640xf32, #tpu.memory_space<vmem>>) target(%dma_start3A_41 : memref<640xf32, #tpu.memory_space<vmem_shared>>) target_semaphore(%run_scoped3A_39 : memref<!tpu.dma_semaphore, #tpu.memory_space<semaphore_mem>>)
      %dma_wait3A_42 = tpu.memref_slice %arg12[%mul3A_9] : memref<10240xf32, #tpu.memory_space<vmem_shared>> -> memref<640xf32, #tpu.memory_space<vmem_shared>>
      %dma_wait3A_43 = tpu.memref_slice %arg12[%mul3A_9] : memref<10240xf32, #tpu.memory_space<vmem_shared>> -> memref<640xf32, #tpu.memory_space<vmem_shared>>
      tpu.wait_dma2 semaphore(%run_scoped3A_39 : memref<!tpu.dma_semaphore, #tpu.memory_space<semaphore_mem>>) src(%arg9 : memref<640xf32, #tpu.memory_space<vmem>>) dst(%dma_wait3A_43 : memref<640xf32, #tpu.memory_space<vmem_shared>>)
      tpu.yield
    }) : () -> ()
    %barrier3A = arith.constant 0 : index
    tpu.barrier barrier_id(%barrier3A)
    %dma_start3A = arith.constant 0 : i32
    %dma_start3A_10 = tpu.memref_slice %arg11[%dma_start3A] : memref<10240xf32, #tpu.memory_space<vmem_shared>> -> memref<10240xf32, #tpu.memory_space<vmem_shared>>
    tpu.enqueue_indirect_dma source(%arg8 : memref<40xf32, #tpu.memory_space<vmem>>) target(%dma_start3A_10 : memref<10240xf32, #tpu.memory_space<vmem_shared>>) offsets(%arg10 : memref<40xi32, #tpu.memory_space<vmem>>) semaphore(%arg13 : memref<!tpu.dma_semaphore, #tpu.memory_space<semaphore_mem>>) {add = true}
    %dma_start3A_11 = arith.constant 0 : i32
    %dma_start3A_12 = tpu.memref_slice %arg12[%dma_start3A_11] : memref<10240xf32, #tpu.memory_space<vmem_shared>> -> memref<10240xf32, #tpu.memory_space<vmem_shared>>
    tpu.enqueue_indirect_dma source(%arg8 : memref<40xf32, #tpu.memory_space<vmem>>) target(%dma_start3A_12 : memref<10240xf32, #tpu.memory_space<vmem_shared>>) offsets(%arg10 : memref<40xi32, #tpu.memory_space<vmem>>) semaphore(%arg14 : memref<!tpu.dma_semaphore, #tpu.memory_space<semaphore_mem>>) {add = true}
    %dma_start3A_13 = arith.constant 0 : i32
    %dma_start3A_14 = tpu.memref_slice %arg11[%dma_start3A_13] : memref<10240xf32, #tpu.memory_space<vmem_shared>> -> memref<10240xf32, #tpu.memory_space<vmem_shared>>
    tpu.enqueue_indirect_dma source(%arg8 : memref<40xf32, #tpu.memory_space<vmem>>) target(%dma_start3A_14 : memref<10240xf32, #tpu.memory_space<vmem_shared>>) offsets(%arg10 : memref<40xi32, #tpu.memory_space<vmem>>) semaphore(%arg15 : memref<!tpu.dma_semaphore, #tpu.memory_space<semaphore_mem>>) {add = true}
    %dma_start3A_15 = arith.constant 0 : i32
    %dma_start3A_16 = tpu.memref_slice %arg12[%dma_start3A_15] : memref<10240xf32, #tpu.memory_space<vmem_shared>> -> memref<10240xf32, #tpu.memory_space<vmem_shared>>
    tpu.enqueue_indirect_dma source(%arg8 : memref<40xf32, #tpu.memory_space<vmem>>) target(%dma_start3A_16 : memref<10240xf32, #tpu.memory_space<vmem_shared>>) offsets(%arg10 : memref<40xi32, #tpu.memory_space<vmem>>) semaphore(%arg16 : memref<!tpu.dma_semaphore, #tpu.memory_space<semaphore_mem>>) {add = true}
    %scan3A = arith.constant 0 : i32
    %scan3A_17 = arith.constant 5 : i32
    %scan3A_18 = arith.addi %scan3A, %scan3A_17 : i32
    %scan3A_19 = arith.constant 1 : i32
    scf.for %scan3A_39 = %scan3A to %scan3A_18 step %scan3A_19  : i32 {
      %scan3A_40 = arith.constant 0 : i32
      %scan3A_41 = arith.constant 25 : i32
      %scan3A_42 = arith.addi %scan3A_40, %scan3A_41 : i32
      %scan3A_43 = arith.constant 1 : i32
      scf.for %scan3A_45 = %scan3A_40 to %scan3A_42 step %scan3A_43  : i32 {
        %mul3A_46 = arith.constant 2 : i32
        %mul3A_47 = arith.muli %mul3A_46, %scan3A_45 : i32
        %add3A_48 = arith.constant 1 : i32
        %add3A_49 = arith.addi %mul3A_47, %add3A_48 : i32
        %dma_wait3A_50 = arith.constant 0 : i32
        %dma_wait3A_51 = tpu.memref_slice %arg11[%dma_wait3A_50] : memref<10240xf32, #tpu.memory_space<vmem_shared>> -> memref<10240xf32, #tpu.memory_space<vmem_shared>>
        tpu.wait_indirect_dma semaphore(%arg13 : memref<!tpu.dma_semaphore, #tpu.memory_space<semaphore_mem>>) src(%arg8 : memref<40xf32, #tpu.memory_space<vmem>>) dst(%dma_wait3A_51 : memref<10240xf32, #tpu.memory_space<vmem_shared>>)
        %dma_start3A_52 = arith.constant 0 : i32
        %dma_start3A_53 = arith.constant 0 : i32
        %dma_start3A_54 = tpu.memref_slice %arg7[%dma_start3A_52, %scan3A_39, %mul3A_47, %dma_start3A_53] : memref<2x5x50x40xi32, #tpu.memory_space<vmem>> -> memref<1x1x1x40xi32, #tpu.memory_space<vmem>>
        %dma_start3A_55 = tpu.memref_squeeze %dma_start3A_54 : memref<1x1x1x40xi32, #tpu.memory_space<vmem>> -> memref<40xi32, #tpu.memory_space<vmem>>
        %dma_start3A_56 = arith.constant 0 : i32
        %dma_start3A_57 = tpu.memref_slice %arg11[%dma_start3A_56] : memref<10240xf32, #tpu.memory_space<vmem_shared>> -> memref<10240xf32, #tpu.memory_space<vmem_shared>>
        tpu.enqueue_indirect_dma source(%arg8 : memref<40xf32, #tpu.memory_space<vmem>>) target(%dma_start3A_57 : memref<10240xf32, #tpu.memory_space<vmem_shared>>) offsets(%dma_start3A_55 : memref<40xi32, #tpu.memory_space<vmem>>) semaphore(%arg13 : memref<!tpu.dma_semaphore, #tpu.memory_space<semaphore_mem>>) {add = true}
        %dma_wait3A_58 = arith.constant 0 : i32
        %dma_wait3A_59 = tpu.memref_slice %arg12[%dma_wait3A_58] : memref<10240xf32, #tpu.memory_space<vmem_shared>> -> memref<10240xf32, #tpu.memory_space<vmem_shared>>
        tpu.wait_indirect_dma semaphore(%arg14 : memref<!tpu.dma_semaphore, #tpu.memory_space<semaphore_mem>>) src(%arg8 : memref<40xf32, #tpu.memory_space<vmem>>) dst(%dma_wait3A_59 : memref<10240xf32, #tpu.memory_space<vmem_shared>>)
        %dma_start3A_60 = arith.constant 1 : i32
        %dma_start3A_61 = arith.constant 0 : i32
        %dma_start3A_62 = tpu.memref_slice %arg7[%dma_start3A_60, %scan3A_39, %mul3A_47, %dma_start3A_61] : memref<2x5x50x40xi32, #tpu.memory_space<vmem>> -> memref<1x1x1x40xi32, #tpu.memory_space<vmem>>
        %dma_start3A_63 = tpu.memref_squeeze %dma_start3A_62 : memref<1x1x1x40xi32, #tpu.memory_space<vmem>> -> memref<40xi32, #tpu.memory_space<vmem>>
        %dma_start3A_64 = arith.constant 0 : i32
        %dma_start3A_65 = tpu.memref_slice %arg12[%dma_start3A_64] : memref<10240xf32, #tpu.memory_space<vmem_shared>> -> memref<10240xf32, #tpu.memory_space<vmem_shared>>
        tpu.enqueue_indirect_dma source(%arg8 : memref<40xf32, #tpu.memory_space<vmem>>) target(%dma_start3A_65 : memref<10240xf32, #tpu.memory_space<vmem_shared>>) offsets(%dma_start3A_63 : memref<40xi32, #tpu.memory_space<vmem>>) semaphore(%arg14 : memref<!tpu.dma_semaphore, #tpu.memory_space<semaphore_mem>>) {add = true}
        %dma_wait3A_66 = arith.constant 0 : i32
        %dma_wait3A_67 = tpu.memref_slice %arg11[%dma_wait3A_66] : memref<10240xf32, #tpu.memory_space<vmem_shared>> -> memref<10240xf32, #tpu.memory_space<vmem_shared>>
        tpu.wait_indirect_dma semaphore(%arg15 : memref<!tpu.dma_semaphore, #tpu.memory_space<semaphore_mem>>) src(%arg8 : memref<40xf32, #tpu.memory_space<vmem>>) dst(%dma_wait3A_67 : memref<10240xf32, #tpu.memory_space<vmem_shared>>)
        %dma_start3A_68 = arith.constant 0 : i32
        %dma_start3A_69 = arith.constant 0 : i32
        %dma_start3A_70 = tpu.memref_slice %arg7[%dma_start3A_68, %scan3A_39, %add3A_49, %dma_start3A_69] : memref<2x5x50x40xi32, #tpu.memory_space<vmem>> -> memref<1x1x1x40xi32, #tpu.memory_space<vmem>>
        %dma_start3A_71 = tpu.memref_squeeze %dma_start3A_70 : memref<1x1x1x40xi32, #tpu.memory_space<vmem>> -> memref<40xi32, #tpu.memory_space<vmem>>
        %dma_start3A_72 = arith.constant 0 : i32
        %dma_start3A_73 = tpu.memref_slice %arg11[%dma_start3A_72] : memref<10240xf32, #tpu.memory_space<vmem_shared>> -> memref<10240xf32, #tpu.memory_space<vmem_shared>>
        tpu.enqueue_indirect_dma source(%arg8 : memref<40xf32, #tpu.memory_space<vmem>>) target(%dma_start3A_73 : memref<10240xf32, #tpu.memory_space<vmem_shared>>) offsets(%dma_start3A_71 : memref<40xi32, #tpu.memory_space<vmem>>) semaphore(%arg15 : memref<!tpu.dma_semaphore, #tpu.memory_space<semaphore_mem>>) {add = true}
        %dma_wait3A_74 = arith.constant 0 : i32
        %dma_wait3A_75 = tpu.memref_slice %arg12[%dma_wait3A_74] : memref<10240xf32, #tpu.memory_space<vmem_shared>> -> memref<10240xf32, #tpu.memory_space<vmem_shared>>
        tpu.wait_indirect_dma semaphore(%arg16 : memref<!tpu.dma_semaphore, #tpu.memory_space<semaphore_mem>>) src(%arg8 : memref<40xf32, #tpu.memory_space<vmem>>) dst(%dma_wait3A_75 : memref<10240xf32, #tpu.memory_space<vmem_shared>>)
        %dma_start3A_76 = arith.constant 1 : i32
        %dma_start3A_77 = arith.constant 0 : i32
        %dma_start3A_78 = tpu.memref_slice %arg7[%dma_start3A_76, %scan3A_39, %add3A_49, %dma_start3A_77] : memref<2x5x50x40xi32, #tpu.memory_space<vmem>> -> memref<1x1x1x40xi32, #tpu.memory_space<vmem>>
        %dma_start3A_79 = tpu.memref_squeeze %dma_start3A_78 : memref<1x1x1x40xi32, #tpu.memory_space<vmem>> -> memref<40xi32, #tpu.memory_space<vmem>>
        %dma_start3A_80 = arith.constant 0 : i32
        %dma_start3A_81 = tpu.memref_slice %arg12[%dma_start3A_80] : memref<10240xf32, #tpu.memory_space<vmem_shared>> -> memref<10240xf32, #tpu.memory_space<vmem_shared>>
        tpu.enqueue_indirect_dma source(%arg8 : memref<40xf32, #tpu.memory_space<vmem>>) target(%dma_start3A_81 : memref<10240xf32, #tpu.memory_space<vmem_shared>>) offsets(%dma_start3A_79 : memref<40xi32, #tpu.memory_space<vmem>>) semaphore(%arg16 : memref<!tpu.dma_semaphore, #tpu.memory_space<semaphore_mem>>) {add = true}
      }
      %scan3A_44 = arith.constant 25 : i32
    }
    %scan3A_20 = arith.constant 5 : i32
    %dma_wait3A = arith.constant 0 : i32
    %dma_wait3A_21 = tpu.memref_slice %arg11[%dma_wait3A] : memref<10240xf32, #tpu.memory_space<vmem_shared>> -> memref<10240xf32, #tpu.memory_space<vmem_shared>>
    tpu.wait_indirect_dma semaphore(%arg13 : memref<!tpu.dma_semaphore, #tpu.memory_space<semaphore_mem>>) src(%arg8 : memref<40xf32, #tpu.memory_space<vmem>>) dst(%dma_wait3A_21 : memref<10240xf32, #tpu.memory_space<vmem_shared>>)
    %dma_wait3A_22 = arith.constant 0 : i32
    %dma_wait3A_23 = tpu.memref_slice %arg12[%dma_wait3A_22] : memref<10240xf32, #tpu.memory_space<vmem_shared>> -> memref<10240xf32, #tpu.memory_space<vmem_shared>>
    tpu.wait_indirect_dma semaphore(%arg14 : memref<!tpu.dma_semaphore, #tpu.memory_space<semaphore_mem>>) src(%arg8 : memref<40xf32, #tpu.memory_space<vmem>>) dst(%dma_wait3A_23 : memref<10240xf32, #tpu.memory_space<vmem_shared>>)
    %dma_wait3A_24 = arith.constant 0 : i32
    %dma_wait3A_25 = tpu.memref_slice %arg11[%dma_wait3A_24] : memref<10240xf32, #tpu.memory_space<vmem_shared>> -> memref<10240xf32, #tpu.memory_space<vmem_shared>>
    tpu.wait_indirect_dma semaphore(%arg15 : memref<!tpu.dma_semaphore, #tpu.memory_space<semaphore_mem>>) src(%arg8 : memref<40xf32, #tpu.memory_space<vmem>>) dst(%dma_wait3A_25 : memref<10240xf32, #tpu.memory_space<vmem_shared>>)
    %dma_wait3A_26 = arith.constant 0 : i32
    %dma_wait3A_27 = tpu.memref_slice %arg12[%dma_wait3A_26] : memref<10240xf32, #tpu.memory_space<vmem_shared>> -> memref<10240xf32, #tpu.memory_space<vmem_shared>>
    tpu.wait_indirect_dma semaphore(%arg16 : memref<!tpu.dma_semaphore, #tpu.memory_space<semaphore_mem>>) src(%arg8 : memref<40xf32, #tpu.memory_space<vmem>>) dst(%dma_wait3A_27 : memref<10240xf32, #tpu.memory_space<vmem_shared>>)
    %barrier3A_28 = arith.constant 0 : index
    tpu.barrier barrier_id(%barrier3A_28)
    %mul3A_29 = arith.constant 640 : i32
    %mul3A_30 = arith.muli %arg1, %mul3A_29 : i32
    "tpu.region"() ({
      %run_scoped3A_39 = tpu.sem_alloc : memref<!tpu.dma_semaphore, #tpu.memory_space<semaphore_mem>>
      %dma_start3A_40 = tpu.memref_slice %arg11[%mul3A_30] : memref<10240xf32, #tpu.memory_space<vmem_shared>> -> memref<640xf32, #tpu.memory_space<vmem_shared>>
      %dma_start3A_41 = tpu.memref_slice %arg11[%mul3A_30] : memref<10240xf32, #tpu.memory_space<vmem_shared>> -> memref<640xf32, #tpu.memory_space<vmem_shared>>
      tpu.enqueue_dma source(%dma_start3A_41 : memref<640xf32, #tpu.memory_space<vmem_shared>>) target(%arg9 : memref<640xf32, #tpu.memory_space<vmem>>) target_semaphore(%run_scoped3A_39 : memref<!tpu.dma_semaphore, #tpu.memory_space<semaphore_mem>>)
      %dma_wait3A_42 = tpu.memref_slice %arg11[%mul3A_30] : memref<10240xf32, #tpu.memory_space<vmem_shared>> -> memref<640xf32, #tpu.memory_space<vmem_shared>>
      %dma_wait3A_43 = tpu.memref_slice %arg11[%mul3A_30] : memref<10240xf32, #tpu.memory_space<vmem_shared>> -> memref<640xf32, #tpu.memory_space<vmem_shared>>
      tpu.wait_dma2 semaphore(%run_scoped3A_39 : memref<!tpu.dma_semaphore, #tpu.memory_space<semaphore_mem>>) src(%dma_wait3A_43 : memref<640xf32, #tpu.memory_space<vmem_shared>>) dst(%arg9 : memref<640xf32, #tpu.memory_space<vmem>>)
      tpu.yield
    }) : () -> ()
    %mul3A_31 = arith.constant 640 : i32
    %mul3A_32 = arith.muli %arg1, %mul3A_31 : i32
    %run_scoped3A_33 = arith.constant 0 : i32
    "tpu.region"() ({
      %run_scoped3A_39 = tpu.sem_alloc : memref<!tpu.dma_semaphore, #tpu.memory_space<semaphore_mem>>
      %dma_start3A_40 = tpu.memref_slice %arg6[%arg0, %run_scoped3A_33, %mul3A_32] : memref<2x2x10240xf32, #tpu.memory_space<hbm>> -> memref<1x1x640xf32, #tpu.memory_space<hbm>>
      %dma_start3A_41 = tpu.memref_squeeze %dma_start3A_40 : memref<1x1x640xf32, #tpu.memory_space<hbm>> -> memref<640xf32, #tpu.memory_space<hbm>>
      %dma_start3A_42 = tpu.memref_slice %arg6[%arg0, %run_scoped3A_33, %mul3A_32] : memref<2x2x10240xf32, #tpu.memory_space<hbm>> -> memref<1x1x640xf32, #tpu.memory_space<hbm>>
      %dma_start3A_43 = tpu.memref_squeeze %dma_start3A_42 : memref<1x1x640xf32, #tpu.memory_space<hbm>> -> memref<640xf32, #tpu.memory_space<hbm>>
      tpu.enqueue_dma source(%arg9 : memref<640xf32, #tpu.memory_space<vmem>>) target(%dma_start3A_43 : memref<640xf32, #tpu.memory_space<hbm>>) target_semaphore(%run_scoped3A_39 : memref<!tpu.dma_semaphore, #tpu.memory_space<semaphore_mem>>)
      %dma_wait3A_44 = tpu.memref_slice %arg6[%arg0, %run_scoped3A_33, %mul3A_32] : memref<2x2x10240xf32, #tpu.memory_space<hbm>> -> memref<1x1x640xf32, #tpu.memory_space<hbm>>
      %dma_wait3A_45 = tpu.memref_squeeze %dma_wait3A_44 : memref<1x1x640xf32, #tpu.memory_space<hbm>> -> memref<640xf32, #tpu.memory_space<hbm>>
      %dma_wait3A_46 = tpu.memref_slice %arg6[%arg0, %run_scoped3A_33, %mul3A_32] : memref<2x2x10240xf32, #tpu.memory_space<hbm>> -> memref<1x1x640xf32, #tpu.memory_space<hbm>>
      %dma_wait3A_47 = tpu.memref_squeeze %dma_wait3A_46 : memref<1x1x640xf32, #tpu.memory_space<hbm>> -> memref<640xf32, #tpu.memory_space<hbm>>
      tpu.wait_dma2 semaphore(%run_scoped3A_39 : memref<!tpu.dma_semaphore, #tpu.memory_space<semaphore_mem>>) src(%arg9 : memref<640xf32, #tpu.memory_space<vmem>>) dst(%dma_wait3A_47 : memref<640xf32, #tpu.memory_space<hbm>>)
      tpu.yield
    }) : () -> ()
    %mul3A_34 = arith.constant 640 : i32
    %mul3A_35 = arith.muli %arg1, %mul3A_34 : i32
    "tpu.region"() ({
      %run_scoped3A_39 = tpu.sem_alloc : memref<!tpu.dma_semaphore, #tpu.memory_space<semaphore_mem>>
      %dma_start3A_40 = tpu.memref_slice %arg12[%mul3A_35] : memref<10240xf32, #tpu.memory_space<vmem_shared>> -> memref<640xf32, #tpu.memory_space<vmem_shared>>
      %dma_start3A_41 = tpu.memref_slice %arg12[%mul3A_35] : memref<10240xf32, #tpu.memory_space<vmem_shared>> -> memref<640xf32, #tpu.memory_space<vmem_shared>>
      tpu.enqueue_dma source(%dma_start3A_41 : memref<640xf32, #tpu.memory_space<vmem_shared>>) target(%arg9 : memref<640xf32, #tpu.memory_space<vmem>>) target_semaphore(%run_scoped3A_39 : memref<!tpu.dma_semaphore, #tpu.memory_space<semaphore_mem>>)
      %dma_wait3A_42 = tpu.memref_slice %arg12[%mul3A_35] : memref<10240xf32, #tpu.memory_space<vmem_shared>> -> memref<640xf32, #tpu.memory_space<vmem_shared>>
      %dma_wait3A_43 = tpu.memref_slice %arg12[%mul3A_35] : memref<10240xf32, #tpu.memory_space<vmem_shared>> -> memref<640xf32, #tpu.memory_space<vmem_shared>>
      tpu.wait_dma2 semaphore(%run_scoped3A_39 : memref<!tpu.dma_semaphore, #tpu.memory_space<semaphore_mem>>) src(%dma_wait3A_43 : memref<640xf32, #tpu.memory_space<vmem_shared>>) dst(%arg9 : memref<640xf32, #tpu.memory_space<vmem>>)
      tpu.yield
    }) : () -> ()
    %mul3A_36 = arith.constant 640 : i32
    %mul3A_37 = arith.muli %arg1, %mul3A_36 : i32
    %run_scoped3A_38 = arith.constant 1 : i32
    "tpu.region"() ({
      %run_scoped3A_39 = tpu.sem_alloc : memref<!tpu.dma_semaphore, #tpu.memory_space<semaphore_mem>>
      %dma_start3A_40 = tpu.memref_slice %arg6[%arg0, %run_scoped3A_38, %mul3A_37] : memref<2x2x10240xf32, #tpu.memory_space<hbm>> -> memref<1x1x640xf32, #tpu.memory_space<hbm>>
      %dma_start3A_41 = tpu.memref_squeeze %dma_start3A_40 : memref<1x1x640xf32, #tpu.memory_space<hbm>> -> memref<640xf32, #tpu.memory_space<hbm>>
      %dma_start3A_42 = tpu.memref_slice %arg6[%arg0, %run_scoped3A_38, %mul3A_37] : memref<2x2x10240xf32, #tpu.memory_space<hbm>> -> memref<1x1x640xf32, #tpu.memory_space<hbm>>
      %dma_start3A_43 = tpu.memref_squeeze %dma_start3A_42 : memref<1x1x640xf32, #tpu.memory_space<hbm>> -> memref<640xf32, #tpu.memory_space<hbm>>
      tpu.enqueue_dma source(%arg9 : memref<640xf32, #tpu.memory_space<vmem>>) target(%dma_start3A_43 : memref<640xf32, #tpu.memory_space<hbm>>) target_semaphore(%run_scoped3A_39 : memref<!tpu.dma_semaphore, #tpu.memory_space<semaphore_mem>>)
      %dma_wait3A_44 = tpu.memref_slice %arg6[%arg0, %run_scoped3A_38, %mul3A_37] : memref<2x2x10240xf32, #tpu.memory_space<hbm>> -> memref<1x1x640xf32, #tpu.memory_space<hbm>>
      %dma_wait3A_45 = tpu.memref_squeeze %dma_wait3A_44 : memref<1x1x640xf32, #tpu.memory_space<hbm>> -> memref<640xf32, #tpu.memory_space<hbm>>
      %dma_wait3A_46 = tpu.memref_slice %arg6[%arg0, %run_scoped3A_38, %mul3A_37] : memref<2x2x10240xf32, #tpu.memory_space<hbm>> -> memref<1x1x640xf32, #tpu.memory_space<hbm>>
      %dma_wait3A_47 = tpu.memref_squeeze %dma_wait3A_46 : memref<1x1x640xf32, #tpu.memory_space<hbm>> -> memref<640xf32, #tpu.memory_space<hbm>>
      tpu.wait_dma2 semaphore(%run_scoped3A_39 : memref<!tpu.dma_semaphore, #tpu.memory_space<semaphore_mem>>) src(%arg9 : memref<640xf32, #tpu.memory_space<vmem>>) dst(%dma_wait3A_47 : memref<640xf32, #tpu.memory_space<hbm>>)
      tpu.yield
    }) : () -> ()
    return
  }
}

#map = affine_map<(d0, d1) -> (0, 0)>
#map1 = affine_map<(d0, d1) -> (0, 0, 0, 0, 0)>
#map2 = affine_map<(d0, d1) -> (0, 0, 0)>
#map3 = affine_map<(d0, d1) -> (0)>
module attributes {stable_mosaic.version = 14 : i64} {
  func.func @_edge_kernel_body(%arg0: i32, %arg1: i32, %arg2: memref<10000x128xf32, #tpu.memory_space<hbm>>, %arg3: memref<2x32x5x50x40xi32, #tpu.memory_space<hbm>>, %arg4: memref<32x5x2000xf32, #tpu.memory_space<hbm>>, %arg5: memref<640x128xf32, #tpu.memory_space<hbm>>, %arg6: memref<40xi32, #tpu.memory_space<hbm>>, %arg7: memref<2x10240x128xf32, #tpu.memory_space<hbm>>, %arg8: memref<50x40xi32, #tpu.memory_space<vmem>>, %arg9: memref<50x40xi32, #tpu.memory_space<vmem>>, %arg10: memref<2000xf32, #tpu.memory_space<vmem>>, %arg11: memref<5x40x128xf32, #tpu.memory_space<vmem>>, %arg12: memref<40xi32, #tpu.memory_space<vmem>>, %arg13: memref<10240x128xf32, #tpu.memory_space<vmem_shared>>, %arg14: memref<!tpu.dma_semaphore, #tpu.memory_space<semaphore_mem>>, %arg15: memref<!tpu.dma_semaphore, #tpu.memory_space<semaphore_mem>>, %arg16: memref<!tpu.dma_semaphore, #tpu.memory_space<semaphore_mem>>, %arg17: memref<!tpu.dma_semaphore, #tpu.memory_space<semaphore_mem>>, %arg18: memref<!tpu.dma_semaphore, #tpu.memory_space<semaphore_mem>>, %arg19: memref<!tpu.dma_semaphore, #tpu.memory_space<semaphore_mem>>, %arg20: memref<!tpu.dma_semaphore, #tpu.memory_space<semaphore_mem>>, %arg21: memref<!tpu.dma_semaphore, #tpu.memory_space<semaphore_mem>>, %arg22: memref<!tpu.dma_semaphore, #tpu.memory_space<semaphore_mem>>, %arg23: memref<!tpu.dma_semaphore, #tpu.memory_space<semaphore_mem>>) attributes {dimension_semantics = [#tpu.dimension_semantics<core_parallel>, #tpu.dimension_semantics<subcore_parallel>], iteration_bounds = array<i64: 2, 16>, scalar_prefetch = 0 : i64, scratch_operands = 16 : i64, tpu.core_type = #tpu.core_type<sc_vector_subcore>, window_params = [{transform_indices = #map}, {transform_indices = #map1}, {transform_indices = #map2}, {transform_indices = #map}, {transform_indices = #map3}, {transform_indices = #map2}]} {
    %mul3A = arith.constant 2 : i32
    %mul3A_0 = arith.muli %arg1, %mul3A : i32
    %add3A = arith.addi %mul3A_0, %arg0 : i32
    "tpu.region"() ({
      %run_scoped3A = tpu.sem_alloc : memref<!tpu.dma_semaphore, #tpu.memory_space<semaphore_mem>>
      tpu.enqueue_dma source(%arg6 : memref<40xi32, #tpu.memory_space<hbm>>) target(%arg12 : memref<40xi32, #tpu.memory_space<vmem>>) target_semaphore(%run_scoped3A : memref<!tpu.dma_semaphore, #tpu.memory_space<semaphore_mem>>)
      tpu.wait_dma2 semaphore(%run_scoped3A : memref<!tpu.dma_semaphore, #tpu.memory_space<semaphore_mem>>) src(%arg6 : memref<40xi32, #tpu.memory_space<hbm>>) dst(%arg12 : memref<40xi32, #tpu.memory_space<vmem>>)
      tpu.yield
    }) : () -> ()
    %mul3A_1 = arith.constant 640 : i32
    %mul3A_2 = arith.muli %arg1, %mul3A_1 : i32
    "tpu.region"() ({
      %run_scoped3A = tpu.sem_alloc : memref<!tpu.dma_semaphore, #tpu.memory_space<semaphore_mem>>
      %dma_start3A_90 = arith.constant 0 : i32
      %dma_start3A_91 = tpu.memref_slice %arg13[%mul3A_2, %dma_start3A_90] : memref<10240x128xf32, #tpu.memory_space<vmem_shared>> -> memref<640x128xf32, #tpu.memory_space<vmem_shared>>
      tpu.enqueue_dma source(%arg5 : memref<640x128xf32, #tpu.memory_space<hbm>>) target(%dma_start3A_91 : memref<640x128xf32, #tpu.memory_space<vmem_shared>>) target_semaphore(%run_scoped3A : memref<!tpu.dma_semaphore, #tpu.memory_space<semaphore_mem>>)
      %dma_wait3A_92 = arith.constant 0 : i32
      %dma_wait3A_93 = tpu.memref_slice %arg13[%mul3A_2, %dma_wait3A_92] : memref<10240x128xf32, #tpu.memory_space<vmem_shared>> -> memref<640x128xf32, #tpu.memory_space<vmem_shared>>
      tpu.wait_dma2 semaphore(%run_scoped3A : memref<!tpu.dma_semaphore, #tpu.memory_space<semaphore_mem>>) src(%arg5 : memref<640x128xf32, #tpu.memory_space<hbm>>) dst(%dma_wait3A_93 : memref<640x128xf32, #tpu.memory_space<vmem_shared>>)
      tpu.yield
    }) : () -> ()
    %dma_start3A = arith.constant 0 : i32
    %dma_start3A_3 = arith.constant 0 : i32
    %dma_start3A_4 = arith.constant 0 : i32
    %dma_start3A_5 = tpu.memref_slice %arg11[%dma_start3A, %dma_start3A_3, %dma_start3A_4] : memref<5x40x128xf32, #tpu.memory_space<vmem>> -> memref<1x40x128xf32, #tpu.memory_space<vmem>>
    %dma_start3A_6 = tpu.memref_squeeze %dma_start3A_5 : memref<1x40x128xf32, #tpu.memory_space<vmem>> -> memref<40x128xf32, #tpu.memory_space<vmem>>
    %dma_start3A_7 = arith.constant 0 : i32
    %dma_start3A_8 = arith.constant 0 : i32
    %dma_start3A_9 = tpu.memref_slice %arg13[%dma_start3A_7, %dma_start3A_8] : memref<10240x128xf32, #tpu.memory_space<vmem_shared>> -> memref<10240x128xf32, #tpu.memory_space<vmem_shared>>
    tpu.enqueue_indirect_dma source(%dma_start3A_6 : memref<40x128xf32, #tpu.memory_space<vmem>>) target(%dma_start3A_9 : memref<10240x128xf32, #tpu.memory_space<vmem_shared>>) offsets(%arg12 : memref<40xi32, #tpu.memory_space<vmem>>) semaphore(%arg19 : memref<!tpu.dma_semaphore, #tpu.memory_space<semaphore_mem>>) {add = true}
    %dma_start3A_10 = arith.constant 1 : i32
    %dma_start3A_11 = arith.constant 0 : i32
    %dma_start3A_12 = arith.constant 0 : i32
    %dma_start3A_13 = tpu.memref_slice %arg11[%dma_start3A_10, %dma_start3A_11, %dma_start3A_12] : memref<5x40x128xf32, #tpu.memory_space<vmem>> -> memref<1x40x128xf32, #tpu.memory_space<vmem>>
    %dma_start3A_14 = tpu.memref_squeeze %dma_start3A_13 : memref<1x40x128xf32, #tpu.memory_space<vmem>> -> memref<40x128xf32, #tpu.memory_space<vmem>>
    %dma_start3A_15 = arith.constant 0 : i32
    %dma_start3A_16 = arith.constant 0 : i32
    %dma_start3A_17 = tpu.memref_slice %arg13[%dma_start3A_15, %dma_start3A_16] : memref<10240x128xf32, #tpu.memory_space<vmem_shared>> -> memref<10240x128xf32, #tpu.memory_space<vmem_shared>>
    tpu.enqueue_indirect_dma source(%dma_start3A_14 : memref<40x128xf32, #tpu.memory_space<vmem>>) target(%dma_start3A_17 : memref<10240x128xf32, #tpu.memory_space<vmem_shared>>) offsets(%arg12 : memref<40xi32, #tpu.memory_space<vmem>>) semaphore(%arg20 : memref<!tpu.dma_semaphore, #tpu.memory_space<semaphore_mem>>) {add = true}
    %dma_start3A_18 = arith.constant 2 : i32
    %dma_start3A_19 = arith.constant 0 : i32
    %dma_start3A_20 = arith.constant 0 : i32
    %dma_start3A_21 = tpu.memref_slice %arg11[%dma_start3A_18, %dma_start3A_19, %dma_start3A_20] : memref<5x40x128xf32, #tpu.memory_space<vmem>> -> memref<1x40x128xf32, #tpu.memory_space<vmem>>
    %dma_start3A_22 = tpu.memref_squeeze %dma_start3A_21 : memref<1x40x128xf32, #tpu.memory_space<vmem>> -> memref<40x128xf32, #tpu.memory_space<vmem>>
    %dma_start3A_23 = arith.constant 0 : i32
    %dma_start3A_24 = arith.constant 0 : i32
    %dma_start3A_25 = tpu.memref_slice %arg13[%dma_start3A_23, %dma_start3A_24] : memref<10240x128xf32, #tpu.memory_space<vmem_shared>> -> memref<10240x128xf32, #tpu.memory_space<vmem_shared>>
    tpu.enqueue_indirect_dma source(%dma_start3A_22 : memref<40x128xf32, #tpu.memory_space<vmem>>) target(%dma_start3A_25 : memref<10240x128xf32, #tpu.memory_space<vmem_shared>>) offsets(%arg12 : memref<40xi32, #tpu.memory_space<vmem>>) semaphore(%arg21 : memref<!tpu.dma_semaphore, #tpu.memory_space<semaphore_mem>>) {add = true}
    %dma_start3A_26 = arith.constant 3 : i32
    %dma_start3A_27 = arith.constant 0 : i32
    %dma_start3A_28 = arith.constant 0 : i32
    %dma_start3A_29 = tpu.memref_slice %arg11[%dma_start3A_26, %dma_start3A_27, %dma_start3A_28] : memref<5x40x128xf32, #tpu.memory_space<vmem>> -> memref<1x40x128xf32, #tpu.memory_space<vmem>>
    %dma_start3A_30 = tpu.memref_squeeze %dma_start3A_29 : memref<1x40x128xf32, #tpu.memory_space<vmem>> -> memref<40x128xf32, #tpu.memory_space<vmem>>
    %dma_start3A_31 = arith.constant 0 : i32
    %dma_start3A_32 = arith.constant 0 : i32
    %dma_start3A_33 = tpu.memref_slice %arg13[%dma_start3A_31, %dma_start3A_32] : memref<10240x128xf32, #tpu.memory_space<vmem_shared>> -> memref<10240x128xf32, #tpu.memory_space<vmem_shared>>
    tpu.enqueue_indirect_dma source(%dma_start3A_30 : memref<40x128xf32, #tpu.memory_space<vmem>>) target(%dma_start3A_33 : memref<10240x128xf32, #tpu.memory_space<vmem_shared>>) offsets(%arg12 : memref<40xi32, #tpu.memory_space<vmem>>) semaphore(%arg22 : memref<!tpu.dma_semaphore, #tpu.memory_space<semaphore_mem>>) {add = true}
    %dma_start3A_34 = arith.constant 4 : i32
    %dma_start3A_35 = arith.constant 0 : i32
    %dma_start3A_36 = arith.constant 0 : i32
    %dma_start3A_37 = tpu.memref_slice %arg11[%dma_start3A_34, %dma_start3A_35, %dma_start3A_36] : memref<5x40x128xf32, #tpu.memory_space<vmem>> -> memref<1x40x128xf32, #tpu.memory_space<vmem>>
    %dma_start3A_38 = tpu.memref_squeeze %dma_start3A_37 : memref<1x40x128xf32, #tpu.memory_space<vmem>> -> memref<40x128xf32, #tpu.memory_space<vmem>>
    %dma_start3A_39 = arith.constant 0 : i32
    %dma_start3A_40 = arith.constant 0 : i32
    %dma_start3A_41 = tpu.memref_slice %arg13[%dma_start3A_39, %dma_start3A_40] : memref<10240x128xf32, #tpu.memory_space<vmem_shared>> -> memref<10240x128xf32, #tpu.memory_space<vmem_shared>>
    tpu.enqueue_indirect_dma source(%dma_start3A_38 : memref<40x128xf32, #tpu.memory_space<vmem>>) target(%dma_start3A_41 : memref<10240x128xf32, #tpu.memory_space<vmem_shared>>) offsets(%arg12 : memref<40xi32, #tpu.memory_space<vmem>>) semaphore(%arg23 : memref<!tpu.dma_semaphore, #tpu.memory_space<semaphore_mem>>) {add = true}
    %barrier3A = arith.constant 0 : index
    tpu.barrier barrier_id(%barrier3A)
    %scan3A = arith.constant 0 : i32
    %scan3A_42 = arith.constant 5 : i32
    %scan3A_43 = arith.addi %scan3A, %scan3A_42 : i32
    %scan3A_44 = arith.constant 1 : i32
    scf.for %scan3A_90 = %scan3A to %scan3A_43 step %scan3A_44  : i32 {
      %run_scoped3A = arith.constant 0 : i32
      "tpu.region"() ({
        %run_scoped3A_157 = tpu.sem_alloc : memref<!tpu.dma_semaphore, #tpu.memory_space<semaphore_mem>>
        %dma_start3A_158 = arith.constant 0 : i32
        %dma_start3A_159 = arith.constant 0 : i32
        %dma_start3A_160 = tpu.memref_slice %arg3[%run_scoped3A, %add3A, %scan3A_90, %dma_start3A_158, %dma_start3A_159] : memref<2x32x5x50x40xi32, #tpu.memory_space<hbm>> -> memref<1x1x1x50x40xi32, #tpu.memory_space<hbm>>
        %dma_start3A_161 = tpu.memref_squeeze %dma_start3A_160 : memref<1x1x1x50x40xi32, #tpu.memory_space<hbm>> -> memref<50x40xi32, #tpu.memory_space<hbm>>
        %dma_start3A_162 = arith.constant 0 : i32
        %dma_start3A_163 = arith.constant 0 : i32
        %dma_start3A_164 = tpu.memref_slice %arg3[%run_scoped3A, %add3A, %scan3A_90, %dma_start3A_162, %dma_start3A_163] : memref<2x32x5x50x40xi32, #tpu.memory_space<hbm>> -> memref<1x1x1x50x40xi32, #tpu.memory_space<hbm>>
        %dma_start3A_165 = tpu.memref_squeeze %dma_start3A_164 : memref<1x1x1x50x40xi32, #tpu.memory_space<hbm>> -> memref<50x40xi32, #tpu.memory_space<hbm>>
        tpu.enqueue_dma source(%dma_start3A_165 : memref<50x40xi32, #tpu.memory_space<hbm>>) target(%arg8 : memref<50x40xi32, #tpu.memory_space<vmem>>) target_semaphore(%run_scoped3A_157 : memref<!tpu.dma_semaphore, #tpu.memory_space<semaphore_mem>>)
        %dma_wait3A_166 = arith.constant 0 : i32
        %dma_wait3A_167 = arith.constant 0 : i32
        %dma_wait3A_168 = tpu.memref_slice %arg3[%run_scoped3A, %add3A, %scan3A_90, %dma_wait3A_166, %dma_wait3A_167] : memref<2x32x5x50x40xi32, #tpu.memory_space<hbm>> -> memref<1x1x1x50x40xi32, #tpu.memory_space<hbm>>
        %dma_wait3A_169 = tpu.memref_squeeze %dma_wait3A_168 : memref<1x1x1x50x40xi32, #tpu.memory_space<hbm>> -> memref<50x40xi32, #tpu.memory_space<hbm>>
        %dma_wait3A_170 = arith.constant 0 : i32
        %dma_wait3A_171 = arith.constant 0 : i32
        %dma_wait3A_172 = tpu.memref_slice %arg3[%run_scoped3A, %add3A, %scan3A_90, %dma_wait3A_170, %dma_wait3A_171] : memref<2x32x5x50x40xi32, #tpu.memory_space<hbm>> -> memref<1x1x1x50x40xi32, #tpu.memory_space<hbm>>
        %dma_wait3A_173 = tpu.memref_squeeze %dma_wait3A_172 : memref<1x1x1x50x40xi32, #tpu.memory_space<hbm>> -> memref<50x40xi32, #tpu.memory_space<hbm>>
        tpu.wait_dma2 semaphore(%run_scoped3A_157 : memref<!tpu.dma_semaphore, #tpu.memory_space<semaphore_mem>>) src(%dma_wait3A_173 : memref<50x40xi32, #tpu.memory_space<hbm>>) dst(%arg8 : memref<50x40xi32, #tpu.memory_space<vmem>>)
        tpu.yield
      }) : () -> ()
      %run_scoped3A_91 = arith.constant 1 : i32
      "tpu.region"() ({
        %run_scoped3A_157 = tpu.sem_alloc : memref<!tpu.dma_semaphore, #tpu.memory_space<semaphore_mem>>
        %dma_start3A_158 = arith.constant 0 : i32
        %dma_start3A_159 = arith.constant 0 : i32
        %dma_start3A_160 = tpu.memref_slice %arg3[%run_scoped3A_91, %add3A, %scan3A_90, %dma_start3A_158, %dma_start3A_159] : memref<2x32x5x50x40xi32, #tpu.memory_space<hbm>> -> memref<1x1x1x50x40xi32, #tpu.memory_space<hbm>>
        %dma_start3A_161 = tpu.memref_squeeze %dma_start3A_160 : memref<1x1x1x50x40xi32, #tpu.memory_space<hbm>> -> memref<50x40xi32, #tpu.memory_space<hbm>>
        %dma_start3A_162 = arith.constant 0 : i32
        %dma_start3A_163 = arith.constant 0 : i32
        %dma_start3A_164 = tpu.memref_slice %arg3[%run_scoped3A_91, %add3A, %scan3A_90, %dma_start3A_162, %dma_start3A_163] : memref<2x32x5x50x40xi32, #tpu.memory_space<hbm>> -> memref<1x1x1x50x40xi32, #tpu.memory_space<hbm>>
        %dma_start3A_165 = tpu.memref_squeeze %dma_start3A_164 : memref<1x1x1x50x40xi32, #tpu.memory_space<hbm>> -> memref<50x40xi32, #tpu.memory_space<hbm>>
        tpu.enqueue_dma source(%dma_start3A_165 : memref<50x40xi32, #tpu.memory_space<hbm>>) target(%arg9 : memref<50x40xi32, #tpu.memory_space<vmem>>) target_semaphore(%run_scoped3A_157 : memref<!tpu.dma_semaphore, #tpu.memory_space<semaphore_mem>>)
        %dma_wait3A_166 = arith.constant 0 : i32
        %dma_wait3A_167 = arith.constant 0 : i32
        %dma_wait3A_168 = tpu.memref_slice %arg3[%run_scoped3A_91, %add3A, %scan3A_90, %dma_wait3A_166, %dma_wait3A_167] : memref<2x32x5x50x40xi32, #tpu.memory_space<hbm>> -> memref<1x1x1x50x40xi32, #tpu.memory_space<hbm>>
        %dma_wait3A_169 = tpu.memref_squeeze %dma_wait3A_168 : memref<1x1x1x50x40xi32, #tpu.memory_space<hbm>> -> memref<50x40xi32, #tpu.memory_space<hbm>>
        %dma_wait3A_170 = arith.constant 0 : i32
        %dma_wait3A_171 = arith.constant 0 : i32
        %dma_wait3A_172 = tpu.memref_slice %arg3[%run_scoped3A_91, %add3A, %scan3A_90, %dma_wait3A_170, %dma_wait3A_171] : memref<2x32x5x50x40xi32, #tpu.memory_space<hbm>> -> memref<1x1x1x50x40xi32, #tpu.memory_space<hbm>>
        %dma_wait3A_173 = tpu.memref_squeeze %dma_wait3A_172 : memref<1x1x1x50x40xi32, #tpu.memory_space<hbm>> -> memref<50x40xi32, #tpu.memory_space<hbm>>
        tpu.wait_dma2 semaphore(%run_scoped3A_157 : memref<!tpu.dma_semaphore, #tpu.memory_space<semaphore_mem>>) src(%dma_wait3A_173 : memref<50x40xi32, #tpu.memory_space<hbm>>) dst(%arg9 : memref<50x40xi32, #tpu.memory_space<vmem>>)
        tpu.yield
      }) : () -> ()
      "tpu.region"() ({
        %run_scoped3A_157 = tpu.sem_alloc : memref<!tpu.dma_semaphore, #tpu.memory_space<semaphore_mem>>
        %dma_start3A_158 = arith.constant 0 : i32
        %dma_start3A_159 = tpu.memref_slice %arg4[%add3A, %scan3A_90, %dma_start3A_158] : memref<32x5x2000xf32, #tpu.memory_space<hbm>> -> memref<1x1x2000xf32, #tpu.memory_space<hbm>>
        %dma_start3A_160 = tpu.memref_squeeze %dma_start3A_159 : memref<1x1x2000xf32, #tpu.memory_space<hbm>> -> memref<2000xf32, #tpu.memory_space<hbm>>
        %dma_start3A_161 = arith.constant 0 : i32
        %dma_start3A_162 = tpu.memref_slice %arg4[%add3A, %scan3A_90, %dma_start3A_161] : memref<32x5x2000xf32, #tpu.memory_space<hbm>> -> memref<1x1x2000xf32, #tpu.memory_space<hbm>>
        %dma_start3A_163 = tpu.memref_squeeze %dma_start3A_162 : memref<1x1x2000xf32, #tpu.memory_space<hbm>> -> memref<2000xf32, #tpu.memory_space<hbm>>
        tpu.enqueue_dma source(%dma_start3A_163 : memref<2000xf32, #tpu.memory_space<hbm>>) target(%arg10 : memref<2000xf32, #tpu.memory_space<vmem>>) target_semaphore(%run_scoped3A_157 : memref<!tpu.dma_semaphore, #tpu.memory_space<semaphore_mem>>)
        %dma_wait3A_164 = arith.constant 0 : i32
        %dma_wait3A_165 = tpu.memref_slice %arg4[%add3A, %scan3A_90, %dma_wait3A_164] : memref<32x5x2000xf32, #tpu.memory_space<hbm>> -> memref<1x1x2000xf32, #tpu.memory_space<hbm>>
        %dma_wait3A_166 = tpu.memref_squeeze %dma_wait3A_165 : memref<1x1x2000xf32, #tpu.memory_space<hbm>> -> memref<2000xf32, #tpu.memory_space<hbm>>
        %dma_wait3A_167 = arith.constant 0 : i32
        %dma_wait3A_168 = tpu.memref_slice %arg4[%add3A, %scan3A_90, %dma_wait3A_167] : memref<32x5x2000xf32, #tpu.memory_space<hbm>> -> memref<1x1x2000xf32, #tpu.memory_space<hbm>>
        %dma_wait3A_169 = tpu.memref_squeeze %dma_wait3A_168 : memref<1x1x2000xf32, #tpu.memory_space<hbm>> -> memref<2000xf32, #tpu.memory_space<hbm>>
        tpu.wait_dma2 semaphore(%run_scoped3A_157 : memref<!tpu.dma_semaphore, #tpu.memory_space<semaphore_mem>>) src(%dma_wait3A_169 : memref<2000xf32, #tpu.memory_space<hbm>>) dst(%arg10 : memref<2000xf32, #tpu.memory_space<vmem>>)
        tpu.yield
      }) : () -> ()
      %dma_wait3A_92 = arith.constant 0 : i32
      %dma_wait3A_93 = arith.constant 0 : i32
      %dma_wait3A_94 = arith.constant 0 : i32
      %dma_wait3A_95 = tpu.memref_slice %arg11[%dma_wait3A_92, %dma_wait3A_93, %dma_wait3A_94] : memref<5x40x128xf32, #tpu.memory_space<vmem>> -> memref<1x40x128xf32, #tpu.memory_space<vmem>>
      %dma_wait3A_96 = tpu.memref_squeeze %dma_wait3A_95 : memref<1x40x128xf32, #tpu.memory_space<vmem>> -> memref<40x128xf32, #tpu.memory_space<vmem>>
      %dma_wait3A_97 = arith.constant 0 : i32
      %dma_wait3A_98 = arith.constant 0 : i32
      %dma_wait3A_99 = tpu.memref_slice %arg13[%dma_wait3A_97, %dma_wait3A_98] : memref<10240x128xf32, #tpu.memory_space<vmem_shared>> -> memref<10240x128xf32, #tpu.memory_space<vmem_shared>>
      tpu.wait_indirect_dma semaphore(%arg19 : memref<!tpu.dma_semaphore, #tpu.memory_space<semaphore_mem>>) src(%dma_wait3A_96 : memref<40x128xf32, #tpu.memory_space<vmem>>) dst(%dma_wait3A_99 : memref<10240x128xf32, #tpu.memory_space<vmem_shared>>)
      %dma_start3A_100 = arith.constant 0 : i32
      %dma_start3A_101 = arith.constant 0 : i32
      %dma_start3A_102 = arith.constant 0 : i32
      %dma_start3A_103 = arith.constant 0 : i32
      %dma_start3A_104 = tpu.memref_slice %arg11[%dma_start3A_101, %dma_start3A_102, %dma_start3A_103] : memref<5x40x128xf32, #tpu.memory_space<vmem>> -> memref<1x40x128xf32, #tpu.memory_space<vmem>>
      %dma_start3A_105 = tpu.memref_squeeze %dma_start3A_104 : memref<1x40x128xf32, #tpu.memory_space<vmem>> -> memref<40x128xf32, #tpu.memory_space<vmem>>
      %dma_start3A_106 = arith.constant 0 : i32
      %dma_start3A_107 = tpu.memref_slice %arg8[%dma_start3A_100, %dma_start3A_106] : memref<50x40xi32, #tpu.memory_space<vmem>> -> memref<1x40xi32, #tpu.memory_space<vmem>>
      %dma_start3A_108 = tpu.memref_squeeze %dma_start3A_107 : memref<1x40xi32, #tpu.memory_space<vmem>> -> memref<40xi32, #tpu.memory_space<vmem>>
      %dma_start3A_109 = arith.constant 0 : i32
      %dma_start3A_110 = arith.constant 0 : i32
      %dma_start3A_111 = tpu.memref_slice %arg2[%dma_start3A_109, %dma_start3A_110] : memref<10000x128xf32, #tpu.memory_space<hbm>> -> memref<10000x128xf32, #tpu.memory_space<hbm>>
      tpu.enqueue_indirect_dma source(%dma_start3A_111 : memref<10000x128xf32, #tpu.memory_space<hbm>>) target(%dma_start3A_105 : memref<40x128xf32, #tpu.memory_space<vmem>>) offsets(%dma_start3A_108 : memref<40xi32, #tpu.memory_space<vmem>>) semaphore(%arg14 : memref<!tpu.dma_semaphore, #tpu.memory_space<semaphore_mem>>)
      %dma_wait3A_112 = arith.constant 1 : i32
      %dma_wait3A_113 = arith.constant 0 : i32
      %dma_wait3A_114 = arith.constant 0 : i32
      %dma_wait3A_115 = tpu.memref_slice %arg11[%dma_wait3A_112, %dma_wait3A_113, %dma_wait3A_114] : memref<5x40x128xf32, #tpu.memory_space<vmem>> -> memref<1x40x128xf32, #tpu.memory_space<vmem>>
      %dma_wait3A_116 = tpu.memref_squeeze %dma_wait3A_115 : memref<1x40x128xf32, #tpu.memory_space<vmem>> -> memref<40x128xf32, #tpu.memory_space<vmem>>
      %dma_wait3A_117 = arith.constant 0 : i32
      %dma_wait3A_118 = arith.constant 0 : i32
      %dma_wait3A_119 = tpu.memref_slice %arg13[%dma_wait3A_117, %dma_wait3A_118] : memref<10240x128xf32, #tpu.memory_space<vmem_shared>> -> memref<10240x128xf32, #tpu.memory_space<vmem_shared>>
      tpu.wait_indirect_dma semaphore(%arg20 : memref<!tpu.dma_semaphore, #tpu.memory_space<semaphore_mem>>) src(%dma_wait3A_116 : memref<40x128xf32, #tpu.memory_space<vmem>>) dst(%dma_wait3A_119 : memref<10240x128xf32, #tpu.memory_space<vmem_shared>>)
      %dma_start3A_120 = arith.constant 1 : i32
      %dma_start3A_121 = arith.constant 1 : i32
      %dma_start3A_122 = arith.constant 0 : i32
      %dma_start3A_123 = arith.constant 0 : i32
      %dma_start3A_124 = tpu.memref_slice %arg11[%dma_start3A_121, %dma_start3A_122, %dma_start3A_123] : memref<5x40x128xf32, #tpu.memory_space<vmem>> -> memref<1x40x128xf32, #tpu.memory_space<vmem>>
      %dma_start3A_125 = tpu.memref_squeeze %dma_start3A_124 : memref<1x40x128xf32, #tpu.memory_space<vmem>> -> memref<40x128xf32, #tpu.memory_space<vmem>>
      %dma_start3A_126 = arith.constant 0 : i32
      %dma_start3A_127 = tpu.memref_slice %arg8[%dma_start3A_120, %dma_start3A_126] : memref<50x40xi32, #tpu.memory_space<vmem>> -> memref<1x40xi32, #tpu.memory_space<vmem>>
      %dma_start3A_128 = tpu.memref_squeeze %dma_start3A_127 : memref<1x40xi32, #tpu.memory_space<vmem>> -> memref<40xi32, #tpu.memory_space<vmem>>
      %dma_start3A_129 = arith.constant 0 : i32
      %dma_start3A_130 = arith.constant 0 : i32
      %dma_start3A_131 = tpu.memref_slice %arg2[%dma_start3A_129, %dma_start3A_130] : memref<10000x128xf32, #tpu.memory_space<hbm>> -> memref<10000x128xf32, #tpu.memory_space<hbm>>
      tpu.enqueue_indirect_dma source(%dma_start3A_131 : memref<10000x128xf32, #tpu.memory_space<hbm>>) target(%dma_start3A_125 : memref<40x128xf32, #tpu.memory_space<vmem>>) offsets(%dma_start3A_128 : memref<40xi32, #tpu.memory_space<vmem>>) semaphore(%arg15 : memref<!tpu.dma_semaphore, #tpu.memory_space<semaphore_mem>>)
      %dma_wait3A_132 = arith.constant 2 : i32
      %dma_wait3A_133 = arith.constant 0 : i32
      %dma_wait3A_134 = arith.constant 0 : i32
      %dma_wait3A_135 = tpu.memref_slice %arg11[%dma_wait3A_132, %dma_wait3A_133, %dma_wait3A_134] : memref<5x40x128xf32, #tpu.memory_space<vmem>> -> memref<1x40x128xf32, #tpu.memory_space<vmem>>
      %dma_wait3A_136 = tpu.memref_squeeze %dma_wait3A_135 : memref<1x40x128xf32, #tpu.memory_space<vmem>> -> memref<40x128xf32, #tpu.memory_space<vmem>>
      %dma_wait3A_137 = arith.constant 0 : i32
      %dma_wait3A_138 = arith.constant 0 : i32
      %dma_wait3A_139 = tpu.memref_slice %arg13[%dma_wait3A_137, %dma_wait3A_138] : memref<10240x128xf32, #tpu.memory_space<vmem_shared>> -> memref<10240x128xf32, #tpu.memory_space<vmem_shared>>
      tpu.wait_indirect_dma semaphore(%arg21 : memref<!tpu.dma_semaphore, #tpu.memory_space<semaphore_mem>>) src(%dma_wait3A_136 : memref<40x128xf32, #tpu.memory_space<vmem>>) dst(%dma_wait3A_139 : memref<10240x128xf32, #tpu.memory_space<vmem_shared>>)
      %dma_start3A_140 = arith.constant 2 : i32
      %dma_start3A_141 = arith.constant 2 : i32
      %dma_start3A_142 = arith.constant 0 : i32
      %dma_start3A_143 = arith.constant 0 : i32
      %dma_start3A_144 = tpu.memref_slice %arg11[%dma_start3A_141, %dma_start3A_142, %dma_start3A_143] : memref<5x40x128xf32, #tpu.memory_space<vmem>> -> memref<1x40x128xf32, #tpu.memory_space<vmem>>
      %dma_start3A_145 = tpu.memref_squeeze %dma_start3A_144 : memref<1x40x128xf32, #tpu.memory_space<vmem>> -> memref<40x128xf32, #tpu.memory_space<vmem>>
      %dma_start3A_146 = arith.constant 0 : i32
      %dma_start3A_147 = tpu.memref_slice %arg8[%dma_start3A_140, %dma_start3A_146] : memref<50x40xi32, #tpu.memory_space<vmem>> -> memref<1x40xi32, #tpu.memory_space<vmem>>
      %dma_start3A_148 = tpu.memref_squeeze %dma_start3A_147 : memref<1x40xi32, #tpu.memory_space<vmem>> -> memref<40xi32, #tpu.memory_space<vmem>>
      %dma_start3A_149 = arith.constant 0 : i32
      %dma_start3A_150 = arith.constant 0 : i32
      %dma_start3A_151 = tpu.memref_slice %arg2[%dma_start3A_149, %dma_start3A_150] : memref<10000x128xf32, #tpu.memory_space<hbm>> -> memref<10000x128xf32, #tpu.memory_space<hbm>>
      tpu.enqueue_indirect_dma source(%dma_start3A_151 : memref<10000x128xf32, #tpu.memory_space<hbm>>) target(%dma_start3A_145 : memref<40x128xf32, #tpu.memory_space<vmem>>) offsets(%dma_start3A_148 : memref<40xi32, #tpu.memory_space<vmem>>) semaphore(%arg16 : memref<!tpu.dma_semaphore, #tpu.memory_space<semaphore_mem>>)
      %scan3A_152 = arith.constant 0 : i32
      %scan3A_153 = arith.constant 10 : i32
      %scan3A_154 = arith.addi %scan3A_152, %scan3A_153 : i32
      %scan3A_155 = arith.constant 1 : i32
      scf.for %scan3A_157 = %scan3A_152 to %scan3A_154 step %scan3A_155  : i32 {
        %mul3A_158 = arith.constant 5 : i32
        %mul3A_159 = arith.muli %scan3A_157, %mul3A_158 : i32
        %add3A_160 = arith.constant 0 : i32
        %add3A_161 = arith.addi %mul3A_159, %add3A_160 : i32
        %mul3A_162 = arith.constant 5 : i32
        %mul3A_163 = arith.muli %scan3A_157, %mul3A_162 : i32
        %add3A_164 = arith.constant 3 : i32
        %add3A_165 = arith.addi %mul3A_163, %add3A_164 : i32
        %dma_wait3A_166 = arith.constant 3 : i32
        %dma_wait3A_167 = arith.constant 0 : i32
        %dma_wait3A_168 = arith.constant 0 : i32
        %dma_wait3A_169 = tpu.memref_slice %arg11[%dma_wait3A_166, %dma_wait3A_167, %dma_wait3A_168] : memref<5x40x128xf32, #tpu.memory_space<vmem>> -> memref<1x40x128xf32, #tpu.memory_space<vmem>>
        %dma_wait3A_170 = tpu.memref_squeeze %dma_wait3A_169 : memref<1x40x128xf32, #tpu.memory_space<vmem>> -> memref<40x128xf32, #tpu.memory_space<vmem>>
        %dma_wait3A_171 = arith.constant 0 : i32
        %dma_wait3A_172 = arith.constant 0 : i32
        %dma_wait3A_173 = tpu.memref_slice %arg13[%dma_wait3A_171, %dma_wait3A_172] : memref<10240x128xf32, #tpu.memory_space<vmem_shared>> -> memref<10240x128xf32, #tpu.memory_space<vmem_shared>>
        tpu.wait_indirect_dma semaphore(%arg22 : memref<!tpu.dma_semaphore, #tpu.memory_space<semaphore_mem>>) src(%dma_wait3A_170 : memref<40x128xf32, #tpu.memory_space<vmem>>) dst(%dma_wait3A_173 : memref<10240x128xf32, #tpu.memory_space<vmem_shared>>)
        %dma_start3A_174 = arith.constant 3 : i32
        %dma_start3A_175 = arith.constant 0 : i32
        %dma_start3A_176 = arith.constant 0 : i32
        %dma_start3A_177 = tpu.memref_slice %arg11[%dma_start3A_174, %dma_start3A_175, %dma_start3A_176] : memref<5x40x128xf32, #tpu.memory_space<vmem>> -> memref<1x40x128xf32, #tpu.memory_space<vmem>>
        %dma_start3A_178 = tpu.memref_squeeze %dma_start3A_177 : memref<1x40x128xf32, #tpu.memory_space<vmem>> -> memref<40x128xf32, #tpu.memory_space<vmem>>
        %dma_start3A_179 = arith.constant 0 : i32
        %dma_start3A_180 = tpu.memref_slice %arg8[%add3A_165, %dma_start3A_179] : memref<50x40xi32, #tpu.memory_space<vmem>> -> memref<1x40xi32, #tpu.memory_space<vmem>>
        %dma_start3A_181 = tpu.memref_squeeze %dma_start3A_180 : memref<1x40xi32, #tpu.memory_space<vmem>> -> memref<40xi32, #tpu.memory_space<vmem>>
        %dma_start3A_182 = arith.constant 0 : i32
        %dma_start3A_183 = arith.constant 0 : i32
        %dma_start3A_184 = tpu.memref_slice %arg2[%dma_start3A_182, %dma_start3A_183] : memref<10000x128xf32, #tpu.memory_space<hbm>> -> memref<10000x128xf32, #tpu.memory_space<hbm>>
        tpu.enqueue_indirect_dma source(%dma_start3A_184 : memref<10000x128xf32, #tpu.memory_space<hbm>>) target(%dma_start3A_178 : memref<40x128xf32, #tpu.memory_space<vmem>>) offsets(%dma_start3A_181 : memref<40xi32, #tpu.memory_space<vmem>>) semaphore(%arg17 : memref<!tpu.dma_semaphore, #tpu.memory_space<semaphore_mem>>)
        %dma_wait3A_185 = arith.constant 0 : i32
        %dma_wait3A_186 = arith.constant 0 : i32
        %dma_wait3A_187 = arith.constant 0 : i32
        %dma_wait3A_188 = tpu.memref_slice %arg11[%dma_wait3A_185, %dma_wait3A_186, %dma_wait3A_187] : memref<5x40x128xf32, #tpu.memory_space<vmem>> -> memref<1x40x128xf32, #tpu.memory_space<vmem>>
        %dma_wait3A_189 = tpu.memref_squeeze %dma_wait3A_188 : memref<1x40x128xf32, #tpu.memory_space<vmem>> -> memref<40x128xf32, #tpu.memory_space<vmem>>
        %dma_wait3A_190 = arith.constant 0 : i32
        %dma_wait3A_191 = tpu.memref_slice %arg8[%add3A_161, %dma_wait3A_190] : memref<50x40xi32, #tpu.memory_space<vmem>> -> memref<1x40xi32, #tpu.memory_space<vmem>>
        %dma_wait3A_192 = tpu.memref_squeeze %dma_wait3A_191 : memref<1x40xi32, #tpu.memory_space<vmem>> -> memref<40xi32, #tpu.memory_space<vmem>>
        %dma_wait3A_193 = arith.constant 0 : i32
        %dma_wait3A_194 = arith.constant 0 : i32
        %dma_wait3A_195 = tpu.memref_slice %arg2[%dma_wait3A_193, %dma_wait3A_194] : memref<10000x128xf32, #tpu.memory_space<hbm>> -> memref<10000x128xf32, #tpu.memory_space<hbm>>
        tpu.wait_indirect_dma semaphore(%arg14 : memref<!tpu.dma_semaphore, #tpu.memory_space<semaphore_mem>>) src(%dma_wait3A_195 : memref<10000x128xf32, #tpu.memory_space<hbm>>) dst(%dma_wait3A_189 : memref<40x128xf32, #tpu.memory_space<vmem>>)
        %scan3A_196 = arith.constant 0 : i32
        %scan3A_197 = arith.constant 10 : i32
        %scan3A_198 = arith.addi %scan3A_196, %scan3A_197 : i32
        %scan3A_199 = arith.constant 1 : i32
        scf.for %scan3A_395 = %scan3A_196 to %scan3A_198 step %scan3A_199  : i32 {
          %mul3A_396 = arith.constant 4 : i32
          %mul3A_397 = arith.muli %scan3A_395, %mul3A_396 : i32
          %add3A_398 = arith.constant 0 : i32
          %add3A_399 = arith.addi %mul3A_397, %add3A_398 : i32
          %mul3A_400 = arith.constant 40 : i32
          %mul3A_401 = arith.muli %add3A_161, %mul3A_400 : i32
          %add3A_402 = arith.addi %mul3A_401, %add3A_399 : i32
          %broadcast_in_dim3A = vector.broadcast %add3A_402 : i32 to vector<16xi32>
          %gather3A = tpu.vector_load_idx %arg10[%broadcast_in_dim3A] : memref<2000xf32, #tpu.memory_space<vmem>>[vector<16xi32>], vector<16xf32>,
          %get3A = arith.constant 0 : i32
          %get3A_403 = arith.index_cast %get3A : i32 to index
          %get3A_404 = arith.index_cast %add3A_399 : i32 to index
          %get3A_405 = arith.constant 0 : index
          %get3A_406 = tpu.vector_load %arg11[%get3A_403, %get3A_404, %get3A_405] {strides = array<i32>} : memref<5x40x128xf32, #tpu.memory_space<vmem>>, vector<16xf32>,
          %mul3A_407 = arith.mulf %get3A_406, %gather3A : vector<16xf32>
          %swap3A = arith.constant 0 : i32
          %swap3A_408 = arith.index_cast %swap3A : i32 to index
          %swap3A_409 = arith.index_cast %add3A_399 : i32 to index
          %swap3A_410 = arith.constant 0 : index
          %swap3A_411 = tpu.vector_load %arg11[%swap3A_408, %swap3A_409, %swap3A_410] {strides = array<i32>} : memref<5x40x128xf32, #tpu.memory_space<vmem>>, vector<16xf32>,
          tpu.vector_store %arg11[%swap3A_408, %swap3A_409, %swap3A_410], %mul3A_407 {strides = array<i32>} : memref<5x40x128xf32, #tpu.memory_space<vmem>>, vector<16xf32>,
          %get3A_412 = arith.constant 0 : i32
          %get3A_413 = arith.index_cast %get3A_412 : i32 to index
          %get3A_414 = arith.index_cast %add3A_399 : i32 to index
          %get3A_415 = arith.constant 16 : index
          %get3A_416 = tpu.vector_load %arg11[%get3A_413, %get3A_414, %get3A_415] {strides = array<i32>} : memref<5x40x128xf32, #tpu.memory_space<vmem>>, vector<16xf32>,
          %mul3A_417 = arith.mulf %get3A_416, %gather3A : vector<16xf32>
          %swap3A_418 = arith.constant 0 : i32
          %swap3A_419 = arith.index_cast %swap3A_418 : i32 to index
          %swap3A_420 = arith.index_cast %add3A_399 : i32 to index
          %swap3A_421 = arith.constant 16 : index
          %swap3A_422 = tpu.vector_load %arg11[%swap3A_419, %swap3A_420, %swap3A_421] {strides = array<i32>} : memref<5x40x128xf32, #tpu.memory_space<vmem>>, vector<16xf32>,
          tpu.vector_store %arg11[%swap3A_419, %swap3A_420, %swap3A_421], %mul3A_417 {strides = array<i32>} : memref<5x40x128xf32, #tpu.memory_space<vmem>>, vector<16xf32>,
          %get3A_423 = arith.constant 0 : i32
          %get3A_424 = arith.index_cast %get3A_423 : i32 to index
          %get3A_425 = arith.index_cast %add3A_399 : i32 to index
          %get3A_426 = arith.constant 32 : index
          %get3A_427 = tpu.vector_load %arg11[%get3A_424, %get3A_425, %get3A_426] {strides = array<i32>} : memref<5x40x128xf32, #tpu.memory_space<vmem>>, vector<16xf32>,
          %mul3A_428 = arith.mulf %get3A_427, %gather3A : vector<16xf32>
          %swap3A_429 = arith.constant 0 : i32
          %swap3A_430 = arith.index_cast %swap3A_429 : i32 to index
          %swap3A_431 = arith.index_cast %add3A_399 : i32 to index
          %swap3A_432 = arith.constant 32 : index
          %swap3A_433 = tpu.vector_load %arg11[%swap3A_430, %swap3A_431, %swap3A_432] {strides = array<i32>} : memref<5x40x128xf32, #tpu.memory_space<vmem>>, vector<16xf32>,
          tpu.vector_store %arg11[%swap3A_430, %swap3A_431, %swap3A_432], %mul3A_428 {strides = array<i32>} : memref<5x40x128xf32, #tpu.memory_space<vmem>>, vector<16xf32>,
          %get3A_434 = arith.constant 0 : i32
          %get3A_435 = arith.index_cast %get3A_434 : i32 to index
          %get3A_436 = arith.index_cast %add3A_399 : i32 to index
          %get3A_437 = arith.constant 48 : index
          %get3A_438 = tpu.vector_load %arg11[%get3A_435, %get3A_436, %get3A_437] {strides = array<i32>} : memref<5x40x128xf32, #tpu.memory_space<vmem>>, vector<16xf32>,
          %mul3A_439 = arith.mulf %get3A_438, %gather3A : vector<16xf32>
          %swap3A_440 = arith.constant 0 : i32
          %swap3A_441 = arith.index_cast %swap3A_440 : i32 to index
          %swap3A_442 = arith.index_cast %add3A_399 : i32 to index
          %swap3A_443 = arith.constant 48 : index
          %swap3A_444 = tpu.vector_load %arg11[%swap3A_441, %swap3A_442, %swap3A_443] {strides = array<i32>} : memref<5x40x128xf32, #tpu.memory_space<vmem>>, vector<16xf32>,
          tpu.vector_store %arg11[%swap3A_441, %swap3A_442, %swap3A_443], %mul3A_439 {strides = array<i32>} : memref<5x40x128xf32, #tpu.memory_space<vmem>>, vector<16xf32>,
          %get3A_445 = arith.constant 0 : i32
          %get3A_446 = arith.index_cast %get3A_445 : i32 to index
          %get3A_447 = arith.index_cast %add3A_399 : i32 to index
          %get3A_448 = arith.constant 64 : index
          %get3A_449 = tpu.vector_load %arg11[%get3A_446, %get3A_447, %get3A_448] {strides = array<i32>} : memref<5x40x128xf32, #tpu.memory_space<vmem>>, vector<16xf32>,
          %mul3A_450 = arith.mulf %get3A_449, %gather3A : vector<16xf32>
          %swap3A_451 = arith.constant 0 : i32
          %swap3A_452 = arith.index_cast %swap3A_451 : i32 to index
          %swap3A_453 = arith.index_cast %add3A_399 : i32 to index
          %swap3A_454 = arith.constant 64 : index
          %swap3A_455 = tpu.vector_load %arg11[%swap3A_452, %swap3A_453, %swap3A_454] {strides = array<i32>} : memref<5x40x128xf32, #tpu.memory_space<vmem>>, vector<16xf32>,
          tpu.vector_store %arg11[%swap3A_452, %swap3A_453, %swap3A_454], %mul3A_450 {strides = array<i32>} : memref<5x40x128xf32, #tpu.memory_space<vmem>>, vector<16xf32>,
          %get3A_456 = arith.constant 0 : i32
          %get3A_457 = arith.index_cast %get3A_456 : i32 to index
          %get3A_458 = arith.index_cast %add3A_399 : i32 to index
          %get3A_459 = arith.constant 80 : index
          %get3A_460 = tpu.vector_load %arg11[%get3A_457, %get3A_458, %get3A_459] {strides = array<i32>} : memref<5x40x128xf32, #tpu.memory_space<vmem>>, vector<16xf32>,
          %mul3A_461 = arith.mulf %get3A_460, %gather3A : vector<16xf32>
          %swap3A_462 = arith.constant 0 : i32
          %swap3A_463 = arith.index_cast %swap3A_462 : i32 to index
          %swap3A_464 = arith.index_cast %add3A_399 : i32 to index
          %swap3A_465 = arith.constant 80 : index
          %swap3A_466 = tpu.vector_load %arg11[%swap3A_463, %swap3A_464, %swap3A_465] {strides = array<i32>} : memref<5x40x128xf32, #tpu.memory_space<vmem>>, vector<16xf32>,
          tpu.vector_store %arg11[%swap3A_463, %swap3A_464, %swap3A_465], %mul3A_461 {strides = array<i32>} : memref<5x40x128xf32, #tpu.memory_space<vmem>>, vector<16xf32>,
          %get3A_467 = arith.constant 0 : i32
          %get3A_468 = arith.index_cast %get3A_467 : i32 to index
          %get3A_469 = arith.index_cast %add3A_399 : i32 to index
          %get3A_470 = arith.constant 96 : index
          %get3A_471 = tpu.vector_load %arg11[%get3A_468, %get3A_469, %get3A_470] {strides = array<i32>} : memref<5x40x128xf32, #tpu.memory_space<vmem>>, vector<16xf32>,
          %mul3A_472 = arith.mulf %get3A_471, %gather3A : vector<16xf32>
          %swap3A_473 = arith.constant 0 : i32
          %swap3A_474 = arith.index_cast %swap3A_473 : i32 to index
          %swap3A_475 = arith.index_cast %add3A_399 : i32 to index
          %swap3A_476 = arith.constant 96 : index
          %swap3A_477 = tpu.vector_load %arg11[%swap3A_474, %swap3A_475, %swap3A_476] {strides = array<i32>} : memref<5x40x128xf32, #tpu.memory_space<vmem>>, vector<16xf32>,
          tpu.vector_store %arg11[%swap3A_474, %swap3A_475, %swap3A_476], %mul3A_472 {strides = array<i32>} : memref<5x40x128xf32, #tpu.memory_space<vmem>>, vector<16xf32>,
          %get3A_478 = arith.constant 0 : i32
          %get3A_479 = arith.index_cast %get3A_478 : i32 to index
          %get3A_480 = arith.index_cast %add3A_399 : i32 to index
          %get3A_481 = arith.constant 112 : index
          %get3A_482 = tpu.vector_load %arg11[%get3A_479, %get3A_480, %get3A_481] {strides = array<i32>} : memref<5x40x128xf32, #tpu.memory_space<vmem>>, vector<16xf32>,
          %mul3A_483 = arith.mulf %get3A_482, %gather3A : vector<16xf32>
          %swap3A_484 = arith.constant 0 : i32
          %swap3A_485 = arith.index_cast %swap3A_484 : i32 to index
          %swap3A_486 = arith.index_cast %add3A_399 : i32 to index
          %swap3A_487 = arith.constant 112 : index
          %swap3A_488 = tpu.vector_load %arg11[%swap3A_485, %swap3A_486, %swap3A_487] {strides = array<i32>} : memref<5x40x128xf32, #tpu.memory_space<vmem>>, vector<16xf32>,
          tpu.vector_store %arg11[%swap3A_485, %swap3A_486, %swap3A_487], %mul3A_483 {strides = array<i32>} : memref<5x40x128xf32, #tpu.memory_space<vmem>>, vector<16xf32>,
          %mul3A_489 = arith.constant 4 : i32
          %mul3A_490 = arith.muli %scan3A_395, %mul3A_489 : i32
          %add3A_491 = arith.constant 1 : i32
          %add3A_492 = arith.addi %mul3A_490, %add3A_491 : i32
          %mul3A_493 = arith.constant 40 : i32
          %mul3A_494 = arith.muli %add3A_161, %mul3A_493 : i32
          %add3A_495 = arith.addi %mul3A_494, %add3A_492 : i32
          %broadcast_in_dim3A_496 = vector.broadcast %add3A_495 : i32 to vector<16xi32>
          %gather3A_497 = tpu.vector_load_idx %arg10[%broadcast_in_dim3A_496] : memref<2000xf32, #tpu.memory_space<vmem>>[vector<16xi32>], vector<16xf32>,
          %get3A_498 = arith.constant 0 : i32
          %get3A_499 = arith.index_cast %get3A_498 : i32 to index
          %get3A_500 = arith.index_cast %add3A_492 : i32 to index
          %get3A_501 = arith.constant 0 : index
          %get3A_502 = tpu.vector_load %arg11[%get3A_499, %get3A_500, %get3A_501] {strides = array<i32>} : memref<5x40x128xf32, #tpu.memory_space<vmem>>, vector<16xf32>,
          %mul3A_503 = arith.mulf %get3A_502, %gather3A_497 : vector<16xf32>
          %swap3A_504 = arith.constant 0 : i32
          %swap3A_505 = arith.index_cast %swap3A_504 : i32 to index
          %swap3A_506 = arith.index_cast %add3A_492 : i32 to index
          %swap3A_507 = arith.constant 0 : index
          %swap3A_508 = tpu.vector_load %arg11[%swap3A_505, %swap3A_506, %swap3A_507] {strides = array<i32>} : memref<5x40x128xf32, #tpu.memory_space<vmem>>, vector<16xf32>,
          tpu.vector_store %arg11[%swap3A_505, %swap3A_506, %swap3A_507], %mul3A_503 {strides = array<i32>} : memref<5x40x128xf32, #tpu.memory_space<vmem>>, vector<16xf32>,
          %get3A_509 = arith.constant 0 : i32
          %get3A_510 = arith.index_cast %get3A_509 : i32 to index
          %get3A_511 = arith.index_cast %add3A_492 : i32 to index
          %get3A_512 = arith.constant 16 : index
          %get3A_513 = tpu.vector_load %arg11[%get3A_510, %get3A_511, %get3A_512] {strides = array<i32>} : memref<5x40x128xf32, #tpu.memory_space<vmem>>, vector<16xf32>,
          %mul3A_514 = arith.mulf %get3A_513, %gather3A_497 : vector<16xf32>
          %swap3A_515 = arith.constant 0 : i32
          %swap3A_516 = arith.index_cast %swap3A_515 : i32 to index
          %swap3A_517 = arith.index_cast %add3A_492 : i32 to index
          %swap3A_518 = arith.constant 16 : index
          %swap3A_519 = tpu.vector_load %arg11[%swap3A_516, %swap3A_517, %swap3A_518] {strides = array<i32>} : memref<5x40x128xf32, #tpu.memory_space<vmem>>, vector<16xf32>,
          tpu.vector_store %arg11[%swap3A_516, %swap3A_517, %swap3A_518], %mul3A_514 {strides = array<i32>} : memref<5x40x128xf32, #tpu.memory_space<vmem>>, vector<16xf32>,
          %get3A_520 = arith.constant 0 : i32
          %get3A_521 = arith.index_cast %get3A_520 : i32 to index
          %get3A_522 = arith.index_cast %add3A_492 : i32 to index
          %get3A_523 = arith.constant 32 : index
          %get3A_524 = tpu.vector_load %arg11[%get3A_521, %get3A_522, %get3A_523] {strides = array<i32>} : memref<5x40x128xf32, #tpu.memory_space<vmem>>, vector<16xf32>,
          %mul3A_525 = arith.mulf %get3A_524, %gather3A_497 : vector<16xf32>
          %swap3A_526 = arith.constant 0 : i32
          %swap3A_527 = arith.index_cast %swap3A_526 : i32 to index
          %swap3A_528 = arith.index_cast %add3A_492 : i32 to index
          %swap3A_529 = arith.constant 32 : index
          %swap3A_530 = tpu.vector_load %arg11[%swap3A_527, %swap3A_528, %swap3A_529] {strides = array<i32>} : memref<5x40x128xf32, #tpu.memory_space<vmem>>, vector<16xf32>,
          tpu.vector_store %arg11[%swap3A_527, %swap3A_528, %swap3A_529], %mul3A_525 {strides = array<i32>} : memref<5x40x128xf32, #tpu.memory_space<vmem>>, vector<16xf32>,
          %get3A_531 = arith.constant 0 : i32
          %get3A_532 = arith.index_cast %get3A_531 : i32 to index
          %get3A_533 = arith.index_cast %add3A_492 : i32 to index
          %get3A_534 = arith.constant 48 : index
          %get3A_535 = tpu.vector_load %arg11[%get3A_532, %get3A_533, %get3A_534] {strides = array<i32>} : memref<5x40x128xf32, #tpu.memory_space<vmem>>, vector<16xf32>,
          %mul3A_536 = arith.mulf %get3A_535, %gather3A_497 : vector<16xf32>
          %swap3A_537 = arith.constant 0 : i32
          %swap3A_538 = arith.index_cast %swap3A_537 : i32 to index
          %swap3A_539 = arith.index_cast %add3A_492 : i32 to index
          %swap3A_540 = arith.constant 48 : index
          %swap3A_541 = tpu.vector_load %arg11[%swap3A_538, %swap3A_539, %swap3A_540] {strides = array<i32>} : memref<5x40x128xf32, #tpu.memory_space<vmem>>, vector<16xf32>,
          tpu.vector_store %arg11[%swap3A_538, %swap3A_539, %swap3A_540], %mul3A_536 {strides = array<i32>} : memref<5x40x128xf32, #tpu.memory_space<vmem>>, vector<16xf32>,
          %get3A_542 = arith.constant 0 : i32
          %get3A_543 = arith.index_cast %get3A_542 : i32 to index
          %get3A_544 = arith.index_cast %add3A_492 : i32 to index
          %get3A_545 = arith.constant 64 : index
          %get3A_546 = tpu.vector_load %arg11[%get3A_543, %get3A_544, %get3A_545] {strides = array<i32>} : memref<5x40x128xf32, #tpu.memory_space<vmem>>, vector<16xf32>,
          %mul3A_547 = arith.mulf %get3A_546, %gather3A_497 : vector<16xf32>
          %swap3A_548 = arith.constant 0 : i32
          %swap3A_549 = arith.index_cast %swap3A_548 : i32 to index
          %swap3A_550 = arith.index_cast %add3A_492 : i32 to index
          %swap3A_551 = arith.constant 64 : index
          %swap3A_552 = tpu.vector_load %arg11[%swap3A_549, %swap3A_550, %swap3A_551] {strides = array<i32>} : memref<5x40x128xf32, #tpu.memory_space<vmem>>, vector<16xf32>,
          tpu.vector_store %arg11[%swap3A_549, %swap3A_550, %swap3A_551], %mul3A_547 {strides = array<i32>} : memref<5x40x128xf32, #tpu.memory_space<vmem>>, vector<16xf32>,
          %get3A_553 = arith.constant 0 : i32
          %get3A_554 = arith.index_cast %get3A_553 : i32 to index
          %get3A_555 = arith.index_cast %add3A_492 : i32 to index
          %get3A_556 = arith.constant 80 : index
          %get3A_557 = tpu.vector_load %arg11[%get3A_554, %get3A_555, %get3A_556] {strides = array<i32>} : memref<5x40x128xf32, #tpu.memory_space<vmem>>, vector<16xf32>,
          %mul3A_558 = arith.mulf %get3A_557, %gather3A_497 : vector<16xf32>
          %swap3A_559 = arith.constant 0 : i32
          %swap3A_560 = arith.index_cast %swap3A_559 : i32 to index
          %swap3A_561 = arith.index_cast %add3A_492 : i32 to index
          %swap3A_562 = arith.constant 80 : index
          %swap3A_563 = tpu.vector_load %arg11[%swap3A_560, %swap3A_561, %swap3A_562] {strides = array<i32>} : memref<5x40x128xf32, #tpu.memory_space<vmem>>, vector<16xf32>,
          tpu.vector_store %arg11[%swap3A_560, %swap3A_561, %swap3A_562], %mul3A_558 {strides = array<i32>} : memref<5x40x128xf32, #tpu.memory_space<vmem>>, vector<16xf32>,
          %get3A_564 = arith.constant 0 : i32
          %get3A_565 = arith.index_cast %get3A_564 : i32 to index
          %get3A_566 = arith.index_cast %add3A_492 : i32 to index
          %get3A_567 = arith.constant 96 : index
          %get3A_568 = tpu.vector_load %arg11[%get3A_565, %get3A_566, %get3A_567] {strides = array<i32>} : memref<5x40x128xf32, #tpu.memory_space<vmem>>, vector<16xf32>,
          %mul3A_569 = arith.mulf %get3A_568, %gather3A_497 : vector<16xf32>
          %swap3A_570 = arith.constant 0 : i32
          %swap3A_571 = arith.index_cast %swap3A_570 : i32 to index
          %swap3A_572 = arith.index_cast %add3A_492 : i32 to index
          %swap3A_573 = arith.constant 96 : index
          %swap3A_574 = tpu.vector_load %arg11[%swap3A_571, %swap3A_572, %swap3A_573] {strides = array<i32>} : memref<5x40x128xf32, #tpu.memory_space<vmem>>, vector<16xf32>,
          tpu.vector_store %arg11[%swap3A_571, %swap3A_572, %swap3A_573], %mul3A_569 {strides = array<i32>} : memref<5x40x128xf32, #tpu.memory_space<vmem>>, vector<16xf32>,
          %get3A_575 = arith.constant 0 : i32
          %get3A_576 = arith.index_cast %get3A_575 : i32 to index
          %get3A_577 = arith.index_cast %add3A_492 : i32 to index
          %get3A_578 = arith.constant 112 : index
          %get3A_579 = tpu.vector_load %arg11[%get3A_576, %get3A_577, %get3A_578] {strides = array<i32>} : memref<5x40x128xf32, #tpu.memory_space<vmem>>, vector<16xf32>,
          %mul3A_580 = arith.mulf %get3A_579, %gather3A_497 : vector<16xf32>
          %swap3A_581 = arith.constant 0 : i32
          %swap3A_582 = arith.index_cast %swap3A_581 : i32 to index
          %swap3A_583 = arith.index_cast %add3A_492 : i32 to index
          %swap3A_584 = arith.constant 112 : index
          %swap3A_585 = tpu.vector_load %arg11[%swap3A_582, %swap3A_583, %swap3A_584] {strides = array<i32>} : memref<5x40x128xf32, #tpu.memory_space<vmem>>, vector<16xf32>,
          tpu.vector_store %arg11[%swap3A_582, %swap3A_583, %swap3A_584], %mul3A_580 {strides = array<i32>} : memref<5x40x128xf32, #tpu.memory_space<vmem>>, vector<16xf32>,
          %mul3A_586 = arith.constant 4 : i32
          %mul3A_587 = arith.muli %scan3A_395, %mul3A_586 : i32
          %add3A_588 = arith.constant 2 : i32
          %add3A_589 = arith.addi %mul3A_587, %add3A_588 : i32
          %mul3A_590 = arith.constant 40 : i32
          %mul3A_591 = arith.muli %add3A_161, %mul3A_590 : i32
          %add3A_592 = arith.addi %mul3A_591, %add3A_589 : i32
          %broadcast_in_dim3A_593 = vector.broadcast %add3A_592 : i32 to vector<16xi32>
          %gather3A_594 = tpu.vector_load_idx %arg10[%broadcast_in_dim3A_593] : memref<2000xf32, #tpu.memory_space<vmem>>[vector<16xi32>], vector<16xf32>,
          %get3A_595 = arith.constant 0 : i32
          %get3A_596 = arith.index_cast %get3A_595 : i32 to index
          %get3A_597 = arith.index_cast %add3A_589 : i32 to index
          %get3A_598 = arith.constant 0 : index
          %get3A_599 = tpu.vector_load %arg11[%get3A_596, %get3A_597, %get3A_598] {strides = array<i32>} : memref<5x40x128xf32, #tpu.memory_space<vmem>>, vector<16xf32>,
          %mul3A_600 = arith.mulf %get3A_599, %gather3A_594 : vector<16xf32>
          %swap3A_601 = arith.constant 0 : i32
          %swap3A_602 = arith.index_cast %swap3A_601 : i32 to index
          %swap3A_603 = arith.index_cast %add3A_589 : i32 to index
          %swap3A_604 = arith.constant 0 : index
          %swap3A_605 = tpu.vector_load %arg11[%swap3A_602, %swap3A_603, %swap3A_604] {strides = array<i32>} : memref<5x40x128xf32, #tpu.memory_space<vmem>>, vector<16xf32>,
          tpu.vector_store %arg11[%swap3A_602, %swap3A_603, %swap3A_604], %mul3A_600 {strides = array<i32>} : memref<5x40x128xf32, #tpu.memory_space<vmem>>, vector<16xf32>,
          %get3A_606 = arith.constant 0 : i32
          %get3A_607 = arith.index_cast %get3A_606 : i32 to index
          %get3A_608 = arith.index_cast %add3A_589 : i32 to index
          %get3A_609 = arith.constant 16 : index
          %get3A_610 = tpu.vector_load %arg11[%get3A_607, %get3A_608, %get3A_609] {strides = array<i32>} : memref<5x40x128xf32, #tpu.memory_space<vmem>>, vector<16xf32>,
          %mul3A_611 = arith.mulf %get3A_610, %gather3A_594 : vector<16xf32>
          %swap3A_612 = arith.constant 0 : i32
          %swap3A_613 = arith.index_cast %swap3A_612 : i32 to index
          %swap3A_614 = arith.index_cast %add3A_589 : i32 to index
          %swap3A_615 = arith.constant 16 : index
          %swap3A_616 = tpu.vector_load %arg11[%swap3A_613, %swap3A_614, %swap3A_615] {strides = array<i32>} : memref<5x40x128xf32, #tpu.memory_space<vmem>>, vector<16xf32>,
          tpu.vector_store %arg11[%swap3A_613, %swap3A_614, %swap3A_615], %mul3A_611 {strides = array<i32>} : memref<5x40x128xf32, #tpu.memory_space<vmem>>, vector<16xf32>,
          %get3A_617 = arith.constant 0 : i32
          %get3A_618 = arith.index_cast %get3A_617 : i32 to index
          %get3A_619 = arith.index_cast %add3A_589 : i32 to index
          %get3A_620 = arith.constant 32 : index
          %get3A_621 = tpu.vector_load %arg11[%get3A_618, %get3A_619, %get3A_620] {strides = array<i32>} : memref<5x40x128xf32, #tpu.memory_space<vmem>>, vector<16xf32>,
          %mul3A_622 = arith.mulf %get3A_621, %gather3A_594 : vector<16xf32>
          %swap3A_623 = arith.constant 0 : i32
          %swap3A_624 = arith.index_cast %swap3A_623 : i32 to index
          %swap3A_625 = arith.index_cast %add3A_589 : i32 to index
          %swap3A_626 = arith.constant 32 : index
          %swap3A_627 = tpu.vector_load %arg11[%swap3A_624, %swap3A_625, %swap3A_626] {strides = array<i32>} : memref<5x40x128xf32, #tpu.memory_space<vmem>>, vector<16xf32>,
          tpu.vector_store %arg11[%swap3A_624, %swap3A_625, %swap3A_626], %mul3A_622 {strides = array<i32>} : memref<5x40x128xf32, #tpu.memory_space<vmem>>, vector<16xf32>,
          %get3A_628 = arith.constant 0 : i32
          %get3A_629 = arith.index_cast %get3A_628 : i32 to index
          %get3A_630 = arith.index_cast %add3A_589 : i32 to index
          %get3A_631 = arith.constant 48 : index
          %get3A_632 = tpu.vector_load %arg11[%get3A_629, %get3A_630, %get3A_631] {strides = array<i32>} : memref<5x40x128xf32, #tpu.memory_space<vmem>>, vector<16xf32>,
          %mul3A_633 = arith.mulf %get3A_632, %gather3A_594 : vector<16xf32>
          %swap3A_634 = arith.constant 0 : i32
          %swap3A_635 = arith.index_cast %swap3A_634 : i32 to index
          %swap3A_636 = arith.index_cast %add3A_589 : i32 to index
          %swap3A_637 = arith.constant 48 : index
          %swap3A_638 = tpu.vector_load %arg11[%swap3A_635, %swap3A_636, %swap3A_637] {strides = array<i32>} : memref<5x40x128xf32, #tpu.memory_space<vmem>>, vector<16xf32>,
          tpu.vector_store %arg11[%swap3A_635, %swap3A_636, %swap3A_637], %mul3A_633 {strides = array<i32>} : memref<5x40x128xf32, #tpu.memory_space<vmem>>, vector<16xf32>,
          %get3A_639 = arith.constant 0 : i32
          %get3A_640 = arith.index_cast %get3A_639 : i32 to index
          %get3A_641 = arith.index_cast %add3A_589 : i32 to index
          %get3A_642 = arith.constant 64 : index
          %get3A_643 = tpu.vector_load %arg11[%get3A_640, %get3A_641, %get3A_642] {strides = array<i32>} : memref<5x40x128xf32, #tpu.memory_space<vmem>>, vector<16xf32>,
          %mul3A_644 = arith.mulf %get3A_643, %gather3A_594 : vector<16xf32>
          %swap3A_645 = arith.constant 0 : i32
          %swap3A_646 = arith.index_cast %swap3A_645 : i32 to index
          %swap3A_647 = arith.index_cast %add3A_589 : i32 to index
          %swap3A_648 = arith.constant 64 : index
          %swap3A_649 = tpu.vector_load %arg11[%swap3A_646, %swap3A_647, %swap3A_648] {strides = array<i32>} : memref<5x40x128xf32, #tpu.memory_space<vmem>>, vector<16xf32>,
          tpu.vector_store %arg11[%swap3A_646, %swap3A_647, %swap3A_648], %mul3A_644 {strides = array<i32>} : memref<5x40x128xf32, #tpu.memory_space<vmem>>, vector<16xf32>,
          %get3A_650 = arith.constant 0 : i32
          %get3A_651 = arith.index_cast %get3A_650 : i32 to index
          %get3A_652 = arith.index_cast %add3A_589 : i32 to index
          %get3A_653 = arith.constant 80 : index
          %get3A_654 = tpu.vector_load %arg11[%get3A_651, %get3A_652, %get3A_653] {strides = array<i32>} : memref<5x40x128xf32, #tpu.memory_space<vmem>>, vector<16xf32>,
          %mul3A_655 = arith.mulf %get3A_654, %gather3A_594 : vector<16xf32>
          %swap3A_656 = arith.constant 0 : i32
          %swap3A_657 = arith.index_cast %swap3A_656 : i32 to index
          %swap3A_658 = arith.index_cast %add3A_589 : i32 to index
          %swap3A_659 = arith.constant 80 : index
          %swap3A_660 = tpu.vector_load %arg11[%swap3A_657, %swap3A_658, %swap3A_659] {strides = array<i32>} : memref<5x40x128xf32, #tpu.memory_space<vmem>>, vector<16xf32>,
          tpu.vector_store %arg11[%swap3A_657, %swap3A_658, %swap3A_659], %mul3A_655 {strides = array<i32>} : memref<5x40x128xf32, #tpu.memory_space<vmem>>, vector<16xf32>,
          %get3A_661 = arith.constant 0 : i32
          %get3A_662 = arith.index_cast %get3A_661 : i32 to index
          %get3A_663 = arith.index_cast %add3A_589 : i32 to index
          %get3A_664 = arith.constant 96 : index
          %get3A_665 = tpu.vector_load %arg11[%get3A_662, %get3A_663, %get3A_664] {strides = array<i32>} : memref<5x40x128xf32, #tpu.memory_space<vmem>>, vector<16xf32>,
          %mul3A_666 = arith.mulf %get3A_665, %gather3A_594 : vector<16xf32>
          %swap3A_667 = arith.constant 0 : i32
          %swap3A_668 = arith.index_cast %swap3A_667 : i32 to index
          %swap3A_669 = arith.index_cast %add3A_589 : i32 to index
          %swap3A_670 = arith.constant 96 : index
          %swap3A_671 = tpu.vector_load %arg11[%swap3A_668, %swap3A_669, %swap3A_670] {strides = array<i32>} : memref<5x40x128xf32, #tpu.memory_space<vmem>>, vector<16xf32>,
          tpu.vector_store %arg11[%swap3A_668, %swap3A_669, %swap3A_670], %mul3A_666 {strides = array<i32>} : memref<5x40x128xf32, #tpu.memory_space<vmem>>, vector<16xf32>,
          %get3A_672 = arith.constant 0 : i32
          %get3A_673 = arith.index_cast %get3A_672 : i32 to index
          %get3A_674 = arith.index_cast %add3A_589 : i32 to index
          %get3A_675 = arith.constant 112 : index
          %get3A_676 = tpu.vector_load %arg11[%get3A_673, %get3A_674, %get3A_675] {strides = array<i32>} : memref<5x40x128xf32, #tpu.memory_space<vmem>>, vector<16xf32>,
          %mul3A_677 = arith.mulf %get3A_676, %gather3A_594 : vector<16xf32>
          %swap3A_678 = arith.constant 0 : i32
          %swap3A_679 = arith.index_cast %swap3A_678 : i32 to index
          %swap3A_680 = arith.index_cast %add3A_589 : i32 to index
          %swap3A_681 = arith.constant 112 : index
          %swap3A_682 = tpu.vector_load %arg11[%swap3A_679, %swap3A_680, %swap3A_681] {strides = array<i32>} : memref<5x40x128xf32, #tpu.memory_space<vmem>>, vector<16xf32>,
          tpu.vector_store %arg11[%swap3A_679, %swap3A_680, %swap3A_681], %mul3A_677 {strides = array<i32>} : memref<5x40x128xf32, #tpu.memory_space<vmem>>, vector<16xf32>,
          %mul3A_683 = arith.constant 4 : i32
          %mul3A_684 = arith.muli %scan3A_395, %mul3A_683 : i32
          %add3A_685 = arith.constant 3 : i32
          %add3A_686 = arith.addi %mul3A_684, %add3A_685 : i32
          %mul3A_687 = arith.constant 40 : i32
          %mul3A_688 = arith.muli %add3A_161, %mul3A_687 : i32
          %add3A_689 = arith.addi %mul3A_688, %add3A_686 : i32
          %broadcast_in_dim3A_690 = vector.broadcast %add3A_689 : i32 to vector<16xi32>
          %gather3A_691 = tpu.vector_load_idx %arg10[%broadcast_in_dim3A_690] : memref<2000xf32, #tpu.memory_space<vmem>>[vector<16xi32>], vector<16xf32>,
          %get3A_692 = arith.constant 0 : i32
          %get3A_693 = arith.index_cast %get3A_692 : i32 to index
          %get3A_694 = arith.index_cast %add3A_686 : i32 to index
          %get3A_695 = arith.constant 0 : index
          %get3A_696 = tpu.vector_load %arg11[%get3A_693, %get3A_694, %get3A_695] {strides = array<i32>} : memref<5x40x128xf32, #tpu.memory_space<vmem>>, vector<16xf32>,
          %mul3A_697 = arith.mulf %get3A_696, %gather3A_691 : vector<16xf32>
          %swap3A_698 = arith.constant 0 : i32
          %swap3A_699 = arith.index_cast %swap3A_698 : i32 to index
          %swap3A_700 = arith.index_cast %add3A_686 : i32 to index
          %swap3A_701 = arith.constant 0 : index
          %swap3A_702 = tpu.vector_load %arg11[%swap3A_699, %swap3A_700, %swap3A_701] {strides = array<i32>} : memref<5x40x128xf32, #tpu.memory_space<vmem>>, vector<16xf32>,
          tpu.vector_store %arg11[%swap3A_699, %swap3A_700, %swap3A_701], %mul3A_697 {strides = array<i32>} : memref<5x40x128xf32, #tpu.memory_space<vmem>>, vector<16xf32>,
          %get3A_703 = arith.constant 0 : i32
          %get3A_704 = arith.index_cast %get3A_703 : i32 to index
          %get3A_705 = arith.index_cast %add3A_686 : i32 to index
          %get3A_706 = arith.constant 16 : index
          %get3A_707 = tpu.vector_load %arg11[%get3A_704, %get3A_705, %get3A_706] {strides = array<i32>} : memref<5x40x128xf32, #tpu.memory_space<vmem>>, vector<16xf32>,
          %mul3A_708 = arith.mulf %get3A_707, %gather3A_691 : vector<16xf32>
          %swap3A_709 = arith.constant 0 : i32
          %swap3A_710 = arith.index_cast %swap3A_709 : i32 to index
          %swap3A_711 = arith.index_cast %add3A_686 : i32 to index
          %swap3A_712 = arith.constant 16 : index
          %swap3A_713 = tpu.vector_load %arg11[%swap3A_710, %swap3A_711, %swap3A_712] {strides = array<i32>} : memref<5x40x128xf32, #tpu.memory_space<vmem>>, vector<16xf32>,
          tpu.vector_store %arg11[%swap3A_710, %swap3A_711, %swap3A_712], %mul3A_708 {strides = array<i32>} : memref<5x40x128xf32, #tpu.memory_space<vmem>>, vector<16xf32>,
          %get3A_714 = arith.constant 0 : i32
          %get3A_715 = arith.index_cast %get3A_714 : i32 to index
          %get3A_716 = arith.index_cast %add3A_686 : i32 to index
          %get3A_717 = arith.constant 32 : index
          %get3A_718 = tpu.vector_load %arg11[%get3A_715, %get3A_716, %get3A_717] {strides = array<i32>} : memref<5x40x128xf32, #tpu.memory_space<vmem>>, vector<16xf32>,
          %mul3A_719 = arith.mulf %get3A_718, %gather3A_691 : vector<16xf32>
          %swap3A_720 = arith.constant 0 : i32
          %swap3A_721 = arith.index_cast %swap3A_720 : i32 to index
          %swap3A_722 = arith.index_cast %add3A_686 : i32 to index
          %swap3A_723 = arith.constant 32 : index
          %swap3A_724 = tpu.vector_load %arg11[%swap3A_721, %swap3A_722, %swap3A_723] {strides = array<i32>} : memref<5x40x128xf32, #tpu.memory_space<vmem>>, vector<16xf32>,
          tpu.vector_store %arg11[%swap3A_721, %swap3A_722, %swap3A_723], %mul3A_719 {strides = array<i32>} : memref<5x40x128xf32, #tpu.memory_space<vmem>>, vector<16xf32>,
          %get3A_725 = arith.constant 0 : i32
          %get3A_726 = arith.index_cast %get3A_725 : i32 to index
          %get3A_727 = arith.index_cast %add3A_686 : i32 to index
          %get3A_728 = arith.constant 48 : index
          %get3A_729 = tpu.vector_load %arg11[%get3A_726, %get3A_727, %get3A_728] {strides = array<i32>} : memref<5x40x128xf32, #tpu.memory_space<vmem>>, vector<16xf32>,
          %mul3A_730 = arith.mulf %get3A_729, %gather3A_691 : vector<16xf32>
          %swap3A_731 = arith.constant 0 : i32
          %swap3A_732 = arith.index_cast %swap3A_731 : i32 to index
          %swap3A_733 = arith.index_cast %add3A_686 : i32 to index
          %swap3A_734 = arith.constant 48 : index
          %swap3A_735 = tpu.vector_load %arg11[%swap3A_732, %swap3A_733, %swap3A_734] {strides = array<i32>} : memref<5x40x128xf32, #tpu.memory_space<vmem>>, vector<16xf32>,
          tpu.vector_store %arg11[%swap3A_732, %swap3A_733, %swap3A_734], %mul3A_730 {strides = array<i32>} : memref<5x40x128xf32, #tpu.memory_space<vmem>>, vector<16xf32>,
          %get3A_736 = arith.constant 0 : i32
          %get3A_737 = arith.index_cast %get3A_736 : i32 to index
          %get3A_738 = arith.index_cast %add3A_686 : i32 to index
          %get3A_739 = arith.constant 64 : index
          %get3A_740 = tpu.vector_load %arg11[%get3A_737, %get3A_738, %get3A_739] {strides = array<i32>} : memref<5x40x128xf32, #tpu.memory_space<vmem>>, vector<16xf32>,
          %mul3A_741 = arith.mulf %get3A_740, %gather3A_691 : vector<16xf32>
          %swap3A_742 = arith.constant 0 : i32
          %swap3A_743 = arith.index_cast %swap3A_742 : i32 to index
          %swap3A_744 = arith.index_cast %add3A_686 : i32 to index
          %swap3A_745 = arith.constant 64 : index
          %swap3A_746 = tpu.vector_load %arg11[%swap3A_743, %swap3A_744, %swap3A_745] {strides = array<i32>} : memref<5x40x128xf32, #tpu.memory_space<vmem>>, vector<16xf32>,
          tpu.vector_store %arg11[%swap3A_743, %swap3A_744, %swap3A_745], %mul3A_741 {strides = array<i32>} : memref<5x40x128xf32, #tpu.memory_space<vmem>>, vector<16xf32>,
          %get3A_747 = arith.constant 0 : i32
          %get3A_748 = arith.index_cast %get3A_747 : i32 to index
          %get3A_749 = arith.index_cast %add3A_686 : i32 to index
          %get3A_750 = arith.constant 80 : index
          %get3A_751 = tpu.vector_load %arg11[%get3A_748, %get3A_749, %get3A_750] {strides = array<i32>} : memref<5x40x128xf32, #tpu.memory_space<vmem>>, vector<16xf32>,
          %mul3A_752 = arith.mulf %get3A_751, %gather3A_691 : vector<16xf32>
          %swap3A_753 = arith.constant 0 : i32
          %swap3A_754 = arith.index_cast %swap3A_753 : i32 to index
          %swap3A_755 = arith.index_cast %add3A_686 : i32 to index
          %swap3A_756 = arith.constant 80 : index
          %swap3A_757 = tpu.vector_load %arg11[%swap3A_754, %swap3A_755, %swap3A_756] {strides = array<i32>} : memref<5x40x128xf32, #tpu.memory_space<vmem>>, vector<16xf32>,
          tpu.vector_store %arg11[%swap3A_754, %swap3A_755, %swap3A_756], %mul3A_752 {strides = array<i32>} : memref<5x40x128xf32, #tpu.memory_space<vmem>>, vector<16xf32>,
          %get3A_758 = arith.constant 0 : i32
          %get3A_759 = arith.index_cast %get3A_758 : i32 to index
          %get3A_760 = arith.index_cast %add3A_686 : i32 to index
          %get3A_761 = arith.constant 96 : index
          %get3A_762 = tpu.vector_load %arg11[%get3A_759, %get3A_760, %get3A_761] {strides = array<i32>} : memref<5x40x128xf32, #tpu.memory_space<vmem>>, vector<16xf32>,
          %mul3A_763 = arith.mulf %get3A_762, %gather3A_691 : vector<16xf32>
          %swap3A_764 = arith.constant 0 : i32
          %swap3A_765 = arith.index_cast %swap3A_764 : i32 to index
          %swap3A_766 = arith.index_cast %add3A_686 : i32 to index
          %swap3A_767 = arith.constant 96 : index
          %swap3A_768 = tpu.vector_load %arg11[%swap3A_765, %swap3A_766, %swap3A_767] {strides = array<i32>} : memref<5x40x128xf32, #tpu.memory_space<vmem>>, vector<16xf32>,
          tpu.vector_store %arg11[%swap3A_765, %swap3A_766, %swap3A_767], %mul3A_763 {strides = array<i32>} : memref<5x40x128xf32, #tpu.memory_space<vmem>>, vector<16xf32>,
          %get3A_769 = arith.constant 0 : i32
          %get3A_770 = arith.index_cast %get3A_769 : i32 to index
          %get3A_771 = arith.index_cast %add3A_686 : i32 to index
          %get3A_772 = arith.constant 112 : index
          %get3A_773 = tpu.vector_load %arg11[%get3A_770, %get3A_771, %get3A_772] {strides = array<i32>} : memref<5x40x128xf32, #tpu.memory_space<vmem>>, vector<16xf32>,
          %mul3A_774 = arith.mulf %get3A_773, %gather3A_691 : vector<16xf32>
          %swap3A_775 = arith.constant 0 : i32
          %swap3A_776 = arith.index_cast %swap3A_775 : i32 to index
          %swap3A_777 = arith.index_cast %add3A_686 : i32 to index
          %swap3A_778 = arith.constant 112 : index
          %swap3A_779 = tpu.vector_load %arg11[%swap3A_776, %swap3A_777, %swap3A_778] {strides = array<i32>} : memref<5x40x128xf32, #tpu.memory_space<vmem>>, vector<16xf32>,
          tpu.vector_store %arg11[%swap3A_776, %swap3A_777, %swap3A_778], %mul3A_774 {strides = array<i32>} : memref<5x40x128xf32, #tpu.memory_space<vmem>>, vector<16xf32>,
        }
        %scan3A_200 = arith.constant 10 : i32
        %dma_start3A_201 = arith.constant 0 : i32
        %dma_start3A_202 = arith.constant 0 : i32
        %dma_start3A_203 = arith.constant 0 : i32
        %dma_start3A_204 = tpu.memref_slice %arg11[%dma_start3A_201, %dma_start3A_202, %dma_start3A_203] : memref<5x40x128xf32, #tpu.memory_space<vmem>> -> memref<1x40x128xf32, #tpu.memory_space<vmem>>
        %dma_start3A_205 = tpu.memref_squeeze %dma_start3A_204 : memref<1x40x128xf32, #tpu.memory_space<vmem>> -> memref<40x128xf32, #tpu.memory_space<vmem>>
        %dma_start3A_206 = arith.constant 0 : i32
        %dma_start3A_207 = tpu.memref_slice %arg9[%add3A_161, %dma_start3A_206] : memref<50x40xi32, #tpu.memory_space<vmem>> -> memref<1x40xi32, #tpu.memory_space<vmem>>
        %dma_start3A_208 = tpu.memref_squeeze %dma_start3A_207 : memref<1x40xi32, #tpu.memory_space<vmem>> -> memref<40xi32, #tpu.memory_space<vmem>>
        %dma_start3A_209 = arith.constant 0 : i32
        %dma_start3A_210 = arith.constant 0 : i32
        %dma_start3A_211 = tpu.memref_slice %arg13[%dma_start3A_209, %dma_start3A_210] : memref<10240x128xf32, #tpu.memory_space<vmem_shared>> -> memref<10240x128xf32, #tpu.memory_space<vmem_shared>>
        tpu.enqueue_indirect_dma source(%dma_start3A_205 : memref<40x128xf32, #tpu.memory_space<vmem>>) target(%dma_start3A_211 : memref<10240x128xf32, #tpu.memory_space<vmem_shared>>) offsets(%dma_start3A_208 : memref<40xi32, #tpu.memory_space<vmem>>) semaphore(%arg19 : memref<!tpu.dma_semaphore, #tpu.memory_space<semaphore_mem>>) {add = true}
        %mul3A_212 = arith.constant 5 : i32
        %mul3A_213 = arith.muli %scan3A_157, %mul3A_212 : i32
        %add3A_214 = arith.constant 1 : i32
        %add3A_215 = arith.addi %mul3A_213, %add3A_214 : i32
        %mul3A_216 = arith.constant 5 : i32
        %mul3A_217 = arith.muli %scan3A_157, %mul3A_216 : i32
        %add3A_218 = arith.constant 4 : i32
        %add3A_219 = arith.addi %mul3A_217, %add3A_218 : i32
        %dma_wait3A_220 = arith.constant 4 : i32
        %dma_wait3A_221 = arith.constant 0 : i32
        %dma_wait3A_222 = arith.constant 0 : i32
        %dma_wait3A_223 = tpu.memref_slice %arg11[%dma_wait3A_220, %dma_wait3A_221, %dma_wait3A_222] : memref<5x40x128xf32, #tpu.memory_space<vmem>> -> memref<1x40x128xf32, #tpu.memory_space<vmem>>
        %dma_wait3A_224 = tpu.memref_squeeze %dma_wait3A_223 : memref<1x40x128xf32, #tpu.memory_space<vmem>> -> memref<40x128xf32, #tpu.memory_space<vmem>>
        %dma_wait3A_225 = arith.constant 0 : i32
        %dma_wait3A_226 = arith.constant 0 : i32
        %dma_wait3A_227 = tpu.memref_slice %arg13[%dma_wait3A_225, %dma_wait3A_226] : memref<10240x128xf32, #tpu.memory_space<vmem_shared>> -> memref<10240x128xf32, #tpu.memory_space<vmem_shared>>
        tpu.wait_indirect_dma semaphore(%arg23 : memref<!tpu.dma_semaphore, #tpu.memory_space<semaphore_mem>>) src(%dma_wait3A_224 : memref<40x128xf32, #tpu.memory_space<vmem>>) dst(%dma_wait3A_227 : memref<10240x128xf32, #tpu.memory_space<vmem_shared>>)
        %dma_start3A_228 = arith.constant 4 : i32
        %dma_start3A_229 = arith.constant 0 : i32
        %dma_start3A_230 = arith.constant 0 : i32
        %dma_start3A_231 = tpu.memref_slice %arg11[%dma_start3A_228, %dma_start3A_229, %dma_start3A_230] : memref<5x40x128xf32, #tpu.memory_space<vmem>> -> memref<1x40x128xf32, #tpu.memory_space<vmem>>
        %dma_start3A_232 = tpu.memref_squeeze %dma_start3A_231 : memref<1x40x128xf32, #tpu.memory_space<vmem>> -> memref<40x128xf32, #tpu.memory_space<vmem>>
        %dma_start3A_233 = arith.constant 0 : i32
        %dma_start3A_234 = tpu.memref_slice %arg8[%add3A_219, %dma_start3A_233] : memref<50x40xi32, #tpu.memory_space<vmem>> -> memref<1x40xi32, #tpu.memory_space<vmem>>
        %dma_start3A_235 = tpu.memref_squeeze %dma_start3A_234 : memref<1x40xi32, #tpu.memory_space<vmem>> -> memref<40xi32, #tpu.memory_space<vmem>>
        %dma_start3A_236 = arith.constant 0 : i32
        %dma_start3A_237 = arith.constant 0 : i32
        %dma_start3A_238 = tpu.memref_slice %arg2[%dma_start3A_236, %dma_start3A_237] : memref<10000x128xf32, #tpu.memory_space<hbm>> -> memref<10000x128xf32, #tpu.memory_space<hbm>>
        tpu.enqueue_indirect_dma source(%dma_start3A_238 : memref<10000x128xf32, #tpu.memory_space<hbm>>) target(%dma_start3A_232 : memref<40x128xf32, #tpu.memory_space<vmem>>) offsets(%dma_start3A_235 : memref<40xi32, #tpu.memory_space<vmem>>) semaphore(%arg18 : memref<!tpu.dma_semaphore, #tpu.memory_space<semaphore_mem>>)
        %dma_wait3A_239 = arith.constant 1 : i32
        %dma_wait3A_240 = arith.constant 0 : i32
        %dma_wait3A_241 = arith.constant 0 : i32
        %dma_wait3A_242 = tpu.memref_slice %arg11[%dma_wait3A_239, %dma_wait3A_240, %dma_wait3A_241] : memref<5x40x128xf32, #tpu.memory_space<vmem>> -> memref<1x40x128xf32, #tpu.memory_space<vmem>>
        %dma_wait3A_243 = tpu.memref_squeeze %dma_wait3A_242 : memref<1x40x128xf32, #tpu.memory_space<vmem>> -> memref<40x128xf32, #tpu.memory_space<vmem>>
        %dma_wait3A_244 = arith.constant 0 : i32
        %dma_wait3A_245 = tpu.memref_slice %arg8[%add3A_215, %dma_wait3A_244] : memref<50x40xi32, #tpu.memory_space<vmem>> -> memref<1x40xi32, #tpu.memory_space<vmem>>
        %dma_wait3A_246 = tpu.memref_squeeze %dma_wait3A_245 : memref<1x40xi32, #tpu.memory_space<vmem>> -> memref<40xi32, #tpu.memory_space<vmem>>
        %dma_wait3A_247 = arith.constant 0 : i32
        %dma_wait3A_248 = arith.constant 0 : i32
        %dma_wait3A_249 = tpu.memref_slice %arg2[%dma_wait3A_247, %dma_wait3A_248] : memref<10000x128xf32, #tpu.memory_space<hbm>> -> memref<10000x128xf32, #tpu.memory_space<hbm>>
        tpu.wait_indirect_dma semaphore(%arg15 : memref<!tpu.dma_semaphore, #tpu.memory_space<semaphore_mem>>) src(%dma_wait3A_249 : memref<10000x128xf32, #tpu.memory_space<hbm>>) dst(%dma_wait3A_243 : memref<40x128xf32, #tpu.memory_space<vmem>>)
        %scan3A_250 = arith.constant 0 : i32
        %scan3A_251 = arith.constant 10 : i32
        %scan3A_252 = arith.addi %scan3A_250, %scan3A_251 : i32
        %scan3A_253 = arith.constant 1 : i32
        scf.for %scan3A_395 = %scan3A_250 to %scan3A_252 step %scan3A_253  : i32 {
          %mul3A_396 = arith.constant 4 : i32
          %mul3A_397 = arith.muli %scan3A_395, %mul3A_396 : i32
          %add3A_398 = arith.constant 0 : i32
          %add3A_399 = arith.addi %mul3A_397, %add3A_398 : i32
          %mul3A_400 = arith.constant 40 : i32
          %mul3A_401 = arith.muli %add3A_215, %mul3A_400 : i32
          %add3A_402 = arith.addi %mul3A_401, %add3A_399 : i32
          %broadcast_in_dim3A = vector.broadcast %add3A_402 : i32 to vector<16xi32>
          %gather3A = tpu.vector_load_idx %arg10[%broadcast_in_dim3A] : memref<2000xf32, #tpu.memory_space<vmem>>[vector<16xi32>], vector<16xf32>,
          %get3A = arith.constant 1 : i32
          %get3A_403 = arith.index_cast %get3A : i32 to index
          %get3A_404 = arith.index_cast %add3A_399 : i32 to index
          %get3A_405 = arith.constant 0 : index
          %get3A_406 = tpu.vector_load %arg11[%get3A_403, %get3A_404, %get3A_405] {strides = array<i32>} : memref<5x40x128xf32, #tpu.memory_space<vmem>>, vector<16xf32>,
          %mul3A_407 = arith.mulf %get3A_406, %gather3A : vector<16xf32>
          %swap3A = arith.constant 1 : i32
          %swap3A_408 = arith.index_cast %swap3A : i32 to index
          %swap3A_409 = arith.index_cast %add3A_399 : i32 to index
          %swap3A_410 = arith.constant 0 : index
          %swap3A_411 = tpu.vector_load %arg11[%swap3A_408, %swap3A_409, %swap3A_410] {strides = array<i32>} : memref<5x40x128xf32, #tpu.memory_space<vmem>>, vector<16xf32>,
          tpu.vector_store %arg11[%swap3A_408, %swap3A_409, %swap3A_410], %mul3A_407 {strides = array<i32>} : memref<5x40x128xf32, #tpu.memory_space<vmem>>, vector<16xf32>,
          %get3A_412 = arith.constant 1 : i32
          %get3A_413 = arith.index_cast %get3A_412 : i32 to index
          %get3A_414 = arith.index_cast %add3A_399 : i32 to index
          %get3A_415 = arith.constant 16 : index
          %get3A_416 = tpu.vector_load %arg11[%get3A_413, %get3A_414, %get3A_415] {strides = array<i32>} : memref<5x40x128xf32, #tpu.memory_space<vmem>>, vector<16xf32>,
          %mul3A_417 = arith.mulf %get3A_416, %gather3A : vector<16xf32>
          %swap3A_418 = arith.constant 1 : i32
          %swap3A_419 = arith.index_cast %swap3A_418 : i32 to index
          %swap3A_420 = arith.index_cast %add3A_399 : i32 to index
          %swap3A_421 = arith.constant 16 : index
          %swap3A_422 = tpu.vector_load %arg11[%swap3A_419, %swap3A_420, %swap3A_421] {strides = array<i32>} : memref<5x40x128xf32, #tpu.memory_space<vmem>>, vector<16xf32>,
          tpu.vector_store %arg11[%swap3A_419, %swap3A_420, %swap3A_421], %mul3A_417 {strides = array<i32>} : memref<5x40x128xf32, #tpu.memory_space<vmem>>, vector<16xf32>,
          %get3A_423 = arith.constant 1 : i32
          %get3A_424 = arith.index_cast %get3A_423 : i32 to index
          %get3A_425 = arith.index_cast %add3A_399 : i32 to index
          %get3A_426 = arith.constant 32 : index
          %get3A_427 = tpu.vector_load %arg11[%get3A_424, %get3A_425, %get3A_426] {strides = array<i32>} : memref<5x40x128xf32, #tpu.memory_space<vmem>>, vector<16xf32>,
          %mul3A_428 = arith.mulf %get3A_427, %gather3A : vector<16xf32>
          %swap3A_429 = arith.constant 1 : i32
          %swap3A_430 = arith.index_cast %swap3A_429 : i32 to index
          %swap3A_431 = arith.index_cast %add3A_399 : i32 to index
          %swap3A_432 = arith.constant 32 : index
          %swap3A_433 = tpu.vector_load %arg11[%swap3A_430, %swap3A_431, %swap3A_432] {strides = array<i32>} : memref<5x40x128xf32, #tpu.memory_space<vmem>>, vector<16xf32>,
          tpu.vector_store %arg11[%swap3A_430, %swap3A_431, %swap3A_432], %mul3A_428 {strides = array<i32>} : memref<5x40x128xf32, #tpu.memory_space<vmem>>, vector<16xf32>,
          %get3A_434 = arith.constant 1 : i32
          %get3A_435 = arith.index_cast %get3A_434 : i32 to index
          %get3A_436 = arith.index_cast %add3A_399 : i32 to index
          %get3A_437 = arith.constant 48 : index
          %get3A_438 = tpu.vector_load %arg11[%get3A_435, %get3A_436, %get3A_437] {strides = array<i32>} : memref<5x40x128xf32, #tpu.memory_space<vmem>>, vector<16xf32>,
          %mul3A_439 = arith.mulf %get3A_438, %gather3A : vector<16xf32>
          %swap3A_440 = arith.constant 1 : i32
          %swap3A_441 = arith.index_cast %swap3A_440 : i32 to index
          %swap3A_442 = arith.index_cast %add3A_399 : i32 to index
          %swap3A_443 = arith.constant 48 : index
          %swap3A_444 = tpu.vector_load %arg11[%swap3A_441, %swap3A_442, %swap3A_443] {strides = array<i32>} : memref<5x40x128xf32, #tpu.memory_space<vmem>>, vector<16xf32>,
          tpu.vector_store %arg11[%swap3A_441, %swap3A_442, %swap3A_443], %mul3A_439 {strides = array<i32>} : memref<5x40x128xf32, #tpu.memory_space<vmem>>, vector<16xf32>,
          %get3A_445 = arith.constant 1 : i32
          %get3A_446 = arith.index_cast %get3A_445 : i32 to index
          %get3A_447 = arith.index_cast %add3A_399 : i32 to index
          %get3A_448 = arith.constant 64 : index
          %get3A_449 = tpu.vector_load %arg11[%get3A_446, %get3A_447, %get3A_448] {strides = array<i32>} : memref<5x40x128xf32, #tpu.memory_space<vmem>>, vector<16xf32>,
          %mul3A_450 = arith.mulf %get3A_449, %gather3A : vector<16xf32>
          %swap3A_451 = arith.constant 1 : i32
          %swap3A_452 = arith.index_cast %swap3A_451 : i32 to index
          %swap3A_453 = arith.index_cast %add3A_399 : i32 to index
          %swap3A_454 = arith.constant 64 : index
          %swap3A_455 = tpu.vector_load %arg11[%swap3A_452, %swap3A_453, %swap3A_454] {strides = array<i32>} : memref<5x40x128xf32, #tpu.memory_space<vmem>>, vector<16xf32>,
          tpu.vector_store %arg11[%swap3A_452, %swap3A_453, %swap3A_454], %mul3A_450 {strides = array<i32>} : memref<5x40x128xf32, #tpu.memory_space<vmem>>, vector<16xf32>,
          %get3A_456 = arith.constant 1 : i32
          %get3A_457 = arith.index_cast %get3A_456 : i32 to index
          %get3A_458 = arith.index_cast %add3A_399 : i32 to index
          %get3A_459 = arith.constant 80 : index
          %get3A_460 = tpu.vector_load %arg11[%get3A_457, %get3A_458, %get3A_459] {strides = array<i32>} : memref<5x40x128xf32, #tpu.memory_space<vmem>>, vector<16xf32>,
          %mul3A_461 = arith.mulf %get3A_460, %gather3A : vector<16xf32>
          %swap3A_462 = arith.constant 1 : i32
          %swap3A_463 = arith.index_cast %swap3A_462 : i32 to index
          %swap3A_464 = arith.index_cast %add3A_399 : i32 to index
          %swap3A_465 = arith.constant 80 : index
          %swap3A_466 = tpu.vector_load %arg11[%swap3A_463, %swap3A_464, %swap3A_465] {strides = array<i32>} : memref<5x40x128xf32, #tpu.memory_space<vmem>>, vector<16xf32>,
          tpu.vector_store %arg11[%swap3A_463, %swap3A_464, %swap3A_465], %mul3A_461 {strides = array<i32>} : memref<5x40x128xf32, #tpu.memory_space<vmem>>, vector<16xf32>,
          %get3A_467 = arith.constant 1 : i32
          %get3A_468 = arith.index_cast %get3A_467 : i32 to index
          %get3A_469 = arith.index_cast %add3A_399 : i32 to index
          %get3A_470 = arith.constant 96 : index
          %get3A_471 = tpu.vector_load %arg11[%get3A_468, %get3A_469, %get3A_470] {strides = array<i32>} : memref<5x40x128xf32, #tpu.memory_space<vmem>>, vector<16xf32>,
          %mul3A_472 = arith.mulf %get3A_471, %gather3A : vector<16xf32>
          %swap3A_473 = arith.constant 1 : i32
          %swap3A_474 = arith.index_cast %swap3A_473 : i32 to index
          %swap3A_475 = arith.index_cast %add3A_399 : i32 to index
          %swap3A_476 = arith.constant 96 : index
          %swap3A_477 = tpu.vector_load %arg11[%swap3A_474, %swap3A_475, %swap3A_476] {strides = array<i32>} : memref<5x40x128xf32, #tpu.memory_space<vmem>>, vector<16xf32>,
          tpu.vector_store %arg11[%swap3A_474, %swap3A_475, %swap3A_476], %mul3A_472 {strides = array<i32>} : memref<5x40x128xf32, #tpu.memory_space<vmem>>, vector<16xf32>,
          %get3A_478 = arith.constant 1 : i32
          %get3A_479 = arith.index_cast %get3A_478 : i32 to index
          %get3A_480 = arith.index_cast %add3A_399 : i32 to index
          %get3A_481 = arith.constant 112 : index
          %get3A_482 = tpu.vector_load %arg11[%get3A_479, %get3A_480, %get3A_481] {strides = array<i32>} : memref<5x40x128xf32, #tpu.memory_space<vmem>>, vector<16xf32>,
          %mul3A_483 = arith.mulf %get3A_482, %gather3A : vector<16xf32>
          %swap3A_484 = arith.constant 1 : i32
          %swap3A_485 = arith.index_cast %swap3A_484 : i32 to index
          %swap3A_486 = arith.index_cast %add3A_399 : i32 to index
          %swap3A_487 = arith.constant 112 : index
          %swap3A_488 = tpu.vector_load %arg11[%swap3A_485, %swap3A_486, %swap3A_487] {strides = array<i32>} : memref<5x40x128xf32, #tpu.memory_space<vmem>>, vector<16xf32>,
          tpu.vector_store %arg11[%swap3A_485, %swap3A_486, %swap3A_487], %mul3A_483 {strides = array<i32>} : memref<5x40x128xf32, #tpu.memory_space<vmem>>, vector<16xf32>,
          %mul3A_489 = arith.constant 4 : i32
          %mul3A_490 = arith.muli %scan3A_395, %mul3A_489 : i32
          %add3A_491 = arith.constant 1 : i32
          %add3A_492 = arith.addi %mul3A_490, %add3A_491 : i32
          %mul3A_493 = arith.constant 40 : i32
          %mul3A_494 = arith.muli %add3A_215, %mul3A_493 : i32
          %add3A_495 = arith.addi %mul3A_494, %add3A_492 : i32
          %broadcast_in_dim3A_496 = vector.broadcast %add3A_495 : i32 to vector<16xi32>
          %gather3A_497 = tpu.vector_load_idx %arg10[%broadcast_in_dim3A_496] : memref<2000xf32, #tpu.memory_space<vmem>>[vector<16xi32>], vector<16xf32>,
          %get3A_498 = arith.constant 1 : i32
          %get3A_499 = arith.index_cast %get3A_498 : i32 to index
          %get3A_500 = arith.index_cast %add3A_492 : i32 to index
          %get3A_501 = arith.constant 0 : index
          %get3A_502 = tpu.vector_load %arg11[%get3A_499, %get3A_500, %get3A_501] {strides = array<i32>} : memref<5x40x128xf32, #tpu.memory_space<vmem>>, vector<16xf32>,
          %mul3A_503 = arith.mulf %get3A_502, %gather3A_497 : vector<16xf32>
          %swap3A_504 = arith.constant 1 : i32
          %swap3A_505 = arith.index_cast %swap3A_504 : i32 to index
          %swap3A_506 = arith.index_cast %add3A_492 : i32 to index
          %swap3A_507 = arith.constant 0 : index
          %swap3A_508 = tpu.vector_load %arg11[%swap3A_505, %swap3A_506, %swap3A_507] {strides = array<i32>} : memref<5x40x128xf32, #tpu.memory_space<vmem>>, vector<16xf32>,
          tpu.vector_store %arg11[%swap3A_505, %swap3A_506, %swap3A_507], %mul3A_503 {strides = array<i32>} : memref<5x40x128xf32, #tpu.memory_space<vmem>>, vector<16xf32>,
          %get3A_509 = arith.constant 1 : i32
          %get3A_510 = arith.index_cast %get3A_509 : i32 to index
          %get3A_511 = arith.index_cast %add3A_492 : i32 to index
          %get3A_512 = arith.constant 16 : index
          %get3A_513 = tpu.vector_load %arg11[%get3A_510, %get3A_511, %get3A_512] {strides = array<i32>} : memref<5x40x128xf32, #tpu.memory_space<vmem>>, vector<16xf32>,
          %mul3A_514 = arith.mulf %get3A_513, %gather3A_497 : vector<16xf32>
          %swap3A_515 = arith.constant 1 : i32
          %swap3A_516 = arith.index_cast %swap3A_515 : i32 to index
          %swap3A_517 = arith.index_cast %add3A_492 : i32 to index
          %swap3A_518 = arith.constant 16 : index
          %swap3A_519 = tpu.vector_load %arg11[%swap3A_516, %swap3A_517, %swap3A_518] {strides = array<i32>} : memref<5x40x128xf32, #tpu.memory_space<vmem>>, vector<16xf32>,
          tpu.vector_store %arg11[%swap3A_516, %swap3A_517, %swap3A_518], %mul3A_514 {strides = array<i32>} : memref<5x40x128xf32, #tpu.memory_space<vmem>>, vector<16xf32>,
          %get3A_520 = arith.constant 1 : i32
          %get3A_521 = arith.index_cast %get3A_520 : i32 to index
          %get3A_522 = arith.index_cast %add3A_492 : i32 to index
          %get3A_523 = arith.constant 32 : index
          %get3A_524 = tpu.vector_load %arg11[%get3A_521, %get3A_522, %get3A_523] {strides = array<i32>} : memref<5x40x128xf32, #tpu.memory_space<vmem>>, vector<16xf32>,
          %mul3A_525 = arith.mulf %get3A_524, %gather3A_497 : vector<16xf32>
          %swap3A_526 = arith.constant 1 : i32
          %swap3A_527 = arith.index_cast %swap3A_526 : i32 to index
          %swap3A_528 = arith.index_cast %add3A_492 : i32 to index
          %swap3A_529 = arith.constant 32 : index
          %swap3A_530 = tpu.vector_load %arg11[%swap3A_527, %swap3A_528, %swap3A_529] {strides = array<i32>} : memref<5x40x128xf32, #tpu.memory_space<vmem>>, vector<16xf32>,
          tpu.vector_store %arg11[%swap3A_527, %swap3A_528, %swap3A_529], %mul3A_525 {strides = array<i32>} : memref<5x40x128xf32, #tpu.memory_space<vmem>>, vector<16xf32>,
          %get3A_531 = arith.constant 1 : i32
          %get3A_532 = arith.index_cast %get3A_531 : i32 to index
          %get3A_533 = arith.index_cast %add3A_492 : i32 to index
          %get3A_534 = arith.constant 48 : index
          %get3A_535 = tpu.vector_load %arg11[%get3A_532, %get3A_533, %get3A_534] {strides = array<i32>} : memref<5x40x128xf32, #tpu.memory_space<vmem>>, vector<16xf32>,
          %mul3A_536 = arith.mulf %get3A_535, %gather3A_497 : vector<16xf32>
          %swap3A_537 = arith.constant 1 : i32
          %swap3A_538 = arith.index_cast %swap3A_537 : i32 to index
          %swap3A_539 = arith.index_cast %add3A_492 : i32 to index
          %swap3A_540 = arith.constant 48 : index
          %swap3A_541 = tpu.vector_load %arg11[%swap3A_538, %swap3A_539, %swap3A_540] {strides = array<i32>} : memref<5x40x128xf32, #tpu.memory_space<vmem>>, vector<16xf32>,
          tpu.vector_store %arg11[%swap3A_538, %swap3A_539, %swap3A_540], %mul3A_536 {strides = array<i32>} : memref<5x40x128xf32, #tpu.memory_space<vmem>>, vector<16xf32>,
          %get3A_542 = arith.constant 1 : i32
          %get3A_543 = arith.index_cast %get3A_542 : i32 to index
          %get3A_544 = arith.index_cast %add3A_492 : i32 to index
          %get3A_545 = arith.constant 64 : index
          %get3A_546 = tpu.vector_load %arg11[%get3A_543, %get3A_544, %get3A_545] {strides = array<i32>} : memref<5x40x128xf32, #tpu.memory_space<vmem>>, vector<16xf32>,
          %mul3A_547 = arith.mulf %get3A_546, %gather3A_497 : vector<16xf32>
          %swap3A_548 = arith.constant 1 : i32
          %swap3A_549 = arith.index_cast %swap3A_548 : i32 to index
          %swap3A_550 = arith.index_cast %add3A_492 : i32 to index
          %swap3A_551 = arith.constant 64 : index
          %swap3A_552 = tpu.vector_load %arg11[%swap3A_549, %swap3A_550, %swap3A_551] {strides = array<i32>} : memref<5x40x128xf32, #tpu.memory_space<vmem>>, vector<16xf32>,
          tpu.vector_store %arg11[%swap3A_549, %swap3A_550, %swap3A_551], %mul3A_547 {strides = array<i32>} : memref<5x40x128xf32, #tpu.memory_space<vmem>>, vector<16xf32>,
          %get3A_553 = arith.constant 1 : i32
          %get3A_554 = arith.index_cast %get3A_553 : i32 to index
          %get3A_555 = arith.index_cast %add3A_492 : i32 to index
          %get3A_556 = arith.constant 80 : index
          %get3A_557 = tpu.vector_load %arg11[%get3A_554, %get3A_555, %get3A_556] {strides = array<i32>} : memref<5x40x128xf32, #tpu.memory_space<vmem>>, vector<16xf32>,
          %mul3A_558 = arith.mulf %get3A_557, %gather3A_497 : vector<16xf32>
          %swap3A_559 = arith.constant 1 : i32
          %swap3A_560 = arith.index_cast %swap3A_559 : i32 to index
          %swap3A_561 = arith.index_cast %add3A_492 : i32 to index
          %swap3A_562 = arith.constant 80 : index
          %swap3A_563 = tpu.vector_load %arg11[%swap3A_560, %swap3A_561, %swap3A_562] {strides = array<i32>} : memref<5x40x128xf32, #tpu.memory_space<vmem>>, vector<16xf32>,
          tpu.vector_store %arg11[%swap3A_560, %swap3A_561, %swap3A_562], %mul3A_558 {strides = array<i32>} : memref<5x40x128xf32, #tpu.memory_space<vmem>>, vector<16xf32>,
          %get3A_564 = arith.constant 1 : i32
          %get3A_565 = arith.index_cast %get3A_564 : i32 to index
          %get3A_566 = arith.index_cast %add3A_492 : i32 to index
          %get3A_567 = arith.constant 96 : index
          %get3A_568 = tpu.vector_load %arg11[%get3A_565, %get3A_566, %get3A_567] {strides = array<i32>} : memref<5x40x128xf32, #tpu.memory_space<vmem>>, vector<16xf32>,
          %mul3A_569 = arith.mulf %get3A_568, %gather3A_497 : vector<16xf32>
          %swap3A_570 = arith.constant 1 : i32
          %swap3A_571 = arith.index_cast %swap3A_570 : i32 to index
          %swap3A_572 = arith.index_cast %add3A_492 : i32 to index
          %swap3A_573 = arith.constant 96 : index
          %swap3A_574 = tpu.vector_load %arg11[%swap3A_571, %swap3A_572, %swap3A_573] {strides = array<i32>} : memref<5x40x128xf32, #tpu.memory_space<vmem>>, vector<16xf32>,
          tpu.vector_store %arg11[%swap3A_571, %swap3A_572, %swap3A_573], %mul3A_569 {strides = array<i32>} : memref<5x40x128xf32, #tpu.memory_space<vmem>>, vector<16xf32>,
          %get3A_575 = arith.constant 1 : i32
          %get3A_576 = arith.index_cast %get3A_575 : i32 to index
          %get3A_577 = arith.index_cast %add3A_492 : i32 to index
          %get3A_578 = arith.constant 112 : index
          %get3A_579 = tpu.vector_load %arg11[%get3A_576, %get3A_577, %get3A_578] {strides = array<i32>} : memref<5x40x128xf32, #tpu.memory_space<vmem>>, vector<16xf32>,
          %mul3A_580 = arith.mulf %get3A_579, %gather3A_497 : vector<16xf32>
          %swap3A_581 = arith.constant 1 : i32
          %swap3A_582 = arith.index_cast %swap3A_581 : i32 to index
          %swap3A_583 = arith.index_cast %add3A_492 : i32 to index
          %swap3A_584 = arith.constant 112 : index
          %swap3A_585 = tpu.vector_load %arg11[%swap3A_582, %swap3A_583, %swap3A_584] {strides = array<i32>} : memref<5x40x128xf32, #tpu.memory_space<vmem>>, vector<16xf32>,
          tpu.vector_store %arg11[%swap3A_582, %swap3A_583, %swap3A_584], %mul3A_580 {strides = array<i32>} : memref<5x40x128xf32, #tpu.memory_space<vmem>>, vector<16xf32>,
          %mul3A_586 = arith.constant 4 : i32
          %mul3A_587 = arith.muli %scan3A_395, %mul3A_586 : i32
          %add3A_588 = arith.constant 2 : i32
          %add3A_589 = arith.addi %mul3A_587, %add3A_588 : i32
          %mul3A_590 = arith.constant 40 : i32
          %mul3A_591 = arith.muli %add3A_215, %mul3A_590 : i32
          %add3A_592 = arith.addi %mul3A_591, %add3A_589 : i32
          %broadcast_in_dim3A_593 = vector.broadcast %add3A_592 : i32 to vector<16xi32>
          %gather3A_594 = tpu.vector_load_idx %arg10[%broadcast_in_dim3A_593] : memref<2000xf32, #tpu.memory_space<vmem>>[vector<16xi32>], vector<16xf32>,
          %get3A_595 = arith.constant 1 : i32
          %get3A_596 = arith.index_cast %get3A_595 : i32 to index
          %get3A_597 = arith.index_cast %add3A_589 : i32 to index
          %get3A_598 = arith.constant 0 : index
          %get3A_599 = tpu.vector_load %arg11[%get3A_596, %get3A_597, %get3A_598] {strides = array<i32>} : memref<5x40x128xf32, #tpu.memory_space<vmem>>, vector<16xf32>,
          %mul3A_600 = arith.mulf %get3A_599, %gather3A_594 : vector<16xf32>
          %swap3A_601 = arith.constant 1 : i32
          %swap3A_602 = arith.index_cast %swap3A_601 : i32 to index
          %swap3A_603 = arith.index_cast %add3A_589 : i32 to index
          %swap3A_604 = arith.constant 0 : index
          %swap3A_605 = tpu.vector_load %arg11[%swap3A_602, %swap3A_603, %swap3A_604] {strides = array<i32>} : memref<5x40x128xf32, #tpu.memory_space<vmem>>, vector<16xf32>,
          tpu.vector_store %arg11[%swap3A_602, %swap3A_603, %swap3A_604], %mul3A_600 {strides = array<i32>} : memref<5x40x128xf32, #tpu.memory_space<vmem>>, vector<16xf32>,
          %get3A_606 = arith.constant 1 : i32
          %get3A_607 = arith.index_cast %get3A_606 : i32 to index
          %get3A_608 = arith.index_cast %add3A_589 : i32 to index
          %get3A_609 = arith.constant 16 : index
          %get3A_610 = tpu.vector_load %arg11[%get3A_607, %get3A_608, %get3A_609] {strides = array<i32>} : memref<5x40x128xf32, #tpu.memory_space<vmem>>, vector<16xf32>,
          %mul3A_611 = arith.mulf %get3A_610, %gather3A_594 : vector<16xf32>
          %swap3A_612 = arith.constant 1 : i32
          %swap3A_613 = arith.index_cast %swap3A_612 : i32 to index
          %swap3A_614 = arith.index_cast %add3A_589 : i32 to index
          %swap3A_615 = arith.constant 16 : index
          %swap3A_616 = tpu.vector_load %arg11[%swap3A_613, %swap3A_614, %swap3A_615] {strides = array<i32>} : memref<5x40x128xf32, #tpu.memory_space<vmem>>, vector<16xf32>,
          tpu.vector_store %arg11[%swap3A_613, %swap3A_614, %swap3A_615], %mul3A_611 {strides = array<i32>} : memref<5x40x128xf32, #tpu.memory_space<vmem>>, vector<16xf32>,
          %get3A_617 = arith.constant 1 : i32
          %get3A_618 = arith.index_cast %get3A_617 : i32 to index
          %get3A_619 = arith.index_cast %add3A_589 : i32 to index
          %get3A_620 = arith.constant 32 : index
          %get3A_621 = tpu.vector_load %arg11[%get3A_618, %get3A_619, %get3A_620] {strides = array<i32>} : memref<5x40x128xf32, #tpu.memory_space<vmem>>, vector<16xf32>,
          %mul3A_622 = arith.mulf %get3A_621, %gather3A_594 : vector<16xf32>
          %swap3A_623 = arith.constant 1 : i32
          %swap3A_624 = arith.index_cast %swap3A_623 : i32 to index
          %swap3A_625 = arith.index_cast %add3A_589 : i32 to index
          %swap3A_626 = arith.constant 32 : index
          %swap3A_627 = tpu.vector_load %arg11[%swap3A_624, %swap3A_625, %swap3A_626] {strides = array<i32>} : memref<5x40x128xf32, #tpu.memory_space<vmem>>, vector<16xf32>,
          tpu.vector_store %arg11[%swap3A_624, %swap3A_625, %swap3A_626], %mul3A_622 {strides = array<i32>} : memref<5x40x128xf32, #tpu.memory_space<vmem>>, vector<16xf32>,
          %get3A_628 = arith.constant 1 : i32
          %get3A_629 = arith.index_cast %get3A_628 : i32 to index
          %get3A_630 = arith.index_cast %add3A_589 : i32 to index
          %get3A_631 = arith.constant 48 : index
          %get3A_632 = tpu.vector_load %arg11[%get3A_629, %get3A_630, %get3A_631] {strides = array<i32>} : memref<5x40x128xf32, #tpu.memory_space<vmem>>, vector<16xf32>,
          %mul3A_633 = arith.mulf %get3A_632, %gather3A_594 : vector<16xf32>
          %swap3A_634 = arith.constant 1 : i32
          %swap3A_635 = arith.index_cast %swap3A_634 : i32 to index
          %swap3A_636 = arith.index_cast %add3A_589 : i32 to index
          %swap3A_637 = arith.constant 48 : index
          %swap3A_638 = tpu.vector_load %arg11[%swap3A_635, %swap3A_636, %swap3A_637] {strides = array<i32>} : memref<5x40x128xf32, #tpu.memory_space<vmem>>, vector<16xf32>,
          tpu.vector_store %arg11[%swap3A_635, %swap3A_636, %swap3A_637], %mul3A_633 {strides = array<i32>} : memref<5x40x128xf32, #tpu.memory_space<vmem>>, vector<16xf32>,
          %get3A_639 = arith.constant 1 : i32
          %get3A_640 = arith.index_cast %get3A_639 : i32 to index
          %get3A_641 = arith.index_cast %add3A_589 : i32 to index
          %get3A_642 = arith.constant 64 : index
          %get3A_643 = tpu.vector_load %arg11[%get3A_640, %get3A_641, %get3A_642] {strides = array<i32>} : memref<5x40x128xf32, #tpu.memory_space<vmem>>, vector<16xf32>,
          %mul3A_644 = arith.mulf %get3A_643, %gather3A_594 : vector<16xf32>
          %swap3A_645 = arith.constant 1 : i32
          %swap3A_646 = arith.index_cast %swap3A_645 : i32 to index
          %swap3A_647 = arith.index_cast %add3A_589 : i32 to index
          %swap3A_648 = arith.constant 64 : index
          %swap3A_649 = tpu.vector_load %arg11[%swap3A_646, %swap3A_647, %swap3A_648] {strides = array<i32>} : memref<5x40x128xf32, #tpu.memory_space<vmem>>, vector<16xf32>,
          tpu.vector_store %arg11[%swap3A_646, %swap3A_647, %swap3A_648], %mul3A_644 {strides = array<i32>} : memref<5x40x128xf32, #tpu.memory_space<vmem>>, vector<16xf32>,
          %get3A_650 = arith.constant 1 : i32
          %get3A_651 = arith.index_cast %get3A_650 : i32 to index
          %get3A_652 = arith.index_cast %add3A_589 : i32 to index
          %get3A_653 = arith.constant 80 : index
          %get3A_654 = tpu.vector_load %arg11[%get3A_651, %get3A_652, %get3A_653] {strides = array<i32>} : memref<5x40x128xf32, #tpu.memory_space<vmem>>, vector<16xf32>,
          %mul3A_655 = arith.mulf %get3A_654, %gather3A_594 : vector<16xf32>
          %swap3A_656 = arith.constant 1 : i32
          %swap3A_657 = arith.index_cast %swap3A_656 : i32 to index
          %swap3A_658 = arith.index_cast %add3A_589 : i32 to index
          %swap3A_659 = arith.constant 80 : index
          %swap3A_660 = tpu.vector_load %arg11[%swap3A_657, %swap3A_658, %swap3A_659] {strides = array<i32>} : memref<5x40x128xf32, #tpu.memory_space<vmem>>, vector<16xf32>,
          tpu.vector_store %arg11[%swap3A_657, %swap3A_658, %swap3A_659], %mul3A_655 {strides = array<i32>} : memref<5x40x128xf32, #tpu.memory_space<vmem>>, vector<16xf32>,
          %get3A_661 = arith.constant 1 : i32
          %get3A_662 = arith.index_cast %get3A_661 : i32 to index
          %get3A_663 = arith.index_cast %add3A_589 : i32 to index
          %get3A_664 = arith.constant 96 : index
          %get3A_665 = tpu.vector_load %arg11[%get3A_662, %get3A_663, %get3A_664] {strides = array<i32>} : memref<5x40x128xf32, #tpu.memory_space<vmem>>, vector<16xf32>,
          %mul3A_666 = arith.mulf %get3A_665, %gather3A_594 : vector<16xf32>
          %swap3A_667 = arith.constant 1 : i32
          %swap3A_668 = arith.index_cast %swap3A_667 : i32 to index
          %swap3A_669 = arith.index_cast %add3A_589 : i32 to index
          %swap3A_670 = arith.constant 96 : index
          %swap3A_671 = tpu.vector_load %arg11[%swap3A_668, %swap3A_669, %swap3A_670] {strides = array<i32>} : memref<5x40x128xf32, #tpu.memory_space<vmem>>, vector<16xf32>,
          tpu.vector_store %arg11[%swap3A_668, %swap3A_669, %swap3A_670], %mul3A_666 {strides = array<i32>} : memref<5x40x128xf32, #tpu.memory_space<vmem>>, vector<16xf32>,
          %get3A_672 = arith.constant 1 : i32
          %get3A_673 = arith.index_cast %get3A_672 : i32 to index
          %get3A_674 = arith.index_cast %add3A_589 : i32 to index
          %get3A_675 = arith.constant 112 : index
          %get3A_676 = tpu.vector_load %arg11[%get3A_673, %get3A_674, %get3A_675] {strides = array<i32>} : memref<5x40x128xf32, #tpu.memory_space<vmem>>, vector<16xf32>,
          %mul3A_677 = arith.mulf %get3A_676, %gather3A_594 : vector<16xf32>
          %swap3A_678 = arith.constant 1 : i32
          %swap3A_679 = arith.index_cast %swap3A_678 : i32 to index
          %swap3A_680 = arith.index_cast %add3A_589 : i32 to index
          %swap3A_681 = arith.constant 112 : index
          %swap3A_682 = tpu.vector_load %arg11[%swap3A_679, %swap3A_680, %swap3A_681] {strides = array<i32>} : memref<5x40x128xf32, #tpu.memory_space<vmem>>, vector<16xf32>,
          tpu.vector_store %arg11[%swap3A_679, %swap3A_680, %swap3A_681], %mul3A_677 {strides = array<i32>} : memref<5x40x128xf32, #tpu.memory_space<vmem>>, vector<16xf32>,
          %mul3A_683 = arith.constant 4 : i32
          %mul3A_684 = arith.muli %scan3A_395, %mul3A_683 : i32
          %add3A_685 = arith.constant 3 : i32
          %add3A_686 = arith.addi %mul3A_684, %add3A_685 : i32
          %mul3A_687 = arith.constant 40 : i32
          %mul3A_688 = arith.muli %add3A_215, %mul3A_687 : i32
          %add3A_689 = arith.addi %mul3A_688, %add3A_686 : i32
          %broadcast_in_dim3A_690 = vector.broadcast %add3A_689 : i32 to vector<16xi32>
          %gather3A_691 = tpu.vector_load_idx %arg10[%broadcast_in_dim3A_690] : memref<2000xf32, #tpu.memory_space<vmem>>[vector<16xi32>], vector<16xf32>,
          %get3A_692 = arith.constant 1 : i32
          %get3A_693 = arith.index_cast %get3A_692 : i32 to index
          %get3A_694 = arith.index_cast %add3A_686 : i32 to index
          %get3A_695 = arith.constant 0 : index
          %get3A_696 = tpu.vector_load %arg11[%get3A_693, %get3A_694, %get3A_695] {strides = array<i32>} : memref<5x40x128xf32, #tpu.memory_space<vmem>>, vector<16xf32>,
          %mul3A_697 = arith.mulf %get3A_696, %gather3A_691 : vector<16xf32>
          %swap3A_698 = arith.constant 1 : i32
          %swap3A_699 = arith.index_cast %swap3A_698 : i32 to index
          %swap3A_700 = arith.index_cast %add3A_686 : i32 to index
          %swap3A_701 = arith.constant 0 : index
          %swap3A_702 = tpu.vector_load %arg11[%swap3A_699, %swap3A_700, %swap3A_701] {strides = array<i32>} : memref<5x40x128xf32, #tpu.memory_space<vmem>>, vector<16xf32>,
          tpu.vector_store %arg11[%swap3A_699, %swap3A_700, %swap3A_701], %mul3A_697 {strides = array<i32>} : memref<5x40x128xf32, #tpu.memory_space<vmem>>, vector<16xf32>,
          %get3A_703 = arith.constant 1 : i32
          %get3A_704 = arith.index_cast %get3A_703 : i32 to index
          %get3A_705 = arith.index_cast %add3A_686 : i32 to index
          %get3A_706 = arith.constant 16 : index
          %get3A_707 = tpu.vector_load %arg11[%get3A_704, %get3A_705, %get3A_706] {strides = array<i32>} : memref<5x40x128xf32, #tpu.memory_space<vmem>>, vector<16xf32>,
          %mul3A_708 = arith.mulf %get3A_707, %gather3A_691 : vector<16xf32>
          %swap3A_709 = arith.constant 1 : i32
          %swap3A_710 = arith.index_cast %swap3A_709 : i32 to index
          %swap3A_711 = arith.index_cast %add3A_686 : i32 to index
          %swap3A_712 = arith.constant 16 : index
          %swap3A_713 = tpu.vector_load %arg11[%swap3A_710, %swap3A_711, %swap3A_712] {strides = array<i32>} : memref<5x40x128xf32, #tpu.memory_space<vmem>>, vector<16xf32>,
          tpu.vector_store %arg11[%swap3A_710, %swap3A_711, %swap3A_712], %mul3A_708 {strides = array<i32>} : memref<5x40x128xf32, #tpu.memory_space<vmem>>, vector<16xf32>,
          %get3A_714 = arith.constant 1 : i32
          %get3A_715 = arith.index_cast %get3A_714 : i32 to index
          %get3A_716 = arith.index_cast %add3A_686 : i32 to index
          %get3A_717 = arith.constant 32 : index
          %get3A_718 = tpu.vector_load %arg11[%get3A_715, %get3A_716, %get3A_717] {strides = array<i32>} : memref<5x40x128xf32, #tpu.memory_space<vmem>>, vector<16xf32>,
          %mul3A_719 = arith.mulf %get3A_718, %gather3A_691 : vector<16xf32>
          %swap3A_720 = arith.constant 1 : i32
          %swap3A_721 = arith.index_cast %swap3A_720 : i32 to index
          %swap3A_722 = arith.index_cast %add3A_686 : i32 to index
          %swap3A_723 = arith.constant 32 : index
          %swap3A_724 = tpu.vector_load %arg11[%swap3A_721, %swap3A_722, %swap3A_723] {strides = array<i32>} : memref<5x40x128xf32, #tpu.memory_space<vmem>>, vector<16xf32>,
          tpu.vector_store %arg11[%swap3A_721, %swap3A_722, %swap3A_723], %mul3A_719 {strides = array<i32>} : memref<5x40x128xf32, #tpu.memory_space<vmem>>, vector<16xf32>,
          %get3A_725 = arith.constant 1 : i32
          %get3A_726 = arith.index_cast %get3A_725 : i32 to index
          %get3A_727 = arith.index_cast %add3A_686 : i32 to index
          %get3A_728 = arith.constant 48 : index
          %get3A_729 = tpu.vector_load %arg11[%get3A_726, %get3A_727, %get3A_728] {strides = array<i32>} : memref<5x40x128xf32, #tpu.memory_space<vmem>>, vector<16xf32>,
          %mul3A_730 = arith.mulf %get3A_729, %gather3A_691 : vector<16xf32>
          %swap3A_731 = arith.constant 1 : i32
          %swap3A_732 = arith.index_cast %swap3A_731 : i32 to index
          %swap3A_733 = arith.index_cast %add3A_686 : i32 to index
          %swap3A_734 = arith.constant 48 : index
          %swap3A_735 = tpu.vector_load %arg11[%swap3A_732, %swap3A_733, %swap3A_734] {strides = array<i32>} : memref<5x40x128xf32, #tpu.memory_space<vmem>>, vector<16xf32>,
          tpu.vector_store %arg11[%swap3A_732, %swap3A_733, %swap3A_734], %mul3A_730 {strides = array<i32>} : memref<5x40x128xf32, #tpu.memory_space<vmem>>, vector<16xf32>,
          %get3A_736 = arith.constant 1 : i32
          %get3A_737 = arith.index_cast %get3A_736 : i32 to index
          %get3A_738 = arith.index_cast %add3A_686 : i32 to index
          %get3A_739 = arith.constant 64 : index
          %get3A_740 = tpu.vector_load %arg11[%get3A_737, %get3A_738, %get3A_739] {strides = array<i32>} : memref<5x40x128xf32, #tpu.memory_space<vmem>>, vector<16xf32>,
          %mul3A_741 = arith.mulf %get3A_740, %gather3A_691 : vector<16xf32>
          %swap3A_742 = arith.constant 1 : i32
          %swap3A_743 = arith.index_cast %swap3A_742 : i32 to index
          %swap3A_744 = arith.index_cast %add3A_686 : i32 to index
          %swap3A_745 = arith.constant 64 : index
          %swap3A_746 = tpu.vector_load %arg11[%swap3A_743, %swap3A_744, %swap3A_745] {strides = array<i32>} : memref<5x40x128xf32, #tpu.memory_space<vmem>>, vector<16xf32>,
          tpu.vector_store %arg11[%swap3A_743, %swap3A_744, %swap3A_745], %mul3A_741 {strides = array<i32>} : memref<5x40x128xf32, #tpu.memory_space<vmem>>, vector<16xf32>,
          %get3A_747 = arith.constant 1 : i32
          %get3A_748 = arith.index_cast %get3A_747 : i32 to index
          %get3A_749 = arith.index_cast %add3A_686 : i32 to index
          %get3A_750 = arith.constant 80 : index
          %get3A_751 = tpu.vector_load %arg11[%get3A_748, %get3A_749, %get3A_750] {strides = array<i32>} : memref<5x40x128xf32, #tpu.memory_space<vmem>>, vector<16xf32>,
          %mul3A_752 = arith.mulf %get3A_751, %gather3A_691 : vector<16xf32>
          %swap3A_753 = arith.constant 1 : i32
          %swap3A_754 = arith.index_cast %swap3A_753 : i32 to index
          %swap3A_755 = arith.index_cast %add3A_686 : i32 to index
          %swap3A_756 = arith.constant 80 : index
          %swap3A_757 = tpu.vector_load %arg11[%swap3A_754, %swap3A_755, %swap3A_756] {strides = array<i32>} : memref<5x40x128xf32, #tpu.memory_space<vmem>>, vector<16xf32>,
          tpu.vector_store %arg11[%swap3A_754, %swap3A_755, %swap3A_756], %mul3A_752 {strides = array<i32>} : memref<5x40x128xf32, #tpu.memory_space<vmem>>, vector<16xf32>,
          %get3A_758 = arith.constant 1 : i32
          %get3A_759 = arith.index_cast %get3A_758 : i32 to index
          %get3A_760 = arith.index_cast %add3A_686 : i32 to index
          %get3A_761 = arith.constant 96 : index
          %get3A_762 = tpu.vector_load %arg11[%get3A_759, %get3A_760, %get3A_761] {strides = array<i32>} : memref<5x40x128xf32, #tpu.memory_space<vmem>>, vector<16xf32>,
          %mul3A_763 = arith.mulf %get3A_762, %gather3A_691 : vector<16xf32>
          %swap3A_764 = arith.constant 1 : i32
          %swap3A_765 = arith.index_cast %swap3A_764 : i32 to index
          %swap3A_766 = arith.index_cast %add3A_686 : i32 to index
          %swap3A_767 = arith.constant 96 : index
          %swap3A_768 = tpu.vector_load %arg11[%swap3A_765, %swap3A_766, %swap3A_767] {strides = array<i32>} : memref<5x40x128xf32, #tpu.memory_space<vmem>>, vector<16xf32>,
          tpu.vector_store %arg11[%swap3A_765, %swap3A_766, %swap3A_767], %mul3A_763 {strides = array<i32>} : memref<5x40x128xf32, #tpu.memory_space<vmem>>, vector<16xf32>,
          %get3A_769 = arith.constant 1 : i32
          %get3A_770 = arith.index_cast %get3A_769 : i32 to index
          %get3A_771 = arith.index_cast %add3A_686 : i32 to index
          %get3A_772 = arith.constant 112 : index
          %get3A_773 = tpu.vector_load %arg11[%get3A_770, %get3A_771, %get3A_772] {strides = array<i32>} : memref<5x40x128xf32, #tpu.memory_space<vmem>>, vector<16xf32>,
          %mul3A_774 = arith.mulf %get3A_773, %gather3A_691 : vector<16xf32>
          %swap3A_775 = arith.constant 1 : i32
          %swap3A_776 = arith.index_cast %swap3A_775 : i32 to index
          %swap3A_777 = arith.index_cast %add3A_686 : i32 to index
          %swap3A_778 = arith.constant 112 : index
          %swap3A_779 = tpu.vector_load %arg11[%swap3A_776, %swap3A_777, %swap3A_778] {strides = array<i32>} : memref<5x40x128xf32, #tpu.memory_space<vmem>>, vector<16xf32>,
          tpu.vector_store %arg11[%swap3A_776, %swap3A_777, %swap3A_778], %mul3A_774 {strides = array<i32>} : memref<5x40x128xf32, #tpu.memory_space<vmem>>, vector<16xf32>,
        }
        %scan3A_254 = arith.constant 10 : i32
        %dma_start3A_255 = arith.constant 1 : i32
        %dma_start3A_256 = arith.constant 0 : i32
        %dma_start3A_257 = arith.constant 0 : i32
        %dma_start3A_258 = tpu.memref_slice %arg11[%dma_start3A_255, %dma_start3A_256, %dma_start3A_257] : memref<5x40x128xf32, #tpu.memory_space<vmem>> -> memref<1x40x128xf32, #tpu.memory_space<vmem>>
        %dma_start3A_259 = tpu.memref_squeeze %dma_start3A_258 : memref<1x40x128xf32, #tpu.memory_space<vmem>> -> memref<40x128xf32, #tpu.memory_space<vmem>>
        %dma_start3A_260 = arith.constant 0 : i32
        %dma_start3A_261 = tpu.memref_slice %arg9[%add3A_215, %dma_start3A_260] : memref<50x40xi32, #tpu.memory_space<vmem>> -> memref<1x40xi32, #tpu.memory_space<vmem>>
        %dma_start3A_262 = tpu.memref_squeeze %dma_start3A_261 : memref<1x40xi32, #tpu.memory_space<vmem>> -> memref<40xi32, #tpu.memory_space<vmem>>
        %dma_start3A_263 = arith.constant 0 : i32
        %dma_start3A_264 = arith.constant 0 : i32
        %dma_start3A_265 = tpu.memref_slice %arg13[%dma_start3A_263, %dma_start3A_264] : memref<10240x128xf32, #tpu.memory_space<vmem_shared>> -> memref<10240x128xf32, #tpu.memory_space<vmem_shared>>
        tpu.enqueue_indirect_dma source(%dma_start3A_259 : memref<40x128xf32, #tpu.memory_space<vmem>>) target(%dma_start3A_265 : memref<10240x128xf32, #tpu.memory_space<vmem_shared>>) offsets(%dma_start3A_262 : memref<40xi32, #tpu.memory_space<vmem>>) semaphore(%arg20 : memref<!tpu.dma_semaphore, #tpu.memory_space<semaphore_mem>>) {add = true}
        %mul3A_266 = arith.constant 5 : i32
        %mul3A_267 = arith.muli %scan3A_157, %mul3A_266 : i32
        %add3A_268 = arith.constant 2 : i32
        %add3A_269 = arith.addi %mul3A_267, %add3A_268 : i32
        %dma_wait3A_270 = arith.constant 2 : i32
        %dma_wait3A_271 = arith.constant 0 : i32
        %dma_wait3A_272 = arith.constant 0 : i32
        %dma_wait3A_273 = tpu.memref_slice %arg11[%dma_wait3A_270, %dma_wait3A_271, %dma_wait3A_272] : memref<5x40x128xf32, #tpu.memory_space<vmem>> -> memref<1x40x128xf32, #tpu.memory_space<vmem>>
        %dma_wait3A_274 = tpu.memref_squeeze %dma_wait3A_273 : memref<1x40x128xf32, #tpu.memory_space<vmem>> -> memref<40x128xf32, #tpu.memory_space<vmem>>
        %dma_wait3A_275 = arith.constant 0 : i32
        %dma_wait3A_276 = tpu.memref_slice %arg8[%add3A_269, %dma_wait3A_275] : memref<50x40xi32, #tpu.memory_space<vmem>> -> memref<1x40xi32, #tpu.memory_space<vmem>>
        %dma_wait3A_277 = tpu.memref_squeeze %dma_wait3A_276 : memref<1x40xi32, #tpu.memory_space<vmem>> -> memref<40xi32, #tpu.memory_space<vmem>>
        %dma_wait3A_278 = arith.constant 0 : i32
        %dma_wait3A_279 = arith.constant 0 : i32
        %dma_wait3A_280 = tpu.memref_slice %arg2[%dma_wait3A_278, %dma_wait3A_279] : memref<10000x128xf32, #tpu.memory_space<hbm>> -> memref<10000x128xf32, #tpu.memory_space<hbm>>
        tpu.wait_indirect_dma semaphore(%arg16 : memref<!tpu.dma_semaphore, #tpu.memory_space<semaphore_mem>>) src(%dma_wait3A_280 : memref<10000x128xf32, #tpu.memory_space<hbm>>) dst(%dma_wait3A_274 : memref<40x128xf32, #tpu.memory_space<vmem>>)
        %scan3A_281 = arith.constant 0 : i32
        %scan3A_282 = arith.constant 10 : i32
        %scan3A_283 = arith.addi %scan3A_281, %scan3A_282 : i32
        %scan3A_284 = arith.constant 1 : i32
        scf.for %scan3A_395 = %scan3A_281 to %scan3A_283 step %scan3A_284  : i32 {
          %mul3A_396 = arith.constant 4 : i32
          %mul3A_397 = arith.muli %scan3A_395, %mul3A_396 : i32
          %add3A_398 = arith.constant 0 : i32
          %add3A_399 = arith.addi %mul3A_397, %add3A_398 : i32
          %mul3A_400 = arith.constant 40 : i32
          %mul3A_401 = arith.muli %add3A_269, %mul3A_400 : i32
          %add3A_402 = arith.addi %mul3A_401, %add3A_399 : i32
          %broadcast_in_dim3A = vector.broadcast %add3A_402 : i32 to vector<16xi32>
          %gather3A = tpu.vector_load_idx %arg10[%broadcast_in_dim3A] : memref<2000xf32, #tpu.memory_space<vmem>>[vector<16xi32>], vector<16xf32>,
          %get3A = arith.constant 2 : i32
          %get3A_403 = arith.index_cast %get3A : i32 to index
          %get3A_404 = arith.index_cast %add3A_399 : i32 to index
          %get3A_405 = arith.constant 0 : index
          %get3A_406 = tpu.vector_load %arg11[%get3A_403, %get3A_404, %get3A_405] {strides = array<i32>} : memref<5x40x128xf32, #tpu.memory_space<vmem>>, vector<16xf32>,
          %mul3A_407 = arith.mulf %get3A_406, %gather3A : vector<16xf32>
          %swap3A = arith.constant 2 : i32
          %swap3A_408 = arith.index_cast %swap3A : i32 to index
          %swap3A_409 = arith.index_cast %add3A_399 : i32 to index
          %swap3A_410 = arith.constant 0 : index
          %swap3A_411 = tpu.vector_load %arg11[%swap3A_408, %swap3A_409, %swap3A_410] {strides = array<i32>} : memref<5x40x128xf32, #tpu.memory_space<vmem>>, vector<16xf32>,
          tpu.vector_store %arg11[%swap3A_408, %swap3A_409, %swap3A_410], %mul3A_407 {strides = array<i32>} : memref<5x40x128xf32, #tpu.memory_space<vmem>>, vector<16xf32>,
          %get3A_412 = arith.constant 2 : i32
          %get3A_413 = arith.index_cast %get3A_412 : i32 to index
          %get3A_414 = arith.index_cast %add3A_399 : i32 to index
          %get3A_415 = arith.constant 16 : index
          %get3A_416 = tpu.vector_load %arg11[%get3A_413, %get3A_414, %get3A_415] {strides = array<i32>} : memref<5x40x128xf32, #tpu.memory_space<vmem>>, vector<16xf32>,
          %mul3A_417 = arith.mulf %get3A_416, %gather3A : vector<16xf32>
          %swap3A_418 = arith.constant 2 : i32
          %swap3A_419 = arith.index_cast %swap3A_418 : i32 to index
          %swap3A_420 = arith.index_cast %add3A_399 : i32 to index
          %swap3A_421 = arith.constant 16 : index
          %swap3A_422 = tpu.vector_load %arg11[%swap3A_419, %swap3A_420, %swap3A_421] {strides = array<i32>} : memref<5x40x128xf32, #tpu.memory_space<vmem>>, vector<16xf32>,
          tpu.vector_store %arg11[%swap3A_419, %swap3A_420, %swap3A_421], %mul3A_417 {strides = array<i32>} : memref<5x40x128xf32, #tpu.memory_space<vmem>>, vector<16xf32>,
          %get3A_423 = arith.constant 2 : i32
          %get3A_424 = arith.index_cast %get3A_423 : i32 to index
          %get3A_425 = arith.index_cast %add3A_399 : i32 to index
          %get3A_426 = arith.constant 32 : index
          %get3A_427 = tpu.vector_load %arg11[%get3A_424, %get3A_425, %get3A_426] {strides = array<i32>} : memref<5x40x128xf32, #tpu.memory_space<vmem>>, vector<16xf32>,
          %mul3A_428 = arith.mulf %get3A_427, %gather3A : vector<16xf32>
          %swap3A_429 = arith.constant 2 : i32
          %swap3A_430 = arith.index_cast %swap3A_429 : i32 to index
          %swap3A_431 = arith.index_cast %add3A_399 : i32 to index
          %swap3A_432 = arith.constant 32 : index
          %swap3A_433 = tpu.vector_load %arg11[%swap3A_430, %swap3A_431, %swap3A_432] {strides = array<i32>} : memref<5x40x128xf32, #tpu.memory_space<vmem>>, vector<16xf32>,
          tpu.vector_store %arg11[%swap3A_430, %swap3A_431, %swap3A_432], %mul3A_428 {strides = array<i32>} : memref<5x40x128xf32, #tpu.memory_space<vmem>>, vector<16xf32>,
          %get3A_434 = arith.constant 2 : i32
          %get3A_435 = arith.index_cast %get3A_434 : i32 to index
          %get3A_436 = arith.index_cast %add3A_399 : i32 to index
          %get3A_437 = arith.constant 48 : index
          %get3A_438 = tpu.vector_load %arg11[%get3A_435, %get3A_436, %get3A_437] {strides = array<i32>} : memref<5x40x128xf32, #tpu.memory_space<vmem>>, vector<16xf32>,
          %mul3A_439 = arith.mulf %get3A_438, %gather3A : vector<16xf32>
          %swap3A_440 = arith.constant 2 : i32
          %swap3A_441 = arith.index_cast %swap3A_440 : i32 to index
          %swap3A_442 = arith.index_cast %add3A_399 : i32 to index
          %swap3A_443 = arith.constant 48 : index
          %swap3A_444 = tpu.vector_load %arg11[%swap3A_441, %swap3A_442, %swap3A_443] {strides = array<i32>} : memref<5x40x128xf32, #tpu.memory_space<vmem>>, vector<16xf32>,
          tpu.vector_store %arg11[%swap3A_441, %swap3A_442, %swap3A_443], %mul3A_439 {strides = array<i32>} : memref<5x40x128xf32, #tpu.memory_space<vmem>>, vector<16xf32>,
          %get3A_445 = arith.constant 2 : i32
          %get3A_446 = arith.index_cast %get3A_445 : i32 to index
          %get3A_447 = arith.index_cast %add3A_399 : i32 to index
          %get3A_448 = arith.constant 64 : index
          %get3A_449 = tpu.vector_load %arg11[%get3A_446, %get3A_447, %get3A_448] {strides = array<i32>} : memref<5x40x128xf32, #tpu.memory_space<vmem>>, vector<16xf32>,
          %mul3A_450 = arith.mulf %get3A_449, %gather3A : vector<16xf32>
          %swap3A_451 = arith.constant 2 : i32
          %swap3A_452 = arith.index_cast %swap3A_451 : i32 to index
          %swap3A_453 = arith.index_cast %add3A_399 : i32 to index
          %swap3A_454 = arith.constant 64 : index
          %swap3A_455 = tpu.vector_load %arg11[%swap3A_452, %swap3A_453, %swap3A_454] {strides = array<i32>} : memref<5x40x128xf32, #tpu.memory_space<vmem>>, vector<16xf32>,
          tpu.vector_store %arg11[%swap3A_452, %swap3A_453, %swap3A_454], %mul3A_450 {strides = array<i32>} : memref<5x40x128xf32, #tpu.memory_space<vmem>>, vector<16xf32>,
          %get3A_456 = arith.constant 2 : i32
          %get3A_457 = arith.index_cast %get3A_456 : i32 to index
          %get3A_458 = arith.index_cast %add3A_399 : i32 to index
          %get3A_459 = arith.constant 80 : index
          %get3A_460 = tpu.vector_load %arg11[%get3A_457, %get3A_458, %get3A_459] {strides = array<i32>} : memref<5x40x128xf32, #tpu.memory_space<vmem>>, vector<16xf32>,
          %mul3A_461 = arith.mulf %get3A_460, %gather3A : vector<16xf32>
          %swap3A_462 = arith.constant 2 : i32
          %swap3A_463 = arith.index_cast %swap3A_462 : i32 to index
          %swap3A_464 = arith.index_cast %add3A_399 : i32 to index
          %swap3A_465 = arith.constant 80 : index
          %swap3A_466 = tpu.vector_load %arg11[%swap3A_463, %swap3A_464, %swap3A_465] {strides = array<i32>} : memref<5x40x128xf32, #tpu.memory_space<vmem>>, vector<16xf32>,
          tpu.vector_store %arg11[%swap3A_463, %swap3A_464, %swap3A_465], %mul3A_461 {strides = array<i32>} : memref<5x40x128xf32, #tpu.memory_space<vmem>>, vector<16xf32>,
          %get3A_467 = arith.constant 2 : i32
          %get3A_468 = arith.index_cast %get3A_467 : i32 to index
          %get3A_469 = arith.index_cast %add3A_399 : i32 to index
          %get3A_470 = arith.constant 96 : index
          %get3A_471 = tpu.vector_load %arg11[%get3A_468, %get3A_469, %get3A_470] {strides = array<i32>} : memref<5x40x128xf32, #tpu.memory_space<vmem>>, vector<16xf32>,
          %mul3A_472 = arith.mulf %get3A_471, %gather3A : vector<16xf32>
          %swap3A_473 = arith.constant 2 : i32
          %swap3A_474 = arith.index_cast %swap3A_473 : i32 to index
          %swap3A_475 = arith.index_cast %add3A_399 : i32 to index
          %swap3A_476 = arith.constant 96 : index
          %swap3A_477 = tpu.vector_load %arg11[%swap3A_474, %swap3A_475, %swap3A_476] {strides = array<i32>} : memref<5x40x128xf32, #tpu.memory_space<vmem>>, vector<16xf32>,
          tpu.vector_store %arg11[%swap3A_474, %swap3A_475, %swap3A_476], %mul3A_472 {strides = array<i32>} : memref<5x40x128xf32, #tpu.memory_space<vmem>>, vector<16xf32>,
          %get3A_478 = arith.constant 2 : i32
          %get3A_479 = arith.index_cast %get3A_478 : i32 to index
          %get3A_480 = arith.index_cast %add3A_399 : i32 to index
          %get3A_481 = arith.constant 112 : index
          %get3A_482 = tpu.vector_load %arg11[%get3A_479, %get3A_480, %get3A_481] {strides = array<i32>} : memref<5x40x128xf32, #tpu.memory_space<vmem>>, vector<16xf32>,
          %mul3A_483 = arith.mulf %get3A_482, %gather3A : vector<16xf32>
          %swap3A_484 = arith.constant 2 : i32
          %swap3A_485 = arith.index_cast %swap3A_484 : i32 to index
          %swap3A_486 = arith.index_cast %add3A_399 : i32 to index
          %swap3A_487 = arith.constant 112 : index
          %swap3A_488 = tpu.vector_load %arg11[%swap3A_485, %swap3A_486, %swap3A_487] {strides = array<i32>} : memref<5x40x128xf32, #tpu.memory_space<vmem>>, vector<16xf32>,
          tpu.vector_store %arg11[%swap3A_485, %swap3A_486, %swap3A_487], %mul3A_483 {strides = array<i32>} : memref<5x40x128xf32, #tpu.memory_space<vmem>>, vector<16xf32>,
          %mul3A_489 = arith.constant 4 : i32
          %mul3A_490 = arith.muli %scan3A_395, %mul3A_489 : i32
          %add3A_491 = arith.constant 1 : i32
          %add3A_492 = arith.addi %mul3A_490, %add3A_491 : i32
          %mul3A_493 = arith.constant 40 : i32
          %mul3A_494 = arith.muli %add3A_269, %mul3A_493 : i32
          %add3A_495 = arith.addi %mul3A_494, %add3A_492 : i32
          %broadcast_in_dim3A_496 = vector.broadcast %add3A_495 : i32 to vector<16xi32>
          %gather3A_497 = tpu.vector_load_idx %arg10[%broadcast_in_dim3A_496] : memref<2000xf32, #tpu.memory_space<vmem>>[vector<16xi32>], vector<16xf32>,
          %get3A_498 = arith.constant 2 : i32
          %get3A_499 = arith.index_cast %get3A_498 : i32 to index
          %get3A_500 = arith.index_cast %add3A_492 : i32 to index
          %get3A_501 = arith.constant 0 : index
          %get3A_502 = tpu.vector_load %arg11[%get3A_499, %get3A_500, %get3A_501] {strides = array<i32>} : memref<5x40x128xf32, #tpu.memory_space<vmem>>, vector<16xf32>,
          %mul3A_503 = arith.mulf %get3A_502, %gather3A_497 : vector<16xf32>
          %swap3A_504 = arith.constant 2 : i32
          %swap3A_505 = arith.index_cast %swap3A_504 : i32 to index
          %swap3A_506 = arith.index_cast %add3A_492 : i32 to index
          %swap3A_507 = arith.constant 0 : index
          %swap3A_508 = tpu.vector_load %arg11[%swap3A_505, %swap3A_506, %swap3A_507] {strides = array<i32>} : memref<5x40x128xf32, #tpu.memory_space<vmem>>, vector<16xf32>,
          tpu.vector_store %arg11[%swap3A_505, %swap3A_506, %swap3A_507], %mul3A_503 {strides = array<i32>} : memref<5x40x128xf32, #tpu.memory_space<vmem>>, vector<16xf32>,
          %get3A_509 = arith.constant 2 : i32
          %get3A_510 = arith.index_cast %get3A_509 : i32 to index
          %get3A_511 = arith.index_cast %add3A_492 : i32 to index
          %get3A_512 = arith.constant 16 : index
          %get3A_513 = tpu.vector_load %arg11[%get3A_510, %get3A_511, %get3A_512] {strides = array<i32>} : memref<5x40x128xf32, #tpu.memory_space<vmem>>, vector<16xf32>,
          %mul3A_514 = arith.mulf %get3A_513, %gather3A_497 : vector<16xf32>
          %swap3A_515 = arith.constant 2 : i32
          %swap3A_516 = arith.index_cast %swap3A_515 : i32 to index
          %swap3A_517 = arith.index_cast %add3A_492 : i32 to index
          %swap3A_518 = arith.constant 16 : index
          %swap3A_519 = tpu.vector_load %arg11[%swap3A_516, %swap3A_517, %swap3A_518] {strides = array<i32>} : memref<5x40x128xf32, #tpu.memory_space<vmem>>, vector<16xf32>,
          tpu.vector_store %arg11[%swap3A_516, %swap3A_517, %swap3A_518], %mul3A_514 {strides = array<i32>} : memref<5x40x128xf32, #tpu.memory_space<vmem>>, vector<16xf32>,
          %get3A_520 = arith.constant 2 : i32
          %get3A_521 = arith.index_cast %get3A_520 : i32 to index
          %get3A_522 = arith.index_cast %add3A_492 : i32 to index
          %get3A_523 = arith.constant 32 : index
          %get3A_524 = tpu.vector_load %arg11[%get3A_521, %get3A_522, %get3A_523] {strides = array<i32>} : memref<5x40x128xf32, #tpu.memory_space<vmem>>, vector<16xf32>,
          %mul3A_525 = arith.mulf %get3A_524, %gather3A_497 : vector<16xf32>
          %swap3A_526 = arith.constant 2 : i32
          %swap3A_527 = arith.index_cast %swap3A_526 : i32 to index
          %swap3A_528 = arith.index_cast %add3A_492 : i32 to index
          %swap3A_529 = arith.constant 32 : index
          %swap3A_530 = tpu.vector_load %arg11[%swap3A_527, %swap3A_528, %swap3A_529] {strides = array<i32>} : memref<5x40x128xf32, #tpu.memory_space<vmem>>, vector<16xf32>,
          tpu.vector_store %arg11[%swap3A_527, %swap3A_528, %swap3A_529], %mul3A_525 {strides = array<i32>} : memref<5x40x128xf32, #tpu.memory_space<vmem>>, vector<16xf32>,
          %get3A_531 = arith.constant 2 : i32
          %get3A_532 = arith.index_cast %get3A_531 : i32 to index
          %get3A_533 = arith.index_cast %add3A_492 : i32 to index
          %get3A_534 = arith.constant 48 : index
          %get3A_535 = tpu.vector_load %arg11[%get3A_532, %get3A_533, %get3A_534] {strides = array<i32>} : memref<5x40x128xf32, #tpu.memory_space<vmem>>, vector<16xf32>,
          %mul3A_536 = arith.mulf %get3A_535, %gather3A_497 : vector<16xf32>
          %swap3A_537 = arith.constant 2 : i32
          %swap3A_538 = arith.index_cast %swap3A_537 : i32 to index
          %swap3A_539 = arith.index_cast %add3A_492 : i32 to index
          %swap3A_540 = arith.constant 48 : index
          %swap3A_541 = tpu.vector_load %arg11[%swap3A_538, %swap3A_539, %swap3A_540] {strides = array<i32>} : memref<5x40x128xf32, #tpu.memory_space<vmem>>, vector<16xf32>,
          tpu.vector_store %arg11[%swap3A_538, %swap3A_539, %swap3A_540], %mul3A_536 {strides = array<i32>} : memref<5x40x128xf32, #tpu.memory_space<vmem>>, vector<16xf32>,
          %get3A_542 = arith.constant 2 : i32
          %get3A_543 = arith.index_cast %get3A_542 : i32 to index
          %get3A_544 = arith.index_cast %add3A_492 : i32 to index
          %get3A_545 = arith.constant 64 : index
          %get3A_546 = tpu.vector_load %arg11[%get3A_543, %get3A_544, %get3A_545] {strides = array<i32>} : memref<5x40x128xf32, #tpu.memory_space<vmem>>, vector<16xf32>,
          %mul3A_547 = arith.mulf %get3A_546, %gather3A_497 : vector<16xf32>
          %swap3A_548 = arith.constant 2 : i32
          %swap3A_549 = arith.index_cast %swap3A_548 : i32 to index
          %swap3A_550 = arith.index_cast %add3A_492 : i32 to index
          %swap3A_551 = arith.constant 64 : index
          %swap3A_552 = tpu.vector_load %arg11[%swap3A_549, %swap3A_550, %swap3A_551] {strides = array<i32>} : memref<5x40x128xf32, #tpu.memory_space<vmem>>, vector<16xf32>,
          tpu.vector_store %arg11[%swap3A_549, %swap3A_550, %swap3A_551], %mul3A_547 {strides = array<i32>} : memref<5x40x128xf32, #tpu.memory_space<vmem>>, vector<16xf32>,
          %get3A_553 = arith.constant 2 : i32
          %get3A_554 = arith.index_cast %get3A_553 : i32 to index
          %get3A_555 = arith.index_cast %add3A_492 : i32 to index
          %get3A_556 = arith.constant 80 : index
          %get3A_557 = tpu.vector_load %arg11[%get3A_554, %get3A_555, %get3A_556] {strides = array<i32>} : memref<5x40x128xf32, #tpu.memory_space<vmem>>, vector<16xf32>,
          %mul3A_558 = arith.mulf %get3A_557, %gather3A_497 : vector<16xf32>
          %swap3A_559 = arith.constant 2 : i32
          %swap3A_560 = arith.index_cast %swap3A_559 : i32 to index
          %swap3A_561 = arith.index_cast %add3A_492 : i32 to index
          %swap3A_562 = arith.constant 80 : index
          %swap3A_563 = tpu.vector_load %arg11[%swap3A_560, %swap3A_561, %swap3A_562] {strides = array<i32>} : memref<5x40x128xf32, #tpu.memory_space<vmem>>, vector<16xf32>,
          tpu.vector_store %arg11[%swap3A_560, %swap3A_561, %swap3A_562], %mul3A_558 {strides = array<i32>} : memref<5x40x128xf32, #tpu.memory_space<vmem>>, vector<16xf32>,
          %get3A_564 = arith.constant 2 : i32
          %get3A_565 = arith.index_cast %get3A_564 : i32 to index
          %get3A_566 = arith.index_cast %add3A_492 : i32 to index
          %get3A_567 = arith.constant 96 : index
          %get3A_568 = tpu.vector_load %arg11[%get3A_565, %get3A_566, %get3A_567] {strides = array<i32>} : memref<5x40x128xf32, #tpu.memory_space<vmem>>, vector<16xf32>,
          %mul3A_569 = arith.mulf %get3A_568, %gather3A_497 : vector<16xf32>
          %swap3A_570 = arith.constant 2 : i32
          %swap3A_571 = arith.index_cast %swap3A_570 : i32 to index
          %swap3A_572 = arith.index_cast %add3A_492 : i32 to index
          %swap3A_573 = arith.constant 96 : index
          %swap3A_574 = tpu.vector_load %arg11[%swap3A_571, %swap3A_572, %swap3A_573] {strides = array<i32>} : memref<5x40x128xf32, #tpu.memory_space<vmem>>, vector<16xf32>,
          tpu.vector_store %arg11[%swap3A_571, %swap3A_572, %swap3A_573], %mul3A_569 {strides = array<i32>} : memref<5x40x128xf32, #tpu.memory_space<vmem>>, vector<16xf32>,
          %get3A_575 = arith.constant 2 : i32
          %get3A_576 = arith.index_cast %get3A_575 : i32 to index
          %get3A_577 = arith.index_cast %add3A_492 : i32 to index
          %get3A_578 = arith.constant 112 : index
          %get3A_579 = tpu.vector_load %arg11[%get3A_576, %get3A_577, %get3A_578] {strides = array<i32>} : memref<5x40x128xf32, #tpu.memory_space<vmem>>, vector<16xf32>,
          %mul3A_580 = arith.mulf %get3A_579, %gather3A_497 : vector<16xf32>
          %swap3A_581 = arith.constant 2 : i32
          %swap3A_582 = arith.index_cast %swap3A_581 : i32 to index
          %swap3A_583 = arith.index_cast %add3A_492 : i32 to index
          %swap3A_584 = arith.constant 112 : index
          %swap3A_585 = tpu.vector_load %arg11[%swap3A_582, %swap3A_583, %swap3A_584] {strides = array<i32>} : memref<5x40x128xf32, #tpu.memory_space<vmem>>, vector<16xf32>,
          tpu.vector_store %arg11[%swap3A_582, %swap3A_583, %swap3A_584], %mul3A_580 {strides = array<i32>} : memref<5x40x128xf32, #tpu.memory_space<vmem>>, vector<16xf32>,
          %mul3A_586 = arith.constant 4 : i32
          %mul3A_587 = arith.muli %scan3A_395, %mul3A_586 : i32
          %add3A_588 = arith.constant 2 : i32
          %add3A_589 = arith.addi %mul3A_587, %add3A_588 : i32
          %mul3A_590 = arith.constant 40 : i32
          %mul3A_591 = arith.muli %add3A_269, %mul3A_590 : i32
          %add3A_592 = arith.addi %mul3A_591, %add3A_589 : i32
          %broadcast_in_dim3A_593 = vector.broadcast %add3A_592 : i32 to vector<16xi32>
          %gather3A_594 = tpu.vector_load_idx %arg10[%broadcast_in_dim3A_593] : memref<2000xf32, #tpu.memory_space<vmem>>[vector<16xi32>], vector<16xf32>,
          %get3A_595 = arith.constant 2 : i32
          %get3A_596 = arith.index_cast %get3A_595 : i32 to index
          %get3A_597 = arith.index_cast %add3A_589 : i32 to index
          %get3A_598 = arith.constant 0 : index
          %get3A_599 = tpu.vector_load %arg11[%get3A_596, %get3A_597, %get3A_598] {strides = array<i32>} : memref<5x40x128xf32, #tpu.memory_space<vmem>>, vector<16xf32>,
          %mul3A_600 = arith.mulf %get3A_599, %gather3A_594 : vector<16xf32>
          %swap3A_601 = arith.constant 2 : i32
          %swap3A_602 = arith.index_cast %swap3A_601 : i32 to index
          %swap3A_603 = arith.index_cast %add3A_589 : i32 to index
          %swap3A_604 = arith.constant 0 : index
          %swap3A_605 = tpu.vector_load %arg11[%swap3A_602, %swap3A_603, %swap3A_604] {strides = array<i32>} : memref<5x40x128xf32, #tpu.memory_space<vmem>>, vector<16xf32>,
          tpu.vector_store %arg11[%swap3A_602, %swap3A_603, %swap3A_604], %mul3A_600 {strides = array<i32>} : memref<5x40x128xf32, #tpu.memory_space<vmem>>, vector<16xf32>,
          %get3A_606 = arith.constant 2 : i32
          %get3A_607 = arith.index_cast %get3A_606 : i32 to index
          %get3A_608 = arith.index_cast %add3A_589 : i32 to index
          %get3A_609 = arith.constant 16 : index
          %get3A_610 = tpu.vector_load %arg11[%get3A_607, %get3A_608, %get3A_609] {strides = array<i32>} : memref<5x40x128xf32, #tpu.memory_space<vmem>>, vector<16xf32>,
          %mul3A_611 = arith.mulf %get3A_610, %gather3A_594 : vector<16xf32>
          %swap3A_612 = arith.constant 2 : i32
          %swap3A_613 = arith.index_cast %swap3A_612 : i32 to index
          %swap3A_614 = arith.index_cast %add3A_589 : i32 to index
          %swap3A_615 = arith.constant 16 : index
          %swap3A_616 = tpu.vector_load %arg11[%swap3A_613, %swap3A_614, %swap3A_615] {strides = array<i32>} : memref<5x40x128xf32, #tpu.memory_space<vmem>>, vector<16xf32>,
          tpu.vector_store %arg11[%swap3A_613, %swap3A_614, %swap3A_615], %mul3A_611 {strides = array<i32>} : memref<5x40x128xf32, #tpu.memory_space<vmem>>, vector<16xf32>,
          %get3A_617 = arith.constant 2 : i32
          %get3A_618 = arith.index_cast %get3A_617 : i32 to index
          %get3A_619 = arith.index_cast %add3A_589 : i32 to index
          %get3A_620 = arith.constant 32 : index
          %get3A_621 = tpu.vector_load %arg11[%get3A_618, %get3A_619, %get3A_620] {strides = array<i32>} : memref<5x40x128xf32, #tpu.memory_space<vmem>>, vector<16xf32>,
          %mul3A_622 = arith.mulf %get3A_621, %gather3A_594 : vector<16xf32>
          %swap3A_623 = arith.constant 2 : i32
          %swap3A_624 = arith.index_cast %swap3A_623 : i32 to index
          %swap3A_625 = arith.index_cast %add3A_589 : i32 to index
          %swap3A_626 = arith.constant 32 : index
          %swap3A_627 = tpu.vector_load %arg11[%swap3A_624, %swap3A_625, %swap3A_626] {strides = array<i32>} : memref<5x40x128xf32, #tpu.memory_space<vmem>>, vector<16xf32>,
          tpu.vector_store %arg11[%swap3A_624, %swap3A_625, %swap3A_626], %mul3A_622 {strides = array<i32>} : memref<5x40x128xf32, #tpu.memory_space<vmem>>, vector<16xf32>,
          %get3A_628 = arith.constant 2 : i32
          %get3A_629 = arith.index_cast %get3A_628 : i32 to index
          %get3A_630 = arith.index_cast %add3A_589 : i32 to index
          %get3A_631 = arith.constant 48 : index
          %get3A_632 = tpu.vector_load %arg11[%get3A_629, %get3A_630, %get3A_631] {strides = array<i32>} : memref<5x40x128xf32, #tpu.memory_space<vmem>>, vector<16xf32>,
          %mul3A_633 = arith.mulf %get3A_632, %gather3A_594 : vector<16xf32>
          %swap3A_634 = arith.constant 2 : i32
          %swap3A_635 = arith.index_cast %swap3A_634 : i32 to index
          %swap3A_636 = arith.index_cast %add3A_589 : i32 to index
          %swap3A_637 = arith.constant 48 : index
          %swap3A_638 = tpu.vector_load %arg11[%swap3A_635, %swap3A_636, %swap3A_637] {strides = array<i32>} : memref<5x40x128xf32, #tpu.memory_space<vmem>>, vector<16xf32>,
          tpu.vector_store %arg11[%swap3A_635, %swap3A_636, %swap3A_637], %mul3A_633 {strides = array<i32>} : memref<5x40x128xf32, #tpu.memory_space<vmem>>, vector<16xf32>,
          %get3A_639 = arith.constant 2 : i32
          %get3A_640 = arith.index_cast %get3A_639 : i32 to index
          %get3A_641 = arith.index_cast %add3A_589 : i32 to index
          %get3A_642 = arith.constant 64 : index
          %get3A_643 = tpu.vector_load %arg11[%get3A_640, %get3A_641, %get3A_642] {strides = array<i32>} : memref<5x40x128xf32, #tpu.memory_space<vmem>>, vector<16xf32>,
          %mul3A_644 = arith.mulf %get3A_643, %gather3A_594 : vector<16xf32>
          %swap3A_645 = arith.constant 2 : i32
          %swap3A_646 = arith.index_cast %swap3A_645 : i32 to index
          %swap3A_647 = arith.index_cast %add3A_589 : i32 to index
          %swap3A_648 = arith.constant 64 : index
          %swap3A_649 = tpu.vector_load %arg11[%swap3A_646, %swap3A_647, %swap3A_648] {strides = array<i32>} : memref<5x40x128xf32, #tpu.memory_space<vmem>>, vector<16xf32>,
          tpu.vector_store %arg11[%swap3A_646, %swap3A_647, %swap3A_648], %mul3A_644 {strides = array<i32>} : memref<5x40x128xf32, #tpu.memory_space<vmem>>, vector<16xf32>,
          %get3A_650 = arith.constant 2 : i32
          %get3A_651 = arith.index_cast %get3A_650 : i32 to index
          %get3A_652 = arith.index_cast %add3A_589 : i32 to index
          %get3A_653 = arith.constant 80 : index
          %get3A_654 = tpu.vector_load %arg11[%get3A_651, %get3A_652, %get3A_653] {strides = array<i32>} : memref<5x40x128xf32, #tpu.memory_space<vmem>>, vector<16xf32>,
          %mul3A_655 = arith.mulf %get3A_654, %gather3A_594 : vector<16xf32>
          %swap3A_656 = arith.constant 2 : i32
          %swap3A_657 = arith.index_cast %swap3A_656 : i32 to index
          %swap3A_658 = arith.index_cast %add3A_589 : i32 to index
          %swap3A_659 = arith.constant 80 : index
          %swap3A_660 = tpu.vector_load %arg11[%swap3A_657, %swap3A_658, %swap3A_659] {strides = array<i32>} : memref<5x40x128xf32, #tpu.memory_space<vmem>>, vector<16xf32>,
          tpu.vector_store %arg11[%swap3A_657, %swap3A_658, %swap3A_659], %mul3A_655 {strides = array<i32>} : memref<5x40x128xf32, #tpu.memory_space<vmem>>, vector<16xf32>,
          %get3A_661 = arith.constant 2 : i32
          %get3A_662 = arith.index_cast %get3A_661 : i32 to index
          %get3A_663 = arith.index_cast %add3A_589 : i32 to index
          %get3A_664 = arith.constant 96 : index
          %get3A_665 = tpu.vector_load %arg11[%get3A_662, %get3A_663, %get3A_664] {strides = array<i32>} : memref<5x40x128xf32, #tpu.memory_space<vmem>>, vector<16xf32>,
          %mul3A_666 = arith.mulf %get3A_665, %gather3A_594 : vector<16xf32>
          %swap3A_667 = arith.constant 2 : i32
          %swap3A_668 = arith.index_cast %swap3A_667 : i32 to index
          %swap3A_669 = arith.index_cast %add3A_589 : i32 to index
          %swap3A_670 = arith.constant 96 : index
          %swap3A_671 = tpu.vector_load %arg11[%swap3A_668, %swap3A_669, %swap3A_670] {strides = array<i32>} : memref<5x40x128xf32, #tpu.memory_space<vmem>>, vector<16xf32>,
          tpu.vector_store %arg11[%swap3A_668, %swap3A_669, %swap3A_670], %mul3A_666 {strides = array<i32>} : memref<5x40x128xf32, #tpu.memory_space<vmem>>, vector<16xf32>,
          %get3A_672 = arith.constant 2 : i32
          %get3A_673 = arith.index_cast %get3A_672 : i32 to index
          %get3A_674 = arith.index_cast %add3A_589 : i32 to index
          %get3A_675 = arith.constant 112 : index
          %get3A_676 = tpu.vector_load %arg11[%get3A_673, %get3A_674, %get3A_675] {strides = array<i32>} : memref<5x40x128xf32, #tpu.memory_space<vmem>>, vector<16xf32>,
          %mul3A_677 = arith.mulf %get3A_676, %gather3A_594 : vector<16xf32>
          %swap3A_678 = arith.constant 2 : i32
          %swap3A_679 = arith.index_cast %swap3A_678 : i32 to index
          %swap3A_680 = arith.index_cast %add3A_589 : i32 to index
          %swap3A_681 = arith.constant 112 : index
          %swap3A_682 = tpu.vector_load %arg11[%swap3A_679, %swap3A_680, %swap3A_681] {strides = array<i32>} : memref<5x40x128xf32, #tpu.memory_space<vmem>>, vector<16xf32>,
          tpu.vector_store %arg11[%swap3A_679, %swap3A_680, %swap3A_681], %mul3A_677 {strides = array<i32>} : memref<5x40x128xf32, #tpu.memory_space<vmem>>, vector<16xf32>,
          %mul3A_683 = arith.constant 4 : i32
          %mul3A_684 = arith.muli %scan3A_395, %mul3A_683 : i32
          %add3A_685 = arith.constant 3 : i32
          %add3A_686 = arith.addi %mul3A_684, %add3A_685 : i32
          %mul3A_687 = arith.constant 40 : i32
          %mul3A_688 = arith.muli %add3A_269, %mul3A_687 : i32
          %add3A_689 = arith.addi %mul3A_688, %add3A_686 : i32
          %broadcast_in_dim3A_690 = vector.broadcast %add3A_689 : i32 to vector<16xi32>
          %gather3A_691 = tpu.vector_load_idx %arg10[%broadcast_in_dim3A_690] : memref<2000xf32, #tpu.memory_space<vmem>>[vector<16xi32>], vector<16xf32>,
          %get3A_692 = arith.constant 2 : i32
          %get3A_693 = arith.index_cast %get3A_692 : i32 to index
          %get3A_694 = arith.index_cast %add3A_686 : i32 to index
          %get3A_695 = arith.constant 0 : index
          %get3A_696 = tpu.vector_load %arg11[%get3A_693, %get3A_694, %get3A_695] {strides = array<i32>} : memref<5x40x128xf32, #tpu.memory_space<vmem>>, vector<16xf32>,
          %mul3A_697 = arith.mulf %get3A_696, %gather3A_691 : vector<16xf32>
          %swap3A_698 = arith.constant 2 : i32
          %swap3A_699 = arith.index_cast %swap3A_698 : i32 to index
          %swap3A_700 = arith.index_cast %add3A_686 : i32 to index
          %swap3A_701 = arith.constant 0 : index
          %swap3A_702 = tpu.vector_load %arg11[%swap3A_699, %swap3A_700, %swap3A_701] {strides = array<i32>} : memref<5x40x128xf32, #tpu.memory_space<vmem>>, vector<16xf32>,
          tpu.vector_store %arg11[%swap3A_699, %swap3A_700, %swap3A_701], %mul3A_697 {strides = array<i32>} : memref<5x40x128xf32, #tpu.memory_space<vmem>>, vector<16xf32>,
          %get3A_703 = arith.constant 2 : i32
          %get3A_704 = arith.index_cast %get3A_703 : i32 to index
          %get3A_705 = arith.index_cast %add3A_686 : i32 to index
          %get3A_706 = arith.constant 16 : index
          %get3A_707 = tpu.vector_load %arg11[%get3A_704, %get3A_705, %get3A_706] {strides = array<i32>} : memref<5x40x128xf32, #tpu.memory_space<vmem>>, vector<16xf32>,
          %mul3A_708 = arith.mulf %get3A_707, %gather3A_691 : vector<16xf32>
          %swap3A_709 = arith.constant 2 : i32
          %swap3A_710 = arith.index_cast %swap3A_709 : i32 to index
          %swap3A_711 = arith.index_cast %add3A_686 : i32 to index
          %swap3A_712 = arith.constant 16 : index
          %swap3A_713 = tpu.vector_load %arg11[%swap3A_710, %swap3A_711, %swap3A_712] {strides = array<i32>} : memref<5x40x128xf32, #tpu.memory_space<vmem>>, vector<16xf32>,
          tpu.vector_store %arg11[%swap3A_710, %swap3A_711, %swap3A_712], %mul3A_708 {strides = array<i32>} : memref<5x40x128xf32, #tpu.memory_space<vmem>>, vector<16xf32>,
          %get3A_714 = arith.constant 2 : i32
          %get3A_715 = arith.index_cast %get3A_714 : i32 to index
          %get3A_716 = arith.index_cast %add3A_686 : i32 to index
          %get3A_717 = arith.constant 32 : index
          %get3A_718 = tpu.vector_load %arg11[%get3A_715, %get3A_716, %get3A_717] {strides = array<i32>} : memref<5x40x128xf32, #tpu.memory_space<vmem>>, vector<16xf32>,
          %mul3A_719 = arith.mulf %get3A_718, %gather3A_691 : vector<16xf32>
          %swap3A_720 = arith.constant 2 : i32
          %swap3A_721 = arith.index_cast %swap3A_720 : i32 to index
          %swap3A_722 = arith.index_cast %add3A_686 : i32 to index
          %swap3A_723 = arith.constant 32 : index
          %swap3A_724 = tpu.vector_load %arg11[%swap3A_721, %swap3A_722, %swap3A_723] {strides = array<i32>} : memref<5x40x128xf32, #tpu.memory_space<vmem>>, vector<16xf32>,
          tpu.vector_store %arg11[%swap3A_721, %swap3A_722, %swap3A_723], %mul3A_719 {strides = array<i32>} : memref<5x40x128xf32, #tpu.memory_space<vmem>>, vector<16xf32>,
          %get3A_725 = arith.constant 2 : i32
          %get3A_726 = arith.index_cast %get3A_725 : i32 to index
          %get3A_727 = arith.index_cast %add3A_686 : i32 to index
          %get3A_728 = arith.constant 48 : index
          %get3A_729 = tpu.vector_load %arg11[%get3A_726, %get3A_727, %get3A_728] {strides = array<i32>} : memref<5x40x128xf32, #tpu.memory_space<vmem>>, vector<16xf32>,
          %mul3A_730 = arith.mulf %get3A_729, %gather3A_691 : vector<16xf32>
          %swap3A_731 = arith.constant 2 : i32
          %swap3A_732 = arith.index_cast %swap3A_731 : i32 to index
          %swap3A_733 = arith.index_cast %add3A_686 : i32 to index
          %swap3A_734 = arith.constant 48 : index
          %swap3A_735 = tpu.vector_load %arg11[%swap3A_732, %swap3A_733, %swap3A_734] {strides = array<i32>} : memref<5x40x128xf32, #tpu.memory_space<vmem>>, vector<16xf32>,
          tpu.vector_store %arg11[%swap3A_732, %swap3A_733, %swap3A_734], %mul3A_730 {strides = array<i32>} : memref<5x40x128xf32, #tpu.memory_space<vmem>>, vector<16xf32>,
          %get3A_736 = arith.constant 2 : i32
          %get3A_737 = arith.index_cast %get3A_736 : i32 to index
          %get3A_738 = arith.index_cast %add3A_686 : i32 to index
          %get3A_739 = arith.constant 64 : index
          %get3A_740 = tpu.vector_load %arg11[%get3A_737, %get3A_738, %get3A_739] {strides = array<i32>} : memref<5x40x128xf32, #tpu.memory_space<vmem>>, vector<16xf32>,
          %mul3A_741 = arith.mulf %get3A_740, %gather3A_691 : vector<16xf32>
          %swap3A_742 = arith.constant 2 : i32
          %swap3A_743 = arith.index_cast %swap3A_742 : i32 to index
          %swap3A_744 = arith.index_cast %add3A_686 : i32 to index
          %swap3A_745 = arith.constant 64 : index
          %swap3A_746 = tpu.vector_load %arg11[%swap3A_743, %swap3A_744, %swap3A_745] {strides = array<i32>} : memref<5x40x128xf32, #tpu.memory_space<vmem>>, vector<16xf32>,
          tpu.vector_store %arg11[%swap3A_743, %swap3A_744, %swap3A_745], %mul3A_741 {strides = array<i32>} : memref<5x40x128xf32, #tpu.memory_space<vmem>>, vector<16xf32>,
          %get3A_747 = arith.constant 2 : i32
          %get3A_748 = arith.index_cast %get3A_747 : i32 to index
          %get3A_749 = arith.index_cast %add3A_686 : i32 to index
          %get3A_750 = arith.constant 80 : index
          %get3A_751 = tpu.vector_load %arg11[%get3A_748, %get3A_749, %get3A_750] {strides = array<i32>} : memref<5x40x128xf32, #tpu.memory_space<vmem>>, vector<16xf32>,
          %mul3A_752 = arith.mulf %get3A_751, %gather3A_691 : vector<16xf32>
          %swap3A_753 = arith.constant 2 : i32
          %swap3A_754 = arith.index_cast %swap3A_753 : i32 to index
          %swap3A_755 = arith.index_cast %add3A_686 : i32 to index
          %swap3A_756 = arith.constant 80 : index
          %swap3A_757 = tpu.vector_load %arg11[%swap3A_754, %swap3A_755, %swap3A_756] {strides = array<i32>} : memref<5x40x128xf32, #tpu.memory_space<vmem>>, vector<16xf32>,
          tpu.vector_store %arg11[%swap3A_754, %swap3A_755, %swap3A_756], %mul3A_752 {strides = array<i32>} : memref<5x40x128xf32, #tpu.memory_space<vmem>>, vector<16xf32>,
          %get3A_758 = arith.constant 2 : i32
          %get3A_759 = arith.index_cast %get3A_758 : i32 to index
          %get3A_760 = arith.index_cast %add3A_686 : i32 to index
          %get3A_761 = arith.constant 96 : index
          %get3A_762 = tpu.vector_load %arg11[%get3A_759, %get3A_760, %get3A_761] {strides = array<i32>} : memref<5x40x128xf32, #tpu.memory_space<vmem>>, vector<16xf32>,
          %mul3A_763 = arith.mulf %get3A_762, %gather3A_691 : vector<16xf32>
          %swap3A_764 = arith.constant 2 : i32
          %swap3A_765 = arith.index_cast %swap3A_764 : i32 to index
          %swap3A_766 = arith.index_cast %add3A_686 : i32 to index
          %swap3A_767 = arith.constant 96 : index
          %swap3A_768 = tpu.vector_load %arg11[%swap3A_765, %swap3A_766, %swap3A_767] {strides = array<i32>} : memref<5x40x128xf32, #tpu.memory_space<vmem>>, vector<16xf32>,
          tpu.vector_store %arg11[%swap3A_765, %swap3A_766, %swap3A_767], %mul3A_763 {strides = array<i32>} : memref<5x40x128xf32, #tpu.memory_space<vmem>>, vector<16xf32>,
          %get3A_769 = arith.constant 2 : i32
          %get3A_770 = arith.index_cast %get3A_769 : i32 to index
          %get3A_771 = arith.index_cast %add3A_686 : i32 to index
          %get3A_772 = arith.constant 112 : index
          %get3A_773 = tpu.vector_load %arg11[%get3A_770, %get3A_771, %get3A_772] {strides = array<i32>} : memref<5x40x128xf32, #tpu.memory_space<vmem>>, vector<16xf32>,
          %mul3A_774 = arith.mulf %get3A_773, %gather3A_691 : vector<16xf32>
          %swap3A_775 = arith.constant 2 : i32
          %swap3A_776 = arith.index_cast %swap3A_775 : i32 to index
          %swap3A_777 = arith.index_cast %add3A_686 : i32 to index
          %swap3A_778 = arith.constant 112 : index
          %swap3A_779 = tpu.vector_load %arg11[%swap3A_776, %swap3A_777, %swap3A_778] {strides = array<i32>} : memref<5x40x128xf32, #tpu.memory_space<vmem>>, vector<16xf32>,
          tpu.vector_store %arg11[%swap3A_776, %swap3A_777, %swap3A_778], %mul3A_774 {strides = array<i32>} : memref<5x40x128xf32, #tpu.memory_space<vmem>>, vector<16xf32>,
        }
        %scan3A_285 = arith.constant 10 : i32
        %dma_start3A_286 = arith.constant 2 : i32
        %dma_start3A_287 = arith.constant 0 : i32
        %dma_start3A_288 = arith.constant 0 : i32
        %dma_start3A_289 = tpu.memref_slice %arg11[%dma_start3A_286, %dma_start3A_287, %dma_start3A_288] : memref<5x40x128xf32, #tpu.memory_space<vmem>> -> memref<1x40x128xf32, #tpu.memory_space<vmem>>
        %dma_start3A_290 = tpu.memref_squeeze %dma_start3A_289 : memref<1x40x128xf32, #tpu.memory_space<vmem>> -> memref<40x128xf32, #tpu.memory_space<vmem>>
        %dma_start3A_291 = arith.constant 0 : i32
        %dma_start3A_292 = tpu.memref_slice %arg9[%add3A_269, %dma_start3A_291] : memref<50x40xi32, #tpu.memory_space<vmem>> -> memref<1x40xi32, #tpu.memory_space<vmem>>
        %dma_start3A_293 = tpu.memref_squeeze %dma_start3A_292 : memref<1x40xi32, #tpu.memory_space<vmem>> -> memref<40xi32, #tpu.memory_space<vmem>>
        %dma_start3A_294 = arith.constant 0 : i32
        %dma_start3A_295 = arith.constant 0 : i32
        %dma_start3A_296 = tpu.memref_slice %arg13[%dma_start3A_294, %dma_start3A_295] : memref<10240x128xf32, #tpu.memory_space<vmem_shared>> -> memref<10240x128xf32, #tpu.memory_space<vmem_shared>>
        tpu.enqueue_indirect_dma source(%dma_start3A_290 : memref<40x128xf32, #tpu.memory_space<vmem>>) target(%dma_start3A_296 : memref<10240x128xf32, #tpu.memory_space<vmem_shared>>) offsets(%dma_start3A_293 : memref<40xi32, #tpu.memory_space<vmem>>) semaphore(%arg21 : memref<!tpu.dma_semaphore, #tpu.memory_space<semaphore_mem>>) {add = true}
        %add3A_297 = arith.constant 1 : i32
        %add3A_298 = arith.addi %scan3A_157, %add3A_297 : i32
        %mul3A_299 = arith.constant 5 : i32
        %mul3A_300 = arith.muli %add3A_298, %mul3A_299 : i32
        %add3A_301 = arith.constant 0 : i32
        %add3A_302 = arith.addi %mul3A_300, %add3A_301 : i32
        %add3A_303 = arith.constant 1 : i32
        %add3A_304 = arith.addi %scan3A_157, %add3A_303 : i32
        %lt3A = arith.constant 10 : i32
        %lt3A_305 = arith.cmpi slt, %add3A_304, %lt3A : i32
        %convert_element_type3A = arith.extui %lt3A_305 : i1 to i32
        %cond3A = arith.constant 0 : i32
        %cond3A_306 = arith.cmpi ne, %convert_element_type3A, %cond3A : i32
        scf.if %cond3A_306 {
          %dma_wait3A_395 = arith.constant 0 : i32
          %dma_wait3A_396 = arith.constant 0 : i32
          %dma_wait3A_397 = arith.constant 0 : i32
          %dma_wait3A_398 = tpu.memref_slice %arg11[%dma_wait3A_395, %dma_wait3A_396, %dma_wait3A_397] : memref<5x40x128xf32, #tpu.memory_space<vmem>> -> memref<1x40x128xf32, #tpu.memory_space<vmem>>
          %dma_wait3A_399 = tpu.memref_squeeze %dma_wait3A_398 : memref<1x40x128xf32, #tpu.memory_space<vmem>> -> memref<40x128xf32, #tpu.memory_space<vmem>>
          %dma_wait3A_400 = arith.constant 0 : i32
          %dma_wait3A_401 = arith.constant 0 : i32
          %dma_wait3A_402 = tpu.memref_slice %arg13[%dma_wait3A_400, %dma_wait3A_401] : memref<10240x128xf32, #tpu.memory_space<vmem_shared>> -> memref<10240x128xf32, #tpu.memory_space<vmem_shared>>
          tpu.wait_indirect_dma semaphore(%arg19 : memref<!tpu.dma_semaphore, #tpu.memory_space<semaphore_mem>>) src(%dma_wait3A_399 : memref<40x128xf32, #tpu.memory_space<vmem>>) dst(%dma_wait3A_402 : memref<10240x128xf32, #tpu.memory_space<vmem_shared>>)
          %dma_start3A_403 = arith.constant 0 : i32
          %dma_start3A_404 = arith.constant 0 : i32
          %dma_start3A_405 = arith.constant 0 : i32
          %dma_start3A_406 = tpu.memref_slice %arg11[%dma_start3A_403, %dma_start3A_404, %dma_start3A_405] : memref<5x40x128xf32, #tpu.memory_space<vmem>> -> memref<1x40x128xf32, #tpu.memory_space<vmem>>
          %dma_start3A_407 = tpu.memref_squeeze %dma_start3A_406 : memref<1x40x128xf32, #tpu.memory_space<vmem>> -> memref<40x128xf32, #tpu.memory_space<vmem>>
          %dma_start3A_408 = arith.constant 0 : i32
          %dma_start3A_409 = tpu.memref_slice %arg8[%add3A_302, %dma_start3A_408] : memref<50x40xi32, #tpu.memory_space<vmem>> -> memref<1x40xi32, #tpu.memory_space<vmem>>
          %dma_start3A_410 = tpu.memref_squeeze %dma_start3A_409 : memref<1x40xi32, #tpu.memory_space<vmem>> -> memref<40xi32, #tpu.memory_space<vmem>>
          %dma_start3A_411 = arith.constant 0 : i32
          %dma_start3A_412 = arith.constant 0 : i32
          %dma_start3A_413 = tpu.memref_slice %arg2[%dma_start3A_411, %dma_start3A_412] : memref<10000x128xf32, #tpu.memory_space<hbm>> -> memref<10000x128xf32, #tpu.memory_space<hbm>>
          tpu.enqueue_indirect_dma source(%dma_start3A_413 : memref<10000x128xf32, #tpu.memory_space<hbm>>) target(%dma_start3A_407 : memref<40x128xf32, #tpu.memory_space<vmem>>) offsets(%dma_start3A_410 : memref<40xi32, #tpu.memory_space<vmem>>) semaphore(%arg14 : memref<!tpu.dma_semaphore, #tpu.memory_space<semaphore_mem>>)
        } else {
        }
        %mul3A_307 = arith.constant 5 : i32
        %mul3A_308 = arith.muli %scan3A_157, %mul3A_307 : i32
        %add3A_309 = arith.constant 3 : i32
        %add3A_310 = arith.addi %mul3A_308, %add3A_309 : i32
        %dma_wait3A_311 = arith.constant 3 : i32
        %dma_wait3A_312 = arith.constant 0 : i32
        %dma_wait3A_313 = arith.constant 0 : i32
        %dma_wait3A_314 = tpu.memref_slice %arg11[%dma_wait3A_311, %dma_wait3A_312, %dma_wait3A_313] : memref<5x40x128xf32, #tpu.memory_space<vmem>> -> memref<1x40x128xf32, #tpu.memory_space<vmem>>
        %dma_wait3A_315 = tpu.memref_squeeze %dma_wait3A_314 : memref<1x40x128xf32, #tpu.memory_space<vmem>> -> memref<40x128xf32, #tpu.memory_space<vmem>>
        %dma_wait3A_316 = arith.constant 0 : i32
        %dma_wait3A_317 = tpu.memref_slice %arg8[%add3A_310, %dma_wait3A_316] : memref<50x40xi32, #tpu.memory_space<vmem>> -> memref<1x40xi32, #tpu.memory_space<vmem>>
        %dma_wait3A_318 = tpu.memref_squeeze %dma_wait3A_317 : memref<1x40xi32, #tpu.memory_space<vmem>> -> memref<40xi32, #tpu.memory_space<vmem>>
        %dma_wait3A_319 = arith.constant 0 : i32
        %dma_wait3A_320 = arith.constant 0 : i32
        %dma_wait3A_321 = tpu.memref_slice %arg2[%dma_wait3A_319, %dma_wait3A_320] : memref<10000x128xf32, #tpu.memory_space<hbm>> -> memref<10000x128xf32, #tpu.memory_space<hbm>>
        tpu.wait_indirect_dma semaphore(%arg17 : memref<!tpu.dma_semaphore, #tpu.memory_space<semaphore_mem>>) src(%dma_wait3A_321 : memref<10000x128xf32, #tpu.memory_space<hbm>>) dst(%dma_wait3A_315 : memref<40x128xf32, #tpu.memory_space<vmem>>)
        %scan3A_322 = arith.constant 0 : i32
        %scan3A_323 = arith.constant 10 : i32
        %scan3A_324 = arith.addi %scan3A_322, %scan3A_323 : i32
        %scan3A_325 = arith.constant 1 : i32
        scf.for %scan3A_395 = %scan3A_322 to %scan3A_324 step %scan3A_325  : i32 {
          %mul3A_396 = arith.constant 4 : i32
          %mul3A_397 = arith.muli %scan3A_395, %mul3A_396 : i32
          %add3A_398 = arith.constant 0 : i32
          %add3A_399 = arith.addi %mul3A_397, %add3A_398 : i32
          %mul3A_400 = arith.constant 40 : i32
          %mul3A_401 = arith.muli %add3A_310, %mul3A_400 : i32
          %add3A_402 = arith.addi %mul3A_401, %add3A_399 : i32
          %broadcast_in_dim3A = vector.broadcast %add3A_402 : i32 to vector<16xi32>
          %gather3A = tpu.vector_load_idx %arg10[%broadcast_in_dim3A] : memref<2000xf32, #tpu.memory_space<vmem>>[vector<16xi32>], vector<16xf32>,
          %get3A = arith.constant 3 : i32
          %get3A_403 = arith.index_cast %get3A : i32 to index
          %get3A_404 = arith.index_cast %add3A_399 : i32 to index
          %get3A_405 = arith.constant 0 : index
          %get3A_406 = tpu.vector_load %arg11[%get3A_403, %get3A_404, %get3A_405] {strides = array<i32>} : memref<5x40x128xf32, #tpu.memory_space<vmem>>, vector<16xf32>,
          %mul3A_407 = arith.mulf %get3A_406, %gather3A : vector<16xf32>
          %swap3A = arith.constant 3 : i32
          %swap3A_408 = arith.index_cast %swap3A : i32 to index
          %swap3A_409 = arith.index_cast %add3A_399 : i32 to index
          %swap3A_410 = arith.constant 0 : index
          %swap3A_411 = tpu.vector_load %arg11[%swap3A_408, %swap3A_409, %swap3A_410] {strides = array<i32>} : memref<5x40x128xf32, #tpu.memory_space<vmem>>, vector<16xf32>,
          tpu.vector_store %arg11[%swap3A_408, %swap3A_409, %swap3A_410], %mul3A_407 {strides = array<i32>} : memref<5x40x128xf32, #tpu.memory_space<vmem>>, vector<16xf32>,
          %get3A_412 = arith.constant 3 : i32
          %get3A_413 = arith.index_cast %get3A_412 : i32 to index
          %get3A_414 = arith.index_cast %add3A_399 : i32 to index
          %get3A_415 = arith.constant 16 : index
          %get3A_416 = tpu.vector_load %arg11[%get3A_413, %get3A_414, %get3A_415] {strides = array<i32>} : memref<5x40x128xf32, #tpu.memory_space<vmem>>, vector<16xf32>,
          %mul3A_417 = arith.mulf %get3A_416, %gather3A : vector<16xf32>
          %swap3A_418 = arith.constant 3 : i32
          %swap3A_419 = arith.index_cast %swap3A_418 : i32 to index
          %swap3A_420 = arith.index_cast %add3A_399 : i32 to index
          %swap3A_421 = arith.constant 16 : index
          %swap3A_422 = tpu.vector_load %arg11[%swap3A_419, %swap3A_420, %swap3A_421] {strides = array<i32>} : memref<5x40x128xf32, #tpu.memory_space<vmem>>, vector<16xf32>,
          tpu.vector_store %arg11[%swap3A_419, %swap3A_420, %swap3A_421], %mul3A_417 {strides = array<i32>} : memref<5x40x128xf32, #tpu.memory_space<vmem>>, vector<16xf32>,
          %get3A_423 = arith.constant 3 : i32
          %get3A_424 = arith.index_cast %get3A_423 : i32 to index
          %get3A_425 = arith.index_cast %add3A_399 : i32 to index
          %get3A_426 = arith.constant 32 : index
          %get3A_427 = tpu.vector_load %arg11[%get3A_424, %get3A_425, %get3A_426] {strides = array<i32>} : memref<5x40x128xf32, #tpu.memory_space<vmem>>, vector<16xf32>,
          %mul3A_428 = arith.mulf %get3A_427, %gather3A : vector<16xf32>
          %swap3A_429 = arith.constant 3 : i32
          %swap3A_430 = arith.index_cast %swap3A_429 : i32 to index
          %swap3A_431 = arith.index_cast %add3A_399 : i32 to index
          %swap3A_432 = arith.constant 32 : index
          %swap3A_433 = tpu.vector_load %arg11[%swap3A_430, %swap3A_431, %swap3A_432] {strides = array<i32>} : memref<5x40x128xf32, #tpu.memory_space<vmem>>, vector<16xf32>,
          tpu.vector_store %arg11[%swap3A_430, %swap3A_431, %swap3A_432], %mul3A_428 {strides = array<i32>} : memref<5x40x128xf32, #tpu.memory_space<vmem>>, vector<16xf32>,
          %get3A_434 = arith.constant 3 : i32
          %get3A_435 = arith.index_cast %get3A_434 : i32 to index
          %get3A_436 = arith.index_cast %add3A_399 : i32 to index
          %get3A_437 = arith.constant 48 : index
          %get3A_438 = tpu.vector_load %arg11[%get3A_435, %get3A_436, %get3A_437] {strides = array<i32>} : memref<5x40x128xf32, #tpu.memory_space<vmem>>, vector<16xf32>,
          %mul3A_439 = arith.mulf %get3A_438, %gather3A : vector<16xf32>
          %swap3A_440 = arith.constant 3 : i32
          %swap3A_441 = arith.index_cast %swap3A_440 : i32 to index
          %swap3A_442 = arith.index_cast %add3A_399 : i32 to index
          %swap3A_443 = arith.constant 48 : index
          %swap3A_444 = tpu.vector_load %arg11[%swap3A_441, %swap3A_442, %swap3A_443] {strides = array<i32>} : memref<5x40x128xf32, #tpu.memory_space<vmem>>, vector<16xf32>,
          tpu.vector_store %arg11[%swap3A_441, %swap3A_442, %swap3A_443], %mul3A_439 {strides = array<i32>} : memref<5x40x128xf32, #tpu.memory_space<vmem>>, vector<16xf32>,
          %get3A_445 = arith.constant 3 : i32
          %get3A_446 = arith.index_cast %get3A_445 : i32 to index
          %get3A_447 = arith.index_cast %add3A_399 : i32 to index
          %get3A_448 = arith.constant 64 : index
          %get3A_449 = tpu.vector_load %arg11[%get3A_446, %get3A_447, %get3A_448] {strides = array<i32>} : memref<5x40x128xf32, #tpu.memory_space<vmem>>, vector<16xf32>,
          %mul3A_450 = arith.mulf %get3A_449, %gather3A : vector<16xf32>
          %swap3A_451 = arith.constant 3 : i32
          %swap3A_452 = arith.index_cast %swap3A_451 : i32 to index
          %swap3A_453 = arith.index_cast %add3A_399 : i32 to index
          %swap3A_454 = arith.constant 64 : index
          %swap3A_455 = tpu.vector_load %arg11[%swap3A_452, %swap3A_453, %swap3A_454] {strides = array<i32>} : memref<5x40x128xf32, #tpu.memory_space<vmem>>, vector<16xf32>,
          tpu.vector_store %arg11[%swap3A_452, %swap3A_453, %swap3A_454], %mul3A_450 {strides = array<i32>} : memref<5x40x128xf32, #tpu.memory_space<vmem>>, vector<16xf32>,
          %get3A_456 = arith.constant 3 : i32
          %get3A_457 = arith.index_cast %get3A_456 : i32 to index
          %get3A_458 = arith.index_cast %add3A_399 : i32 to index
          %get3A_459 = arith.constant 80 : index
          %get3A_460 = tpu.vector_load %arg11[%get3A_457, %get3A_458, %get3A_459] {strides = array<i32>} : memref<5x40x128xf32, #tpu.memory_space<vmem>>, vector<16xf32>,
          %mul3A_461 = arith.mulf %get3A_460, %gather3A : vector<16xf32>
          %swap3A_462 = arith.constant 3 : i32
          %swap3A_463 = arith.index_cast %swap3A_462 : i32 to index
          %swap3A_464 = arith.index_cast %add3A_399 : i32 to index
          %swap3A_465 = arith.constant 80 : index
          %swap3A_466 = tpu.vector_load %arg11[%swap3A_463, %swap3A_464, %swap3A_465] {strides = array<i32>} : memref<5x40x128xf32, #tpu.memory_space<vmem>>, vector<16xf32>,
          tpu.vector_store %arg11[%swap3A_463, %swap3A_464, %swap3A_465], %mul3A_461 {strides = array<i32>} : memref<5x40x128xf32, #tpu.memory_space<vmem>>, vector<16xf32>,
          %get3A_467 = arith.constant 3 : i32
          %get3A_468 = arith.index_cast %get3A_467 : i32 to index
          %get3A_469 = arith.index_cast %add3A_399 : i32 to index
          %get3A_470 = arith.constant 96 : index
          %get3A_471 = tpu.vector_load %arg11[%get3A_468, %get3A_469, %get3A_470] {strides = array<i32>} : memref<5x40x128xf32, #tpu.memory_space<vmem>>, vector<16xf32>,
          %mul3A_472 = arith.mulf %get3A_471, %gather3A : vector<16xf32>
          %swap3A_473 = arith.constant 3 : i32
          %swap3A_474 = arith.index_cast %swap3A_473 : i32 to index
          %swap3A_475 = arith.index_cast %add3A_399 : i32 to index
          %swap3A_476 = arith.constant 96 : index
          %swap3A_477 = tpu.vector_load %arg11[%swap3A_474, %swap3A_475, %swap3A_476] {strides = array<i32>} : memref<5x40x128xf32, #tpu.memory_space<vmem>>, vector<16xf32>,
          tpu.vector_store %arg11[%swap3A_474, %swap3A_475, %swap3A_476], %mul3A_472 {strides = array<i32>} : memref<5x40x128xf32, #tpu.memory_space<vmem>>, vector<16xf32>,
          %get3A_478 = arith.constant 3 : i32
          %get3A_479 = arith.index_cast %get3A_478 : i32 to index
          %get3A_480 = arith.index_cast %add3A_399 : i32 to index
          %get3A_481 = arith.constant 112 : index
          %get3A_482 = tpu.vector_load %arg11[%get3A_479, %get3A_480, %get3A_481] {strides = array<i32>} : memref<5x40x128xf32, #tpu.memory_space<vmem>>, vector<16xf32>,
          %mul3A_483 = arith.mulf %get3A_482, %gather3A : vector<16xf32>
          %swap3A_484 = arith.constant 3 : i32
          %swap3A_485 = arith.index_cast %swap3A_484 : i32 to index
          %swap3A_486 = arith.index_cast %add3A_399 : i32 to index
          %swap3A_487 = arith.constant 112 : index
          %swap3A_488 = tpu.vector_load %arg11[%swap3A_485, %swap3A_486, %swap3A_487] {strides = array<i32>} : memref<5x40x128xf32, #tpu.memory_space<vmem>>, vector<16xf32>,
          tpu.vector_store %arg11[%swap3A_485, %swap3A_486, %swap3A_487], %mul3A_483 {strides = array<i32>} : memref<5x40x128xf32, #tpu.memory_space<vmem>>, vector<16xf32>,
          %mul3A_489 = arith.constant 4 : i32
          %mul3A_490 = arith.muli %scan3A_395, %mul3A_489 : i32
          %add3A_491 = arith.constant 1 : i32
          %add3A_492 = arith.addi %mul3A_490, %add3A_491 : i32
          %mul3A_493 = arith.constant 40 : i32
          %mul3A_494 = arith.muli %add3A_310, %mul3A_493 : i32
          %add3A_495 = arith.addi %mul3A_494, %add3A_492 : i32
          %broadcast_in_dim3A_496 = vector.broadcast %add3A_495 : i32 to vector<16xi32>
          %gather3A_497 = tpu.vector_load_idx %arg10[%broadcast_in_dim3A_496] : memref<2000xf32, #tpu.memory_space<vmem>>[vector<16xi32>], vector<16xf32>,
          %get3A_498 = arith.constant 3 : i32
          %get3A_499 = arith.index_cast %get3A_498 : i32 to index
          %get3A_500 = arith.index_cast %add3A_492 : i32 to index
          %get3A_501 = arith.constant 0 : index
          %get3A_502 = tpu.vector_load %arg11[%get3A_499, %get3A_500, %get3A_501] {strides = array<i32>} : memref<5x40x128xf32, #tpu.memory_space<vmem>>, vector<16xf32>,
          %mul3A_503 = arith.mulf %get3A_502, %gather3A_497 : vector<16xf32>
          %swap3A_504 = arith.constant 3 : i32
          %swap3A_505 = arith.index_cast %swap3A_504 : i32 to index
          %swap3A_506 = arith.index_cast %add3A_492 : i32 to index
          %swap3A_507 = arith.constant 0 : index
          %swap3A_508 = tpu.vector_load %arg11[%swap3A_505, %swap3A_506, %swap3A_507] {strides = array<i32>} : memref<5x40x128xf32, #tpu.memory_space<vmem>>, vector<16xf32>,
          tpu.vector_store %arg11[%swap3A_505, %swap3A_506, %swap3A_507], %mul3A_503 {strides = array<i32>} : memref<5x40x128xf32, #tpu.memory_space<vmem>>, vector<16xf32>,
          %get3A_509 = arith.constant 3 : i32
          %get3A_510 = arith.index_cast %get3A_509 : i32 to index
          %get3A_511 = arith.index_cast %add3A_492 : i32 to index
          %get3A_512 = arith.constant 16 : index
          %get3A_513 = tpu.vector_load %arg11[%get3A_510, %get3A_511, %get3A_512] {strides = array<i32>} : memref<5x40x128xf32, #tpu.memory_space<vmem>>, vector<16xf32>,
          %mul3A_514 = arith.mulf %get3A_513, %gather3A_497 : vector<16xf32>
          %swap3A_515 = arith.constant 3 : i32
          %swap3A_516 = arith.index_cast %swap3A_515 : i32 to index
          %swap3A_517 = arith.index_cast %add3A_492 : i32 to index
          %swap3A_518 = arith.constant 16 : index
          %swap3A_519 = tpu.vector_load %arg11[%swap3A_516, %swap3A_517, %swap3A_518] {strides = array<i32>} : memref<5x40x128xf32, #tpu.memory_space<vmem>>, vector<16xf32>,
          tpu.vector_store %arg11[%swap3A_516, %swap3A_517, %swap3A_518], %mul3A_514 {strides = array<i32>} : memref<5x40x128xf32, #tpu.memory_space<vmem>>, vector<16xf32>,
          %get3A_520 = arith.constant 3 : i32
          %get3A_521 = arith.index_cast %get3A_520 : i32 to index
          %get3A_522 = arith.index_cast %add3A_492 : i32 to index
          %get3A_523 = arith.constant 32 : index
          %get3A_524 = tpu.vector_load %arg11[%get3A_521, %get3A_522, %get3A_523] {strides = array<i32>} : memref<5x40x128xf32, #tpu.memory_space<vmem>>, vector<16xf32>,
          %mul3A_525 = arith.mulf %get3A_524, %gather3A_497 : vector<16xf32>
          %swap3A_526 = arith.constant 3 : i32
          %swap3A_527 = arith.index_cast %swap3A_526 : i32 to index
          %swap3A_528 = arith.index_cast %add3A_492 : i32 to index
          %swap3A_529 = arith.constant 32 : index
          %swap3A_530 = tpu.vector_load %arg11[%swap3A_527, %swap3A_528, %swap3A_529] {strides = array<i32>} : memref<5x40x128xf32, #tpu.memory_space<vmem>>, vector<16xf32>,
          tpu.vector_store %arg11[%swap3A_527, %swap3A_528, %swap3A_529], %mul3A_525 {strides = array<i32>} : memref<5x40x128xf32, #tpu.memory_space<vmem>>, vector<16xf32>,
          %get3A_531 = arith.constant 3 : i32
          %get3A_532 = arith.index_cast %get3A_531 : i32 to index
          %get3A_533 = arith.index_cast %add3A_492 : i32 to index
          %get3A_534 = arith.constant 48 : index
          %get3A_535 = tpu.vector_load %arg11[%get3A_532, %get3A_533, %get3A_534] {strides = array<i32>} : memref<5x40x128xf32, #tpu.memory_space<vmem>>, vector<16xf32>,
          %mul3A_536 = arith.mulf %get3A_535, %gather3A_497 : vector<16xf32>
          %swap3A_537 = arith.constant 3 : i32
          %swap3A_538 = arith.index_cast %swap3A_537 : i32 to index
          %swap3A_539 = arith.index_cast %add3A_492 : i32 to index
          %swap3A_540 = arith.constant 48 : index
          %swap3A_541 = tpu.vector_load %arg11[%swap3A_538, %swap3A_539, %swap3A_540] {strides = array<i32>} : memref<5x40x128xf32, #tpu.memory_space<vmem>>, vector<16xf32>,
          tpu.vector_store %arg11[%swap3A_538, %swap3A_539, %swap3A_540], %mul3A_536 {strides = array<i32>} : memref<5x40x128xf32, #tpu.memory_space<vmem>>, vector<16xf32>,
          %get3A_542 = arith.constant 3 : i32
          %get3A_543 = arith.index_cast %get3A_542 : i32 to index
          %get3A_544 = arith.index_cast %add3A_492 : i32 to index
          %get3A_545 = arith.constant 64 : index
          %get3A_546 = tpu.vector_load %arg11[%get3A_543, %get3A_544, %get3A_545] {strides = array<i32>} : memref<5x40x128xf32, #tpu.memory_space<vmem>>, vector<16xf32>,
          %mul3A_547 = arith.mulf %get3A_546, %gather3A_497 : vector<16xf32>
          %swap3A_548 = arith.constant 3 : i32
          %swap3A_549 = arith.index_cast %swap3A_548 : i32 to index
          %swap3A_550 = arith.index_cast %add3A_492 : i32 to index
          %swap3A_551 = arith.constant 64 : index
          %swap3A_552 = tpu.vector_load %arg11[%swap3A_549, %swap3A_550, %swap3A_551] {strides = array<i32>} : memref<5x40x128xf32, #tpu.memory_space<vmem>>, vector<16xf32>,
          tpu.vector_store %arg11[%swap3A_549, %swap3A_550, %swap3A_551], %mul3A_547 {strides = array<i32>} : memref<5x40x128xf32, #tpu.memory_space<vmem>>, vector<16xf32>,
          %get3A_553 = arith.constant 3 : i32
          %get3A_554 = arith.index_cast %get3A_553 : i32 to index
          %get3A_555 = arith.index_cast %add3A_492 : i32 to index
          %get3A_556 = arith.constant 80 : index
          %get3A_557 = tpu.vector_load %arg11[%get3A_554, %get3A_555, %get3A_556] {strides = array<i32>} : memref<5x40x128xf32, #tpu.memory_space<vmem>>, vector<16xf32>,
          %mul3A_558 = arith.mulf %get3A_557, %gather3A_497 : vector<16xf32>
          %swap3A_559 = arith.constant 3 : i32
          %swap3A_560 = arith.index_cast %swap3A_559 : i32 to index
          %swap3A_561 = arith.index_cast %add3A_492 : i32 to index
          %swap3A_562 = arith.constant 80 : index
          %swap3A_563 = tpu.vector_load %arg11[%swap3A_560, %swap3A_561, %swap3A_562] {strides = array<i32>} : memref<5x40x128xf32, #tpu.memory_space<vmem>>, vector<16xf32>,
          tpu.vector_store %arg11[%swap3A_560, %swap3A_561, %swap3A_562], %mul3A_558 {strides = array<i32>} : memref<5x40x128xf32, #tpu.memory_space<vmem>>, vector<16xf32>,
          %get3A_564 = arith.constant 3 : i32
          %get3A_565 = arith.index_cast %get3A_564 : i32 to index
          %get3A_566 = arith.index_cast %add3A_492 : i32 to index
          %get3A_567 = arith.constant 96 : index
          %get3A_568 = tpu.vector_load %arg11[%get3A_565, %get3A_566, %get3A_567] {strides = array<i32>} : memref<5x40x128xf32, #tpu.memory_space<vmem>>, vector<16xf32>,
          %mul3A_569 = arith.mulf %get3A_568, %gather3A_497 : vector<16xf32>
          %swap3A_570 = arith.constant 3 : i32
          %swap3A_571 = arith.index_cast %swap3A_570 : i32 to index
          %swap3A_572 = arith.index_cast %add3A_492 : i32 to index
          %swap3A_573 = arith.constant 96 : index
          %swap3A_574 = tpu.vector_load %arg11[%swap3A_571, %swap3A_572, %swap3A_573] {strides = array<i32>} : memref<5x40x128xf32, #tpu.memory_space<vmem>>, vector<16xf32>,
          tpu.vector_store %arg11[%swap3A_571, %swap3A_572, %swap3A_573], %mul3A_569 {strides = array<i32>} : memref<5x40x128xf32, #tpu.memory_space<vmem>>, vector<16xf32>,
          %get3A_575 = arith.constant 3 : i32
          %get3A_576 = arith.index_cast %get3A_575 : i32 to index
          %get3A_577 = arith.index_cast %add3A_492 : i32 to index
          %get3A_578 = arith.constant 112 : index
          %get3A_579 = tpu.vector_load %arg11[%get3A_576, %get3A_577, %get3A_578] {strides = array<i32>} : memref<5x40x128xf32, #tpu.memory_space<vmem>>, vector<16xf32>,
          %mul3A_580 = arith.mulf %get3A_579, %gather3A_497 : vector<16xf32>
          %swap3A_581 = arith.constant 3 : i32
          %swap3A_582 = arith.index_cast %swap3A_581 : i32 to index
          %swap3A_583 = arith.index_cast %add3A_492 : i32 to index
          %swap3A_584 = arith.constant 112 : index
          %swap3A_585 = tpu.vector_load %arg11[%swap3A_582, %swap3A_583, %swap3A_584] {strides = array<i32>} : memref<5x40x128xf32, #tpu.memory_space<vmem>>, vector<16xf32>,
          tpu.vector_store %arg11[%swap3A_582, %swap3A_583, %swap3A_584], %mul3A_580 {strides = array<i32>} : memref<5x40x128xf32, #tpu.memory_space<vmem>>, vector<16xf32>,
          %mul3A_586 = arith.constant 4 : i32
          %mul3A_587 = arith.muli %scan3A_395, %mul3A_586 : i32
          %add3A_588 = arith.constant 2 : i32
          %add3A_589 = arith.addi %mul3A_587, %add3A_588 : i32
          %mul3A_590 = arith.constant 40 : i32
          %mul3A_591 = arith.muli %add3A_310, %mul3A_590 : i32
          %add3A_592 = arith.addi %mul3A_591, %add3A_589 : i32
          %broadcast_in_dim3A_593 = vector.broadcast %add3A_592 : i32 to vector<16xi32>
          %gather3A_594 = tpu.vector_load_idx %arg10[%broadcast_in_dim3A_593] : memref<2000xf32, #tpu.memory_space<vmem>>[vector<16xi32>], vector<16xf32>,
          %get3A_595 = arith.constant 3 : i32
          %get3A_596 = arith.index_cast %get3A_595 : i32 to index
          %get3A_597 = arith.index_cast %add3A_589 : i32 to index
          %get3A_598 = arith.constant 0 : index
          %get3A_599 = tpu.vector_load %arg11[%get3A_596, %get3A_597, %get3A_598] {strides = array<i32>} : memref<5x40x128xf32, #tpu.memory_space<vmem>>, vector<16xf32>,
          %mul3A_600 = arith.mulf %get3A_599, %gather3A_594 : vector<16xf32>
          %swap3A_601 = arith.constant 3 : i32
          %swap3A_602 = arith.index_cast %swap3A_601 : i32 to index
          %swap3A_603 = arith.index_cast %add3A_589 : i32 to index
          %swap3A_604 = arith.constant 0 : index
          %swap3A_605 = tpu.vector_load %arg11[%swap3A_602, %swap3A_603, %swap3A_604] {strides = array<i32>} : memref<5x40x128xf32, #tpu.memory_space<vmem>>, vector<16xf32>,
          tpu.vector_store %arg11[%swap3A_602, %swap3A_603, %swap3A_604], %mul3A_600 {strides = array<i32>} : memref<5x40x128xf32, #tpu.memory_space<vmem>>, vector<16xf32>,
          %get3A_606 = arith.constant 3 : i32
          %get3A_607 = arith.index_cast %get3A_606 : i32 to index
          %get3A_608 = arith.index_cast %add3A_589 : i32 to index
          %get3A_609 = arith.constant 16 : index
          %get3A_610 = tpu.vector_load %arg11[%get3A_607, %get3A_608, %get3A_609] {strides = array<i32>} : memref<5x40x128xf32, #tpu.memory_space<vmem>>, vector<16xf32>,
          %mul3A_611 = arith.mulf %get3A_610, %gather3A_594 : vector<16xf32>
          %swap3A_612 = arith.constant 3 : i32
          %swap3A_613 = arith.index_cast %swap3A_612 : i32 to index
          %swap3A_614 = arith.index_cast %add3A_589 : i32 to index
          %swap3A_615 = arith.constant 16 : index
          %swap3A_616 = tpu.vector_load %arg11[%swap3A_613, %swap3A_614, %swap3A_615] {strides = array<i32>} : memref<5x40x128xf32, #tpu.memory_space<vmem>>, vector<16xf32>,
          tpu.vector_store %arg11[%swap3A_613, %swap3A_614, %swap3A_615], %mul3A_611 {strides = array<i32>} : memref<5x40x128xf32, #tpu.memory_space<vmem>>, vector<16xf32>,
          %get3A_617 = arith.constant 3 : i32
          %get3A_618 = arith.index_cast %get3A_617 : i32 to index
          %get3A_619 = arith.index_cast %add3A_589 : i32 to index
          %get3A_620 = arith.constant 32 : index
          %get3A_621 = tpu.vector_load %arg11[%get3A_618, %get3A_619, %get3A_620] {strides = array<i32>} : memref<5x40x128xf32, #tpu.memory_space<vmem>>, vector<16xf32>,
          %mul3A_622 = arith.mulf %get3A_621, %gather3A_594 : vector<16xf32>
          %swap3A_623 = arith.constant 3 : i32
          %swap3A_624 = arith.index_cast %swap3A_623 : i32 to index
          %swap3A_625 = arith.index_cast %add3A_589 : i32 to index
          %swap3A_626 = arith.constant 32 : index
          %swap3A_627 = tpu.vector_load %arg11[%swap3A_624, %swap3A_625, %swap3A_626] {strides = array<i32>} : memref<5x40x128xf32, #tpu.memory_space<vmem>>, vector<16xf32>,
          tpu.vector_store %arg11[%swap3A_624, %swap3A_625, %swap3A_626], %mul3A_622 {strides = array<i32>} : memref<5x40x128xf32, #tpu.memory_space<vmem>>, vector<16xf32>,
          %get3A_628 = arith.constant 3 : i32
          %get3A_629 = arith.index_cast %get3A_628 : i32 to index
          %get3A_630 = arith.index_cast %add3A_589 : i32 to index
          %get3A_631 = arith.constant 48 : index
          %get3A_632 = tpu.vector_load %arg11[%get3A_629, %get3A_630, %get3A_631] {strides = array<i32>} : memref<5x40x128xf32, #tpu.memory_space<vmem>>, vector<16xf32>,
          %mul3A_633 = arith.mulf %get3A_632, %gather3A_594 : vector<16xf32>
          %swap3A_634 = arith.constant 3 : i32
          %swap3A_635 = arith.index_cast %swap3A_634 : i32 to index
          %swap3A_636 = arith.index_cast %add3A_589 : i32 to index
          %swap3A_637 = arith.constant 48 : index
          %swap3A_638 = tpu.vector_load %arg11[%swap3A_635, %swap3A_636, %swap3A_637] {strides = array<i32>} : memref<5x40x128xf32, #tpu.memory_space<vmem>>, vector<16xf32>,
          tpu.vector_store %arg11[%swap3A_635, %swap3A_636, %swap3A_637], %mul3A_633 {strides = array<i32>} : memref<5x40x128xf32, #tpu.memory_space<vmem>>, vector<16xf32>,
          %get3A_639 = arith.constant 3 : i32
          %get3A_640 = arith.index_cast %get3A_639 : i32 to index
          %get3A_641 = arith.index_cast %add3A_589 : i32 to index
          %get3A_642 = arith.constant 64 : index
          %get3A_643 = tpu.vector_load %arg11[%get3A_640, %get3A_641, %get3A_642] {strides = array<i32>} : memref<5x40x128xf32, #tpu.memory_space<vmem>>, vector<16xf32>,
          %mul3A_644 = arith.mulf %get3A_643, %gather3A_594 : vector<16xf32>
          %swap3A_645 = arith.constant 3 : i32
          %swap3A_646 = arith.index_cast %swap3A_645 : i32 to index
          %swap3A_647 = arith.index_cast %add3A_589 : i32 to index
          %swap3A_648 = arith.constant 64 : index
          %swap3A_649 = tpu.vector_load %arg11[%swap3A_646, %swap3A_647, %swap3A_648] {strides = array<i32>} : memref<5x40x128xf32, #tpu.memory_space<vmem>>, vector<16xf32>,
          tpu.vector_store %arg11[%swap3A_646, %swap3A_647, %swap3A_648], %mul3A_644 {strides = array<i32>} : memref<5x40x128xf32, #tpu.memory_space<vmem>>, vector<16xf32>,
          %get3A_650 = arith.constant 3 : i32
          %get3A_651 = arith.index_cast %get3A_650 : i32 to index
          %get3A_652 = arith.index_cast %add3A_589 : i32 to index
          %get3A_653 = arith.constant 80 : index
          %get3A_654 = tpu.vector_load %arg11[%get3A_651, %get3A_652, %get3A_653] {strides = array<i32>} : memref<5x40x128xf32, #tpu.memory_space<vmem>>, vector<16xf32>,
          %mul3A_655 = arith.mulf %get3A_654, %gather3A_594 : vector<16xf32>
          %swap3A_656 = arith.constant 3 : i32
          %swap3A_657 = arith.index_cast %swap3A_656 : i32 to index
          %swap3A_658 = arith.index_cast %add3A_589 : i32 to index
          %swap3A_659 = arith.constant 80 : index
          %swap3A_660 = tpu.vector_load %arg11[%swap3A_657, %swap3A_658, %swap3A_659] {strides = array<i32>} : memref<5x40x128xf32, #tpu.memory_space<vmem>>, vector<16xf32>,
          tpu.vector_store %arg11[%swap3A_657, %swap3A_658, %swap3A_659], %mul3A_655 {strides = array<i32>} : memref<5x40x128xf32, #tpu.memory_space<vmem>>, vector<16xf32>,
          %get3A_661 = arith.constant 3 : i32
          %get3A_662 = arith.index_cast %get3A_661 : i32 to index
          %get3A_663 = arith.index_cast %add3A_589 : i32 to index
          %get3A_664 = arith.constant 96 : index
          %get3A_665 = tpu.vector_load %arg11[%get3A_662, %get3A_663, %get3A_664] {strides = array<i32>} : memref<5x40x128xf32, #tpu.memory_space<vmem>>, vector<16xf32>,
          %mul3A_666 = arith.mulf %get3A_665, %gather3A_594 : vector<16xf32>
          %swap3A_667 = arith.constant 3 : i32
          %swap3A_668 = arith.index_cast %swap3A_667 : i32 to index
          %swap3A_669 = arith.index_cast %add3A_589 : i32 to index
          %swap3A_670 = arith.constant 96 : index
          %swap3A_671 = tpu.vector_load %arg11[%swap3A_668, %swap3A_669, %swap3A_670] {strides = array<i32>} : memref<5x40x128xf32, #tpu.memory_space<vmem>>, vector<16xf32>,
          tpu.vector_store %arg11[%swap3A_668, %swap3A_669, %swap3A_670], %mul3A_666 {strides = array<i32>} : memref<5x40x128xf32, #tpu.memory_space<vmem>>, vector<16xf32>,
          %get3A_672 = arith.constant 3 : i32
          %get3A_673 = arith.index_cast %get3A_672 : i32 to index
          %get3A_674 = arith.index_cast %add3A_589 : i32 to index
          %get3A_675 = arith.constant 112 : index
          %get3A_676 = tpu.vector_load %arg11[%get3A_673, %get3A_674, %get3A_675] {strides = array<i32>} : memref<5x40x128xf32, #tpu.memory_space<vmem>>, vector<16xf32>,
          %mul3A_677 = arith.mulf %get3A_676, %gather3A_594 : vector<16xf32>
          %swap3A_678 = arith.constant 3 : i32
          %swap3A_679 = arith.index_cast %swap3A_678 : i32 to index
          %swap3A_680 = arith.index_cast %add3A_589 : i32 to index
          %swap3A_681 = arith.constant 112 : index
          %swap3A_682 = tpu.vector_load %arg11[%swap3A_679, %swap3A_680, %swap3A_681] {strides = array<i32>} : memref<5x40x128xf32, #tpu.memory_space<vmem>>, vector<16xf32>,
          tpu.vector_store %arg11[%swap3A_679, %swap3A_680, %swap3A_681], %mul3A_677 {strides = array<i32>} : memref<5x40x128xf32, #tpu.memory_space<vmem>>, vector<16xf32>,
          %mul3A_683 = arith.constant 4 : i32
          %mul3A_684 = arith.muli %scan3A_395, %mul3A_683 : i32
          %add3A_685 = arith.constant 3 : i32
          %add3A_686 = arith.addi %mul3A_684, %add3A_685 : i32
          %mul3A_687 = arith.constant 40 : i32
          %mul3A_688 = arith.muli %add3A_310, %mul3A_687 : i32
          %add3A_689 = arith.addi %mul3A_688, %add3A_686 : i32
          %broadcast_in_dim3A_690 = vector.broadcast %add3A_689 : i32 to vector<16xi32>
          %gather3A_691 = tpu.vector_load_idx %arg10[%broadcast_in_dim3A_690] : memref<2000xf32, #tpu.memory_space<vmem>>[vector<16xi32>], vector<16xf32>,
          %get3A_692 = arith.constant 3 : i32
          %get3A_693 = arith.index_cast %get3A_692 : i32 to index
          %get3A_694 = arith.index_cast %add3A_686 : i32 to index
          %get3A_695 = arith.constant 0 : index
          %get3A_696 = tpu.vector_load %arg11[%get3A_693, %get3A_694, %get3A_695] {strides = array<i32>} : memref<5x40x128xf32, #tpu.memory_space<vmem>>, vector<16xf32>,
          %mul3A_697 = arith.mulf %get3A_696, %gather3A_691 : vector<16xf32>
          %swap3A_698 = arith.constant 3 : i32
          %swap3A_699 = arith.index_cast %swap3A_698 : i32 to index
          %swap3A_700 = arith.index_cast %add3A_686 : i32 to index
          %swap3A_701 = arith.constant 0 : index
          %swap3A_702 = tpu.vector_load %arg11[%swap3A_699, %swap3A_700, %swap3A_701] {strides = array<i32>} : memref<5x40x128xf32, #tpu.memory_space<vmem>>, vector<16xf32>,
          tpu.vector_store %arg11[%swap3A_699, %swap3A_700, %swap3A_701], %mul3A_697 {strides = array<i32>} : memref<5x40x128xf32, #tpu.memory_space<vmem>>, vector<16xf32>,
          %get3A_703 = arith.constant 3 : i32
          %get3A_704 = arith.index_cast %get3A_703 : i32 to index
          %get3A_705 = arith.index_cast %add3A_686 : i32 to index
          %get3A_706 = arith.constant 16 : index
          %get3A_707 = tpu.vector_load %arg11[%get3A_704, %get3A_705, %get3A_706] {strides = array<i32>} : memref<5x40x128xf32, #tpu.memory_space<vmem>>, vector<16xf32>,
          %mul3A_708 = arith.mulf %get3A_707, %gather3A_691 : vector<16xf32>
          %swap3A_709 = arith.constant 3 : i32
          %swap3A_710 = arith.index_cast %swap3A_709 : i32 to index
          %swap3A_711 = arith.index_cast %add3A_686 : i32 to index
          %swap3A_712 = arith.constant 16 : index
          %swap3A_713 = tpu.vector_load %arg11[%swap3A_710, %swap3A_711, %swap3A_712] {strides = array<i32>} : memref<5x40x128xf32, #tpu.memory_space<vmem>>, vector<16xf32>,
          tpu.vector_store %arg11[%swap3A_710, %swap3A_711, %swap3A_712], %mul3A_708 {strides = array<i32>} : memref<5x40x128xf32, #tpu.memory_space<vmem>>, vector<16xf32>,
          %get3A_714 = arith.constant 3 : i32
          %get3A_715 = arith.index_cast %get3A_714 : i32 to index
          %get3A_716 = arith.index_cast %add3A_686 : i32 to index
          %get3A_717 = arith.constant 32 : index
          %get3A_718 = tpu.vector_load %arg11[%get3A_715, %get3A_716, %get3A_717] {strides = array<i32>} : memref<5x40x128xf32, #tpu.memory_space<vmem>>, vector<16xf32>,
          %mul3A_719 = arith.mulf %get3A_718, %gather3A_691 : vector<16xf32>
          %swap3A_720 = arith.constant 3 : i32
          %swap3A_721 = arith.index_cast %swap3A_720 : i32 to index
          %swap3A_722 = arith.index_cast %add3A_686 : i32 to index
          %swap3A_723 = arith.constant 32 : index
          %swap3A_724 = tpu.vector_load %arg11[%swap3A_721, %swap3A_722, %swap3A_723] {strides = array<i32>} : memref<5x40x128xf32, #tpu.memory_space<vmem>>, vector<16xf32>,
          tpu.vector_store %arg11[%swap3A_721, %swap3A_722, %swap3A_723], %mul3A_719 {strides = array<i32>} : memref<5x40x128xf32, #tpu.memory_space<vmem>>, vector<16xf32>,
          %get3A_725 = arith.constant 3 : i32
          %get3A_726 = arith.index_cast %get3A_725 : i32 to index
          %get3A_727 = arith.index_cast %add3A_686 : i32 to index
          %get3A_728 = arith.constant 48 : index
          %get3A_729 = tpu.vector_load %arg11[%get3A_726, %get3A_727, %get3A_728] {strides = array<i32>} : memref<5x40x128xf32, #tpu.memory_space<vmem>>, vector<16xf32>,
          %mul3A_730 = arith.mulf %get3A_729, %gather3A_691 : vector<16xf32>
          %swap3A_731 = arith.constant 3 : i32
          %swap3A_732 = arith.index_cast %swap3A_731 : i32 to index
          %swap3A_733 = arith.index_cast %add3A_686 : i32 to index
          %swap3A_734 = arith.constant 48 : index
          %swap3A_735 = tpu.vector_load %arg11[%swap3A_732, %swap3A_733, %swap3A_734] {strides = array<i32>} : memref<5x40x128xf32, #tpu.memory_space<vmem>>, vector<16xf32>,
          tpu.vector_store %arg11[%swap3A_732, %swap3A_733, %swap3A_734], %mul3A_730 {strides = array<i32>} : memref<5x40x128xf32, #tpu.memory_space<vmem>>, vector<16xf32>,
          %get3A_736 = arith.constant 3 : i32
          %get3A_737 = arith.index_cast %get3A_736 : i32 to index
          %get3A_738 = arith.index_cast %add3A_686 : i32 to index
          %get3A_739 = arith.constant 64 : index
          %get3A_740 = tpu.vector_load %arg11[%get3A_737, %get3A_738, %get3A_739] {strides = array<i32>} : memref<5x40x128xf32, #tpu.memory_space<vmem>>, vector<16xf32>,
          %mul3A_741 = arith.mulf %get3A_740, %gather3A_691 : vector<16xf32>
          %swap3A_742 = arith.constant 3 : i32
          %swap3A_743 = arith.index_cast %swap3A_742 : i32 to index
          %swap3A_744 = arith.index_cast %add3A_686 : i32 to index
          %swap3A_745 = arith.constant 64 : index
          %swap3A_746 = tpu.vector_load %arg11[%swap3A_743, %swap3A_744, %swap3A_745] {strides = array<i32>} : memref<5x40x128xf32, #tpu.memory_space<vmem>>, vector<16xf32>,
          tpu.vector_store %arg11[%swap3A_743, %swap3A_744, %swap3A_745], %mul3A_741 {strides = array<i32>} : memref<5x40x128xf32, #tpu.memory_space<vmem>>, vector<16xf32>,
          %get3A_747 = arith.constant 3 : i32
          %get3A_748 = arith.index_cast %get3A_747 : i32 to index
          %get3A_749 = arith.index_cast %add3A_686 : i32 to index
          %get3A_750 = arith.constant 80 : index
          %get3A_751 = tpu.vector_load %arg11[%get3A_748, %get3A_749, %get3A_750] {strides = array<i32>} : memref<5x40x128xf32, #tpu.memory_space<vmem>>, vector<16xf32>,
          %mul3A_752 = arith.mulf %get3A_751, %gather3A_691 : vector<16xf32>
          %swap3A_753 = arith.constant 3 : i32
          %swap3A_754 = arith.index_cast %swap3A_753 : i32 to index
          %swap3A_755 = arith.index_cast %add3A_686 : i32 to index
          %swap3A_756 = arith.constant 80 : index
          %swap3A_757 = tpu.vector_load %arg11[%swap3A_754, %swap3A_755, %swap3A_756] {strides = array<i32>} : memref<5x40x128xf32, #tpu.memory_space<vmem>>, vector<16xf32>,
          tpu.vector_store %arg11[%swap3A_754, %swap3A_755, %swap3A_756], %mul3A_752 {strides = array<i32>} : memref<5x40x128xf32, #tpu.memory_space<vmem>>, vector<16xf32>,
          %get3A_758 = arith.constant 3 : i32
          %get3A_759 = arith.index_cast %get3A_758 : i32 to index
          %get3A_760 = arith.index_cast %add3A_686 : i32 to index
          %get3A_761 = arith.constant 96 : index
          %get3A_762 = tpu.vector_load %arg11[%get3A_759, %get3A_760, %get3A_761] {strides = array<i32>} : memref<5x40x128xf32, #tpu.memory_space<vmem>>, vector<16xf32>,
          %mul3A_763 = arith.mulf %get3A_762, %gather3A_691 : vector<16xf32>
          %swap3A_764 = arith.constant 3 : i32
          %swap3A_765 = arith.index_cast %swap3A_764 : i32 to index
          %swap3A_766 = arith.index_cast %add3A_686 : i32 to index
          %swap3A_767 = arith.constant 96 : index
          %swap3A_768 = tpu.vector_load %arg11[%swap3A_765, %swap3A_766, %swap3A_767] {strides = array<i32>} : memref<5x40x128xf32, #tpu.memory_space<vmem>>, vector<16xf32>,
          tpu.vector_store %arg11[%swap3A_765, %swap3A_766, %swap3A_767], %mul3A_763 {strides = array<i32>} : memref<5x40x128xf32, #tpu.memory_space<vmem>>, vector<16xf32>,
          %get3A_769 = arith.constant 3 : i32
          %get3A_770 = arith.index_cast %get3A_769 : i32 to index
          %get3A_771 = arith.index_cast %add3A_686 : i32 to index
          %get3A_772 = arith.constant 112 : index
          %get3A_773 = tpu.vector_load %arg11[%get3A_770, %get3A_771, %get3A_772] {strides = array<i32>} : memref<5x40x128xf32, #tpu.memory_space<vmem>>, vector<16xf32>,
          %mul3A_774 = arith.mulf %get3A_773, %gather3A_691 : vector<16xf32>
          %swap3A_775 = arith.constant 3 : i32
          %swap3A_776 = arith.index_cast %swap3A_775 : i32 to index
          %swap3A_777 = arith.index_cast %add3A_686 : i32 to index
          %swap3A_778 = arith.constant 112 : index
          %swap3A_779 = tpu.vector_load %arg11[%swap3A_776, %swap3A_777, %swap3A_778] {strides = array<i32>} : memref<5x40x128xf32, #tpu.memory_space<vmem>>, vector<16xf32>,
          tpu.vector_store %arg11[%swap3A_776, %swap3A_777, %swap3A_778], %mul3A_774 {strides = array<i32>} : memref<5x40x128xf32, #tpu.memory_space<vmem>>, vector<16xf32>,
        }
        %scan3A_326 = arith.constant 10 : i32
        %dma_start3A_327 = arith.constant 3 : i32
        %dma_start3A_328 = arith.constant 0 : i32
        %dma_start3A_329 = arith.constant 0 : i32
        %dma_start3A_330 = tpu.memref_slice %arg11[%dma_start3A_327, %dma_start3A_328, %dma_start3A_329] : memref<5x40x128xf32, #tpu.memory_space<vmem>> -> memref<1x40x128xf32, #tpu.memory_space<vmem>>
        %dma_start3A_331 = tpu.memref_squeeze %dma_start3A_330 : memref<1x40x128xf32, #tpu.memory_space<vmem>> -> memref<40x128xf32, #tpu.memory_space<vmem>>
        %dma_start3A_332 = arith.constant 0 : i32
        %dma_start3A_333 = tpu.memref_slice %arg9[%add3A_310, %dma_start3A_332] : memref<50x40xi32, #tpu.memory_space<vmem>> -> memref<1x40xi32, #tpu.memory_space<vmem>>
        %dma_start3A_334 = tpu.memref_squeeze %dma_start3A_333 : memref<1x40xi32, #tpu.memory_space<vmem>> -> memref<40xi32, #tpu.memory_space<vmem>>
        %dma_start3A_335 = arith.constant 0 : i32
        %dma_start3A_336 = arith.constant 0 : i32
        %dma_start3A_337 = tpu.memref_slice %arg13[%dma_start3A_335, %dma_start3A_336] : memref<10240x128xf32, #tpu.memory_space<vmem_shared>> -> memref<10240x128xf32, #tpu.memory_space<vmem_shared>>
        tpu.enqueue_indirect_dma source(%dma_start3A_331 : memref<40x128xf32, #tpu.memory_space<vmem>>) target(%dma_start3A_337 : memref<10240x128xf32, #tpu.memory_space<vmem_shared>>) offsets(%dma_start3A_334 : memref<40xi32, #tpu.memory_space<vmem>>) semaphore(%arg22 : memref<!tpu.dma_semaphore, #tpu.memory_space<semaphore_mem>>) {add = true}
        %add3A_338 = arith.constant 1 : i32
        %add3A_339 = arith.addi %scan3A_157, %add3A_338 : i32
        %mul3A_340 = arith.constant 5 : i32
        %mul3A_341 = arith.muli %add3A_339, %mul3A_340 : i32
        %add3A_342 = arith.constant 1 : i32
        %add3A_343 = arith.addi %mul3A_341, %add3A_342 : i32
        %add3A_344 = arith.constant 1 : i32
        %add3A_345 = arith.addi %scan3A_157, %add3A_344 : i32
        %lt3A_346 = arith.constant 10 : i32
        %lt3A_347 = arith.cmpi slt, %add3A_345, %lt3A_346 : i32
        %convert_element_type3A_348 = arith.extui %lt3A_347 : i1 to i32
        %cond3A_349 = arith.constant 0 : i32
        %cond3A_350 = arith.cmpi ne, %convert_element_type3A_348, %cond3A_349 : i32
        scf.if %cond3A_350 {
          %dma_wait3A_395 = arith.constant 1 : i32
          %dma_wait3A_396 = arith.constant 0 : i32
          %dma_wait3A_397 = arith.constant 0 : i32
          %dma_wait3A_398 = tpu.memref_slice %arg11[%dma_wait3A_395, %dma_wait3A_396, %dma_wait3A_397] : memref<5x40x128xf32, #tpu.memory_space<vmem>> -> memref<1x40x128xf32, #tpu.memory_space<vmem>>
          %dma_wait3A_399 = tpu.memref_squeeze %dma_wait3A_398 : memref<1x40x128xf32, #tpu.memory_space<vmem>> -> memref<40x128xf32, #tpu.memory_space<vmem>>
          %dma_wait3A_400 = arith.constant 0 : i32
          %dma_wait3A_401 = arith.constant 0 : i32
          %dma_wait3A_402 = tpu.memref_slice %arg13[%dma_wait3A_400, %dma_wait3A_401] : memref<10240x128xf32, #tpu.memory_space<vmem_shared>> -> memref<10240x128xf32, #tpu.memory_space<vmem_shared>>
          tpu.wait_indirect_dma semaphore(%arg20 : memref<!tpu.dma_semaphore, #tpu.memory_space<semaphore_mem>>) src(%dma_wait3A_399 : memref<40x128xf32, #tpu.memory_space<vmem>>) dst(%dma_wait3A_402 : memref<10240x128xf32, #tpu.memory_space<vmem_shared>>)
          %dma_start3A_403 = arith.constant 1 : i32
          %dma_start3A_404 = arith.constant 0 : i32
          %dma_start3A_405 = arith.constant 0 : i32
          %dma_start3A_406 = tpu.memref_slice %arg11[%dma_start3A_403, %dma_start3A_404, %dma_start3A_405] : memref<5x40x128xf32, #tpu.memory_space<vmem>> -> memref<1x40x128xf32, #tpu.memory_space<vmem>>
          %dma_start3A_407 = tpu.memref_squeeze %dma_start3A_406 : memref<1x40x128xf32, #tpu.memory_space<vmem>> -> memref<40x128xf32, #tpu.memory_space<vmem>>
          %dma_start3A_408 = arith.constant 0 : i32
          %dma_start3A_409 = tpu.memref_slice %arg8[%add3A_343, %dma_start3A_408] : memref<50x40xi32, #tpu.memory_space<vmem>> -> memref<1x40xi32, #tpu.memory_space<vmem>>
          %dma_start3A_410 = tpu.memref_squeeze %dma_start3A_409 : memref<1x40xi32, #tpu.memory_space<vmem>> -> memref<40xi32, #tpu.memory_space<vmem>>
          %dma_start3A_411 = arith.constant 0 : i32
          %dma_start3A_412 = arith.constant 0 : i32
          %dma_start3A_413 = tpu.memref_slice %arg2[%dma_start3A_411, %dma_start3A_412] : memref<10000x128xf32, #tpu.memory_space<hbm>> -> memref<10000x128xf32, #tpu.memory_space<hbm>>
          tpu.enqueue_indirect_dma source(%dma_start3A_413 : memref<10000x128xf32, #tpu.memory_space<hbm>>) target(%dma_start3A_407 : memref<40x128xf32, #tpu.memory_space<vmem>>) offsets(%dma_start3A_410 : memref<40xi32, #tpu.memory_space<vmem>>) semaphore(%arg15 : memref<!tpu.dma_semaphore, #tpu.memory_space<semaphore_mem>>)
        } else {
        }
        %mul3A_351 = arith.constant 5 : i32
        %mul3A_352 = arith.muli %scan3A_157, %mul3A_351 : i32
        %add3A_353 = arith.constant 4 : i32
        %add3A_354 = arith.addi %mul3A_352, %add3A_353 : i32
        %dma_wait3A_355 = arith.constant 4 : i32
        %dma_wait3A_356 = arith.constant 0 : i32
        %dma_wait3A_357 = arith.constant 0 : i32
        %dma_wait3A_358 = tpu.memref_slice %arg11[%dma_wait3A_355, %dma_wait3A_356, %dma_wait3A_357] : memref<5x40x128xf32, #tpu.memory_space<vmem>> -> memref<1x40x128xf32, #tpu.memory_space<vmem>>
        %dma_wait3A_359 = tpu.memref_squeeze %dma_wait3A_358 : memref<1x40x128xf32, #tpu.memory_space<vmem>> -> memref<40x128xf32, #tpu.memory_space<vmem>>
        %dma_wait3A_360 = arith.constant 0 : i32
        %dma_wait3A_361 = tpu.memref_slice %arg8[%add3A_354, %dma_wait3A_360] : memref<50x40xi32, #tpu.memory_space<vmem>> -> memref<1x40xi32, #tpu.memory_space<vmem>>
        %dma_wait3A_362 = tpu.memref_squeeze %dma_wait3A_361 : memref<1x40xi32, #tpu.memory_space<vmem>> -> memref<40xi32, #tpu.memory_space<vmem>>
        %dma_wait3A_363 = arith.constant 0 : i32
        %dma_wait3A_364 = arith.constant 0 : i32
        %dma_wait3A_365 = tpu.memref_slice %arg2[%dma_wait3A_363, %dma_wait3A_364] : memref<10000x128xf32, #tpu.memory_space<hbm>> -> memref<10000x128xf32, #tpu.memory_space<hbm>>
        tpu.wait_indirect_dma semaphore(%arg18 : memref<!tpu.dma_semaphore, #tpu.memory_space<semaphore_mem>>) src(%dma_wait3A_365 : memref<10000x128xf32, #tpu.memory_space<hbm>>) dst(%dma_wait3A_359 : memref<40x128xf32, #tpu.memory_space<vmem>>)
        %scan3A_366 = arith.constant 0 : i32
        %scan3A_367 = arith.constant 10 : i32
        %scan3A_368 = arith.addi %scan3A_366, %scan3A_367 : i32
        %scan3A_369 = arith.constant 1 : i32
        scf.for %scan3A_395 = %scan3A_366 to %scan3A_368 step %scan3A_369  : i32 {
          %mul3A_396 = arith.constant 4 : i32
          %mul3A_397 = arith.muli %scan3A_395, %mul3A_396 : i32
          %add3A_398 = arith.constant 0 : i32
          %add3A_399 = arith.addi %mul3A_397, %add3A_398 : i32
          %mul3A_400 = arith.constant 40 : i32
          %mul3A_401 = arith.muli %add3A_354, %mul3A_400 : i32
          %add3A_402 = arith.addi %mul3A_401, %add3A_399 : i32
          %broadcast_in_dim3A = vector.broadcast %add3A_402 : i32 to vector<16xi32>
          %gather3A = tpu.vector_load_idx %arg10[%broadcast_in_dim3A] : memref<2000xf32, #tpu.memory_space<vmem>>[vector<16xi32>], vector<16xf32>,
          %get3A = arith.constant 4 : i32
          %get3A_403 = arith.index_cast %get3A : i32 to index
          %get3A_404 = arith.index_cast %add3A_399 : i32 to index
          %get3A_405 = arith.constant 0 : index
          %get3A_406 = tpu.vector_load %arg11[%get3A_403, %get3A_404, %get3A_405] {strides = array<i32>} : memref<5x40x128xf32, #tpu.memory_space<vmem>>, vector<16xf32>,
          %mul3A_407 = arith.mulf %get3A_406, %gather3A : vector<16xf32>
          %swap3A = arith.constant 4 : i32
          %swap3A_408 = arith.index_cast %swap3A : i32 to index
          %swap3A_409 = arith.index_cast %add3A_399 : i32 to index
          %swap3A_410 = arith.constant 0 : index
          %swap3A_411 = tpu.vector_load %arg11[%swap3A_408, %swap3A_409, %swap3A_410] {strides = array<i32>} : memref<5x40x128xf32, #tpu.memory_space<vmem>>, vector<16xf32>,
          tpu.vector_store %arg11[%swap3A_408, %swap3A_409, %swap3A_410], %mul3A_407 {strides = array<i32>} : memref<5x40x128xf32, #tpu.memory_space<vmem>>, vector<16xf32>,
          %get3A_412 = arith.constant 4 : i32
          %get3A_413 = arith.index_cast %get3A_412 : i32 to index
          %get3A_414 = arith.index_cast %add3A_399 : i32 to index
          %get3A_415 = arith.constant 16 : index
          %get3A_416 = tpu.vector_load %arg11[%get3A_413, %get3A_414, %get3A_415] {strides = array<i32>} : memref<5x40x128xf32, #tpu.memory_space<vmem>>, vector<16xf32>,
          %mul3A_417 = arith.mulf %get3A_416, %gather3A : vector<16xf32>
          %swap3A_418 = arith.constant 4 : i32
          %swap3A_419 = arith.index_cast %swap3A_418 : i32 to index
          %swap3A_420 = arith.index_cast %add3A_399 : i32 to index
          %swap3A_421 = arith.constant 16 : index
          %swap3A_422 = tpu.vector_load %arg11[%swap3A_419, %swap3A_420, %swap3A_421] {strides = array<i32>} : memref<5x40x128xf32, #tpu.memory_space<vmem>>, vector<16xf32>,
          tpu.vector_store %arg11[%swap3A_419, %swap3A_420, %swap3A_421], %mul3A_417 {strides = array<i32>} : memref<5x40x128xf32, #tpu.memory_space<vmem>>, vector<16xf32>,
          %get3A_423 = arith.constant 4 : i32
          %get3A_424 = arith.index_cast %get3A_423 : i32 to index
          %get3A_425 = arith.index_cast %add3A_399 : i32 to index
          %get3A_426 = arith.constant 32 : index
          %get3A_427 = tpu.vector_load %arg11[%get3A_424, %get3A_425, %get3A_426] {strides = array<i32>} : memref<5x40x128xf32, #tpu.memory_space<vmem>>, vector<16xf32>,
          %mul3A_428 = arith.mulf %get3A_427, %gather3A : vector<16xf32>
          %swap3A_429 = arith.constant 4 : i32
          %swap3A_430 = arith.index_cast %swap3A_429 : i32 to index
          %swap3A_431 = arith.index_cast %add3A_399 : i32 to index
          %swap3A_432 = arith.constant 32 : index
          %swap3A_433 = tpu.vector_load %arg11[%swap3A_430, %swap3A_431, %swap3A_432] {strides = array<i32>} : memref<5x40x128xf32, #tpu.memory_space<vmem>>, vector<16xf32>,
          tpu.vector_store %arg11[%swap3A_430, %swap3A_431, %swap3A_432], %mul3A_428 {strides = array<i32>} : memref<5x40x128xf32, #tpu.memory_space<vmem>>, vector<16xf32>,
          %get3A_434 = arith.constant 4 : i32
          %get3A_435 = arith.index_cast %get3A_434 : i32 to index
          %get3A_436 = arith.index_cast %add3A_399 : i32 to index
          %get3A_437 = arith.constant 48 : index
          %get3A_438 = tpu.vector_load %arg11[%get3A_435, %get3A_436, %get3A_437] {strides = array<i32>} : memref<5x40x128xf32, #tpu.memory_space<vmem>>, vector<16xf32>,
          %mul3A_439 = arith.mulf %get3A_438, %gather3A : vector<16xf32>
          %swap3A_440 = arith.constant 4 : i32
          %swap3A_441 = arith.index_cast %swap3A_440 : i32 to index
          %swap3A_442 = arith.index_cast %add3A_399 : i32 to index
          %swap3A_443 = arith.constant 48 : index
          %swap3A_444 = tpu.vector_load %arg11[%swap3A_441, %swap3A_442, %swap3A_443] {strides = array<i32>} : memref<5x40x128xf32, #tpu.memory_space<vmem>>, vector<16xf32>,
          tpu.vector_store %arg11[%swap3A_441, %swap3A_442, %swap3A_443], %mul3A_439 {strides = array<i32>} : memref<5x40x128xf32, #tpu.memory_space<vmem>>, vector<16xf32>,
          %get3A_445 = arith.constant 4 : i32
          %get3A_446 = arith.index_cast %get3A_445 : i32 to index
          %get3A_447 = arith.index_cast %add3A_399 : i32 to index
          %get3A_448 = arith.constant 64 : index
          %get3A_449 = tpu.vector_load %arg11[%get3A_446, %get3A_447, %get3A_448] {strides = array<i32>} : memref<5x40x128xf32, #tpu.memory_space<vmem>>, vector<16xf32>,
          %mul3A_450 = arith.mulf %get3A_449, %gather3A : vector<16xf32>
          %swap3A_451 = arith.constant 4 : i32
          %swap3A_452 = arith.index_cast %swap3A_451 : i32 to index
          %swap3A_453 = arith.index_cast %add3A_399 : i32 to index
          %swap3A_454 = arith.constant 64 : index
          %swap3A_455 = tpu.vector_load %arg11[%swap3A_452, %swap3A_453, %swap3A_454] {strides = array<i32>} : memref<5x40x128xf32, #tpu.memory_space<vmem>>, vector<16xf32>,
          tpu.vector_store %arg11[%swap3A_452, %swap3A_453, %swap3A_454], %mul3A_450 {strides = array<i32>} : memref<5x40x128xf32, #tpu.memory_space<vmem>>, vector<16xf32>,
          %get3A_456 = arith.constant 4 : i32
          %get3A_457 = arith.index_cast %get3A_456 : i32 to index
          %get3A_458 = arith.index_cast %add3A_399 : i32 to index
          %get3A_459 = arith.constant 80 : index
          %get3A_460 = tpu.vector_load %arg11[%get3A_457, %get3A_458, %get3A_459] {strides = array<i32>} : memref<5x40x128xf32, #tpu.memory_space<vmem>>, vector<16xf32>,
          %mul3A_461 = arith.mulf %get3A_460, %gather3A : vector<16xf32>
          %swap3A_462 = arith.constant 4 : i32
          %swap3A_463 = arith.index_cast %swap3A_462 : i32 to index
          %swap3A_464 = arith.index_cast %add3A_399 : i32 to index
          %swap3A_465 = arith.constant 80 : index
          %swap3A_466 = tpu.vector_load %arg11[%swap3A_463, %swap3A_464, %swap3A_465] {strides = array<i32>} : memref<5x40x128xf32, #tpu.memory_space<vmem>>, vector<16xf32>,
          tpu.vector_store %arg11[%swap3A_463, %swap3A_464, %swap3A_465], %mul3A_461 {strides = array<i32>} : memref<5x40x128xf32, #tpu.memory_space<vmem>>, vector<16xf32>,
          %get3A_467 = arith.constant 4 : i32
          %get3A_468 = arith.index_cast %get3A_467 : i32 to index
          %get3A_469 = arith.index_cast %add3A_399 : i32 to index
          %get3A_470 = arith.constant 96 : index
          %get3A_471 = tpu.vector_load %arg11[%get3A_468, %get3A_469, %get3A_470] {strides = array<i32>} : memref<5x40x128xf32, #tpu.memory_space<vmem>>, vector<16xf32>,
          %mul3A_472 = arith.mulf %get3A_471, %gather3A : vector<16xf32>
          %swap3A_473 = arith.constant 4 : i32
          %swap3A_474 = arith.index_cast %swap3A_473 : i32 to index
          %swap3A_475 = arith.index_cast %add3A_399 : i32 to index
          %swap3A_476 = arith.constant 96 : index
          %swap3A_477 = tpu.vector_load %arg11[%swap3A_474, %swap3A_475, %swap3A_476] {strides = array<i32>} : memref<5x40x128xf32, #tpu.memory_space<vmem>>, vector<16xf32>,
          tpu.vector_store %arg11[%swap3A_474, %swap3A_475, %swap3A_476], %mul3A_472 {strides = array<i32>} : memref<5x40x128xf32, #tpu.memory_space<vmem>>, vector<16xf32>,
          %get3A_478 = arith.constant 4 : i32
          %get3A_479 = arith.index_cast %get3A_478 : i32 to index
          %get3A_480 = arith.index_cast %add3A_399 : i32 to index
          %get3A_481 = arith.constant 112 : index
          %get3A_482 = tpu.vector_load %arg11[%get3A_479, %get3A_480, %get3A_481] {strides = array<i32>} : memref<5x40x128xf32, #tpu.memory_space<vmem>>, vector<16xf32>,
          %mul3A_483 = arith.mulf %get3A_482, %gather3A : vector<16xf32>
          %swap3A_484 = arith.constant 4 : i32
          %swap3A_485 = arith.index_cast %swap3A_484 : i32 to index
          %swap3A_486 = arith.index_cast %add3A_399 : i32 to index
          %swap3A_487 = arith.constant 112 : index
          %swap3A_488 = tpu.vector_load %arg11[%swap3A_485, %swap3A_486, %swap3A_487] {strides = array<i32>} : memref<5x40x128xf32, #tpu.memory_space<vmem>>, vector<16xf32>,
          tpu.vector_store %arg11[%swap3A_485, %swap3A_486, %swap3A_487], %mul3A_483 {strides = array<i32>} : memref<5x40x128xf32, #tpu.memory_space<vmem>>, vector<16xf32>,
          %mul3A_489 = arith.constant 4 : i32
          %mul3A_490 = arith.muli %scan3A_395, %mul3A_489 : i32
          %add3A_491 = arith.constant 1 : i32
          %add3A_492 = arith.addi %mul3A_490, %add3A_491 : i32
          %mul3A_493 = arith.constant 40 : i32
          %mul3A_494 = arith.muli %add3A_354, %mul3A_493 : i32
          %add3A_495 = arith.addi %mul3A_494, %add3A_492 : i32
          %broadcast_in_dim3A_496 = vector.broadcast %add3A_495 : i32 to vector<16xi32>
          %gather3A_497 = tpu.vector_load_idx %arg10[%broadcast_in_dim3A_496] : memref<2000xf32, #tpu.memory_space<vmem>>[vector<16xi32>], vector<16xf32>,
          %get3A_498 = arith.constant 4 : i32
          %get3A_499 = arith.index_cast %get3A_498 : i32 to index
          %get3A_500 = arith.index_cast %add3A_492 : i32 to index
          %get3A_501 = arith.constant 0 : index
          %get3A_502 = tpu.vector_load %arg11[%get3A_499, %get3A_500, %get3A_501] {strides = array<i32>} : memref<5x40x128xf32, #tpu.memory_space<vmem>>, vector<16xf32>,
          %mul3A_503 = arith.mulf %get3A_502, %gather3A_497 : vector<16xf32>
          %swap3A_504 = arith.constant 4 : i32
          %swap3A_505 = arith.index_cast %swap3A_504 : i32 to index
          %swap3A_506 = arith.index_cast %add3A_492 : i32 to index
          %swap3A_507 = arith.constant 0 : index
          %swap3A_508 = tpu.vector_load %arg11[%swap3A_505, %swap3A_506, %swap3A_507] {strides = array<i32>} : memref<5x40x128xf32, #tpu.memory_space<vmem>>, vector<16xf32>,
          tpu.vector_store %arg11[%swap3A_505, %swap3A_506, %swap3A_507], %mul3A_503 {strides = array<i32>} : memref<5x40x128xf32, #tpu.memory_space<vmem>>, vector<16xf32>,
          %get3A_509 = arith.constant 4 : i32
          %get3A_510 = arith.index_cast %get3A_509 : i32 to index
          %get3A_511 = arith.index_cast %add3A_492 : i32 to index
          %get3A_512 = arith.constant 16 : index
          %get3A_513 = tpu.vector_load %arg11[%get3A_510, %get3A_511, %get3A_512] {strides = array<i32>} : memref<5x40x128xf32, #tpu.memory_space<vmem>>, vector<16xf32>,
          %mul3A_514 = arith.mulf %get3A_513, %gather3A_497 : vector<16xf32>
          %swap3A_515 = arith.constant 4 : i32
          %swap3A_516 = arith.index_cast %swap3A_515 : i32 to index
          %swap3A_517 = arith.index_cast %add3A_492 : i32 to index
          %swap3A_518 = arith.constant 16 : index
          %swap3A_519 = tpu.vector_load %arg11[%swap3A_516, %swap3A_517, %swap3A_518] {strides = array<i32>} : memref<5x40x128xf32, #tpu.memory_space<vmem>>, vector<16xf32>,
          tpu.vector_store %arg11[%swap3A_516, %swap3A_517, %swap3A_518], %mul3A_514 {strides = array<i32>} : memref<5x40x128xf32, #tpu.memory_space<vmem>>, vector<16xf32>,
          %get3A_520 = arith.constant 4 : i32
          %get3A_521 = arith.index_cast %get3A_520 : i32 to index
          %get3A_522 = arith.index_cast %add3A_492 : i32 to index
          %get3A_523 = arith.constant 32 : index
          %get3A_524 = tpu.vector_load %arg11[%get3A_521, %get3A_522, %get3A_523] {strides = array<i32>} : memref<5x40x128xf32, #tpu.memory_space<vmem>>, vector<16xf32>,
          %mul3A_525 = arith.mulf %get3A_524, %gather3A_497 : vector<16xf32>
          %swap3A_526 = arith.constant 4 : i32
          %swap3A_527 = arith.index_cast %swap3A_526 : i32 to index
          %swap3A_528 = arith.index_cast %add3A_492 : i32 to index
          %swap3A_529 = arith.constant 32 : index
          %swap3A_530 = tpu.vector_load %arg11[%swap3A_527, %swap3A_528, %swap3A_529] {strides = array<i32>} : memref<5x40x128xf32, #tpu.memory_space<vmem>>, vector<16xf32>,
          tpu.vector_store %arg11[%swap3A_527, %swap3A_528, %swap3A_529], %mul3A_525 {strides = array<i32>} : memref<5x40x128xf32, #tpu.memory_space<vmem>>, vector<16xf32>,
          %get3A_531 = arith.constant 4 : i32
          %get3A_532 = arith.index_cast %get3A_531 : i32 to index
          %get3A_533 = arith.index_cast %add3A_492 : i32 to index
          %get3A_534 = arith.constant 48 : index
          %get3A_535 = tpu.vector_load %arg11[%get3A_532, %get3A_533, %get3A_534] {strides = array<i32>} : memref<5x40x128xf32, #tpu.memory_space<vmem>>, vector<16xf32>,
          %mul3A_536 = arith.mulf %get3A_535, %gather3A_497 : vector<16xf32>
          %swap3A_537 = arith.constant 4 : i32
          %swap3A_538 = arith.index_cast %swap3A_537 : i32 to index
          %swap3A_539 = arith.index_cast %add3A_492 : i32 to index
          %swap3A_540 = arith.constant 48 : index
          %swap3A_541 = tpu.vector_load %arg11[%swap3A_538, %swap3A_539, %swap3A_540] {strides = array<i32>} : memref<5x40x128xf32, #tpu.memory_space<vmem>>, vector<16xf32>,
          tpu.vector_store %arg11[%swap3A_538, %swap3A_539, %swap3A_540], %mul3A_536 {strides = array<i32>} : memref<5x40x128xf32, #tpu.memory_space<vmem>>, vector<16xf32>,
          %get3A_542 = arith.constant 4 : i32
          %get3A_543 = arith.index_cast %get3A_542 : i32 to index
          %get3A_544 = arith.index_cast %add3A_492 : i32 to index
          %get3A_545 = arith.constant 64 : index
          %get3A_546 = tpu.vector_load %arg11[%get3A_543, %get3A_544, %get3A_545] {strides = array<i32>} : memref<5x40x128xf32, #tpu.memory_space<vmem>>, vector<16xf32>,
          %mul3A_547 = arith.mulf %get3A_546, %gather3A_497 : vector<16xf32>
          %swap3A_548 = arith.constant 4 : i32
          %swap3A_549 = arith.index_cast %swap3A_548 : i32 to index
          %swap3A_550 = arith.index_cast %add3A_492 : i32 to index
          %swap3A_551 = arith.constant 64 : index
          %swap3A_552 = tpu.vector_load %arg11[%swap3A_549, %swap3A_550, %swap3A_551] {strides = array<i32>} : memref<5x40x128xf32, #tpu.memory_space<vmem>>, vector<16xf32>,
          tpu.vector_store %arg11[%swap3A_549, %swap3A_550, %swap3A_551], %mul3A_547 {strides = array<i32>} : memref<5x40x128xf32, #tpu.memory_space<vmem>>, vector<16xf32>,
          %get3A_553 = arith.constant 4 : i32
          %get3A_554 = arith.index_cast %get3A_553 : i32 to index
          %get3A_555 = arith.index_cast %add3A_492 : i32 to index
          %get3A_556 = arith.constant 80 : index
          %get3A_557 = tpu.vector_load %arg11[%get3A_554, %get3A_555, %get3A_556] {strides = array<i32>} : memref<5x40x128xf32, #tpu.memory_space<vmem>>, vector<16xf32>,
          %mul3A_558 = arith.mulf %get3A_557, %gather3A_497 : vector<16xf32>
          %swap3A_559 = arith.constant 4 : i32
          %swap3A_560 = arith.index_cast %swap3A_559 : i32 to index
          %swap3A_561 = arith.index_cast %add3A_492 : i32 to index
          %swap3A_562 = arith.constant 80 : index
          %swap3A_563 = tpu.vector_load %arg11[%swap3A_560, %swap3A_561, %swap3A_562] {strides = array<i32>} : memref<5x40x128xf32, #tpu.memory_space<vmem>>, vector<16xf32>,
          tpu.vector_store %arg11[%swap3A_560, %swap3A_561, %swap3A_562], %mul3A_558 {strides = array<i32>} : memref<5x40x128xf32, #tpu.memory_space<vmem>>, vector<16xf32>,
          %get3A_564 = arith.constant 4 : i32
          %get3A_565 = arith.index_cast %get3A_564 : i32 to index
          %get3A_566 = arith.index_cast %add3A_492 : i32 to index
          %get3A_567 = arith.constant 96 : index
          %get3A_568 = tpu.vector_load %arg11[%get3A_565, %get3A_566, %get3A_567] {strides = array<i32>} : memref<5x40x128xf32, #tpu.memory_space<vmem>>, vector<16xf32>,
          %mul3A_569 = arith.mulf %get3A_568, %gather3A_497 : vector<16xf32>
          %swap3A_570 = arith.constant 4 : i32
          %swap3A_571 = arith.index_cast %swap3A_570 : i32 to index
          %swap3A_572 = arith.index_cast %add3A_492 : i32 to index
          %swap3A_573 = arith.constant 96 : index
          %swap3A_574 = tpu.vector_load %arg11[%swap3A_571, %swap3A_572, %swap3A_573] {strides = array<i32>} : memref<5x40x128xf32, #tpu.memory_space<vmem>>, vector<16xf32>,
          tpu.vector_store %arg11[%swap3A_571, %swap3A_572, %swap3A_573], %mul3A_569 {strides = array<i32>} : memref<5x40x128xf32, #tpu.memory_space<vmem>>, vector<16xf32>,
          %get3A_575 = arith.constant 4 : i32
          %get3A_576 = arith.index_cast %get3A_575 : i32 to index
          %get3A_577 = arith.index_cast %add3A_492 : i32 to index
          %get3A_578 = arith.constant 112 : index
          %get3A_579 = tpu.vector_load %arg11[%get3A_576, %get3A_577, %get3A_578] {strides = array<i32>} : memref<5x40x128xf32, #tpu.memory_space<vmem>>, vector<16xf32>,
          %mul3A_580 = arith.mulf %get3A_579, %gather3A_497 : vector<16xf32>
          %swap3A_581 = arith.constant 4 : i32
          %swap3A_582 = arith.index_cast %swap3A_581 : i32 to index
          %swap3A_583 = arith.index_cast %add3A_492 : i32 to index
          %swap3A_584 = arith.constant 112 : index
          %swap3A_585 = tpu.vector_load %arg11[%swap3A_582, %swap3A_583, %swap3A_584] {strides = array<i32>} : memref<5x40x128xf32, #tpu.memory_space<vmem>>, vector<16xf32>,
          tpu.vector_store %arg11[%swap3A_582, %swap3A_583, %swap3A_584], %mul3A_580 {strides = array<i32>} : memref<5x40x128xf32, #tpu.memory_space<vmem>>, vector<16xf32>,
          %mul3A_586 = arith.constant 4 : i32
          %mul3A_587 = arith.muli %scan3A_395, %mul3A_586 : i32
          %add3A_588 = arith.constant 2 : i32
          %add3A_589 = arith.addi %mul3A_587, %add3A_588 : i32
          %mul3A_590 = arith.constant 40 : i32
          %mul3A_591 = arith.muli %add3A_354, %mul3A_590 : i32
          %add3A_592 = arith.addi %mul3A_591, %add3A_589 : i32
          %broadcast_in_dim3A_593 = vector.broadcast %add3A_592 : i32 to vector<16xi32>
          %gather3A_594 = tpu.vector_load_idx %arg10[%broadcast_in_dim3A_593] : memref<2000xf32, #tpu.memory_space<vmem>>[vector<16xi32>], vector<16xf32>,
          %get3A_595 = arith.constant 4 : i32
          %get3A_596 = arith.index_cast %get3A_595 : i32 to index
          %get3A_597 = arith.index_cast %add3A_589 : i32 to index
          %get3A_598 = arith.constant 0 : index
          %get3A_599 = tpu.vector_load %arg11[%get3A_596, %get3A_597, %get3A_598] {strides = array<i32>} : memref<5x40x128xf32, #tpu.memory_space<vmem>>, vector<16xf32>,
          %mul3A_600 = arith.mulf %get3A_599, %gather3A_594 : vector<16xf32>
          %swap3A_601 = arith.constant 4 : i32
          %swap3A_602 = arith.index_cast %swap3A_601 : i32 to index
          %swap3A_603 = arith.index_cast %add3A_589 : i32 to index
          %swap3A_604 = arith.constant 0 : index
          %swap3A_605 = tpu.vector_load %arg11[%swap3A_602, %swap3A_603, %swap3A_604] {strides = array<i32>} : memref<5x40x128xf32, #tpu.memory_space<vmem>>, vector<16xf32>,
          tpu.vector_store %arg11[%swap3A_602, %swap3A_603, %swap3A_604], %mul3A_600 {strides = array<i32>} : memref<5x40x128xf32, #tpu.memory_space<vmem>>, vector<16xf32>,
          %get3A_606 = arith.constant 4 : i32
          %get3A_607 = arith.index_cast %get3A_606 : i32 to index
          %get3A_608 = arith.index_cast %add3A_589 : i32 to index
          %get3A_609 = arith.constant 16 : index
          %get3A_610 = tpu.vector_load %arg11[%get3A_607, %get3A_608, %get3A_609] {strides = array<i32>} : memref<5x40x128xf32, #tpu.memory_space<vmem>>, vector<16xf32>,
          %mul3A_611 = arith.mulf %get3A_610, %gather3A_594 : vector<16xf32>
          %swap3A_612 = arith.constant 4 : i32
          %swap3A_613 = arith.index_cast %swap3A_612 : i32 to index
          %swap3A_614 = arith.index_cast %add3A_589 : i32 to index
          %swap3A_615 = arith.constant 16 : index
          %swap3A_616 = tpu.vector_load %arg11[%swap3A_613, %swap3A_614, %swap3A_615] {strides = array<i32>} : memref<5x40x128xf32, #tpu.memory_space<vmem>>, vector<16xf32>,
          tpu.vector_store %arg11[%swap3A_613, %swap3A_614, %swap3A_615], %mul3A_611 {strides = array<i32>} : memref<5x40x128xf32, #tpu.memory_space<vmem>>, vector<16xf32>,
          %get3A_617 = arith.constant 4 : i32
          %get3A_618 = arith.index_cast %get3A_617 : i32 to index
          %get3A_619 = arith.index_cast %add3A_589 : i32 to index
          %get3A_620 = arith.constant 32 : index
          %get3A_621 = tpu.vector_load %arg11[%get3A_618, %get3A_619, %get3A_620] {strides = array<i32>} : memref<5x40x128xf32, #tpu.memory_space<vmem>>, vector<16xf32>,
          %mul3A_622 = arith.mulf %get3A_621, %gather3A_594 : vector<16xf32>
          %swap3A_623 = arith.constant 4 : i32
          %swap3A_624 = arith.index_cast %swap3A_623 : i32 to index
          %swap3A_625 = arith.index_cast %add3A_589 : i32 to index
          %swap3A_626 = arith.constant 32 : index
          %swap3A_627 = tpu.vector_load %arg11[%swap3A_624, %swap3A_625, %swap3A_626] {strides = array<i32>} : memref<5x40x128xf32, #tpu.memory_space<vmem>>, vector<16xf32>,
          tpu.vector_store %arg11[%swap3A_624, %swap3A_625, %swap3A_626], %mul3A_622 {strides = array<i32>} : memref<5x40x128xf32, #tpu.memory_space<vmem>>, vector<16xf32>,
          %get3A_628 = arith.constant 4 : i32
          %get3A_629 = arith.index_cast %get3A_628 : i32 to index
          %get3A_630 = arith.index_cast %add3A_589 : i32 to index
          %get3A_631 = arith.constant 48 : index
          %get3A_632 = tpu.vector_load %arg11[%get3A_629, %get3A_630, %get3A_631] {strides = array<i32>} : memref<5x40x128xf32, #tpu.memory_space<vmem>>, vector<16xf32>,
          %mul3A_633 = arith.mulf %get3A_632, %gather3A_594 : vector<16xf32>
          %swap3A_634 = arith.constant 4 : i32
          %swap3A_635 = arith.index_cast %swap3A_634 : i32 to index
          %swap3A_636 = arith.index_cast %add3A_589 : i32 to index
          %swap3A_637 = arith.constant 48 : index
          %swap3A_638 = tpu.vector_load %arg11[%swap3A_635, %swap3A_636, %swap3A_637] {strides = array<i32>} : memref<5x40x128xf32, #tpu.memory_space<vmem>>, vector<16xf32>,
          tpu.vector_store %arg11[%swap3A_635, %swap3A_636, %swap3A_637], %mul3A_633 {strides = array<i32>} : memref<5x40x128xf32, #tpu.memory_space<vmem>>, vector<16xf32>,
          %get3A_639 = arith.constant 4 : i32
          %get3A_640 = arith.index_cast %get3A_639 : i32 to index
          %get3A_641 = arith.index_cast %add3A_589 : i32 to index
          %get3A_642 = arith.constant 64 : index
          %get3A_643 = tpu.vector_load %arg11[%get3A_640, %get3A_641, %get3A_642] {strides = array<i32>} : memref<5x40x128xf32, #tpu.memory_space<vmem>>, vector<16xf32>,
          %mul3A_644 = arith.mulf %get3A_643, %gather3A_594 : vector<16xf32>
          %swap3A_645 = arith.constant 4 : i32
          %swap3A_646 = arith.index_cast %swap3A_645 : i32 to index
          %swap3A_647 = arith.index_cast %add3A_589 : i32 to index
          %swap3A_648 = arith.constant 64 : index
          %swap3A_649 = tpu.vector_load %arg11[%swap3A_646, %swap3A_647, %swap3A_648] {strides = array<i32>} : memref<5x40x128xf32, #tpu.memory_space<vmem>>, vector<16xf32>,
          tpu.vector_store %arg11[%swap3A_646, %swap3A_647, %swap3A_648], %mul3A_644 {strides = array<i32>} : memref<5x40x128xf32, #tpu.memory_space<vmem>>, vector<16xf32>,
          %get3A_650 = arith.constant 4 : i32
          %get3A_651 = arith.index_cast %get3A_650 : i32 to index
          %get3A_652 = arith.index_cast %add3A_589 : i32 to index
          %get3A_653 = arith.constant 80 : index
          %get3A_654 = tpu.vector_load %arg11[%get3A_651, %get3A_652, %get3A_653] {strides = array<i32>} : memref<5x40x128xf32, #tpu.memory_space<vmem>>, vector<16xf32>,
          %mul3A_655 = arith.mulf %get3A_654, %gather3A_594 : vector<16xf32>
          %swap3A_656 = arith.constant 4 : i32
          %swap3A_657 = arith.index_cast %swap3A_656 : i32 to index
          %swap3A_658 = arith.index_cast %add3A_589 : i32 to index
          %swap3A_659 = arith.constant 80 : index
          %swap3A_660 = tpu.vector_load %arg11[%swap3A_657, %swap3A_658, %swap3A_659] {strides = array<i32>} : memref<5x40x128xf32, #tpu.memory_space<vmem>>, vector<16xf32>,
          tpu.vector_store %arg11[%swap3A_657, %swap3A_658, %swap3A_659], %mul3A_655 {strides = array<i32>} : memref<5x40x128xf32, #tpu.memory_space<vmem>>, vector<16xf32>,
          %get3A_661 = arith.constant 4 : i32
          %get3A_662 = arith.index_cast %get3A_661 : i32 to index
          %get3A_663 = arith.index_cast %add3A_589 : i32 to index
          %get3A_664 = arith.constant 96 : index
          %get3A_665 = tpu.vector_load %arg11[%get3A_662, %get3A_663, %get3A_664] {strides = array<i32>} : memref<5x40x128xf32, #tpu.memory_space<vmem>>, vector<16xf32>,
          %mul3A_666 = arith.mulf %get3A_665, %gather3A_594 : vector<16xf32>
          %swap3A_667 = arith.constant 4 : i32
          %swap3A_668 = arith.index_cast %swap3A_667 : i32 to index
          %swap3A_669 = arith.index_cast %add3A_589 : i32 to index
          %swap3A_670 = arith.constant 96 : index
          %swap3A_671 = tpu.vector_load %arg11[%swap3A_668, %swap3A_669, %swap3A_670] {strides = array<i32>} : memref<5x40x128xf32, #tpu.memory_space<vmem>>, vector<16xf32>,
          tpu.vector_store %arg11[%swap3A_668, %swap3A_669, %swap3A_670], %mul3A_666 {strides = array<i32>} : memref<5x40x128xf32, #tpu.memory_space<vmem>>, vector<16xf32>,
          %get3A_672 = arith.constant 4 : i32
          %get3A_673 = arith.index_cast %get3A_672 : i32 to index
          %get3A_674 = arith.index_cast %add3A_589 : i32 to index
          %get3A_675 = arith.constant 112 : index
          %get3A_676 = tpu.vector_load %arg11[%get3A_673, %get3A_674, %get3A_675] {strides = array<i32>} : memref<5x40x128xf32, #tpu.memory_space<vmem>>, vector<16xf32>,
          %mul3A_677 = arith.mulf %get3A_676, %gather3A_594 : vector<16xf32>
          %swap3A_678 = arith.constant 4 : i32
          %swap3A_679 = arith.index_cast %swap3A_678 : i32 to index
          %swap3A_680 = arith.index_cast %add3A_589 : i32 to index
          %swap3A_681 = arith.constant 112 : index
          %swap3A_682 = tpu.vector_load %arg11[%swap3A_679, %swap3A_680, %swap3A_681] {strides = array<i32>} : memref<5x40x128xf32, #tpu.memory_space<vmem>>, vector<16xf32>,
          tpu.vector_store %arg11[%swap3A_679, %swap3A_680, %swap3A_681], %mul3A_677 {strides = array<i32>} : memref<5x40x128xf32, #tpu.memory_space<vmem>>, vector<16xf32>,
          %mul3A_683 = arith.constant 4 : i32
          %mul3A_684 = arith.muli %scan3A_395, %mul3A_683 : i32
          %add3A_685 = arith.constant 3 : i32
          %add3A_686 = arith.addi %mul3A_684, %add3A_685 : i32
          %mul3A_687 = arith.constant 40 : i32
          %mul3A_688 = arith.muli %add3A_354, %mul3A_687 : i32
          %add3A_689 = arith.addi %mul3A_688, %add3A_686 : i32
          %broadcast_in_dim3A_690 = vector.broadcast %add3A_689 : i32 to vector<16xi32>
          %gather3A_691 = tpu.vector_load_idx %arg10[%broadcast_in_dim3A_690] : memref<2000xf32, #tpu.memory_space<vmem>>[vector<16xi32>], vector<16xf32>,
          %get3A_692 = arith.constant 4 : i32
          %get3A_693 = arith.index_cast %get3A_692 : i32 to index
          %get3A_694 = arith.index_cast %add3A_686 : i32 to index
          %get3A_695 = arith.constant 0 : index
          %get3A_696 = tpu.vector_load %arg11[%get3A_693, %get3A_694, %get3A_695] {strides = array<i32>} : memref<5x40x128xf32, #tpu.memory_space<vmem>>, vector<16xf32>,
          %mul3A_697 = arith.mulf %get3A_696, %gather3A_691 : vector<16xf32>
          %swap3A_698 = arith.constant 4 : i32
          %swap3A_699 = arith.index_cast %swap3A_698 : i32 to index
          %swap3A_700 = arith.index_cast %add3A_686 : i32 to index
          %swap3A_701 = arith.constant 0 : index
          %swap3A_702 = tpu.vector_load %arg11[%swap3A_699, %swap3A_700, %swap3A_701] {strides = array<i32>} : memref<5x40x128xf32, #tpu.memory_space<vmem>>, vector<16xf32>,
          tpu.vector_store %arg11[%swap3A_699, %swap3A_700, %swap3A_701], %mul3A_697 {strides = array<i32>} : memref<5x40x128xf32, #tpu.memory_space<vmem>>, vector<16xf32>,
          %get3A_703 = arith.constant 4 : i32
          %get3A_704 = arith.index_cast %get3A_703 : i32 to index
          %get3A_705 = arith.index_cast %add3A_686 : i32 to index
          %get3A_706 = arith.constant 16 : index
          %get3A_707 = tpu.vector_load %arg11[%get3A_704, %get3A_705, %get3A_706] {strides = array<i32>} : memref<5x40x128xf32, #tpu.memory_space<vmem>>, vector<16xf32>,
          %mul3A_708 = arith.mulf %get3A_707, %gather3A_691 : vector<16xf32>
          %swap3A_709 = arith.constant 4 : i32
          %swap3A_710 = arith.index_cast %swap3A_709 : i32 to index
          %swap3A_711 = arith.index_cast %add3A_686 : i32 to index
          %swap3A_712 = arith.constant 16 : index
          %swap3A_713 = tpu.vector_load %arg11[%swap3A_710, %swap3A_711, %swap3A_712] {strides = array<i32>} : memref<5x40x128xf32, #tpu.memory_space<vmem>>, vector<16xf32>,
          tpu.vector_store %arg11[%swap3A_710, %swap3A_711, %swap3A_712], %mul3A_708 {strides = array<i32>} : memref<5x40x128xf32, #tpu.memory_space<vmem>>, vector<16xf32>,
          %get3A_714 = arith.constant 4 : i32
          %get3A_715 = arith.index_cast %get3A_714 : i32 to index
          %get3A_716 = arith.index_cast %add3A_686 : i32 to index
          %get3A_717 = arith.constant 32 : index
          %get3A_718 = tpu.vector_load %arg11[%get3A_715, %get3A_716, %get3A_717] {strides = array<i32>} : memref<5x40x128xf32, #tpu.memory_space<vmem>>, vector<16xf32>,
          %mul3A_719 = arith.mulf %get3A_718, %gather3A_691 : vector<16xf32>
          %swap3A_720 = arith.constant 4 : i32
          %swap3A_721 = arith.index_cast %swap3A_720 : i32 to index
          %swap3A_722 = arith.index_cast %add3A_686 : i32 to index
          %swap3A_723 = arith.constant 32 : index
          %swap3A_724 = tpu.vector_load %arg11[%swap3A_721, %swap3A_722, %swap3A_723] {strides = array<i32>} : memref<5x40x128xf32, #tpu.memory_space<vmem>>, vector<16xf32>,
          tpu.vector_store %arg11[%swap3A_721, %swap3A_722, %swap3A_723], %mul3A_719 {strides = array<i32>} : memref<5x40x128xf32, #tpu.memory_space<vmem>>, vector<16xf32>,
          %get3A_725 = arith.constant 4 : i32
          %get3A_726 = arith.index_cast %get3A_725 : i32 to index
          %get3A_727 = arith.index_cast %add3A_686 : i32 to index
          %get3A_728 = arith.constant 48 : index
          %get3A_729 = tpu.vector_load %arg11[%get3A_726, %get3A_727, %get3A_728] {strides = array<i32>} : memref<5x40x128xf32, #tpu.memory_space<vmem>>, vector<16xf32>,
          %mul3A_730 = arith.mulf %get3A_729, %gather3A_691 : vector<16xf32>
          %swap3A_731 = arith.constant 4 : i32
          %swap3A_732 = arith.index_cast %swap3A_731 : i32 to index
          %swap3A_733 = arith.index_cast %add3A_686 : i32 to index
          %swap3A_734 = arith.constant 48 : index
          %swap3A_735 = tpu.vector_load %arg11[%swap3A_732, %swap3A_733, %swap3A_734] {strides = array<i32>} : memref<5x40x128xf32, #tpu.memory_space<vmem>>, vector<16xf32>,
          tpu.vector_store %arg11[%swap3A_732, %swap3A_733, %swap3A_734], %mul3A_730 {strides = array<i32>} : memref<5x40x128xf32, #tpu.memory_space<vmem>>, vector<16xf32>,
          %get3A_736 = arith.constant 4 : i32
          %get3A_737 = arith.index_cast %get3A_736 : i32 to index
          %get3A_738 = arith.index_cast %add3A_686 : i32 to index
          %get3A_739 = arith.constant 64 : index
          %get3A_740 = tpu.vector_load %arg11[%get3A_737, %get3A_738, %get3A_739] {strides = array<i32>} : memref<5x40x128xf32, #tpu.memory_space<vmem>>, vector<16xf32>,
          %mul3A_741 = arith.mulf %get3A_740, %gather3A_691 : vector<16xf32>
          %swap3A_742 = arith.constant 4 : i32
          %swap3A_743 = arith.index_cast %swap3A_742 : i32 to index
          %swap3A_744 = arith.index_cast %add3A_686 : i32 to index
          %swap3A_745 = arith.constant 64 : index
          %swap3A_746 = tpu.vector_load %arg11[%swap3A_743, %swap3A_744, %swap3A_745] {strides = array<i32>} : memref<5x40x128xf32, #tpu.memory_space<vmem>>, vector<16xf32>,
          tpu.vector_store %arg11[%swap3A_743, %swap3A_744, %swap3A_745], %mul3A_741 {strides = array<i32>} : memref<5x40x128xf32, #tpu.memory_space<vmem>>, vector<16xf32>,
          %get3A_747 = arith.constant 4 : i32
          %get3A_748 = arith.index_cast %get3A_747 : i32 to index
          %get3A_749 = arith.index_cast %add3A_686 : i32 to index
          %get3A_750 = arith.constant 80 : index
          %get3A_751 = tpu.vector_load %arg11[%get3A_748, %get3A_749, %get3A_750] {strides = array<i32>} : memref<5x40x128xf32, #tpu.memory_space<vmem>>, vector<16xf32>,
          %mul3A_752 = arith.mulf %get3A_751, %gather3A_691 : vector<16xf32>
          %swap3A_753 = arith.constant 4 : i32
          %swap3A_754 = arith.index_cast %swap3A_753 : i32 to index
          %swap3A_755 = arith.index_cast %add3A_686 : i32 to index
          %swap3A_756 = arith.constant 80 : index
          %swap3A_757 = tpu.vector_load %arg11[%swap3A_754, %swap3A_755, %swap3A_756] {strides = array<i32>} : memref<5x40x128xf32, #tpu.memory_space<vmem>>, vector<16xf32>,
          tpu.vector_store %arg11[%swap3A_754, %swap3A_755, %swap3A_756], %mul3A_752 {strides = array<i32>} : memref<5x40x128xf32, #tpu.memory_space<vmem>>, vector<16xf32>,
          %get3A_758 = arith.constant 4 : i32
          %get3A_759 = arith.index_cast %get3A_758 : i32 to index
          %get3A_760 = arith.index_cast %add3A_686 : i32 to index
          %get3A_761 = arith.constant 96 : index
          %get3A_762 = tpu.vector_load %arg11[%get3A_759, %get3A_760, %get3A_761] {strides = array<i32>} : memref<5x40x128xf32, #tpu.memory_space<vmem>>, vector<16xf32>,
          %mul3A_763 = arith.mulf %get3A_762, %gather3A_691 : vector<16xf32>
          %swap3A_764 = arith.constant 4 : i32
          %swap3A_765 = arith.index_cast %swap3A_764 : i32 to index
          %swap3A_766 = arith.index_cast %add3A_686 : i32 to index
          %swap3A_767 = arith.constant 96 : index
          %swap3A_768 = tpu.vector_load %arg11[%swap3A_765, %swap3A_766, %swap3A_767] {strides = array<i32>} : memref<5x40x128xf32, #tpu.memory_space<vmem>>, vector<16xf32>,
          tpu.vector_store %arg11[%swap3A_765, %swap3A_766, %swap3A_767], %mul3A_763 {strides = array<i32>} : memref<5x40x128xf32, #tpu.memory_space<vmem>>, vector<16xf32>,
          %get3A_769 = arith.constant 4 : i32
          %get3A_770 = arith.index_cast %get3A_769 : i32 to index
          %get3A_771 = arith.index_cast %add3A_686 : i32 to index
          %get3A_772 = arith.constant 112 : index
          %get3A_773 = tpu.vector_load %arg11[%get3A_770, %get3A_771, %get3A_772] {strides = array<i32>} : memref<5x40x128xf32, #tpu.memory_space<vmem>>, vector<16xf32>,
          %mul3A_774 = arith.mulf %get3A_773, %gather3A_691 : vector<16xf32>
          %swap3A_775 = arith.constant 4 : i32
          %swap3A_776 = arith.index_cast %swap3A_775 : i32 to index
          %swap3A_777 = arith.index_cast %add3A_686 : i32 to index
          %swap3A_778 = arith.constant 112 : index
          %swap3A_779 = tpu.vector_load %arg11[%swap3A_776, %swap3A_777, %swap3A_778] {strides = array<i32>} : memref<5x40x128xf32, #tpu.memory_space<vmem>>, vector<16xf32>,
          tpu.vector_store %arg11[%swap3A_776, %swap3A_777, %swap3A_778], %mul3A_774 {strides = array<i32>} : memref<5x40x128xf32, #tpu.memory_space<vmem>>, vector<16xf32>,
        }
        %scan3A_370 = arith.constant 10 : i32
        %dma_start3A_371 = arith.constant 4 : i32
        %dma_start3A_372 = arith.constant 0 : i32
        %dma_start3A_373 = arith.constant 0 : i32
        %dma_start3A_374 = tpu.memref_slice %arg11[%dma_start3A_371, %dma_start3A_372, %dma_start3A_373] : memref<5x40x128xf32, #tpu.memory_space<vmem>> -> memref<1x40x128xf32, #tpu.memory_space<vmem>>
        %dma_start3A_375 = tpu.memref_squeeze %dma_start3A_374 : memref<1x40x128xf32, #tpu.memory_space<vmem>> -> memref<40x128xf32, #tpu.memory_space<vmem>>
        %dma_start3A_376 = arith.constant 0 : i32
        %dma_start3A_377 = tpu.memref_slice %arg9[%add3A_354, %dma_start3A_376] : memref<50x40xi32, #tpu.memory_space<vmem>> -> memref<1x40xi32, #tpu.memory_space<vmem>>
        %dma_start3A_378 = tpu.memref_squeeze %dma_start3A_377 : memref<1x40xi32, #tpu.memory_space<vmem>> -> memref<40xi32, #tpu.memory_space<vmem>>
        %dma_start3A_379 = arith.constant 0 : i32
        %dma_start3A_380 = arith.constant 0 : i32
        %dma_start3A_381 = tpu.memref_slice %arg13[%dma_start3A_379, %dma_start3A_380] : memref<10240x128xf32, #tpu.memory_space<vmem_shared>> -> memref<10240x128xf32, #tpu.memory_space<vmem_shared>>
        tpu.enqueue_indirect_dma source(%dma_start3A_375 : memref<40x128xf32, #tpu.memory_space<vmem>>) target(%dma_start3A_381 : memref<10240x128xf32, #tpu.memory_space<vmem_shared>>) offsets(%dma_start3A_378 : memref<40xi32, #tpu.memory_space<vmem>>) semaphore(%arg23 : memref<!tpu.dma_semaphore, #tpu.memory_space<semaphore_mem>>) {add = true}
        %add3A_382 = arith.constant 1 : i32
        %add3A_383 = arith.addi %scan3A_157, %add3A_382 : i32
        %mul3A_384 = arith.constant 5 : i32
        %mul3A_385 = arith.muli %add3A_383, %mul3A_384 : i32
        %add3A_386 = arith.constant 2 : i32
        %add3A_387 = arith.addi %mul3A_385, %add3A_386 : i32
        %add3A_388 = arith.constant 1 : i32
        %add3A_389 = arith.addi %scan3A_157, %add3A_388 : i32
        %lt3A_390 = arith.constant 10 : i32
        %lt3A_391 = arith.cmpi slt, %add3A_389, %lt3A_390 : i32
        %convert_element_type3A_392 = arith.extui %lt3A_391 : i1 to i32
        %cond3A_393 = arith.constant 0 : i32
        %cond3A_394 = arith.cmpi ne, %convert_element_type3A_392, %cond3A_393 : i32
        scf.if %cond3A_394 {
          %dma_wait3A_395 = arith.constant 2 : i32
          %dma_wait3A_396 = arith.constant 0 : i32
          %dma_wait3A_397 = arith.constant 0 : i32
          %dma_wait3A_398 = tpu.memref_slice %arg11[%dma_wait3A_395, %dma_wait3A_396, %dma_wait3A_397] : memref<5x40x128xf32, #tpu.memory_space<vmem>> -> memref<1x40x128xf32, #tpu.memory_space<vmem>>
          %dma_wait3A_399 = tpu.memref_squeeze %dma_wait3A_398 : memref<1x40x128xf32, #tpu.memory_space<vmem>> -> memref<40x128xf32, #tpu.memory_space<vmem>>
          %dma_wait3A_400 = arith.constant 0 : i32
          %dma_wait3A_401 = arith.constant 0 : i32
          %dma_wait3A_402 = tpu.memref_slice %arg13[%dma_wait3A_400, %dma_wait3A_401] : memref<10240x128xf32, #tpu.memory_space<vmem_shared>> -> memref<10240x128xf32, #tpu.memory_space<vmem_shared>>
          tpu.wait_indirect_dma semaphore(%arg21 : memref<!tpu.dma_semaphore, #tpu.memory_space<semaphore_mem>>) src(%dma_wait3A_399 : memref<40x128xf32, #tpu.memory_space<vmem>>) dst(%dma_wait3A_402 : memref<10240x128xf32, #tpu.memory_space<vmem_shared>>)
          %dma_start3A_403 = arith.constant 2 : i32
          %dma_start3A_404 = arith.constant 0 : i32
          %dma_start3A_405 = arith.constant 0 : i32
          %dma_start3A_406 = tpu.memref_slice %arg11[%dma_start3A_403, %dma_start3A_404, %dma_start3A_405] : memref<5x40x128xf32, #tpu.memory_space<vmem>> -> memref<1x40x128xf32, #tpu.memory_space<vmem>>
          %dma_start3A_407 = tpu.memref_squeeze %dma_start3A_406 : memref<1x40x128xf32, #tpu.memory_space<vmem>> -> memref<40x128xf32, #tpu.memory_space<vmem>>
          %dma_start3A_408 = arith.constant 0 : i32
          %dma_start3A_409 = tpu.memref_slice %arg8[%add3A_387, %dma_start3A_408] : memref<50x40xi32, #tpu.memory_space<vmem>> -> memref<1x40xi32, #tpu.memory_space<vmem>>
          %dma_start3A_410 = tpu.memref_squeeze %dma_start3A_409 : memref<1x40xi32, #tpu.memory_space<vmem>> -> memref<40xi32, #tpu.memory_space<vmem>>
          %dma_start3A_411 = arith.constant 0 : i32
          %dma_start3A_412 = arith.constant 0 : i32
          %dma_start3A_413 = tpu.memref_slice %arg2[%dma_start3A_411, %dma_start3A_412] : memref<10000x128xf32, #tpu.memory_space<hbm>> -> memref<10000x128xf32, #tpu.memory_space<hbm>>
          tpu.enqueue_indirect_dma source(%dma_start3A_413 : memref<10000x128xf32, #tpu.memory_space<hbm>>) target(%dma_start3A_407 : memref<40x128xf32, #tpu.memory_space<vmem>>) offsets(%dma_start3A_410 : memref<40xi32, #tpu.memory_space<vmem>>) semaphore(%arg16 : memref<!tpu.dma_semaphore, #tpu.memory_space<semaphore_mem>>)
        } else {
        }
      }
      %scan3A_156 = arith.constant 10 : i32
    }
    %scan3A_45 = arith.constant 5 : i32
    %dma_wait3A = arith.constant 0 : i32
    %dma_wait3A_46 = arith.constant 0 : i32
    %dma_wait3A_47 = arith.constant 0 : i32
    %dma_wait3A_48 = tpu.memref_slice %arg11[%dma_wait3A, %dma_wait3A_46, %dma_wait3A_47] : memref<5x40x128xf32, #tpu.memory_space<vmem>> -> memref<1x40x128xf32, #tpu.memory_space<vmem>>
    %dma_wait3A_49 = tpu.memref_squeeze %dma_wait3A_48 : memref<1x40x128xf32, #tpu.memory_space<vmem>> -> memref<40x128xf32, #tpu.memory_space<vmem>>
    %dma_wait3A_50 = arith.constant 0 : i32
    %dma_wait3A_51 = arith.constant 0 : i32
    %dma_wait3A_52 = tpu.memref_slice %arg13[%dma_wait3A_50, %dma_wait3A_51] : memref<10240x128xf32, #tpu.memory_space<vmem_shared>> -> memref<10240x128xf32, #tpu.memory_space<vmem_shared>>
    tpu.wait_indirect_dma semaphore(%arg19 : memref<!tpu.dma_semaphore, #tpu.memory_space<semaphore_mem>>) src(%dma_wait3A_49 : memref<40x128xf32, #tpu.memory_space<vmem>>) dst(%dma_wait3A_52 : memref<10240x128xf32, #tpu.memory_space<vmem_shared>>)
    %dma_wait3A_53 = arith.constant 1 : i32
    %dma_wait3A_54 = arith.constant 0 : i32
    %dma_wait3A_55 = arith.constant 0 : i32
    %dma_wait3A_56 = tpu.memref_slice %arg11[%dma_wait3A_53, %dma_wait3A_54, %dma_wait3A_55] : memref<5x40x128xf32, #tpu.memory_space<vmem>> -> memref<1x40x128xf32, #tpu.memory_space<vmem>>
    %dma_wait3A_57 = tpu.memref_squeeze %dma_wait3A_56 : memref<1x40x128xf32, #tpu.memory_space<vmem>> -> memref<40x128xf32, #tpu.memory_space<vmem>>
    %dma_wait3A_58 = arith.constant 0 : i32
    %dma_wait3A_59 = arith.constant 0 : i32
    %dma_wait3A_60 = tpu.memref_slice %arg13[%dma_wait3A_58, %dma_wait3A_59] : memref<10240x128xf32, #tpu.memory_space<vmem_shared>> -> memref<10240x128xf32, #tpu.memory_space<vmem_shared>>
    tpu.wait_indirect_dma semaphore(%arg20 : memref<!tpu.dma_semaphore, #tpu.memory_space<semaphore_mem>>) src(%dma_wait3A_57 : memref<40x128xf32, #tpu.memory_space<vmem>>) dst(%dma_wait3A_60 : memref<10240x128xf32, #tpu.memory_space<vmem_shared>>)
    %dma_wait3A_61 = arith.constant 2 : i32
    %dma_wait3A_62 = arith.constant 0 : i32
    %dma_wait3A_63 = arith.constant 0 : i32
    %dma_wait3A_64 = tpu.memref_slice %arg11[%dma_wait3A_61, %dma_wait3A_62, %dma_wait3A_63] : memref<5x40x128xf32, #tpu.memory_space<vmem>> -> memref<1x40x128xf32, #tpu.memory_space<vmem>>
    %dma_wait3A_65 = tpu.memref_squeeze %dma_wait3A_64 : memref<1x40x128xf32, #tpu.memory_space<vmem>> -> memref<40x128xf32, #tpu.memory_space<vmem>>
    %dma_wait3A_66 = arith.constant 0 : i32
    %dma_wait3A_67 = arith.constant 0 : i32
    %dma_wait3A_68 = tpu.memref_slice %arg13[%dma_wait3A_66, %dma_wait3A_67] : memref<10240x128xf32, #tpu.memory_space<vmem_shared>> -> memref<10240x128xf32, #tpu.memory_space<vmem_shared>>
    tpu.wait_indirect_dma semaphore(%arg21 : memref<!tpu.dma_semaphore, #tpu.memory_space<semaphore_mem>>) src(%dma_wait3A_65 : memref<40x128xf32, #tpu.memory_space<vmem>>) dst(%dma_wait3A_68 : memref<10240x128xf32, #tpu.memory_space<vmem_shared>>)
    %dma_wait3A_69 = arith.constant 3 : i32
    %dma_wait3A_70 = arith.constant 0 : i32
    %dma_wait3A_71 = arith.constant 0 : i32
    %dma_wait3A_72 = tpu.memref_slice %arg11[%dma_wait3A_69, %dma_wait3A_70, %dma_wait3A_71] : memref<5x40x128xf32, #tpu.memory_space<vmem>> -> memref<1x40x128xf32, #tpu.memory_space<vmem>>
    %dma_wait3A_73 = tpu.memref_squeeze %dma_wait3A_72 : memref<1x40x128xf32, #tpu.memory_space<vmem>> -> memref<40x128xf32, #tpu.memory_space<vmem>>
    %dma_wait3A_74 = arith.constant 0 : i32
    %dma_wait3A_75 = arith.constant 0 : i32
    %dma_wait3A_76 = tpu.memref_slice %arg13[%dma_wait3A_74, %dma_wait3A_75] : memref<10240x128xf32, #tpu.memory_space<vmem_shared>> -> memref<10240x128xf32, #tpu.memory_space<vmem_shared>>
    tpu.wait_indirect_dma semaphore(%arg22 : memref<!tpu.dma_semaphore, #tpu.memory_space<semaphore_mem>>) src(%dma_wait3A_73 : memref<40x128xf32, #tpu.memory_space<vmem>>) dst(%dma_wait3A_76 : memref<10240x128xf32, #tpu.memory_space<vmem_shared>>)
    %dma_wait3A_77 = arith.constant 4 : i32
    %dma_wait3A_78 = arith.constant 0 : i32
    %dma_wait3A_79 = arith.constant 0 : i32
    %dma_wait3A_80 = tpu.memref_slice %arg11[%dma_wait3A_77, %dma_wait3A_78, %dma_wait3A_79] : memref<5x40x128xf32, #tpu.memory_space<vmem>> -> memref<1x40x128xf32, #tpu.memory_space<vmem>>
    %dma_wait3A_81 = tpu.memref_squeeze %dma_wait3A_80 : memref<1x40x128xf32, #tpu.memory_space<vmem>> -> memref<40x128xf32, #tpu.memory_space<vmem>>
    %dma_wait3A_82 = arith.constant 0 : i32
    %dma_wait3A_83 = arith.constant 0 : i32
    %dma_wait3A_84 = tpu.memref_slice %arg13[%dma_wait3A_82, %dma_wait3A_83] : memref<10240x128xf32, #tpu.memory_space<vmem_shared>> -> memref<10240x128xf32, #tpu.memory_space<vmem_shared>>
    tpu.wait_indirect_dma semaphore(%arg23 : memref<!tpu.dma_semaphore, #tpu.memory_space<semaphore_mem>>) src(%dma_wait3A_81 : memref<40x128xf32, #tpu.memory_space<vmem>>) dst(%dma_wait3A_84 : memref<10240x128xf32, #tpu.memory_space<vmem_shared>>)
    %barrier3A_85 = arith.constant 0 : index
    tpu.barrier barrier_id(%barrier3A_85)
    %mul3A_86 = arith.constant 640 : i32
    %mul3A_87 = arith.muli %arg1, %mul3A_86 : i32
    %mul3A_88 = arith.constant 640 : i32
    %mul3A_89 = arith.muli %arg1, %mul3A_88 : i32
    "tpu.region"() ({
      %run_scoped3A = tpu.sem_alloc : memref<!tpu.dma_semaphore, #tpu.memory_space<semaphore_mem>>
      %dma_start3A_90 = arith.constant 0 : i32
      %dma_start3A_91 = tpu.memref_slice %arg7[%arg0, %mul3A_89, %dma_start3A_90] : memref<2x10240x128xf32, #tpu.memory_space<hbm>> -> memref<1x640x128xf32, #tpu.memory_space<hbm>>
      %dma_start3A_92 = tpu.memref_squeeze %dma_start3A_91 : memref<1x640x128xf32, #tpu.memory_space<hbm>> -> memref<640x128xf32, #tpu.memory_space<hbm>>
      %dma_start3A_93 = arith.constant 0 : i32
      %dma_start3A_94 = tpu.memref_slice %arg13[%mul3A_87, %dma_start3A_93] : memref<10240x128xf32, #tpu.memory_space<vmem_shared>> -> memref<640x128xf32, #tpu.memory_space<vmem_shared>>
      tpu.enqueue_dma source(%dma_start3A_94 : memref<640x128xf32, #tpu.memory_space<vmem_shared>>) target(%dma_start3A_92 : memref<640x128xf32, #tpu.memory_space<hbm>>) target_semaphore(%run_scoped3A : memref<!tpu.dma_semaphore, #tpu.memory_space<semaphore_mem>>)
      %dma_wait3A_95 = arith.constant 0 : i32
      %dma_wait3A_96 = tpu.memref_slice %arg7[%arg0, %mul3A_89, %dma_wait3A_95] : memref<2x10240x128xf32, #tpu.memory_space<hbm>> -> memref<1x640x128xf32, #tpu.memory_space<hbm>>
      %dma_wait3A_97 = tpu.memref_squeeze %dma_wait3A_96 : memref<1x640x128xf32, #tpu.memory_space<hbm>> -> memref<640x128xf32, #tpu.memory_space<hbm>>
      %dma_wait3A_98 = arith.constant 0 : i32
      %dma_wait3A_99 = tpu.memref_slice %arg13[%mul3A_87, %dma_wait3A_98] : memref<10240x128xf32, #tpu.memory_space<vmem_shared>> -> memref<640x128xf32, #tpu.memory_space<vmem_shared>>
      tpu.wait_dma2 semaphore(%run_scoped3A : memref<!tpu.dma_semaphore, #tpu.memory_space<semaphore_mem>>) src(%dma_wait3A_99 : memref<640x128xf32, #tpu.memory_space<vmem_shared>>) dst(%dma_wait3A_97 : memref<640x128xf32, #tpu.memory_space<hbm>>)
      tpu.yield
    }) : () -> ()
    return
  }
}

module attributes {stable_mosaic.version = 14 : i64} {
  func.func @_dense_body(%arg0: i32, %arg1: memref<1000x128xf32, #tpu.memory_space<vmem>>, %arg2: memref<128x256xf32, #tpu.memory_space<vmem>>, %arg3: memref<1x256xf32, #tpu.memory_space<vmem>>, %arg4: memref<256x128xf32, #tpu.memory_space<vmem>>, %arg5: memref<1x128xf32, #tpu.memory_space<vmem>>, %arg6: memref<128x128xf32, #tpu.memory_space<vmem>>, %arg7: memref<1000x128xf32, #tpu.memory_space<vmem>>, %arg8: memref<256x128xf32, #tpu.memory_space<vmem>>, %arg9: memref<1x128xf32, #tpu.memory_space<vmem>>) attributes {dimension_semantics = [#tpu.dimension_semantics<arbitrary>], iteration_bounds = array<i64: 10>, scalar_prefetch = 0 : i64, scratch_operands = 2 : i64, tpu.core_type = #tpu.core_type<tc>, window_params = [{transform_indices = @transform_0, window_bounds = array<i64: 1000, 128>}, {pipeline_mode = #tpu.pipeline_mode<synchronous>, transform_indices = @transform_1, window_bounds = array<i64: 128, 256>}, {pipeline_mode = #tpu.pipeline_mode<synchronous>, transform_indices = @transform_2, window_bounds = array<i64: 1, 256>}, {pipeline_mode = #tpu.pipeline_mode<synchronous>, transform_indices = @transform_3, window_bounds = array<i64: 256, 128>}, {pipeline_mode = #tpu.pipeline_mode<synchronous>, transform_indices = @transform_4, window_bounds = array<i64: 1, 128>}, {pipeline_mode = #tpu.pipeline_mode<synchronous>, transform_indices = @transform_5, window_bounds = array<i64: 128, 128>}, {transform_indices = @transform_6, window_bounds = array<i64: 1000, 128>}]} {
    %eq3A = arith.constant 0 : i32
    %eq3A_0 = arith.cmpi eq, %arg0, %eq3A : i32
    %convert_element_type3A = arith.extui %eq3A_0 : i1 to i32
    %cond3A = arith.constant 0 : i32
    %cond3A_1 = arith.cmpi ne, %convert_element_type3A, %cond3A : i32
    scf.if %cond3A_1 {
      %get3A_26 = arith.constant 0 : index
      %get3A_27 = arith.constant 0 : index
      %get3A_28 = vector.load %arg4[%get3A_26, %get3A_27] : memref<256x128xf32, #tpu.memory_space<vmem>>, vector<256x128xf32>
      %get3A_29 = arith.constant 0 : index
      %get3A_30 = arith.constant 0 : index
      %get3A_31 = vector.load %arg6[%get3A_29, %get3A_30] : memref<128x128xf32, #tpu.memory_space<vmem>>, vector<128x128xf32>
      %dot_general3A_32 = arith.constant dense<0.000000e+00> : vector<256x128xf32>
      %dot_general3A_33 = tpu.matmul %get3A_28, %get3A_31, %dot_general3A_32 {dimension_numbers = #tpu.dot_dimension_numbers<[1], [0], [0], [1], [0, 0, 1, 1], [], []>, precision = #tpu.contract_precision<fp32>, transpose_lhs_hint = false} : vector<256x128xf32>, vector<128x128xf32>, vector<256x128xf32> -> vector<256x128xf32>
      %swap3A_34 = arith.constant 0 : index
      %swap3A_35 = arith.constant 0 : index
      %swap3A_36 = vector.load %arg8[%swap3A_34, %swap3A_35] : memref<256x128xf32, #tpu.memory_space<vmem>>, vector<256x128xf32>
      tpu.vector_store %arg8[%swap3A_34, %swap3A_35], %dot_general3A_33 {strides = array<i32>} : memref<256x128xf32, #tpu.memory_space<vmem>>, vector<256x128xf32>,
      %get3A_37 = arith.constant 0 : index
      %get3A_38 = arith.constant 0 : index
      %get3A_39 = vector.load %arg5[%get3A_37, %get3A_38] : memref<1x128xf32, #tpu.memory_space<vmem>>, vector<1x128xf32>
      %get3A_40 = arith.constant 0 : index
      %get3A_41 = arith.constant 0 : index
      %get3A_42 = vector.load %arg6[%get3A_40, %get3A_41] : memref<128x128xf32, #tpu.memory_space<vmem>>, vector<128x128xf32>
      %dot_general3A_43 = arith.constant dense<0.000000e+00> : vector<1x128xf32>
      %dot_general3A_44 = tpu.matmul %get3A_39, %get3A_42, %dot_general3A_43 {dimension_numbers = #tpu.dot_dimension_numbers<[1], [0], [0], [1], [0, 0, 1, 1], [], []>, precision = #tpu.contract_precision<fp32>, transpose_lhs_hint = false} : vector<1x128xf32>, vector<128x128xf32>, vector<1x128xf32> -> vector<1x128xf32>
      %swap3A_45 = arith.constant 0 : index
      %swap3A_46 = arith.constant 0 : index
      %swap3A_47 = vector.load %arg9[%swap3A_45, %swap3A_46] : memref<1x128xf32, #tpu.memory_space<vmem>>, vector<1x128xf32>
      tpu.vector_store %arg9[%swap3A_45, %swap3A_46], %dot_general3A_44 {strides = array<i32>} : memref<1x128xf32, #tpu.memory_space<vmem>>, vector<1x128xf32>,
    } else {
    }
    %get3A = arith.constant 0 : index
    %get3A_2 = arith.constant 0 : index
    %get3A_3 = vector.load %arg1[%get3A, %get3A_2] : memref<1000x128xf32, #tpu.memory_space<vmem>>, vector<1000x128xf32>
    %get3A_4 = arith.constant 0 : index
    %get3A_5 = arith.constant 0 : index
    %get3A_6 = vector.load %arg2[%get3A_4, %get3A_5] : memref<128x256xf32, #tpu.memory_space<vmem>>, vector<128x256xf32>
    %dot_general3A = arith.constant dense<0.000000e+00> : vector<1000x256xf32>
    %dot_general3A_7 = tpu.matmul %get3A_3, %get3A_6, %dot_general3A {dimension_numbers = #tpu.dot_dimension_numbers<[1], [0], [0], [1], [0, 0, 1, 1], [], []>, transpose_lhs_hint = false} : vector<1000x128xf32>, vector<128x256xf32>, vector<1000x256xf32> -> vector<1000x256xf32>
    %get3A_8 = arith.constant 0 : index
    %get3A_9 = arith.constant 0 : index
    %get3A_10 = vector.load %arg3[%get3A_8, %get3A_9] : memref<1x256xf32, #tpu.memory_space<vmem>>, vector<1x256xf32>
    %add3A = vector.broadcast %get3A_10 : vector<1x256xf32> to vector<1000x256xf32>
    %add3A_11 = arith.addf %dot_general3A_7, %add3A : vector<1000x256xf32>
    %max3A = arith.constant 0.000000e+00 : f32
    %max3A_12 = vector.broadcast %max3A : f32 to vector<1000x256xf32>
    %max3A_13 = arith.maximumf %add3A_11, %max3A_12 : vector<1000x256xf32>
    %get3A_14 = arith.constant 0 : index
    %get3A_15 = arith.constant 0 : index
    %get3A_16 = vector.load %arg8[%get3A_14, %get3A_15] : memref<256x128xf32, #tpu.memory_space<vmem>>, vector<256x128xf32>
    %dot_general3A_17 = arith.constant dense<0.000000e+00> : vector<1000x128xf32>
    %dot_general3A_18 = tpu.matmul %max3A_13, %get3A_16, %dot_general3A_17 {dimension_numbers = #tpu.dot_dimension_numbers<[1], [0], [0], [1], [0, 0, 1, 1], [], []>, transpose_lhs_hint = false} : vector<1000x256xf32>, vector<256x128xf32>, vector<1000x128xf32> -> vector<1000x128xf32>
    %get3A_19 = arith.constant 0 : index
    %get3A_20 = arith.constant 0 : index
    %get3A_21 = vector.load %arg9[%get3A_19, %get3A_20] : memref<1x128xf32, #tpu.memory_space<vmem>>, vector<1x128xf32>
    %add3A_22 = vector.broadcast %get3A_21 : vector<1x128xf32> to vector<1000x128xf32>
    %add3A_23 = arith.addf %dot_general3A_18, %add3A_22 : vector<1000x128xf32>
    %swap3A = arith.constant 0 : index
    %swap3A_24 = arith.constant 0 : index
    %swap3A_25 = vector.load %arg7[%swap3A, %swap3A_24] : memref<1000x128xf32, #tpu.memory_space<vmem>>, vector<1000x128xf32>
    tpu.vector_store %arg7[%swap3A, %swap3A_24], %add3A_23 {strides = array<i32>} : memref<1000x128xf32, #tpu.memory_space<vmem>>, vector<1000x128xf32>,
    return
  }
  func.func @transform_0(%arg0: i32) -> (i32, i32) {
    %c0_i32 = arith.constant 0 : i32
    %c0_i32_0 = arith.constant 0 : i32
    return %arg0, %c0_i32 : i32, i32
  }
  func.func @transform_1(%arg0: i32) -> (i32, i32) {
    %c0_i32 = arith.constant 0 : i32
    %c0_i32_0 = arith.constant 0 : i32
    %c0_i32_1 = arith.constant 0 : i32
    return %c0_i32, %c0_i32_0 : i32, i32
  }
  func.func @transform_2(%arg0: i32) -> (i32, i32) {
    %c0_i32 = arith.constant 0 : i32
    %c0_i32_0 = arith.constant 0 : i32
    %c0_i32_1 = arith.constant 0 : i32
    return %c0_i32, %c0_i32_0 : i32, i32
  }
  func.func @transform_3(%arg0: i32) -> (i32, i32) {
    %c0_i32 = arith.constant 0 : i32
    %c0_i32_0 = arith.constant 0 : i32
    %c0_i32_1 = arith.constant 0 : i32
    return %c0_i32, %c0_i32_0 : i32, i32
  }
  func.func @transform_4(%arg0: i32) -> (i32, i32) {
    %c0_i32 = arith.constant 0 : i32
    %c0_i32_0 = arith.constant 0 : i32
    %c0_i32_1 = arith.constant 0 : i32
    return %c0_i32, %c0_i32_0 : i32, i32
  }
  func.func @transform_5(%arg0: i32) -> (i32, i32) {
    %c0_i32 = arith.constant 0 : i32
    %c0_i32_0 = arith.constant 0 : i32
    %c0_i32_1 = arith.constant 0 : i32
    return %c0_i32, %c0_i32_0 : i32, i32
  }
  func.func @transform_6(%arg0: i32) -> (i32, i32) {
    %c0_i32 = arith.constant 0 : i32
    %c0_i32_0 = arith.constant 0 : i32
    return %arg0, %c0_i32 : i32, i32
  }
}

module attributes {stable_mosaic.version = 14 : i64} {
  func.func @_scale_body(%arg0: i32, %arg1: memref<1000x128xf32, #tpu.memory_space<vmem>>, %arg2: memref<2x1x1000x1xf32, #tpu.memory_space<vmem>>, %arg3: memref<1000x128xf32, #tpu.memory_space<vmem>>) attributes {dimension_semantics = [#tpu.dimension_semantics<arbitrary>], iteration_bounds = array<i64: 10>, scalar_prefetch = 0 : i64, scratch_operands = 0 : i64, tpu.core_type = #tpu.core_type<tc>, window_params = [{transform_indices = @transform_0, window_bounds = array<i64: 1000, 128>}, {transform_indices = @transform_1, window_bounds = array<i64: 2, 1, 1000, 1>}, {transform_indices = @transform_2, window_bounds = array<i64: 1000, 128>}]} {
    %get3A = arith.constant 0 : index
    %get3A_0 = arith.constant 0 : index
    %get3A_1 = arith.constant 0 : index
    %get3A_2 = arith.constant 0 : index
    %get3A_3 = vector.load %arg2[%get3A, %get3A_0, %get3A_1, %get3A_2] : memref<2x1x1000x1xf32, #tpu.memory_space<vmem>>, vector<1x1x1000x1xf32>
    %get3A_4 = vector.shape_cast %get3A_3 : vector<1x1x1000x1xf32> to vector<1000x1xf32>
    %get3A_5 = arith.constant 1 : index
    %get3A_6 = arith.constant 0 : index
    %get3A_7 = arith.constant 0 : index
    %get3A_8 = arith.constant 0 : index
    %get3A_9 = vector.load %arg2[%get3A_5, %get3A_6, %get3A_7, %get3A_8] : memref<2x1x1000x1xf32, #tpu.memory_space<vmem>>, vector<1x1x1000x1xf32>
    %get3A_10 = vector.shape_cast %get3A_9 : vector<1x1x1000x1xf32> to vector<1000x1xf32>
    %add3A = arith.addf %get3A_4, %get3A_10 : vector<1000x1xf32>
    %get3A_11 = arith.constant 0 : index
    %get3A_12 = arith.constant 0 : index
    %get3A_13 = vector.load %arg1[%get3A_11, %get3A_12] : memref<1000x128xf32, #tpu.memory_space<vmem>>, vector<1000x128xf32>
    %max3A = arith.constant 1.000000e+00 : f32
    %max3A_14 = vector.broadcast %max3A : f32 to vector<1000x1xf32>
    %max3A_15 = arith.maximumf %add3A, %max3A_14 : vector<1000x1xf32>
    %rsqrt3A = math.rsqrt %max3A_15 : vector<1000x1xf32>
    %mul3A = vector.broadcast %rsqrt3A : vector<1000x1xf32> to vector<1000x128xf32>
    %mul3A_16 = arith.mulf %get3A_13, %mul3A : vector<1000x128xf32>
    %swap3A = arith.constant 0 : index
    %swap3A_17 = arith.constant 0 : index
    %swap3A_18 = vector.load %arg3[%swap3A, %swap3A_17] : memref<1000x128xf32, #tpu.memory_space<vmem>>, vector<1000x128xf32>
    tpu.vector_store %arg3[%swap3A, %swap3A_17], %mul3A_16 {strides = array<i32>} : memref<1000x128xf32, #tpu.memory_space<vmem>>, vector<1000x128xf32>,
    return
  }
  func.func @transform_0(%arg0: i32) -> (i32, i32) {
    %c0_i32 = arith.constant 0 : i32
    %c0_i32_0 = arith.constant 0 : i32
    return %arg0, %c0_i32 : i32, i32
  }
  func.func @transform_1(%arg0: i32) -> (i32, i32, i32, i32) {
    %c0_i32 = arith.constant 0 : i32
    %c0_i32_0 = arith.constant 0 : i32
    %c0_i32_1 = arith.constant 0 : i32
    %c0_i32_2 = arith.constant 0 : i32
    return %c0_i32, %c0_i32_0, %arg0, %c0_i32_1 : i32, i32, i32, i32
  }
  func.func @transform_2(%arg0: i32) -> (i32, i32) {
    %c0_i32 = arith.constant 0 : i32
    %c0_i32_0 = arith.constant 0 : i32
    return %arg0, %c0_i32 : i32, i32
  }
}

module attributes {stable_mosaic.version = 14 : i64} {
  func.func @_final_body(%arg0: i32, %arg1: memref<1x1000x128xf32, #tpu.memory_space<vmem>>, %arg2: memref<1x1000x128xf32, #tpu.memory_space<vmem>>, %arg3: memref<2x1x1000x1xf32, #tpu.memory_space<vmem>>, %arg4: memref<1x128xf32, #tpu.memory_space<vmem>>, %arg5: memref<19x1280xf32, #tpu.memory_space<vmem>>, %arg6: memref<1280x256xf32, #tpu.memory_space<vmem>>, %arg7: memref<1x256xf32, #tpu.memory_space<vmem>>, %arg8: memref<256x128xf32, #tpu.memory_space<vmem>>, %arg9: memref<1x128xf32, #tpu.memory_space<vmem>>, %arg10: memref<1x128xf32, #tpu.memory_space<vmem>>, %arg11: memref<19x128xf32, #tpu.memory_space<vmem>>) attributes {dimension_semantics = [#tpu.dimension_semantics<arbitrary>], iteration_bounds = array<i64: 10>, scalar_prefetch = 0 : i64, scratch_operands = 0 : i64, tpu.core_type = #tpu.core_type<tc>, window_params = [{transform_indices = @transform_0, window_bounds = array<i64: 1, 1000, 128>}, {transform_indices = @transform_1, window_bounds = array<i64: 1, 1000, 128>}, {transform_indices = @transform_2, window_bounds = array<i64: 2, 1, 1000, 1>}, {pipeline_mode = #tpu.pipeline_mode<synchronous>, transform_indices = @transform_3, window_bounds = array<i64: 1, 128>}, {pipeline_mode = #tpu.pipeline_mode<synchronous>, transform_indices = @transform_4, window_bounds = array<i64: 19, 1280>}, {pipeline_mode = #tpu.pipeline_mode<synchronous>, transform_indices = @transform_5, window_bounds = array<i64: 1280, 256>}, {pipeline_mode = #tpu.pipeline_mode<synchronous>, transform_indices = @transform_6, window_bounds = array<i64: 1, 256>}, {pipeline_mode = #tpu.pipeline_mode<synchronous>, transform_indices = @transform_7, window_bounds = array<i64: 256, 128>}, {pipeline_mode = #tpu.pipeline_mode<synchronous>, transform_indices = @transform_8, window_bounds = array<i64: 1, 128>}, {pipeline_mode = #tpu.pipeline_mode<synchronous>, transform_indices = @transform_9, window_bounds = array<i64: 1, 128>}, {pipeline_mode = #tpu.pipeline_mode<synchronous>, transform_indices = @transform_10, window_bounds = array<i64: 19, 128>}]} {
    %get3A = arith.constant 0 : index
    %get3A_0 = arith.constant 0 : index
    %get3A_1 = arith.constant 0 : index
    %get3A_2 = vector.load %arg1[%get3A, %get3A_0, %get3A_1] : memref<1x1000x128xf32, #tpu.memory_space<vmem>>, vector<1x1000x128xf32>
    %get3A_3 = vector.shape_cast %get3A_2 : vector<1x1000x128xf32> to vector<1000x128xf32>
    %get3A_4 = arith.constant 0 : index
    %get3A_5 = arith.constant 0 : index
    %get3A_6 = arith.constant 0 : index
    %get3A_7 = vector.load %arg2[%get3A_4, %get3A_5, %get3A_6] : memref<1x1000x128xf32, #tpu.memory_space<vmem>>, vector<1x1000x128xf32>
    %get3A_8 = vector.shape_cast %get3A_7 : vector<1x1000x128xf32> to vector<1000x128xf32>
    %add3A = arith.addf %get3A_3, %get3A_8 : vector<1000x128xf32>
    %get3A_9 = arith.constant 0 : index
    %get3A_10 = arith.constant 0 : index
    %get3A_11 = arith.constant 0 : index
    %get3A_12 = arith.constant 0 : index
    %get3A_13 = vector.load %arg3[%get3A_9, %get3A_10, %get3A_11, %get3A_12] : memref<2x1x1000x1xf32, #tpu.memory_space<vmem>>, vector<1x1x1000x1xf32>
    %get3A_14 = vector.shape_cast %get3A_13 : vector<1x1x1000x1xf32> to vector<1000x1xf32>
    %get3A_15 = arith.constant 1 : index
    %get3A_16 = arith.constant 0 : index
    %get3A_17 = arith.constant 0 : index
    %get3A_18 = arith.constant 0 : index
    %get3A_19 = vector.load %arg3[%get3A_15, %get3A_16, %get3A_17, %get3A_18] : memref<2x1x1000x1xf32, #tpu.memory_space<vmem>>, vector<1x1x1000x1xf32>
    %get3A_20 = vector.shape_cast %get3A_19 : vector<1x1x1000x1xf32> to vector<1000x1xf32>
    %add3A_21 = arith.addf %get3A_14, %get3A_20 : vector<1000x1xf32>
    %max3A = arith.constant 1.000000e+00 : f32
    %max3A_22 = vector.broadcast %max3A : f32 to vector<1000x1xf32>
    %max3A_23 = arith.maximumf %add3A_21, %max3A_22 : vector<1000x1xf32>
    %rsqrt3A = math.rsqrt %max3A_23 : vector<1000x1xf32>
    %mul3A = vector.broadcast %rsqrt3A : vector<1000x1xf32> to vector<1000x128xf32>
    %mul3A_24 = arith.mulf %add3A, %mul3A : vector<1000x128xf32>
    %get3A_25 = arith.constant 0 : index
    %get3A_26 = arith.constant 0 : index
    %get3A_27 = vector.load %arg4[%get3A_25, %get3A_26] : memref<1x128xf32, #tpu.memory_space<vmem>>, vector<1x128xf32>
    %add3A_28 = vector.broadcast %get3A_27 : vector<1x128xf32> to vector<1000x128xf32>
    %add3A_29 = arith.addf %mul3A_24, %add3A_28 : vector<1000x128xf32>
    %ge3A = arith.constant 0.000000e+00 : f32
    %ge3A_30 = vector.broadcast %ge3A : f32 to vector<1000x128xf32>
    %ge3A_31 = arith.cmpf oge, %add3A_29, %ge3A_30 : vector<1000x128xf32>
    %mul3A_32 = arith.constant 0.00999999977 : f32
    %mul3A_33 = vector.broadcast %mul3A_32 : f32 to vector<1000x128xf32>
    %mul3A_34 = arith.mulf %mul3A_33, %add3A_29 : vector<1000x128xf32>
    %select_n3A = arith.select %ge3A_31, %add3A_29, %mul3A_34 : vector<1000x128xi1>, vector<1000x128xf32>
    %reduce_sum3A = arith.constant dense<0.000000e+00> : vector<128xf32>
    %reduce_sum3A_35 = vector.multi_reduction <add>, %select_n3A, %reduce_sum3A [0] : vector<1000x128xf32> to vector<128xf32>
    %broadcast_in_dim3A = vector.shape_cast %reduce_sum3A_35 : vector<128xf32> to vector<1x128xf32>
    %eq3A = arith.constant 0 : i32
    %eq3A_36 = arith.cmpi eq, %arg0, %eq3A : i32
    %convert_element_type3A = arith.extui %eq3A_36 : i1 to i32
    %cond3A = arith.constant 0 : i32
    %cond3A_37 = arith.cmpi ne, %convert_element_type3A, %cond3A : i32
    scf.if %cond3A_37 {
      %broadcast_in_dim3A_49 = arith.constant 0.000000e+00 : f32
      %broadcast_in_dim3A_50 = vector.broadcast %broadcast_in_dim3A_49 : f32 to vector<1x128xf32>
      %swap3A_51 = arith.constant 0 : index
      %swap3A_52 = arith.constant 0 : index
      %swap3A_53 = vector.load %arg10[%swap3A_51, %swap3A_52] : memref<1x128xf32, #tpu.memory_space<vmem>>, vector<1x128xf32>
      tpu.vector_store %arg10[%swap3A_51, %swap3A_52], %broadcast_in_dim3A_50 {strides = array<i32>} : memref<1x128xf32, #tpu.memory_space<vmem>>, vector<1x128xf32>,
      %get3A_54 = arith.constant 0 : index
      %get3A_55 = arith.constant 0 : index
      %get3A_56 = vector.load %arg5[%get3A_54, %get3A_55] : memref<19x1280xf32, #tpu.memory_space<vmem>>, vector<19x1280xf32>
      %get3A_57 = arith.constant 0 : index
      %get3A_58 = arith.constant 0 : index
      %get3A_59 = vector.load %arg6[%get3A_57, %get3A_58] : memref<1280x256xf32, #tpu.memory_space<vmem>>, vector<1280x256xf32>
      %dot_general3A = arith.constant dense<0.000000e+00> : vector<19x256xf32>
      %dot_general3A_60 = tpu.matmul %get3A_56, %get3A_59, %dot_general3A {dimension_numbers = #tpu.dot_dimension_numbers<[1], [0], [0], [1], [0, 0, 1, 1], [], []>, precision = #tpu.contract_precision<fp32>, transpose_lhs_hint = false} : vector<19x1280xf32>, vector<1280x256xf32>, vector<19x256xf32> -> vector<19x256xf32>
      %get3A_61 = arith.constant 0 : index
      %get3A_62 = arith.constant 0 : index
      %get3A_63 = vector.load %arg7[%get3A_61, %get3A_62] : memref<1x256xf32, #tpu.memory_space<vmem>>, vector<1x256xf32>
      %add3A_64 = vector.broadcast %get3A_63 : vector<1x256xf32> to vector<19x256xf32>
      %add3A_65 = arith.addf %dot_general3A_60, %add3A_64 : vector<19x256xf32>
      %max3A_66 = arith.constant 0.000000e+00 : f32
      %max3A_67 = vector.broadcast %max3A_66 : f32 to vector<19x256xf32>
      %max3A_68 = arith.maximumf %add3A_65, %max3A_67 : vector<19x256xf32>
      %get3A_69 = arith.constant 0 : index
      %get3A_70 = arith.constant 0 : index
      %get3A_71 = vector.load %arg8[%get3A_69, %get3A_70] : memref<256x128xf32, #tpu.memory_space<vmem>>, vector<256x128xf32>
      %dot_general3A_72 = arith.constant dense<0.000000e+00> : vector<19x128xf32>
      %dot_general3A_73 = tpu.matmul %max3A_68, %get3A_71, %dot_general3A_72 {dimension_numbers = #tpu.dot_dimension_numbers<[1], [0], [0], [1], [0, 0, 1, 1], [], []>, precision = #tpu.contract_precision<fp32>, transpose_lhs_hint = false} : vector<19x256xf32>, vector<256x128xf32>, vector<19x128xf32> -> vector<19x128xf32>
      %get3A_74 = arith.constant 0 : index
      %get3A_75 = arith.constant 0 : index
      %get3A_76 = vector.load %arg9[%get3A_74, %get3A_75] : memref<1x128xf32, #tpu.memory_space<vmem>>, vector<1x128xf32>
      %add3A_77 = vector.broadcast %get3A_76 : vector<1x128xf32> to vector<19x128xf32>
      %add3A_78 = arith.addf %dot_general3A_73, %add3A_77 : vector<19x128xf32>
      %swap3A_79 = arith.constant 0 : index
      %swap3A_80 = arith.constant 0 : index
      %swap3A_81 = vector.load %arg11[%swap3A_79, %swap3A_80] : memref<19x128xf32, #tpu.memory_space<vmem>>, vector<19x128xf32>
      tpu.vector_store %arg11[%swap3A_79, %swap3A_80], %add3A_78 {strides = array<i32>} : memref<19x128xf32, #tpu.memory_space<vmem>>, vector<19x128xf32>,
    } else {
    }
    %get3A_38 = arith.constant 0 : index
    %get3A_39 = arith.constant 0 : index
    %get3A_40 = vector.load %arg10[%get3A_38, %get3A_39] : memref<1x128xf32, #tpu.memory_space<vmem>>, vector<1x128xf32>
    %add3A_41 = arith.addf %get3A_40, %broadcast_in_dim3A : vector<1x128xf32>
    %swap3A = arith.constant 0 : index
    %swap3A_42 = arith.constant 0 : index
    %swap3A_43 = vector.load %arg10[%swap3A, %swap3A_42] : memref<1x128xf32, #tpu.memory_space<vmem>>, vector<1x128xf32>
    tpu.vector_store %arg10[%swap3A, %swap3A_42], %add3A_41 {strides = array<i32>} : memref<1x128xf32, #tpu.memory_space<vmem>>, vector<1x128xf32>,
    %eq3A_44 = arith.constant 9 : i32
    %eq3A_45 = arith.cmpi eq, %arg0, %eq3A_44 : i32
    %convert_element_type3A_46 = arith.extui %eq3A_45 : i1 to i32
    %cond3A_47 = arith.constant 0 : i32
    %cond3A_48 = arith.cmpi ne, %convert_element_type3A_46, %cond3A_47 : i32
    scf.if %cond3A_48 {
      %get3A_49 = arith.constant 0 : index
      %get3A_50 = arith.constant 0 : index
      %get3A_51 = vector.load %arg10[%get3A_49, %get3A_50] : memref<1x128xf32, #tpu.memory_space<vmem>>, vector<1x128xf32>
      %mul3A_52 = arith.constant 9.99999974E-5 : f32
      %mul3A_53 = vector.broadcast %mul3A_52 : f32 to vector<1x128xf32>
      %mul3A_54 = arith.mulf %get3A_51, %mul3A_53 : vector<1x128xf32>
      %swap3A_55 = arith.constant 0 : index
      %swap3A_56 = arith.constant 0 : index
      %swap3A_57 = vector.load %arg10[%swap3A_55, %swap3A_56] : memref<1x128xf32, #tpu.memory_space<vmem>>, vector<1x128xf32>
      tpu.vector_store %arg10[%swap3A_55, %swap3A_56], %mul3A_54 {strides = array<i32>} : memref<1x128xf32, #tpu.memory_space<vmem>>, vector<1x128xf32>,
    } else {
    }
    return
  }
  func.func @transform_0(%arg0: i32) -> (i32, i32, i32) {
    %c0_i32 = arith.constant 0 : i32
    %c0_i32_0 = arith.constant 0 : i32
    %c0_i32_1 = arith.constant 0 : i32
    return %c0_i32, %arg0, %c0_i32_0 : i32, i32, i32
  }
  func.func @transform_1(%arg0: i32) -> (i32, i32, i32) {
    %c1_i32 = arith.constant 1 : i32
    %c0_i32 = arith.constant 0 : i32
    %c0_i32_0 = arith.constant 0 : i32
    return %c1_i32, %arg0, %c0_i32 : i32, i32, i32
  }
  func.func @transform_2(%arg0: i32) -> (i32, i32, i32, i32) {
    %c0_i32 = arith.constant 0 : i32
    %c0_i32_0 = arith.constant 0 : i32
    %c0_i32_1 = arith.constant 0 : i32
    %c0_i32_2 = arith.constant 0 : i32
    return %c0_i32, %c0_i32_0, %arg0, %c0_i32_1 : i32, i32, i32, i32
  }
  func.func @transform_3(%arg0: i32) -> (i32, i32) {
    %c0_i32 = arith.constant 0 : i32
    %c0_i32_0 = arith.constant 0 : i32
    %c0_i32_1 = arith.constant 0 : i32
    return %c0_i32, %c0_i32_0 : i32, i32
  }
  func.func @transform_4(%arg0: i32) -> (i32, i32) {
    %c0_i32 = arith.constant 0 : i32
    %c0_i32_0 = arith.constant 0 : i32
    %c0_i32_1 = arith.constant 0 : i32
    return %c0_i32, %c0_i32_0 : i32, i32
  }
  func.func @transform_5(%arg0: i32) -> (i32, i32) {
    %c0_i32 = arith.constant 0 : i32
    %c0_i32_0 = arith.constant 0 : i32
    %c0_i32_1 = arith.constant 0 : i32
    return %c0_i32, %c0_i32_0 : i32, i32
  }
  func.func @transform_6(%arg0: i32) -> (i32, i32) {
    %c0_i32 = arith.constant 0 : i32
    %c0_i32_0 = arith.constant 0 : i32
    %c0_i32_1 = arith.constant 0 : i32
    return %c0_i32, %c0_i32_0 : i32, i32
  }
  func.func @transform_7(%arg0: i32) -> (i32, i32) {
    %c0_i32 = arith.constant 0 : i32
    %c0_i32_0 = arith.constant 0 : i32
    %c0_i32_1 = arith.constant 0 : i32
    return %c0_i32, %c0_i32_0 : i32, i32
  }
  func.func @transform_8(%arg0: i32) -> (i32, i32) {
    %c0_i32 = arith.constant 0 : i32
    %c0_i32_0 = arith.constant 0 : i32
    %c0_i32_1 = arith.constant 0 : i32
    return %c0_i32, %c0_i32_0 : i32, i32
  }
  func.func @transform_9(%arg0: i32) -> (i32, i32) {
    %c0_i32 = arith.constant 0 : i32
    %c0_i32_0 = arith.constant 0 : i32
    %c0_i32_1 = arith.constant 0 : i32
    return %c0_i32, %c0_i32_0 : i32, i32
  }
  func.func @transform_10(%arg0: i32) -> (i32, i32) {
    %c0_i32 = arith.constant 0 : i32
    %c0_i32_0 = arith.constant 0 : i32
    %c0_i32_1 = arith.constant 0 : i32
    return %c0_i32, %c0_i32_0 : i32, i32
  }
}

</mosaic_0001>

<sc_bundles>
// kernel: kernel.10.cloned.1.call-start
scs
__scs_entry_jumppad:
0x0: {  	(pc) =	sbr.rel $0x88, $3  }
0x1: {  	(tag) =	ssettag $0x0;
	lr =	simm.s32 $0x1  }
0x2: {  	[smem:$0x3F93] =	sst lr;
	_ =	strace $0xD0000000  }
0x3: {  	_ = 	snop  }
0x4: {  	_ = 	snop  }
0x5: {  	_ = 	snop  }
0x6: {  	_ = 	snop  }
0x7: {  	_ = 	snop  }
__scs_overlays_trampoline_lowered:
0x8: {  	[smem:$0x3FA2] =	sst s0  }
0x9: {  	[smem:$0x3FA3] =	sst s1  }
0xa: {  	[smem:$0x3FA4] =	sst s2  }
0xb: {  	[smem:$0x3FA5] =	sst s3  }
0xc: {  	[smem:$0x3FA6] =	sst s4  }
0xd: {  	[smem:$0x3FA7] =	sst s5  }
0xe: {  	[smem:$0x3FA8] =	sst s6  }
0xf: {  	[smem:$0x3FA9] =	sst s7  }
0x10: {  	[smem:$0x3FAA] =	sst s8  }
0x11: {  	[smem:$0x3FAB] =	sst s9;
	s0 =	simm.s32 @!p0 $0x0  }
0x12: {  	s1 =	sld [smem:$0x3F91];
	s0 =	simm.s32 @p0 $0x1  }
0x13: {  	[smem:$0x3FAC] =	sst s0;
	s0 =	simm.s32 @!p1 $0x0  }
0x14: {  	s2 =	sld [smem:$0x3F90];
	s0 =	simm.s32 @p1 $0x1  }
0x15: {  	[smem:$0x3FAD] =	sst s0;
	s0 =	simm.s32 @!p2 $0x0  }
0x16: {  	s3 =	sld [smem:$0x3FDB];
	s0 =	simm.s32 @p2 $0x1  }
0x17: {  	s4 =	simm.s32 $0x1BF5;
	[smem:$0x3FAF] =	sst s0  }
0x18: {  	s0 =	sld [smem:$0x3F92];
	_ =	swait.ge [sflag:s4], $0x0  }
0x19: {  	s7 =	sld [smem:$0x3F93]  }
0x1a: {  	s8 =	sadd.s32 $0xFFFFE003, lr  }
0x1b: {  	s9 =	sadd.s32 $0xFFFFFEF7, lr;
	s5 =	simm.s32 $0xFFFFFFFF;
	p2 =	slt.u32 s8, $0xFFFFF086  }
0x1c: {  	p1 =	slt.u32 s9, $0xF7A;
	s5 =	simm.s32 @!p2 $0x0  }
0x1d: {  	s5 =	simm.s32 @p1 $0x1;
	p0 =	seq.s32 s7, s2  }
0x1e: {  	s7 =	smul.u32 @!p0 $0xF7A, s2;
	p2 =	seq.s32 @!p0 s5, $0x0  }
0x1f: {  	s9 =	smul.u32 $0xF7A, s1;
	s8 =	simm.s32 @!p0 $0x1BF5;
	p2 =	por !p2, p0  }
0x20: {  	[sflag:s8] =	ssyncset.s32 @!p0 $0xFFFFF086;
	s6 =	sadd.s32 @!p0 s3, s7;
	s7 =	simm.s32 @!p0 $0x108  }
0x21: {  	s3 =	sadd.s32 s3, s9;
	s6 =	sadd.s32 @!p0 $0x88, s6;
	s7 =	simm.s32 @p2 $0x1082  }
0x22: {  	[simem:s7], [sflag:s8] =	dma.local @!p0 [hbm:s6], $0xF7A  }
0x23: {  	s9 =	sor.u32 $0xD0000000, s2;
	s6 =	simm.s32 $0x108;
	_ =	swait.ge @!p0 [sflag:s8], $0x0  }
0x24: {  	s3 =	sadd.s32 $0x88, s3;
	s6 =	simm.s32 @!p1 $0x1082;
	[sflag:s4] =	ssyncset.s32 $0xFFFFF086  }
0x25: {  	[simem:s6], [sflag:s4] =	dma.local [hbm:s3], $0xF7A  }
0x26: {  	[smem:$0x3F93] =	sst s1;
	(tag) =	ssettag s2;
	_ =	strace s9  }
0x27: {  	s1 =	sld [smem:$0x3FA3]  }
0x28: {  	s2 =	sld [smem:$0x3FA4]  }
0x29: {  	s4 =	sld [smem:$0x3FA6]  }
0x2a: {  	p0 =	seq.s32 s5, $0x0;
	s5 =	sld [smem:$0x3FA7]  }
0x2b: {  	s6 =	sld [smem:$0x3FA8]  }
0x2c: {  	s7 =	sld [smem:$0x3FA9]  }
0x2d: {  	s3 =	simm.s32 $0x108;
	s8 =	sld [smem:$0x3FAA]  }
0x2e: {  	s3 =	simm.s32 @!p0 $0x1082;
	s9 =	sld [smem:$0x3FAB]  }
0x2f: {  	lr =	sadd.s32 s0, s3;
	s0 =	sld [smem:$0x3FA2]  }
0x30: {  	s3 =	sld [smem:$0x3FA5]  }
0x31: {  	[smem:$0x3FAE] =	sst s10  }
0x32: {  	s10 =	sld [smem:$0x3FAC];
	_ =	sdelay $0x3  }
0x33: {  	p0 =	seq.s32 s10, $0x1;
	s10 =	sld [smem:$0x3FAE];
	_ =	sdelay $0x3  }
0x34: {  	[smem:$0x3FAE] =	sst s10  }
0x35: {  	s10 =	sld [smem:$0x3FAD];
	_ =	sdelay $0x3  }
0x36: {  	p1 =	seq.s32 s10, $0x1;
	s10 =	sld [smem:$0x3FAE];
	_ =	sdelay $0x3  }
0x37: {  	[smem:$0x3FAE] =	sst s10  }
0x38: {  	s10 =	sld [smem:$0x3FAF]  }
0x39: {  	_ = 	snop;
	(pc) =	sbr.ind lr, $3  }
0x3a: {  	_ = 	snop  }
0x3b: {  	_ = 	snop  }
0x3c: {  	p2 =	seq.s32 s10, $0x1;
	s10 =	sld [smem:$0x3FAE]  }
0x3d: {  	_ =	shalt  }
0x3e: {  	_ =	shalt  }
0x3f: {  	_ =	shalt  }
0x40: {  	_ =	shalt  }
0x41: {  	_ =	shalt  }
0x42: {  	_ =	shalt  }
0x43: {  	_ =	shalt  }
0x44: {  	_ =	shalt  }
0x45: {  	_ =	shalt  }
0x46: {  	_ =	shalt  }
0x47: {  	_ =	shalt  }
0x48: {  	_ =	shalt  }
0x49: {  	_ =	shalt  }
0x4a: {  	_ =	shalt  }
0x4b: {  	_ =	shalt  }
0x4c: {  	_ =	shalt  }
0x4d: {  	_ =	shalt  }
0x4e: {  	_ =	shalt  }
0x4f: {  	_ =	shalt  }
0x50: {  	_ =	shalt  }
0x51: {  	_ =	shalt  }
0x52: {  	_ =	shalt  }
0x53: {  	_ =	shalt  }
0x54: {  	_ =	shalt  }
0x55: {  	_ =	shalt  }
0x56: {  	_ =	shalt  }
0x57: {  	_ =	shalt  }
0x58: {  	_ =	shalt  }
0x59: {  	_ =	shalt  }
0x5a: {  	_ =	shalt  }
0x5b: {  	_ =	shalt  }
0x5c: {  	_ =	shalt  }
0x5d: {  	_ =	shalt  }
0x5e: {  	_ =	shalt  }
0x5f: {  	_ =	shalt  }
0x60: {  	_ =	shalt  }
0x61: {  	_ =	shalt  }
0x62: {  	_ =	shalt  }
0x63: {  	_ =	shalt  }
0x64: {  	_ =	shalt  }
0x65: {  	_ =	shalt  }
0x66: {  	_ =	shalt  }
0x67: {  	_ =	shalt  }
0x68: {  	_ =	shalt  }
0x69: {  	_ =	shalt  }
0x6a: {  	_ =	shalt  }
0x6b: {  	_ =	shalt  }
0x6c: {  	_ =	shalt  }
0x6d: {  	_ =	shalt  }
0x6e: {  	_ =	shalt  }
0x6f: {  	_ =	shalt  }
0x70: {  	_ =	shalt  }
0x71: {  	_ =	shalt  }
0x72: {  	_ =	shalt  }
0x73: {  	_ =	shalt  }
0x74: {  	_ =	shalt  }
0x75: {  	_ =	shalt  }
0x76: {  	_ =	shalt  }
0x77: {  	_ =	shalt  }
0x78: {  	_ =	shalt  }
0x79: {  	_ =	shalt  }
0x7a: {  	_ =	shalt  }
0x7b: {  	_ =	shalt  }
0x7c: {  	_ =	shalt  }
0x7d: {  	_ =	shalt  }
0x7e: {  	_ =	shalt  }
0x7f: {  	_ =	shalt  }
0x80: {  	_ =	shalt  }
0x81: {  	_ =	shalt  }
0x82: {  	_ =	shalt  }
0x83: {  	_ =	shalt  }
0x84: {  	_ =	shalt  }
0x85: {  	_ =	shalt  }
0x86: {  	_ =	shalt  }
0x87: {  	_ =	shalt  }
.Lfunc_end0:
.L_simem_size_0:
called_computation.1_lowered:
.L_overlay_start_0:
0x88: {  	s2 =	sld [smem:$0x3FD9]  }
0x89: {  	s3 =	sld [smem:$0x3FFE];
	_ =	sdelay $0x1  }
0x8a: {  	s1 =	srdreg.scid  }
0x8b: {  	s0 =	sand.u32 $0x1, s1  }
0x8c: {  	s14 =	sshll.u32 s0, $0xA;
	s2 =	sadd.s32 s3, s2  }
0x8d: {  	s2 =	sadd.s32 s2, s14  }
0x8e: {  	[smem:$0x3FBA] =	sst s2  }
0x8f: {  	_ = 	snop  }
0x90: {  	s2 =	sld [smem:$0x3FD0];
	_ =	sdelay $0x2  }
0x91: {  	s15 =	simm.s32 $0xA;
	s4 =	simm.s32 $0x10  }
0x92: {  	[smem:s4], [sflag:s15] =	dma.local [hbm:s2], $0x1  }
0x93: {  	_ =	swait.eq [sflag:s15], $0x1  }
0x94: {  	[sflag:s15] =	ssyncset.done $0x0  }
0x95: {  	[sflag:s15] =	ssyncadd.s32 $0xFFFFFFFF  }
0x96: {  	s16 =	sld [smem:$0x11];
	(tm) =	ssettm $0x1  }
0x97: {  	s17 =	sld [smem:$0x3FFB];
	_ =	sdelay $0x3  }
0x98: {  	_ =	strace s17  }
0x99: {  	s3 =	sld [smem:$0x3FFC];
	_ =	sdelay $0x3  }
0x9a: {  	_ =	strace s3  }
0x9b: {  	s3 =	sld [smem:$0x3FFD];
	_ =	sdelay $0x3  }
0x9c: {  	_ =	strace s3  }
0x9d: {  	_ =	strace $0x8FFFFFFF  }
0x9e: {  	s18 =	sld [smem:$0x3FDB];
	_ =	sdelay $0x1  }
0x9f: {  	s19 =	simm.s32 $_scs_section_size  }
0xa0: {  	s5 =	simm.s32 $_size__tile_overlayer_lowered;
	s6 =	simm.s32 $_tile_overlayer_lowered  }
0xa1: {  	s22 =	simm.s32 $0x1BFF;
	s21 =	sshll.u32 s6, $0x1;
	s3 =	sadd.s32 s19, s18  }
0xa2: {  	s7 =	simm.s32 $0x0;
	s20 =	sshll.u32 s5, $0x1;
	s5 =	sadd.s32 s21, s3  }
0xa3: {  	[timem:s7], [sflag:s22] =	dma.local [hbm:s5], s20  }
0xa4: {  	_ =	swait.ge [sflag:s22], s20  }
0xa5: {  	s4 =	ssub.s32 $0x0, s20;
	[sflag:s22] =	ssyncset.done $0x0  }
0xa6: {  	[sflag:s22] =	ssyncadd.s32 s4;
	_ =	sdelay $0x1  }
0xa7: {  	s23 =	simm.s32 $0x1B8B  }
0xa8: {  	_ =	swait.ge [sflag:s23], $0x1  }
0xa9: {  	[sflag:s23] =	ssyncset.done $0x0  }
0xaa: {  	s25 =	simm.s32 $0x1B8E;
	s24 =	sld [smem:$0x3FFE];
	[sflag:s23] =	ssyncadd.s32 $0xFFFFFFFF  }
0xab: {  	s26 =	simm.s32 $execute0_lowered;
	[smem:$0x3FD2] =	sst s25  }
0xac: {  	s5 =	sshll.u32 s26, $0x1;
	_ =	strace $0x80000049;
	[dreg:$0x1] =	wrdreg $0xFFFFFFFF  }
0xad: {  	s28 =	simm.s32 $_size_execute0_lowered;
	s3 =	sadd.s32 s3, s5;
	[dreg:$0x0] =	wrdreg $0x0  }
0xae: {  	s5 =	sshll.u32 s28, $0x1;
	[dreg:$0x2] =	wrdreg s3  }
0xaf: {  	[dreg:$0x3] =	wrdreg s5  }
0xb0: {  	[dreg:$0x4] =	wrdreg $0xC0  }
0xb1: {  	_ =	task [dreg:s7], $0x5FFFF  }
0xb2: {  	[dreg:$0x1] =	wrdreg $0xFFFFFFFF  }
0xb3: {  	[dreg:$0x0] =	wrdreg $0x60  }
0xb4: {  	[dreg:$0x2] =	wrdreg s24  }
0xb5: {  	[dreg:$0x3] =	wrdreg s16  }
0xb6: {  	[dreg:$0x4] =	wrdreg $0xA4800  }
0xb7: {  	[dreg:$0x5] =	wrdreg $0x9  }
0xb8: {  	_ =	task.clear_ibuf [dreg:s7], $0x6FFFF;
	_ =	strace $0x90000049  }
0xb9: {  	s29 =	simm.s32 $0x9;
	_ =	strace $0x8000004B  }
0xba: {  	_ =	swait.ge [sflag:s29], $0x1  }
0xbb: {  	[sflag:s29] =	ssyncadd.s32 $0xFFFFFFFF  }
0xbc: {  	_ =	strace $0x9000004B  }
0xbd: {  	_ =	sfence  }
0xbe: {  	s30 =	sld [smem:$0x0];
	_ =	sdelay $0x2  }
0xbf: {  	s31 =	sshll.u32 s1, $0xD;
	s1 =	sshrl.u32 s1, $0x2  }
0xc0: {  	s3 =	sand.u32 $0x4000, s31;
	s1 =	sadd.s32 s1, s30  }
0xc1: {  	s0 =	sor.u32 s3, s0;
	s1 =	sshll.u32 s1, $0x11  }
0xc2: {  	s0 =	sor.u32 s1, s0  }
0xc3: {  	s0 =	sadd.s32 $0x8F2B, s0  }
0xc4: {  	[sflag:s0] =	ssyncadd.remote.s32 $0x1  }
0xc5: {  	_ =	sfence.sel $0xFFFF  }
0xc6: {  	[dreg:$0x0] =	wrdreg $0xFFFFFFFF;
	(pc) =	sbr.abs _section_cstart, $3  }
0xc7: {  	[dreg:$0x1] =	wrdreg $0xFFFFFFFF  }
0xc8: {  	_ =	task.clear_ibuf [dreg:s7], $0x2FFFF;
	_ =	strace $0x9FFFFFFF  }
0xc9: {  	(tm) =	ssettm $0x7FFFFFFF  }
tec
execute0_lowered:
.L_overlay_start_1:
0x0: {  	(tag) =	ssettag $0x1  }
0x1: {  	s0 =	rddreg [dreg:$0x0]  }
0x2: {  	s3 =	rddreg [dreg:$0x2];
	s1 =	srdreg.scid  }
0x3: {  	s2 =	simm.s32 $0x0;
	s8 =	stileid.u32;
	s11 =	simm.s32 $0xB  }
0x4: {  	s16 =	simm.s32 $0x28;
	s17 =	simm.s32 $0x4000;
	s18 =	simm.s32 $0x5400  }
0x5: {  	s19 =	simm.s32 $0x6800;
	s20 =	simm.s32 $0x7C00;
	s21 =	simm.s32 $0x9000  }
0x6: {  	s31 =	simm.s32 $0x9;
	s10 =	simm.s32 $0x5;
	s1 =	sand.u32 $0x1, s1  }
0x7: {  	[smem:$0x7FF] =	sst s2;
	s22 =	sshll.u32 s8, $0x1;
	s6 =	smul.u32 $0x14000, s8  }
0x8: {  	s5 =	sadd.s32 $0x5A800, s0;
	s7 =	sadd.s32 $0x2E00, s0;
	s24 =	smul.u32 $0x50000, s8  }
0x9: {  	s9 =	sadd.s32 $0x81A00, s0;
	s30 =	sshll.u32 s8, $0x6;
	s8 =	simm.s32 $0x0  }
0xa: {  	s4 =	smul.u32 $0x140000, s1;
	_ =	strace $0x8000004A;
	[dreg:$0x4] =	wrdreg s7  }
0xb: {  	s2 =	sor.u32 s1, s22;
	[dreg:$0x5] =	wrdreg s9;
	s1 =	ssub.s32 $0x2, s1  }
0xc: {  	s12 =	sor.u32 $0x1C0B, s30;
	s23 =	sshll.u32 s2, $0xB;
	s25 =	sshrl.u32 s1, $0x1  }
0xd: {  	s2 =	smul.u32 $0x8C00, s2;
	[dreg:$0xa] =	wrdreg s12;
	s7 =	sadd.s32 s23, s0  }
0xe: {  	s4 =	sadd.s32 s6, s4;
	s6 =	sshrl.u32 s24, $0x2;
	s1 =	ssub.s32 s1, s25  }
0xf: {  	s25 =	simm.s32 $0x3800;
	s4 =	sshrl.u32 s4, $0x3;
	s26 =	sadd.s32 s6, s3  }
0x10: {  	[dreg:$0x6] =	wrdreg s2;
	s28 =	sadd.s32 $0x4A800, s7;
	s29 =	smax.u32 s1, $0x1  }
0x11: {  	s2 =	simm.s32 $0xA;
	s1 =	simm.s32 $0x2;
	[dreg:$0x7] =	wrdreg s28  }
0x12: {  	s0 =	sadd.s32 s4, s0;
	[dreg:$0x9] =	wrdreg s29;
	s13 =	sshrl.u32 s26, $0x3  }
0x13: {  	s7 =	simm.s32 $0x4;
	s0 =	sadd.s32 $0x84200, s0;
	[dreg:$0xb] =	wrdreg s13  }
0x14: {  	s4 =	simm.s32 $0x3;
	[dreg:$0x8] =	wrdreg s0;
	s0 =	simm.s32 $0x1  }
.LBB2_1:
0x15: {  	[dreg:$0xc] =	wrdreg s8  }
0x16: {  	s6 =	rddreg [dreg:$0x1];
	s29 =	simm.s32 $0x0;
	s9 =	simm.s32 $0xA400  }
0x17: {  	[tilespmem:s9], [sflag:$0xB] =	stream.linear.gather [hbm4b:s6+s29], $0x80, $0x38;
	[tilespmem:$0x1E480] =	vst v63  }
0x18: {  	_ =	swait.ge [sflag:s11], $0x80  }
0x19: {  	[sflag:s11] =	ssyncset.done $0x0  }
0x1a: {  	s30 =	rddreg [dreg:$0x5];
	[sflag:s11] =	ssyncadd.s32 $0xFFFFFF80  }
0x1b: {  	[spmem:s13], [sflag:s12] =	dma.local [hbm:s30], $0x2800  }
0x1c: {  	_ =	swait.ge [sflag:s11], $0x2800  }
0x1d: {  	[sflag:s11] =	ssyncset.done $0x0  }
0x1e: {  	[sflag:s11] =	ssyncadd.s32 $0xFFFFD800  }
0x1f: {  	[spmem:s3] =	stream.indirect.scatter.add.f32 [tilespmem:s17], [sflag:$0x6], $0x80, s9, s16, $0xb8;
	[tilespmem:$0x1E480] =	vst v63  }
0x20: {  	_ = 	snop  }
0x21: {  	[spmem:s3] =	stream.indirect.scatter.add.f32 [tilespmem:s18], [sflag:$0x7], $0x80, s9, s16, $0xb8;
	[tilespmem:$0x1E480] =	vst v63  }
0x22: {  	_ = 	snop  }
0x23: {  	[spmem:s3] =	stream.indirect.scatter.add.f32 [tilespmem:s19], [sflag:$0x8], $0x80, s9, s16, $0xb8;
	[tilespmem:$0x1E480] =	vst v63  }
0x24: {  	_ = 	snop  }
0x25: {  	[spmem:s3] =	stream.indirect.scatter.add.f32 [tilespmem:s20], [sflag:$0x9], $0x80, s9, s16, $0xb8;
	[tilespmem:$0x1E480] =	vst v63  }
0x26: {  	_ = 	snop  }
0x27: {  	[spmem:s3] =	stream.indirect.scatter.add.f32 [tilespmem:s21], [sflag:$0xA], $0x80, s9, s16, $0xb8;
	[tilespmem:$0x1E480] =	vst v63  }
0x28: {  	s14 =	simm.s32 $0x0;
	[bflag:$0x0] =	sbarrier.arrive $0xFFFF  }
.LBB2_2:
0x29: {  	s6 =	smul.u32 $0x1C00, s14  }
0x2a: {  	s8 =	rddreg [dreg:$0x6]  }
0x2b: {  	s6 =	sadd.s32 s8, s6  }
0x2c: {  	s12 =	rddreg [dreg:$0x4];
	s6 =	sshrl.u32 s6, $0x3  }
0x2d: {  	s24 =	simm.s32 $0x0;
	s6 =	sadd.s32 s12, s6  }
0x2e: {  	[tilespmem:s24], [sflag:$0xB] =	stream.linear.gather [hbm4b:s6+s24], $0x1900, $0x38;
	[tilespmem:$0x1E480] =	vst v63  }
0x2f: {  	_ =	swait.ge [sflag:s11], $0x1900  }
0x30: {  	[sflag:s11] =	ssyncset.done $0x0  }
0x31: {  	s13 =	simm.s32 $0x1C00;
	s6 =	sadd.s32 $0x23000, s6;
	[sflag:s11] =	ssyncadd.s32 $0xFFFFE700  }
0x32: {  	[tilespmem:s13], [sflag:$0xB] =	stream.linear.gather [hbm4b:s6+s24], $0x1900, $0x38;
	[tilespmem:$0x1E480] =	vst v63  }
0x33: {  	s15 =	sshll.u32 s14, $0x4;
	_ =	swait.ge [sflag:s11], $0x1900  }
0x34: {  	s23 =	simm.s32 $0x80;
	[sflag:s11] =	ssyncset.done $0x0;
	s22 =	rddreg [dreg:$0x7]  }
0x35: {  	s9 =	simm.s32 $0x400;
	[sflag:s11] =	ssyncadd.s32 $0xFFFFE700;
	s6 =	sadd.s32 s15, s22  }
0x36: {  	[tilespmem:s25], [sflag:$0xB] =	stream.strided.gather [hbm4b:s6+s23], $0x800, s9, s23, $0x38;
	[tilespmem:$0x1E480] =	vst v63  }
0x37: {  	_ =	swait.ge [sflag:s11], $0x800  }
0x38: {  	[sflag:s11] =	ssyncset.done $0x0  }
0x39: {  	s26 =	simm.s32 $0x6;
	[sflag:s11] =	ssyncadd.s32 $0xFFFFF800  }
0x3a: {  	_ =	swait.ge [sflag:s26], $0x1400  }
0x3b: {  	[sflag:s26] =	ssyncset.done $0x0  }
0x3c: {  	s28 =	simm.s32 $0x7;
	[sflag:s26] =	ssyncadd.s32 $0xFFFFEC00  }
0x3d: {  	[tilespmem:s17], [sflag:$0x1] =	stream.indirect.gather [hbm4b:s5+s16], $0x80, s24, s16, $0xb8;
	[tilespmem:$0x1E480] =	vst v63  }
0x3e: {  	_ =	swait.ge [sflag:s28], $0x1400  }
0x3f: {  	[sflag:s28] =	ssyncset.done $0x0  }
0x40: {  	s29 =	simm.s32 $0x8;
	[sflag:s28] =	ssyncadd.s32 $0xFFFFEC00  }
0x41: {  	[tilespmem:s18], [sflag:$0x2] =	stream.indirect.gather [hbm4b:s5+s16], $0x80, s23, s16, $0xb8;
	[tilespmem:$0x1E480] =	vst v63  }
0x42: {  	_ =	swait.ge [sflag:s29], $0x1400  }
0x43: {  	s30 =	simm.s32 $0x100;
	[sflag:s29] =	ssyncset.done $0x0  }
0x44: {  	s12 =	simm.s32 $0x0;
	s15 =	simm.s32 $0xA3;
	[sflag:s29] =	ssyncadd.s32 $0xFFFFEC00  }
0x45: {  	[tilespmem:s19], [sflag:$0x3] =	stream.indirect.gather [hbm4b:s5+s16], $0x80, s30, s16, $0xb8;
	[tilespmem:$0x1E480] =	vst v63  }
.LBB2_3:
0x46: {  	s30 =	smul.u32 $0x5, s24;
	s9 =	sadd.s32 $0x0, s12  }
0x47: {  	_ =	swait.ge [sflag:s31], $0x1400;
	v0 =	vmov s9  }
0x48: {  	[sflag:s31] =	ssyncset.done $0x0;
	s11 =	sshll.u32 s30, $0x7;
	v0 =	vand.u32 $0xFFFFFFFC, v0  }
0x49: {  	[sflag:s31] =	ssyncadd.s32 $0xFFFFEC00;
	s22 =	sadd.s32 $0x180, s11;
	v0 =	vbroadcast v0, $0x0  }
0x4a: {  	[tilespmem:s20], [sflag:$0x4] =	stream.indirect.gather [hbm4b:s5+s16], $0x80, s22, s16, $0xb8;
	[tilespmem:$0x1E480] =	vst v63  }
0x4b: {  	_ =	swait.ge [sflag:s0], $0x1400  }
0x4c: {  	[sflag:s0] =	ssyncset.done $0x0  }
0x4d: {  	s6 =	simm.s32 $0x4100;
	[sflag:s0] =	ssyncadd.s32 $0xFFFFEC00  }
0x4e: {  	v1 =	vld [tilespmem:s6+$0xFFFFFF70]  }
0x4f: {  	v0 =	vld.idx.msk [tilespmem:v0+s25+$0x0], $0xffff  }
0x50: {  	v2 =	vld [tilespmem:s6+$0xFFFFFF00]  }
0x51: {  	v3 =	vld [tilespmem:s6+$0xFFFFFF20]  }
0x52: {  	v4 =	vld [tilespmem:s6+$0xFFFFFF50]  }
0x53: {  	v5 =	vld [tilespmem:s6+$0xFFFFFF40]  }
0x54: {  	v6 =	vld [tilespmem:s6+$0xFFFFFF60];
	v1 =	vmul.f32 v1, v0  }
0x55: {  	s8 =	sadd.s32 $0x1, s9;
	v7 =	vld [tilespmem:s6+$0xFFFFFF30];
	v2 =	vmul.f32 v2, v0  }
0x56: {  	v8 =	vmov s8;
	v9 =	vld [tilespmem:s6+$0xFFFFFF10];
	v3 =	vmul.f32 v3, v0;
	[tilespmem:s6+$0xFFFFFF70] =	vst v1  }
0x57: {  	v4 =	vmul.f32 v4, v0;
	v1 =	vand.u32 $0xFFFFFFFD, v8;
	[tilespmem:s6+$0xFFFFFF00] =	vst v2  }
0x58: {  	v2 =	vmul.f32 v5, v0;
	[tilespmem:s6+$0xFFFFFF20] =	vst v3;
	v1 =	vbroadcast v1, $0x0  }
0x59: {  	v3 =	vmul.f32 v6, v0;
	[tilespmem:s6+$0xFFFFFF50] =	vst v4  }
0x5a: {  	v4 =	vmul.f32 v7, v0;
	[tilespmem:s6+$0xFFFFFF40] =	vst v2  }
0x5b: {  	v0 =	vmul.f32 v9, v0;
	[tilespmem:s6+$0xFFFFFF60] =	vst v3  }
0x5c: {  	[tilespmem:s6+$0xFFFFFF30] =	vst v4  }
0x5d: {  	[tilespmem:s6+$0xFFFFFF10] =	vst v0;
	v0 =	vld [tilespmem:s6+$0xFFFFFF90]  }
0x5e: {  	v2 =	vld.idx.msk [tilespmem:v1+s25+$0x0], $0xffff  }
0x5f: {  	v1 =	vld [tilespmem:s6+$0xFFFFFFA0]  }
0x60: {  	v3 =	vld [tilespmem:s6+$0xFFFFFF80]  }
0x61: {  	v4 =	vld [tilespmem:s6+$0xFFFFFFB0]  }
0x62: {  	v5 =	vld [tilespmem:s6+$0xFFFFFFC0]  }
0x63: {  	v6 =	vld [tilespmem:s6+$0xFFFFFFD0];
	v0 =	vmul.f32 v0, v2  }
0x64: {  	s29 =	sadd.s32 $0x2, s9;
	v7 =	vld [tilespmem:s6+$0xFFFFFFF0];
	v1 =	vmul.f32 v1, v2  }
0x65: {  	v63 =	vld [tilespmem:s6+$0xFFFFFFE0];
	v8 =	vmov s29;
	v3 =	vmul.f32 v3, v2;
	[tilespmem:s6+$0xFFFFFF90] =	vst v0  }
0x66: {  	v4 =	vmul.f32 v4, v2;
	v0 =	vand.u32 $0xFFFFFFFE, v8;
	[tilespmem:s6+$0xFFFFFFA0] =	vst v1  }
0x67: {  	v1 =	vmul.f32 v5, v2;
	[tilespmem:s6+$0xFFFFFF80] =	vst v3;
	v5 =	vld [tilespmem:s6+$0x60];
	v8 =	vbroadcast v0, $0x0  }
0x68: {  	v3 =	vmul.f32 v6, v2;
	[tilespmem:s6+$0xFFFFFFB0] =	vst v4;
	v6 =	vld [tilespmem:s6+$0x0]  }
0x69: {  	v4 =	vmul.f32 v7, v2;
	v0 =	vld [tilespmem:s6+$0x20];
	[tilespmem:s6+$0xFFFFFFC0] =	vst v1  }
0x6a: {  	v2 =	vmul.f32 v63, v2;
	v1 =	vld [tilespmem:s6+$0x30];
	[tilespmem:s6+$0xFFFFFFD0] =	vst v3  }
0x6b: {  	[tilespmem:s6+$0xFFFFFFF0] =	vst v4;
	v3 =	vld [tilespmem:s6+$0x40]  }
0x6c: {  	[tilespmem:s6+$0xFFFFFFE0] =	vst v2;
	v4 =	vld [tilespmem:s6+$0x10]  }
0x6d: {  	s23 =	sadd.s32 $0x3, s9;
	s9 =	simm.s32 $0x4100;
	s8 =	simm.s32 $0x4;
	v2 =	vld.idx.msk [tilespmem:v8+s25+$0x0], $0xffff  }
.LBB2_4:
0x6e: {  	p0 =	sne.s32 s8, $0x24  }
0x6f: {  	v7 =	vld [tilespmem:s6+$0x50];
	s9 =	sadd.s32 $0x200, s9;
	s26 =	smov.u32 s8;
	s8 =	sadd.s32 $0x4, s8  }
0x70: {  	v8 =	vld [tilespmem:s6+$0x70];
	_ =	sdelay $0x1  }
0x71: {  	v5 =	vmul.f32 v5, v2;
	v6 =	vmul.f32 v6, v2  }
0x72: {  	v3 =	vmul.f32 v3, v2;
	v4 =	vmul.f32 v4, v2  }
0x73: {  	v0 =	vmul.f32 v0, v2;
	v1 =	vmul.f32 v1, v2;
	[tilespmem:s6+$0x60] =	vst v5  }
0x74: {  	[tilespmem:s6+$0x40] =	vst v3;
	v3 =	vmul.f32 v7, v2;
	v2 =	vmul.f32 v8, v2  }
0x75: {  	[tilespmem:s6+$0x20] =	vst v0;
	v5 =	vld [tilespmem:s6+$0x80]  }
0x76: {  	v0 =	vld [tilespmem:s9+$0x20];
	[tilespmem:s6+$0x0] =	vst v6;
	v6 =	vmov s23  }
0x77: {  	[tilespmem:s6+$0x50] =	vst v3;
	v3 =	vld [tilespmem:s6+$0xE0]  }
0x78: {  	[tilespmem:s6+$0x30] =	vst v1;
	v7 =	vld [tilespmem:s6+$0xC0]  }
0x79: {  	v1 =	vld [tilespmem:s9+$0x30];
	[tilespmem:s6+$0x10] =	vst v4  }
0x7a: {  	[tilespmem:s6+$0x70] =	vst v2;
	v2 =	vld [tilespmem:s6+$0xA0]  }
0x7b: {  	v4 =	vld.idx.msk [tilespmem:v6+s25+$0x0], $0xffff  }
0x7c: {  	v6 =	vld [tilespmem:s6+$0x90]  }
0x7d: {  	v8 =	vld [tilespmem:s6+$0xB0]  }
0x7e: {  	v9 =	vld [tilespmem:s6+$0xD0]  }
0x7f: {  	v10 =	vld [tilespmem:s6+$0xF0];
	_ =	sdelay $0x1  }
0x80: {  	v5 =	vmul.f32 v5, v4;
	v6 =	vmul.f32 v6, v4  }
0x81: {  	s23 =	sadd.s32 s26, s12;
	v2 =	vmul.f32 v2, v4;
	v8 =	vmul.f32 v8, v4  }
0x82: {  	v11 =	vmov s23;
	s26 =	sadd.s32 $0x1, s23;
	s28 =	sadd.s32 $0x2, s23;
	s23 =	sadd.s32 $0x3, s23;
	[tilespmem:s6+$0x80] =	vst v5;
	v5 =	vmul.f32 v7, v4;
	v7 =	vmul.f32 v9, v4  }
0x83: {  	v9 =	vand.u32 $0xFFFFFFFC, v11;
	[tilespmem:s6+$0xA0] =	vst v2;
	v2 =	vmul.f32 v3, v4;
	v3 =	vmul.f32 v10, v4  }
0x84: {  	v4 =	vbroadcast v9, $0x0;
	v9 =	vmov s26;
	v10 =	vmov s28;
	[tilespmem:s6+$0xC0] =	vst v5  }
0x85: {  	v5 =	vand.u32 $0xFFFFFFFD, v9;
	v9 =	vand.u32 $0xFFFFFFFE, v10;
	[tilespmem:s6+$0xF0] =	vst v3  }
0x86: {  	v3 =	vld [tilespmem:s9+$0xFFFFFF40];
	[tilespmem:s6+$0xE0] =	vst v2  }
0x87: {  	v2 =	vld [tilespmem:s9+$0xFFFFFF50];
	[tilespmem:s6+$0x90] =	vst v6  }
0x88: {  	v6 =	vld [tilespmem:s9+$0xFFFFFF60];
	[tilespmem:s6+$0xB0] =	vst v8  }
0x89: {  	v8 =	vld [tilespmem:s9+$0xFFFFFF70];
	[tilespmem:s6+$0xD0] =	vst v7;
	s6 =	smov.u32 s9  }
0x8a: {  	v4 =	vld.idx.msk [tilespmem:v4+s25+$0x0], $0xffff  }
0x8b: {  	v7 =	vld [tilespmem:s9+$0xFFFFFF00]  }
0x8c: {  	v10 =	vld [tilespmem:s9+$0xFFFFFF20]  }
0x8d: {  	v11 =	vld [tilespmem:s9+$0xFFFFFF10]  }
0x8e: {  	v12 =	vld [tilespmem:s9+$0xFFFFFF30];
	_ =	sdelay $0x1  }
0x8f: {  	v8 =	vmul.f32 v8, v4;
	v7 =	vmul.f32 v7, v4  }
0x90: {  	v6 =	vmul.f32 v6, v4;
	v10 =	vmul.f32 v10, v4  }
0x91: {  	v2 =	vmul.f32 v2, v4;
	v11 =	vmul.f32 v11, v4;
	[tilespmem:s9+$0xFFFFFF70] =	vst v8  }
0x92: {  	v3 =	vmul.f32 v3, v4;
	[tilespmem:s9+$0xFFFFFF00] =	vst v7;
	v7 =	vmul.f32 v12, v4  }
0x93: {  	v4 =	vbroadcast v5, $0x0;
	[tilespmem:s9+$0xFFFFFF20] =	vst v10  }
0x94: {  	[tilespmem:s9+$0xFFFFFF50] =	vst v2  }
0x95: {  	[tilespmem:s9+$0xFFFFFF40] =	vst v3;
	v2 =	vld [tilespmem:s9+$0xFFFFFFF0]  }
0x96: {  	[tilespmem:s9+$0xFFFFFF60] =	vst v6;
	v3 =	vld [tilespmem:s9+$0xFFFFFFC0]  }
0x97: {  	[tilespmem:s9+$0xFFFFFF30] =	vst v7;
	v5 =	vld [tilespmem:s9+$0xFFFFFFD0]  }
0x98: {  	[tilespmem:s9+$0xFFFFFF10] =	vst v11;
	v6 =	vld [tilespmem:s9+$0xFFFFFF90]  }
0x99: {  	v4 =	vld.idx.msk [tilespmem:v4+s25+$0x0], $0xffff  }
0x9a: {  	v7 =	vld [tilespmem:s9+$0xFFFFFF80]  }
0x9b: {  	v8 =	vld [tilespmem:s9+$0xFFFFFFA0]  }
0x9c: {  	v10 =	vld [tilespmem:s9+$0xFFFFFFB0]  }
0x9d: {  	v11 =	vld [tilespmem:s9+$0xFFFFFFE0];
	_ =	sdelay $0x1  }
0x9e: {  	v6 =	vmul.f32 v6, v4;
	v7 =	vmul.f32 v7, v4  }
0x9f: {  	v5 =	vmul.f32 v5, v4;
	v8 =	vmul.f32 v8, v4  }
0xa0: {  	v3 =	vmul.f32 v3, v4;
	[tilespmem:s9+$0xFFFFFF90] =	vst v6;
	v6 =	vmul.f32 v10, v4  }
0xa1: {  	v2 =	vmul.f32 v2, v4;
	[tilespmem:s9+$0xFFFFFFA0] =	vst v8;
	v8 =	vmul.f32 v11, v4  }
0xa2: {  	v4 =	vbroadcast v9, $0x0;
	[tilespmem:s9+$0xFFFFFF80] =	vst v7  }
0xa3: {  	[tilespmem:s9+$0xFFFFFFB0] =	vst v6  }
0xa4: {  	[tilespmem:s9+$0xFFFFFFC0] =	vst v3  }
0xa5: {  	[tilespmem:s9+$0xFFFFFFD0] =	vst v5  }
.Ltmp0:
0xa6: {  	[tilespmem:s9+$0xFFFFFFF0] =	vst v2;
	v3 =	vld [tilespmem:s9+$0x40];
	(pc) =	sbr.rel @p0 .LBB2_4-.Ltmp0, $4  }
0xa7: {  	[tilespmem:s9+$0xFFFFFFE0] =	vst v8;
	v5 =	vld [tilespmem:s9+$0x60]  }
0xa8: {  	v2 =	vld.idx.msk [tilespmem:v4+s25+$0x0], $0xffff  }
0xa9: {  	v6 =	vld [tilespmem:s9+$0x0]  }
0xaa: {  	v4 =	vld [tilespmem:s9+$0x10]  }
0xab: {  	_ =	sdelay $0x1  }
0xac: {  	v5 =	vmul.f32 v5, v2  }
0xad: {  	v7 =	vld [tilespmem:s6+$0x50];
	v3 =	vmul.f32 v3, v2  }
0xae: {  	v8 =	vld [tilespmem:s6+$0x70];
	v0 =	vmul.f32 v0, v2;
	[tilespmem:s6+$0x60] =	vst v5  }
0xaf: {  	v5 =	vmul.f32 v6, v2;
	[tilespmem:s6+$0x40] =	vst v3  }
0xb0: {  	[tilespmem:s6+$0x20] =	vst v0;
	v0 =	vmul.f32 v1, v2  }
0xb1: {  	v4 =	vmul.f32 v4, v2;
	[tilespmem:s6+$0x0] =	vst v5;
	v5 =	vmov s23  }
0xb2: {  	v3 =	vmul.f32 v7, v2;
	[tilespmem:s6+$0x30] =	vst v0  }
0xb3: {  	v2 =	vmul.f32 v8, v2;
	[tilespmem:s6+$0x10] =	vst v4  }
0xb4: {  	[tilespmem:s6+$0x50] =	vst v3  }
0xb5: {  	v1 =	vld [tilespmem:s6+$0x80];
	[tilespmem:s6+$0x70] =	vst v2  }
0xb6: {  	v0 =	vld.idx.msk [tilespmem:v5+s25+$0x0], $0xffff  }
0xb7: {  	v2 =	vld [tilespmem:s6+$0xA0]  }
0xb8: {  	v3 =	vld [tilespmem:s6+$0xC0]  }
0xb9: {  	v4 =	vld [tilespmem:s6+$0xF0]  }
0xba: {  	v5 =	vld [tilespmem:s6+$0xE0]  }
0xbb: {  	v6 =	vld [tilespmem:s6+$0x90];
	v1 =	vmul.f32 v1, v0  }
0xbc: {  	v7 =	vld [tilespmem:s6+$0xB0];
	v2 =	vmul.f32 v2, v0  }
0xbd: {  	v8 =	vld [tilespmem:s6+$0xD0];
	[tilespmem:s6+$0x80] =	vst v1;
	v1 =	vmul.f32 v3, v0  }
0xbe: {  	[tilespmem:s6+$0xA0] =	vst v2;
	v2 =	vmul.f32 v4, v0  }
0xbf: {  	v3 =	vmul.f32 v5, v0;
	[tilespmem:s6+$0xC0] =	vst v1  }
0xc0: {  	v1 =	vmul.f32 v6, v0;
	[tilespmem:s6+$0xF0] =	vst v2  }
0xc1: {  	s8 =	smul.u32 $0xA00, s24;
	v2 =	vmul.f32 v7, v0;
	[tilespmem:s6+$0xE0] =	vst v3  }
0xc2: {  	v0 =	vmul.f32 v8, v0;
	[tilespmem:s6+$0x90] =	vst v1  }
0xc3: {  	s13 =	sadd.s32 $0xFFFFFFD8, s12;
	s8 =	sshra.s32 s8, $0x2;
	[tilespmem:s6+$0xB0] =	vst v2  }
0xc4: {  	s26 =	sadd.s32 $0x50, s13;
	s9 =	sadd.s32 $0x1C00, s8;
	[tilespmem:s6+$0xD0] =	vst v0  }
0xc5: {  	[spmem:s3] =	stream.indirect.scatter.add.f32 [tilespmem:s17], [sflag:$0x6], $0x80, s9, s16, $0xb8;
	[tilespmem:$0x1E480] =	vst v63  }
0xc6: {  	v0 =	vmov s26;
	_ =	swait.ge [sflag:s2], $0x1400  }
0xc7: {  	v0 =	vand.u32 $0xFFFFFFFC, v0;
	[sflag:s2] =	ssyncset.done $0x0  }
0xc8: {  	s11 =	sadd.s32 $0x200, s11;
	v0 =	vbroadcast v0, $0x0;
	[sflag:s2] =	ssyncadd.s32 $0xFFFFEC00  }
0xc9: {  	[tilespmem:s21], [sflag:$0x5] =	stream.indirect.gather [hbm4b:s5+s16], $0x80, s11, s16, $0xb8;
	[tilespmem:$0x1E480] =	vst v63  }
0xca: {  	_ =	swait.ge [sflag:s1], $0x1400  }
0xcb: {  	[sflag:s1] =	ssyncset.done $0x0  }
0xcc: {  	s6 =	simm.s32 $0x55F0;
	[sflag:s1] =	ssyncadd.s32 $0xFFFFEC00  }
0xcd: {  	v1 =	vld [tilespmem:s6+$0xFFFFFE80]  }
0xce: {  	v0 =	vld.idx.msk [tilespmem:v0+s25+$0x0], $0xffff  }
0xcf: {  	v2 =	vld [tilespmem:s6+$0xFFFFFE10]  }
0xd0: {  	v3 =	vld [tilespmem:s6+$0xFFFFFE30]  }
0xd1: {  	v4 =	vld [tilespmem:s6+$0xFFFFFE60]  }
0xd2: {  	v5 =	vld [tilespmem:s6+$0xFFFFFE50]  }
0xd3: {  	v6 =	vld [tilespmem:s6+$0xFFFFFE70];
	v1 =	vmul.f32 v1, v0  }
0xd4: {  	s28 =	sadd.s32 $0x51, s13;
	v7 =	vld [tilespmem:s6+$0xFFFFFE40];
	v2 =	vmul.f32 v2, v0  }
0xd5: {  	v8 =	vmov s28;
	v9 =	vld [tilespmem:s6+$0xFFFFFE20];
	v3 =	vmul.f32 v3, v0;
	[tilespmem:s6+$0xFFFFFE80] =	vst v1  }
0xd6: {  	v4 =	vmul.f32 v4, v0;
	v1 =	vand.u32 $0xFFFFFFFD, v8;
	[tilespmem:s6+$0xFFFFFE10] =	vst v2  }
0xd7: {  	v2 =	vmul.f32 v5, v0;
	[tilespmem:s6+$0xFFFFFE30] =	vst v3;
	v1 =	vbroadcast v1, $0x0  }
0xd8: {  	v3 =	vmul.f32 v6, v0;
	[tilespmem:s6+$0xFFFFFE60] =	vst v4  }
0xd9: {  	v4 =	vmul.f32 v7, v0;
	[tilespmem:s6+$0xFFFFFE50] =	vst v2  }
0xda: {  	v0 =	vmul.f32 v9, v0;
	[tilespmem:s6+$0xFFFFFE70] =	vst v3  }
0xdb: {  	[tilespmem:s6+$0xFFFFFE40] =	vst v4  }
0xdc: {  	[tilespmem:s6+$0xFFFFFE20] =	vst v0;
	v0 =	vld [tilespmem:s6+$0xFFFFFEA0]  }
0xdd: {  	v2 =	vld.idx.msk [tilespmem:v1+s25+$0x0], $0xffff  }
0xde: {  	v1 =	vld [tilespmem:s6+$0xFFFFFEB0]  }
0xdf: {  	v3 =	vld [tilespmem:s6+$0xFFFFFE90]  }
0xe0: {  	v4 =	vld [tilespmem:s6+$0xFFFFFEC0]  }
0xe1: {  	v5 =	vld [tilespmem:s6+$0xFFFFFED0]  }
0xe2: {  	v6 =	vld [tilespmem:s6+$0xFFFFFEE0];
	v0 =	vmul.f32 v0, v2  }
0xe3: {  	s29 =	sadd.s32 $0x52, s13;
	v7 =	vld [tilespmem:s6+$0xFFFFFF00];
	v1 =	vmul.f32 v1, v2  }
0xe4: {  	v63 =	vld [tilespmem:s6+$0xFFFFFEF0];
	v8 =	vmov s29;
	v3 =	vmul.f32 v3, v2;
	[tilespmem:s6+$0xFFFFFEA0] =	vst v0  }
0xe5: {  	v4 =	vmul.f32 v4, v2;
	v0 =	vand.u32 $0xFFFFFFFE, v8;
	[tilespmem:s6+$0xFFFFFEB0] =	vst v1  }
0xe6: {  	v1 =	vmul.f32 v5, v2;
	[tilespmem:s6+$0xFFFFFE90] =	vst v3;
	v5 =	vld [tilespmem:s6+$0xFFFFFF70];
	v8 =	vbroadcast v0, $0x0  }
0xe7: {  	v3 =	vmul.f32 v6, v2;
	[tilespmem:s6+$0xFFFFFEC0] =	vst v4;
	v6 =	vld [tilespmem:s6+$0xFFFFFF10]  }
0xe8: {  	v4 =	vmul.f32 v7, v2;
	v0 =	vld [tilespmem:s6+$0xFFFFFF30];
	[tilespmem:s6+$0xFFFFFED0] =	vst v1  }
0xe9: {  	v2 =	vmul.f32 v63, v2;
	v1 =	vld [tilespmem:s6+$0xFFFFFF40];
	[tilespmem:s6+$0xFFFFFEE0] =	vst v3  }
0xea: {  	[tilespmem:s6+$0xFFFFFF00] =	vst v4;
	v3 =	vld [tilespmem:s6+$0xFFFFFF50]  }
0xeb: {  	s8 =	sadd.s32 $0x1, s30;
	[tilespmem:s6+$0xFFFFFEF0] =	vst v2;
	v4 =	vld [tilespmem:s6+$0xFFFFFF20]  }
0xec: {  	s23 =	simm.s32 $0x55F0;
	s26 =	sadd.s32 $0x53, s13;
	s9 =	simm.s32 $0xFFFFFFDC;
	v2 =	vld.idx.msk [tilespmem:v8+s25+$0x0], $0xffff  }
.LBB2_6:
0xed: {  	p0 =	sne.s32 s9, $0xFFFFFFFC  }
0xee: {  	v7 =	vld [tilespmem:s6+$0xFFFFFF60];
	s23 =	sadd.s32 $0x200, s23;
	s28 =	smov.u32 s9;
	s9 =	sadd.s32 $0x4, s9  }
0xef: {  	v8 =	vld [tilespmem:s6+$0xFFFFFF80];
	_ =	sdelay $0x1  }
0xf0: {  	v5 =	vmul.f32 v5, v2;
	v6 =	vmul.f32 v6, v2  }
0xf1: {  	v3 =	vmul.f32 v3, v2;
	v4 =	vmul.f32 v4, v2  }
0xf2: {  	v0 =	vmul.f32 v0, v2;
	v1 =	vmul.f32 v1, v2;
	[tilespmem:s6+$0xFFFFFF70] =	vst v5  }
0xf3: {  	[tilespmem:s6+$0xFFFFFF50] =	vst v3;
	v3 =	vmul.f32 v7, v2;
	v2 =	vmul.f32 v8, v2  }
0xf4: {  	[tilespmem:s6+$0xFFFFFF30] =	vst v0;
	v5 =	vld [tilespmem:s6+$0xFFFFFFF0]  }
0xf5: {  	v0 =	vld [tilespmem:s23+$0xFFFFFF30];
	[tilespmem:s6+$0xFFFFFF10] =	vst v6;
	v6 =	vmov s26  }
0xf6: {  	[tilespmem:s6+$0xFFFFFF60] =	vst v3;
	v3 =	vld [tilespmem:s6+$0xFFFFFF90]  }
0xf7: {  	[tilespmem:s6+$0xFFFFFF40] =	vst v1;
	v7 =	vld [tilespmem:s6+$0xFFFFFFD0]  }
0xf8: {  	v1 =	vld [tilespmem:s23+$0xFFFFFF40];
	[tilespmem:s6+$0xFFFFFF20] =	vst v4  }
0xf9: {  	[tilespmem:s6+$0xFFFFFF80] =	vst v2;
	v2 =	vld [tilespmem:s6+$0xFFFFFFB0]  }
0xfa: {  	v4 =	vld.idx.msk [tilespmem:v6+s25+$0x0], $0xffff  }
0xfb: {  	v6 =	vld [tilespmem:s6+$0xFFFFFFA0]  }
0xfc: {  	v8 =	vld [tilespmem:s6+$0xFFFFFFC0]  }
0xfd: {  	v9 =	vld [tilespmem:s6+$0xFFFFFFE0]  }
0xfe: {  	v10 =	vld [tilespmem:s6+$0x0];
	_ =	sdelay $0x1  }
0xff: {  	s26 =	sadd.s32 s28, s12;
	v3 =	vmul.f32 v3, v4;
	v6 =	vmul.f32 v6, v4  }
0x100: {  	s28 =	sadd.s32 $0x50, s26;
	s29 =	sadd.s32 $0x51, s26;
	s13 =	sadd.s32 $0x52, s26;
	v2 =	vmul.f32 v2, v4;
	v8 =	vmul.f32 v8, v4  }
0x101: {  	s26 =	sadd.s32 $0x53, s26;
	v11 =	vmov s28;
	[tilespmem:s6+$0xFFFFFF90] =	vst v3;
	v3 =	vmul.f32 v7, v4;
	v7 =	vmul.f32 v9, v4  }
0x102: {  	v9 =	vand.u32 $0xFFFFFFFC, v11;
	[tilespmem:s6+$0xFFFFFFB0] =	vst v2;
	v2 =	vmul.f32 v5, v4;
	v4 =	vmul.f32 v10, v4  }
0x103: {  	v5 =	vbroadcast v9, $0x0;
	v9 =	vmov s29;
	v10 =	vmov s13;
	[tilespmem:s6+$0xFFFFFFD0] =	vst v3  }
0x104: {  	v3 =	vand.u32 $0xFFFFFFFD, v9;
	v9 =	vand.u32 $0xFFFFFFFE, v10;
	[tilespmem:s6+$0x0] =	vst v4  }
0x105: {  	v4 =	vld [tilespmem:s23+$0xFFFFFE50];
	[tilespmem:s6+$0xFFFFFFF0] =	vst v2  }
0x106: {  	v2 =	vld [tilespmem:s23+$0xFFFFFE60];
	[tilespmem:s6+$0xFFFFFFA0] =	vst v6  }
0x107: {  	v6 =	vld [tilespmem:s23+$0xFFFFFE70];
	[tilespmem:s6+$0xFFFFFFC0] =	vst v8  }
0x108: {  	v8 =	vld [tilespmem:s23+$0xFFFFFE80];
	[tilespmem:s6+$0xFFFFFFE0] =	vst v7;
	s6 =	smov.u32 s23  }
0x109: {  	v5 =	vld.idx.msk [tilespmem:v5+s25+$0x0], $0xffff  }
0x10a: {  	v7 =	vld [tilespmem:s23+$0xFFFFFE10]  }
0x10b: {  	v10 =	vld [tilespmem:s23+$0xFFFFFE30]  }
0x10c: {  	v11 =	vld [tilespmem:s23+$0xFFFFFE20]  }
0x10d: {  	v12 =	vld [tilespmem:s23+$0xFFFFFE40];
	_ =	sdelay $0x1  }
0x10e: {  	v8 =	vmul.f32 v8, v5;
	v7 =	vmul.f32 v7, v5  }
0x10f: {  	v6 =	vmul.f32 v6, v5;
	v10 =	vmul.f32 v10, v5  }
0x110: {  	v2 =	vmul.f32 v2, v5;
	v11 =	vmul.f32 v11, v5;
	[tilespmem:s23+$0xFFFFFE80] =	vst v8  }
0x111: {  	v4 =	vmul.f32 v4, v5;
	[tilespmem:s23+$0xFFFFFE10] =	vst v7;
	v7 =	vmul.f32 v12, v5  }
0x112: {  	v3 =	vbroadcast v3, $0x0;
	[tilespmem:s23+$0xFFFFFE30] =	vst v10  }
0x113: {  	[tilespmem:s23+$0xFFFFFE60] =	vst v2  }
0x114: {  	[tilespmem:s23+$0xFFFFFE50] =	vst v4;
	v2 =	vld [tilespmem:s23+$0xFFFFFF00]  }
0x115: {  	[tilespmem:s23+$0xFFFFFE70] =	vst v6;
	v4 =	vld [tilespmem:s23+$0xFFFFFED0]  }
0x116: {  	[tilespmem:s23+$0xFFFFFE40] =	vst v7;
	v5 =	vld [tilespmem:s23+$0xFFFFFEE0]  }
0x117: {  	[tilespmem:s23+$0xFFFFFE20] =	vst v11;
	v6 =	vld [tilespmem:s23+$0xFFFFFEA0]  }
0x118: {  	v3 =	vld.idx.msk [tilespmem:v3+s25+$0x0], $0xffff  }
0x119: {  	v7 =	vld [tilespmem:s23+$0xFFFFFE90]  }
0x11a: {  	v8 =	vld [tilespmem:s23+$0xFFFFFEB0]  }
0x11b: {  	v10 =	vld [tilespmem:s23+$0xFFFFFEC0]  }
0x11c: {  	v11 =	vld [tilespmem:s23+$0xFFFFFEF0];
	_ =	sdelay $0x1  }
0x11d: {  	v6 =	vmul.f32 v6, v3;
	v7 =	vmul.f32 v7, v3  }
0x11e: {  	v5 =	vmul.f32 v5, v3;
	v8 =	vmul.f32 v8, v3  }
0x11f: {  	v4 =	vmul.f32 v4, v3;
	[tilespmem:s23+$0xFFFFFEA0] =	vst v6;
	v6 =	vmul.f32 v10, v3  }
0x120: {  	v2 =	vmul.f32 v2, v3;
	[tilespmem:s23+$0xFFFFFEB0] =	vst v8;
	v8 =	vmul.f32 v11, v3  }
0x121: {  	[tilespmem:s23+$0xFFFFFE90] =	vst v7;
	v7 =	vbroadcast v9, $0x0  }
0x122: {  	[tilespmem:s23+$0xFFFFFEC0] =	vst v6  }
0x123: {  	[tilespmem:s23+$0xFFFFFED0] =	vst v4  }
0x124: {  	[tilespmem:s23+$0xFFFFFEE0] =	vst v5  }
.Ltmp1:
0x125: {  	[tilespmem:s23+$0xFFFFFF00] =	vst v2;
	v3 =	vld [tilespmem:s23+$0xFFFFFF50];
	(pc) =	sbr.rel @p0 .LBB2_6-.Ltmp1, $4  }
0x126: {  	[tilespmem:s23+$0xFFFFFEF0] =	vst v8;
	v5 =	vld [tilespmem:s23+$0xFFFFFF70]  }
0x127: {  	v2 =	vld.idx.msk [tilespmem:v7+s25+$0x0], $0xffff  }
0x128: {  	v6 =	vld [tilespmem:s23+$0xFFFFFF10]  }
0x129: {  	v4 =	vld [tilespmem:s23+$0xFFFFFF20]  }
0x12a: {  	_ =	sdelay $0x1  }
0x12b: {  	v5 =	vmul.f32 v5, v2  }
0x12c: {  	v7 =	vld [tilespmem:s6+$0xFFFFFF60];
	v3 =	vmul.f32 v3, v2  }
0x12d: {  	v8 =	vld [tilespmem:s6+$0xFFFFFF80];
	v0 =	vmul.f32 v0, v2;
	[tilespmem:s6+$0xFFFFFF70] =	vst v5  }
0x12e: {  	v5 =	vmul.f32 v6, v2;
	[tilespmem:s6+$0xFFFFFF50] =	vst v3  }
0x12f: {  	[tilespmem:s6+$0xFFFFFF30] =	vst v0;
	v0 =	vmul.f32 v1, v2  }
0x130: {  	v1 =	vmov s26;
	v4 =	vmul.f32 v4, v2;
	[tilespmem:s6+$0xFFFFFF10] =	vst v5  }
0x131: {  	v3 =	vmul.f32 v7, v2;
	[tilespmem:s6+$0xFFFFFF40] =	vst v0  }
0x132: {  	v2 =	vmul.f32 v8, v2;
	[tilespmem:s6+$0xFFFFFF20] =	vst v4  }
0x133: {  	[tilespmem:s6+$0xFFFFFF60] =	vst v3  }
0x134: {  	v0 =	vld [tilespmem:s6+$0xFFFFFF90];
	[tilespmem:s6+$0xFFFFFF80] =	vst v2  }
0x135: {  	v1 =	vld.idx.msk [tilespmem:v1+s25+$0x0], $0xffff  }
0x136: {  	v2 =	vld [tilespmem:s6+$0xFFFFFFB0]  }
0x137: {  	v3 =	vld [tilespmem:s6+$0xFFFFFFD0]  }
0x138: {  	v4 =	vld [tilespmem:s6+$0x0]  }
0x139: {  	v5 =	vld [tilespmem:s6+$0xFFFFFFF0]  }
0x13a: {  	v6 =	vld [tilespmem:s6+$0xFFFFFFA0];
	v0 =	vmul.f32 v0, v1  }
0x13b: {  	v7 =	vld [tilespmem:s6+$0xFFFFFFC0];
	v2 =	vmul.f32 v2, v1  }
0x13c: {  	v8 =	vld [tilespmem:s6+$0xFFFFFFE0];
	[tilespmem:s6+$0xFFFFFF90] =	vst v0;
	v0 =	vmul.f32 v3, v1  }
0x13d: {  	[tilespmem:s6+$0xFFFFFFB0] =	vst v2;
	v2 =	vmul.f32 v4, v1  }
0x13e: {  	v3 =	vmul.f32 v5, v1;
	[tilespmem:s6+$0xFFFFFFD0] =	vst v0  }
0x13f: {  	s23 =	sadd.s32 $0xFFFFFFD8, s12;
	v0 =	vmul.f32 v6, v1;
	[tilespmem:s6+$0x0] =	vst v2  }
0x140: {  	s9 =	sadd.s32 $0x78, s23;
	v2 =	vmul.f32 v7, v1;
	[tilespmem:s6+$0xFFFFFFF0] =	vst v3  }
0x141: {  	s8 =	sshll.u32 s8, $0x7;
	v1 =	vmul.f32 v8, v1;
	[tilespmem:s6+$0xFFFFFFA0] =	vst v0;
	v0 =	vmov s9  }
0x142: {  	s8 =	sand.u32 $0x3FFFFF80, s8;
	[tilespmem:s6+$0xFFFFFFC0] =	vst v2;
	v0 =	vand.u32 $0xFFFFFFFC, v0  }
0x143: {  	s26 =	sadd.s32 $0x1C00, s8;
	[tilespmem:s6+$0xFFFFFFE0] =	vst v1;
	v0 =	vbroadcast v0, $0x0  }
0x144: {  	[spmem:s3] =	stream.indirect.scatter.add.f32 [tilespmem:s18], [sflag:$0x7], $0x80, s26, s16, $0xb8;
	[tilespmem:$0x1E480] =	vst v63  }
0x145: {  	_ =	swait.ge [sflag:s4], $0x1400  }
0x146: {  	[sflag:s4] =	ssyncset.done $0x0  }
0x147: {  	s6 =	simm.s32 $0x69F0;
	[sflag:s4] =	ssyncadd.s32 $0xFFFFEC00  }
0x148: {  	v1 =	vld [tilespmem:s6+$0xFFFFFE80]  }
0x149: {  	v0 =	vld.idx.msk [tilespmem:v0+s25+$0x0], $0xffff  }
0x14a: {  	v2 =	vld [tilespmem:s6+$0xFFFFFE10]  }
0x14b: {  	v3 =	vld [tilespmem:s6+$0xFFFFFE30]  }
0x14c: {  	v4 =	vld [tilespmem:s6+$0xFFFFFE60]  }
0x14d: {  	v5 =	vld [tilespmem:s6+$0xFFFFFE50]  }
0x14e: {  	v6 =	vld [tilespmem:s6+$0xFFFFFE70];
	v1 =	vmul.f32 v1, v0  }
0x14f: {  	s28 =	sadd.s32 $0x79, s23;
	v7 =	vld [tilespmem:s6+$0xFFFFFE40];
	v2 =	vmul.f32 v2, v0  }
0x150: {  	v8 =	vmov s28;
	v9 =	vld [tilespmem:s6+$0xFFFFFE20];
	v3 =	vmul.f32 v3, v0;
	[tilespmem:s6+$0xFFFFFE80] =	vst v1  }
0x151: {  	v4 =	vmul.f32 v4, v0;
	v1 =	vand.u32 $0xFFFFFFFD, v8;
	[tilespmem:s6+$0xFFFFFE10] =	vst v2  }
0x152: {  	v2 =	vmul.f32 v5, v0;
	[tilespmem:s6+$0xFFFFFE30] =	vst v3;
	v1 =	vbroadcast v1, $0x0  }
0x153: {  	v3 =	vmul.f32 v6, v0;
	[tilespmem:s6+$0xFFFFFE60] =	vst v4  }
0x154: {  	v4 =	vmul.f32 v7, v0;
	[tilespmem:s6+$0xFFFFFE50] =	vst v2  }
0x155: {  	v0 =	vmul.f32 v9, v0;
	[tilespmem:s6+$0xFFFFFE70] =	vst v3  }
0x156: {  	[tilespmem:s6+$0xFFFFFE40] =	vst v4  }
0x157: {  	[tilespmem:s6+$0xFFFFFE20] =	vst v0;
	v0 =	vld [tilespmem:s6+$0xFFFFFEA0]  }
0x158: {  	v2 =	vld.idx.msk [tilespmem:v1+s25+$0x0], $0xffff  }
0x159: {  	v1 =	vld [tilespmem:s6+$0xFFFFFEB0]  }
0x15a: {  	v3 =	vld [tilespmem:s6+$0xFFFFFE90]  }
0x15b: {  	v4 =	vld [tilespmem:s6+$0xFFFFFEC0]  }
0x15c: {  	v5 =	vld [tilespmem:s6+$0xFFFFFED0]  }
0x15d: {  	v6 =	vld [tilespmem:s6+$0xFFFFFEE0];
	v0 =	vmul.f32 v0, v2  }
0x15e: {  	s29 =	sadd.s32 $0x7A, s23;
	v7 =	vld [tilespmem:s6+$0xFFFFFF00];
	v1 =	vmul.f32 v1, v2  }
0x15f: {  	v63 =	vld [tilespmem:s6+$0xFFFFFEF0];
	v8 =	vmov s29;
	v3 =	vmul.f32 v3, v2;
	[tilespmem:s6+$0xFFFFFEA0] =	vst v0  }
0x160: {  	v4 =	vmul.f32 v4, v2;
	v0 =	vand.u32 $0xFFFFFFFE, v8;
	[tilespmem:s6+$0xFFFFFEB0] =	vst v1  }
0x161: {  	v1 =	vmul.f32 v5, v2;
	[tilespmem:s6+$0xFFFFFE90] =	vst v3;
	v5 =	vld [tilespmem:s6+$0xFFFFFF70];
	v8 =	vbroadcast v0, $0x0  }
0x162: {  	v3 =	vmul.f32 v6, v2;
	[tilespmem:s6+$0xFFFFFEC0] =	vst v4;
	v6 =	vld [tilespmem:s6+$0xFFFFFF10]  }
0x163: {  	v4 =	vmul.f32 v7, v2;
	v0 =	vld [tilespmem:s6+$0xFFFFFF30];
	[tilespmem:s6+$0xFFFFFED0] =	vst v1  }
0x164: {  	v2 =	vmul.f32 v63, v2;
	v1 =	vld [tilespmem:s6+$0xFFFFFF40];
	[tilespmem:s6+$0xFFFFFEE0] =	vst v3  }
0x165: {  	[tilespmem:s6+$0xFFFFFF00] =	vst v4;
	v3 =	vld [tilespmem:s6+$0xFFFFFF50]  }
0x166: {  	s8 =	sadd.s32 $0x2, s30;
	[tilespmem:s6+$0xFFFFFEF0] =	vst v2;
	v4 =	vld [tilespmem:s6+$0xFFFFFF20]  }
0x167: {  	s9 =	simm.s32 $0xFFFFFFDC;
	s26 =	sadd.s32 $0x7B, s23;
	s23 =	simm.s32 $0x69F0;
	v2 =	vld.idx.msk [tilespmem:v8+s25+$0x0], $0xffff  }
.LBB2_8:
0x168: {  	p0 =	sne.s32 s9, $0xFFFFFFFC  }
0x169: {  	v7 =	vld [tilespmem:s6+$0xFFFFFF60];
	s23 =	sadd.s32 $0x200, s23;
	s13 =	smov.u32 s9;
	s9 =	sadd.s32 $0x4, s9  }
0x16a: {  	v8 =	vld [tilespmem:s6+$0xFFFFFF80];
	_ =	sdelay $0x1  }
0x16b: {  	v5 =	vmul.f32 v5, v2;
	v6 =	vmul.f32 v6, v2  }
0x16c: {  	v3 =	vmul.f32 v3, v2;
	v4 =	vmul.f32 v4, v2  }
0x16d: {  	v0 =	vmul.f32 v0, v2;
	v1 =	vmul.f32 v1, v2;
	[tilespmem:s6+$0xFFFFFF70] =	vst v5  }
0x16e: {  	[tilespmem:s6+$0xFFFFFF50] =	vst v3;
	v3 =	vmul.f32 v7, v2;
	v2 =	vmul.f32 v8, v2  }
0x16f: {  	[tilespmem:s6+$0xFFFFFF30] =	vst v0;
	v5 =	vld [tilespmem:s6+$0xFFFFFFF0]  }
0x170: {  	v0 =	vld [tilespmem:s23+$0xFFFFFF30];
	[tilespmem:s6+$0xFFFFFF10] =	vst v6;
	v6 =	vmov s26  }
0x171: {  	[tilespmem:s6+$0xFFFFFF60] =	vst v3;
	v3 =	vld [tilespmem:s6+$0xFFFFFF90]  }
0x172: {  	[tilespmem:s6+$0xFFFFFF40] =	vst v1;
	v7 =	vld [tilespmem:s6+$0xFFFFFFD0]  }
0x173: {  	v1 =	vld [tilespmem:s23+$0xFFFFFF40];
	[tilespmem:s6+$0xFFFFFF20] =	vst v4  }
0x174: {  	[tilespmem:s6+$0xFFFFFF80] =	vst v2;
	v2 =	vld [tilespmem:s6+$0xFFFFFFB0]  }
0x175: {  	v4 =	vld.idx.msk [tilespmem:v6+s25+$0x0], $0xffff  }
0x176: {  	v6 =	vld [tilespmem:s6+$0xFFFFFFA0]  }
0x177: {  	v8 =	vld [tilespmem:s6+$0xFFFFFFC0]  }
0x178: {  	v9 =	vld [tilespmem:s6+$0xFFFFFFE0]  }
0x179: {  	v10 =	vld [tilespmem:s6+$0x0];
	_ =	sdelay $0x1  }
0x17a: {  	s13 =	sadd.s32 s13, s12;
	v3 =	vmul.f32 v3, v4;
	v6 =	vmul.f32 v6, v4  }
0x17b: {  	s28 =	sadd.s32 $0x79, s13;
	s29 =	sadd.s32 $0x7A, s13;
	s26 =	sadd.s32 $0x78, s13;
	v2 =	vmul.f32 v2, v4;
	v8 =	vmul.f32 v8, v4  }
0x17c: {  	v11 =	vmov s26;
	s26 =	sadd.s32 $0x7B, s13;
	[tilespmem:s6+$0xFFFFFF90] =	vst v3;
	v3 =	vmul.f32 v7, v4;
	v7 =	vmul.f32 v9, v4  }
0x17d: {  	v9 =	vand.u32 $0xFFFFFFFC, v11;
	[tilespmem:s6+$0xFFFFFFB0] =	vst v2;
	v2 =	vmul.f32 v5, v4;
	v4 =	vmul.f32 v10, v4  }
0x17e: {  	v5 =	vbroadcast v9, $0x0;
	v9 =	vmov s28;
	v10 =	vmov s29;
	[tilespmem:s6+$0xFFFFFFD0] =	vst v3  }
0x17f: {  	v3 =	vand.u32 $0xFFFFFFFD, v9;
	v9 =	vand.u32 $0xFFFFFFFE, v10;
	[tilespmem:s6+$0x0] =	vst v4  }
0x180: {  	v4 =	vld [tilespmem:s23+$0xFFFFFE50];
	[tilespmem:s6+$0xFFFFFFF0] =	vst v2  }
0x181: {  	v2 =	vld [tilespmem:s23+$0xFFFFFE60];
	[tilespmem:s6+$0xFFFFFFA0] =	vst v6  }
0x182: {  	v6 =	vld [tilespmem:s23+$0xFFFFFE70];
	[tilespmem:s6+$0xFFFFFFC0] =	vst v8  }
0x183: {  	v8 =	vld [tilespmem:s23+$0xFFFFFE80];
	[tilespmem:s6+$0xFFFFFFE0] =	vst v7;
	s6 =	smov.u32 s23  }
0x184: {  	v5 =	vld.idx.msk [tilespmem:v5+s25+$0x0], $0xffff  }
0x185: {  	v7 =	vld [tilespmem:s23+$0xFFFFFE10]  }
0x186: {  	v10 =	vld [tilespmem:s23+$0xFFFFFE30]  }
0x187: {  	v11 =	vld [tilespmem:s23+$0xFFFFFE20]  }
0x188: {  	v12 =	vld [tilespmem:s23+$0xFFFFFE40];
	_ =	sdelay $0x1  }
0x189: {  	v8 =	vmul.f32 v8, v5;
	v7 =	vmul.f32 v7, v5  }
0x18a: {  	v6 =	vmul.f32 v6, v5;
	v10 =	vmul.f32 v10, v5  }
0x18b: {  	v2 =	vmul.f32 v2, v5;
	v11 =	vmul.f32 v11, v5;
	[tilespmem:s23+$0xFFFFFE80] =	vst v8  }
0x18c: {  	v4 =	vmul.f32 v4, v5;
	[tilespmem:s23+$0xFFFFFE10] =	vst v7;
	v7 =	vmul.f32 v12, v5  }
0x18d: {  	v3 =	vbroadcast v3, $0x0;
	[tilespmem:s23+$0xFFFFFE30] =	vst v10  }
0x18e: {  	[tilespmem:s23+$0xFFFFFE60] =	vst v2  }
0x18f: {  	[tilespmem:s23+$0xFFFFFE50] =	vst v4;
	v2 =	vld [tilespmem:s23+$0xFFFFFF00]  }
0x190: {  	[tilespmem:s23+$0xFFFFFE70] =	vst v6;
	v4 =	vld [tilespmem:s23+$0xFFFFFED0]  }
0x191: {  	[tilespmem:s23+$0xFFFFFE40] =	vst v7;
	v5 =	vld [tilespmem:s23+$0xFFFFFEE0]  }
0x192: {  	[tilespmem:s23+$0xFFFFFE20] =	vst v11;
	v6 =	vld [tilespmem:s23+$0xFFFFFEA0]  }
0x193: {  	v3 =	vld.idx.msk [tilespmem:v3+s25+$0x0], $0xffff  }
0x194: {  	v7 =	vld [tilespmem:s23+$0xFFFFFE90]  }
0x195: {  	v8 =	vld [tilespmem:s23+$0xFFFFFEB0]  }
0x196: {  	v10 =	vld [tilespmem:s23+$0xFFFFFEC0]  }
0x197: {  	v11 =	vld [tilespmem:s23+$0xFFFFFEF0];
	_ =	sdelay $0x1  }
0x198: {  	v6 =	vmul.f32 v6, v3;
	v7 =	vmul.f32 v7, v3  }
0x199: {  	v5 =	vmul.f32 v5, v3;
	v8 =	vmul.f32 v8, v3  }
0x19a: {  	v4 =	vmul.f32 v4, v3;
	[tilespmem:s23+$0xFFFFFEA0] =	vst v6;
	v6 =	vmul.f32 v10, v3  }
0x19b: {  	v2 =	vmul.f32 v2, v3;
	[tilespmem:s23+$0xFFFFFEB0] =	vst v8;
	v8 =	vmul.f32 v11, v3  }
0x19c: {  	[tilespmem:s23+$0xFFFFFE90] =	vst v7;
	v7 =	vbroadcast v9, $0x0  }
0x19d: {  	[tilespmem:s23+$0xFFFFFEC0] =	vst v6  }
0x19e: {  	[tilespmem:s23+$0xFFFFFED0] =	vst v4  }
0x19f: {  	[tilespmem:s23+$0xFFFFFEE0] =	vst v5  }
.Ltmp2:
0x1a0: {  	[tilespmem:s23+$0xFFFFFF00] =	vst v2;
	v3 =	vld [tilespmem:s23+$0xFFFFFF50];
	(pc) =	sbr.rel @p0 .LBB2_8-.Ltmp2, $4  }
0x1a1: {  	[tilespmem:s23+$0xFFFFFEF0] =	vst v8;
	v5 =	vld [tilespmem:s23+$0xFFFFFF70]  }
0x1a2: {  	v2 =	vld.idx.msk [tilespmem:v7+s25+$0x0], $0xffff  }
0x1a3: {  	v6 =	vld [tilespmem:s23+$0xFFFFFF10]  }
0x1a4: {  	v4 =	vld [tilespmem:s23+$0xFFFFFF20]  }
0x1a5: {  	_ =	sdelay $0x1  }
0x1a6: {  	v5 =	vmul.f32 v5, v2  }
0x1a7: {  	v7 =	vld [tilespmem:s6+$0xFFFFFF60];
	v3 =	vmul.f32 v3, v2  }
0x1a8: {  	v8 =	vld [tilespmem:s6+$0xFFFFFF80];
	v0 =	vmul.f32 v0, v2;
	[tilespmem:s6+$0xFFFFFF70] =	vst v5  }
0x1a9: {  	v5 =	vmul.f32 v6, v2;
	[tilespmem:s6+$0xFFFFFF50] =	vst v3  }
0x1aa: {  	[tilespmem:s6+$0xFFFFFF30] =	vst v0;
	v0 =	vmul.f32 v1, v2  }
0x1ab: {  	v1 =	vmov s26;
	v4 =	vmul.f32 v4, v2;
	[tilespmem:s6+$0xFFFFFF10] =	vst v5  }
0x1ac: {  	v3 =	vmul.f32 v7, v2;
	[tilespmem:s6+$0xFFFFFF40] =	vst v0  }
0x1ad: {  	v2 =	vmul.f32 v8, v2;
	[tilespmem:s6+$0xFFFFFF20] =	vst v4  }
0x1ae: {  	[tilespmem:s6+$0xFFFFFF60] =	vst v3  }
0x1af: {  	v0 =	vld [tilespmem:s6+$0xFFFFFF90];
	[tilespmem:s6+$0xFFFFFF80] =	vst v2  }
0x1b0: {  	v1 =	vld.idx.msk [tilespmem:v1+s25+$0x0], $0xffff  }
0x1b1: {  	v2 =	vld [tilespmem:s6+$0xFFFFFFB0]  }
0x1b2: {  	v3 =	vld [tilespmem:s6+$0xFFFFFFD0]  }
0x1b3: {  	v4 =	vld [tilespmem:s6+$0x0]  }
0x1b4: {  	v5 =	vld [tilespmem:s6+$0xFFFFFFF0]  }
0x1b5: {  	v6 =	vld [tilespmem:s6+$0xFFFFFFA0];
	v0 =	vmul.f32 v0, v1  }
0x1b6: {  	v7 =	vld [tilespmem:s6+$0xFFFFFFC0];
	v2 =	vmul.f32 v2, v1  }
0x1b7: {  	v8 =	vld [tilespmem:s6+$0xFFFFFFE0];
	[tilespmem:s6+$0xFFFFFF90] =	vst v0;
	v0 =	vmul.f32 v3, v1  }
0x1b8: {  	[tilespmem:s6+$0xFFFFFFB0] =	vst v2;
	v2 =	vmul.f32 v4, v1  }
0x1b9: {  	v3 =	vmul.f32 v5, v1;
	[tilespmem:s6+$0xFFFFFFD0] =	vst v0  }
0x1ba: {  	v0 =	vmul.f32 v6, v1;
	[tilespmem:s6+$0x0] =	vst v2  }
0x1bb: {  	v2 =	vmul.f32 v7, v1;
	[tilespmem:s6+$0xFFFFFFF0] =	vst v3  }
0x1bc: {  	s8 =	sshll.u32 s8, $0x7;
	p0 =	seq.s32 s24, $0x9;
	v1 =	vmul.f32 v8, v1;
	[tilespmem:s6+$0xFFFFFFA0] =	vst v0  }
0x1bd: {  	s9 =	sadd.s32 $0xFFFFFFD8, s12;
	s24 =	sadd.s32 $0x1, s24;
	s8 =	sand.u32 $0x3FFFFF80, s8;
	[tilespmem:s6+$0xFFFFFFC0] =	vst v2  }
0x1be: {  	s23 =	sadd.s32 $0x1C00, s8;
	s26 =	sadd.s32 $0xA0, s9;
	[tilespmem:s6+$0xFFFFFFE0] =	vst v1;
	s6 =	simm.s32 @!p0 $0x6  }
0x1bf: {  	[spmem:s3] =	stream.indirect.scatter.add.f32 [tilespmem:s19], [sflag:$0x8], $0x80, s23, s16, $0xb8;
	[tilespmem:$0x1E480] =	vst v63  }
0x1c0: {  	s13 =	smul.u32 @!p0 $0xA00, s24;
	v0 =	vmov s26;
	_ =	swait.ge @!p0 [sflag:s6], $0x1400  }
0x1c1: {  	s8 =	simm.s32 @!p0 $0x4000;
	v0 =	vand.u32 $0xFFFFFFFC, v0;
	[sflag:s6] =	ssyncset.done @!p0 $0x0  }
0x1c2: {  	s30 =	sshra.s32 @!p0 s13, $0x2;
	v0 =	vbroadcast v0, $0x0;
	[sflag:s6] =	ssyncadd.s32 @!p0 $0xFFFFEC00;
	s6 =	simm.s32 @!p0 $0x28  }
0x1c3: {  	[tilespmem:s8], [sflag:$0x1] =	stream.indirect.gather @!p0 [hbm4b:s5+s6], $0x80, s30, s6, $0xb8;
	[tilespmem:$0x1E480] =	vst v63  }
0x1c4: {  	_ =	swait.ge [sflag:s7], $0x1400  }
0x1c5: {  	[sflag:s7] =	ssyncset.done $0x0  }
0x1c6: {  	s6 =	simm.s32 $0x7DF0;
	[sflag:s7] =	ssyncadd.s32 $0xFFFFEC00  }
0x1c7: {  	v1 =	vld [tilespmem:s6+$0xFFFFFE80]  }
0x1c8: {  	v0 =	vld.idx.msk [tilespmem:v0+s25+$0x0], $0xffff  }
0x1c9: {  	v2 =	vld [tilespmem:s6+$0xFFFFFE10]  }
0x1ca: {  	v3 =	vld [tilespmem:s6+$0xFFFFFE30]  }
0x1cb: {  	v4 =	vld [tilespmem:s6+$0xFFFFFE60]  }
0x1cc: {  	v5 =	vld [tilespmem:s6+$0xFFFFFE50]  }
0x1cd: {  	v6 =	vld [tilespmem:s6+$0xFFFFFE70];
	v1 =	vmul.f32 v1, v0  }
0x1ce: {  	s28 =	sadd.s32 $0xA1, s9;
	v7 =	vld [tilespmem:s6+$0xFFFFFE40];
	v2 =	vmul.f32 v2, v0  }
0x1cf: {  	v8 =	vmov s28;
	v9 =	vld [tilespmem:s6+$0xFFFFFE20];
	v3 =	vmul.f32 v3, v0;
	[tilespmem:s6+$0xFFFFFE80] =	vst v1  }
0x1d0: {  	v4 =	vmul.f32 v4, v0;
	v1 =	vand.u32 $0xFFFFFFFD, v8;
	[tilespmem:s6+$0xFFFFFE10] =	vst v2  }
0x1d1: {  	v2 =	vmul.f32 v5, v0;
	[tilespmem:s6+$0xFFFFFE30] =	vst v3;
	v1 =	vbroadcast v1, $0x0  }
0x1d2: {  	v3 =	vmul.f32 v6, v0;
	[tilespmem:s6+$0xFFFFFE60] =	vst v4  }
0x1d3: {  	v4 =	vmul.f32 v7, v0;
	[tilespmem:s6+$0xFFFFFE50] =	vst v2  }
0x1d4: {  	v0 =	vmul.f32 v9, v0;
	[tilespmem:s6+$0xFFFFFE70] =	vst v3  }
0x1d5: {  	[tilespmem:s6+$0xFFFFFE40] =	vst v4  }
0x1d6: {  	[tilespmem:s6+$0xFFFFFE20] =	vst v0;
	v0 =	vld [tilespmem:s6+$0xFFFFFEA0]  }
0x1d7: {  	v2 =	vld.idx.msk [tilespmem:v1+s25+$0x0], $0xffff  }
0x1d8: {  	v1 =	vld [tilespmem:s6+$0xFFFFFEB0]  }
0x1d9: {  	v3 =	vld [tilespmem:s6+$0xFFFFFE90]  }
0x1da: {  	v4 =	vld [tilespmem:s6+$0xFFFFFEC0]  }
0x1db: {  	v5 =	vld [tilespmem:s6+$0xFFFFFED0]  }
0x1dc: {  	v6 =	vld [tilespmem:s6+$0xFFFFFEE0];
	v0 =	vmul.f32 v0, v2  }
0x1dd: {  	s29 =	sadd.s32 $0xA2, s9;
	v7 =	vld [tilespmem:s6+$0xFFFFFF00];
	v1 =	vmul.f32 v1, v2  }
0x1de: {  	v63 =	vld [tilespmem:s6+$0xFFFFFEF0];
	v8 =	vmov s29;
	v3 =	vmul.f32 v3, v2;
	[tilespmem:s6+$0xFFFFFEA0] =	vst v0  }
0x1df: {  	v4 =	vmul.f32 v4, v2;
	v0 =	vand.u32 $0xFFFFFFFE, v8;
	[tilespmem:s6+$0xFFFFFEB0] =	vst v1  }
0x1e0: {  	v1 =	vmul.f32 v5, v2;
	[tilespmem:s6+$0xFFFFFE90] =	vst v3;
	v5 =	vld [tilespmem:s6+$0xFFFFFF70];
	v8 =	vbroadcast v0, $0x0  }
0x1e1: {  	v3 =	vmul.f32 v6, v2;
	[tilespmem:s6+$0xFFFFFEC0] =	vst v4;
	v6 =	vld [tilespmem:s6+$0xFFFFFF10]  }
0x1e2: {  	v4 =	vmul.f32 v7, v2;
	v0 =	vld [tilespmem:s6+$0xFFFFFF30];
	[tilespmem:s6+$0xFFFFFED0] =	vst v1  }
0x1e3: {  	v2 =	vmul.f32 v63, v2;
	v1 =	vld [tilespmem:s6+$0xFFFFFF40];
	[tilespmem:s6+$0xFFFFFEE0] =	vst v3  }
0x1e4: {  	[tilespmem:s6+$0xFFFFFF00] =	vst v4;
	v3 =	vld [tilespmem:s6+$0xFFFFFF50]  }
0x1e5: {  	[tilespmem:s6+$0xFFFFFEF0] =	vst v2;
	v4 =	vld [tilespmem:s6+$0xFFFFFF20]  }
0x1e6: {  	s23 =	sadd.s32 $0xA3, s9;
	s9 =	simm.s32 $0x7DF0;
	s8 =	simm.s32 $0xFFFFFFDC;
	v2 =	vld.idx.msk [tilespmem:v8+s25+$0x0], $0xffff  }
.LBB2_10:
0x1e7: {  	p1 =	sne.s32 s8, $0xFFFFFFFC  }
0x1e8: {  	v7 =	vld [tilespmem:s6+$0xFFFFFF60];
	s9 =	sadd.s32 $0x200, s9;
	s13 =	smov.u32 s8;
	s8 =	sadd.s32 $0x4, s8  }
0x1e9: {  	v8 =	vld [tilespmem:s6+$0xFFFFFF80];
	_ =	sdelay $0x1  }
0x1ea: {  	v5 =	vmul.f32 v5, v2;
	v6 =	vmul.f32 v6, v2  }
0x1eb: {  	v3 =	vmul.f32 v3, v2;
	v4 =	vmul.f32 v4, v2  }
0x1ec: {  	v0 =	vmul.f32 v0, v2;
	v1 =	vmul.f32 v1, v2;
	[tilespmem:s6+$0xFFFFFF70] =	vst v5  }
0x1ed: {  	[tilespmem:s6+$0xFFFFFF50] =	vst v3;
	v3 =	vmul.f32 v7, v2;
	v2 =	vmul.f32 v8, v2  }
0x1ee: {  	[tilespmem:s6+$0xFFFFFF30] =	vst v0;
	v5 =	vld [tilespmem:s6+$0xFFFFFFF0]  }
0x1ef: {  	v0 =	vld [tilespmem:s9+$0xFFFFFF30];
	[tilespmem:s6+$0xFFFFFF10] =	vst v6;
	v6 =	vmov s23  }
0x1f0: {  	[tilespmem:s6+$0xFFFFFF60] =	vst v3;
	v3 =	vld [tilespmem:s6+$0xFFFFFF90]  }
0x1f1: {  	[tilespmem:s6+$0xFFFFFF40] =	vst v1;
	v7 =	vld [tilespmem:s6+$0xFFFFFFD0]  }
0x1f2: {  	v1 =	vld [tilespmem:s9+$0xFFFFFF40];
	[tilespmem:s6+$0xFFFFFF20] =	vst v4  }
0x1f3: {  	[tilespmem:s6+$0xFFFFFF80] =	vst v2;
	v2 =	vld [tilespmem:s6+$0xFFFFFFB0]  }
0x1f4: {  	v4 =	vld.idx.msk [tilespmem:v6+s25+$0x0], $0xffff  }
0x1f5: {  	v6 =	vld [tilespmem:s6+$0xFFFFFFA0]  }
0x1f6: {  	v8 =	vld [tilespmem:s6+$0xFFFFFFC0]  }
0x1f7: {  	v9 =	vld [tilespmem:s6+$0xFFFFFFE0]  }
0x1f8: {  	v10 =	vld [tilespmem:s6+$0x0];
	_ =	sdelay $0x1  }
0x1f9: {  	s13 =	sadd.s32 s13, s12;
	v3 =	vmul.f32 v3, v4;
	v6 =	vmul.f32 v6, v4  }
0x1fa: {  	s26 =	sadd.s32 $0xA1, s13;
	s28 =	sadd.s32 $0xA2, s13;
	s23 =	sadd.s32 $0xA0, s13;
	v2 =	vmul.f32 v2, v4;
	v8 =	vmul.f32 v8, v4  }
0x1fb: {  	v11 =	vmov s23;
	s23 =	sadd.s32 $0xA3, s13;
	[tilespmem:s6+$0xFFFFFF90] =	vst v3;
	v3 =	vmul.f32 v7, v4;
	v7 =	vmul.f32 v9, v4  }
0x1fc: {  	v9 =	vand.u32 $0xFFFFFFFC, v11;
	[tilespmem:s6+$0xFFFFFFB0] =	vst v2;
	v2 =	vmul.f32 v5, v4;
	v4 =	vmul.f32 v10, v4  }
0x1fd: {  	v5 =	vbroadcast v9, $0x0;
	v9 =	vmov s26;
	v10 =	vmov s28;
	[tilespmem:s6+$0xFFFFFFD0] =	vst v3  }
0x1fe: {  	v3 =	vand.u32 $0xFFFFFFFD, v9;
	v9 =	vand.u32 $0xFFFFFFFE, v10;
	[tilespmem:s6+$0x0] =	vst v4  }
0x1ff: {  	v4 =	vld [tilespmem:s9+$0xFFFFFE50];
	[tilespmem:s6+$0xFFFFFFF0] =	vst v2  }
0x200: {  	v2 =	vld [tilespmem:s9+$0xFFFFFE60];
	[tilespmem:s6+$0xFFFFFFA0] =	vst v6  }
0x201: {  	v6 =	vld [tilespmem:s9+$0xFFFFFE70];
	[tilespmem:s6+$0xFFFFFFC0] =	vst v8  }
0x202: {  	v8 =	vld [tilespmem:s9+$0xFFFFFE80];
	[tilespmem:s6+$0xFFFFFFE0] =	vst v7;
	s6 =	smov.u32 s9  }
0x203: {  	v5 =	vld.idx.msk [tilespmem:v5+s25+$0x0], $0xffff  }
0x204: {  	v7 =	vld [tilespmem:s9+$0xFFFFFE10]  }
0x205: {  	v10 =	vld [tilespmem:s9+$0xFFFFFE30]  }
0x206: {  	v11 =	vld [tilespmem:s9+$0xFFFFFE20]  }
0x207: {  	v12 =	vld [tilespmem:s9+$0xFFFFFE40];
	_ =	sdelay $0x1  }
0x208: {  	v8 =	vmul.f32 v8, v5;
	v7 =	vmul.f32 v7, v5  }
0x209: {  	v6 =	vmul.f32 v6, v5;
	v10 =	vmul.f32 v10, v5  }
0x20a: {  	v2 =	vmul.f32 v2, v5;
	v11 =	vmul.f32 v11, v5;
	[tilespmem:s9+$0xFFFFFE80] =	vst v8  }
0x20b: {  	v4 =	vmul.f32 v4, v5;
	[tilespmem:s9+$0xFFFFFE10] =	vst v7;
	v7 =	vmul.f32 v12, v5  }
0x20c: {  	v3 =	vbroadcast v3, $0x0;
	[tilespmem:s9+$0xFFFFFE30] =	vst v10  }
0x20d: {  	[tilespmem:s9+$0xFFFFFE60] =	vst v2  }
0x20e: {  	[tilespmem:s9+$0xFFFFFE50] =	vst v4;
	v2 =	vld [tilespmem:s9+$0xFFFFFF00]  }
0x20f: {  	[tilespmem:s9+$0xFFFFFE70] =	vst v6;
	v4 =	vld [tilespmem:s9+$0xFFFFFED0]  }
0x210: {  	[tilespmem:s9+$0xFFFFFE40] =	vst v7;
	v5 =	vld [tilespmem:s9+$0xFFFFFEE0]  }
0x211: {  	[tilespmem:s9+$0xFFFFFE20] =	vst v11;
	v6 =	vld [tilespmem:s9+$0xFFFFFEA0]  }
0x212: {  	v3 =	vld.idx.msk [tilespmem:v3+s25+$0x0], $0xffff  }
0x213: {  	v7 =	vld [tilespmem:s9+$0xFFFFFE90]  }
0x214: {  	v8 =	vld [tilespmem:s9+$0xFFFFFEB0]  }
0x215: {  	v10 =	vld [tilespmem:s9+$0xFFFFFEC0]  }
0x216: {  	v11 =	vld [tilespmem:s9+$0xFFFFFEF0];
	_ =	sdelay $0x1  }
0x217: {  	v6 =	vmul.f32 v6, v3;
	v7 =	vmul.f32 v7, v3  }
0x218: {  	v5 =	vmul.f32 v5, v3;
	v8 =	vmul.f32 v8, v3  }
0x219: {  	v4 =	vmul.f32 v4, v3;
	[tilespmem:s9+$0xFFFFFEA0] =	vst v6;
	v6 =	vmul.f32 v10, v3  }
0x21a: {  	v2 =	vmul.f32 v2, v3;
	[tilespmem:s9+$0xFFFFFEB0] =	vst v8;
	v8 =	vmul.f32 v11, v3  }
0x21b: {  	[tilespmem:s9+$0xFFFFFE90] =	vst v7;
	v7 =	vbroadcast v9, $0x0  }
0x21c: {  	[tilespmem:s9+$0xFFFFFEC0] =	vst v6  }
0x21d: {  	[tilespmem:s9+$0xFFFFFED0] =	vst v4  }
0x21e: {  	[tilespmem:s9+$0xFFFFFEE0] =	vst v5  }
.Ltmp3:
0x21f: {  	[tilespmem:s9+$0xFFFFFF00] =	vst v2;
	v3 =	vld [tilespmem:s9+$0xFFFFFF50];
	(pc) =	sbr.rel @p1 .LBB2_10-.Ltmp3, $4  }
0x220: {  	[tilespmem:s9+$0xFFFFFEF0] =	vst v8;
	v5 =	vld [tilespmem:s9+$0xFFFFFF70]  }
0x221: {  	v2 =	vld.idx.msk [tilespmem:v7+s25+$0x0], $0xffff  }
0x222: {  	v6 =	vld [tilespmem:s9+$0xFFFFFF10]  }
0x223: {  	v4 =	vld [tilespmem:s9+$0xFFFFFF20]  }
0x224: {  	_ =	sdelay $0x1  }
0x225: {  	v5 =	vmul.f32 v5, v2  }
0x226: {  	v7 =	vld [tilespmem:s6+$0xFFFFFF60];
	v3 =	vmul.f32 v3, v2  }
0x227: {  	v8 =	vld [tilespmem:s6+$0xFFFFFF80];
	v0 =	vmul.f32 v0, v2;
	[tilespmem:s6+$0xFFFFFF70] =	vst v5  }
0x228: {  	v5 =	vmul.f32 v6, v2;
	[tilespmem:s6+$0xFFFFFF50] =	vst v3  }
0x229: {  	[tilespmem:s6+$0xFFFFFF30] =	vst v0;
	v0 =	vmul.f32 v1, v2  }
0x22a: {  	v1 =	vmov s23;
	v4 =	vmul.f32 v4, v2;
	[tilespmem:s6+$0xFFFFFF10] =	vst v5  }
0x22b: {  	v3 =	vmul.f32 v7, v2;
	[tilespmem:s6+$0xFFFFFF40] =	vst v0  }
0x22c: {  	v2 =	vmul.f32 v8, v2;
	[tilespmem:s6+$0xFFFFFF20] =	vst v4  }
0x22d: {  	[tilespmem:s6+$0xFFFFFF60] =	vst v3  }
0x22e: {  	v0 =	vld [tilespmem:s6+$0xFFFFFF90];
	[tilespmem:s6+$0xFFFFFF80] =	vst v2  }
0x22f: {  	v1 =	vld.idx.msk [tilespmem:v1+s25+$0x0], $0xffff  }
0x230: {  	v2 =	vld [tilespmem:s6+$0xFFFFFFB0]  }
0x231: {  	v3 =	vld [tilespmem:s6+$0xFFFFFFD0]  }
0x232: {  	v4 =	vld [tilespmem:s6+$0x0]  }
0x233: {  	v5 =	vld [tilespmem:s6+$0xFFFFFFF0]  }
0x234: {  	v6 =	vld [tilespmem:s6+$0xFFFFFFA0];
	v0 =	vmul.f32 v0, v1  }
0x235: {  	v7 =	vld [tilespmem:s6+$0xFFFFFFC0];
	v2 =	vmul.f32 v2, v1  }
0x236: {  	v62 =	vld [tilespmem:s6+$0xFFFFFFE0];
	[tilespmem:s6+$0xFFFFFF90] =	vst v0;
	v0 =	vmul.f32 v3, v1  }
0x237: {  	[tilespmem:s6+$0xFFFFFFB0] =	vst v2;
	v2 =	vmul.f32 v4, v1  }
0x238: {  	v3 =	vmul.f32 v5, v1;
	[tilespmem:s6+$0xFFFFFFD0] =	vst v0  }
0x239: {  	v0 =	vmul.f32 v6, v1;
	[tilespmem:s6+$0x0] =	vst v2  }
0x23a: {  	v2 =	vmul.f32 v7, v1;
	[tilespmem:s6+$0xFFFFFFF0] =	vst v3  }
0x23b: {  	v1 =	vmul.f32 v62, v1;
	[tilespmem:s6+$0xFFFFFFA0] =	vst v0  }
0x23c: {  	[tilespmem:s6+$0xFFFFFFC0] =	vst v2  }
0x23d: {  	s26 =	sadd.s32 $0x1C00, s22;
	s8 =	sadd.s32 $0xFFFFFFFD, s15;
	[tilespmem:s6+$0xFFFFFFE0] =	vst v1;
	s6 =	simm.s32 @!p0 $0x7  }
0x23e: {  	[spmem:s3] =	stream.indirect.scatter.add.f32 [tilespmem:s20], [sflag:$0x9], $0x80, s26, s16, $0xb8;
	[tilespmem:$0x1E480] =	vst v63  }
0x23f: {  	v0 =	vmov s8;
	_ =	swait.ge @!p0 [sflag:s6], $0x1400  }
0x240: {  	s9 =	simm.s32 @!p0 $0x5400;
	v0 =	vand.u32 $0xFFFFFFFC, v0;
	[sflag:s6] =	ssyncset.done @!p0 $0x0  }
0x241: {  	s8 =	simm.s32 @!p0 $0x28;
	v0 =	vbroadcast v0, $0x0;
	[sflag:s6] =	ssyncadd.s32 @!p0 $0xFFFFEC00;
	s6 =	sadd.s32 @!p0 $0x80, s30  }
0x242: {  	[tilespmem:s9], [sflag:$0x2] =	stream.indirect.gather @!p0 [hbm4b:s5+s8], $0x80, s6, s8, $0xb8;
	[tilespmem:$0x1E480] =	vst v63  }
0x243: {  	_ =	swait.ge [sflag:s10], $0x1400  }
0x244: {  	[sflag:s10] =	ssyncset.done $0x0  }
0x245: {  	s6 =	simm.s32 $0x0;
	[sflag:s10] =	ssyncadd.s32 $0xFFFFEC00  }
0x246: {  	v1 =	vld [tilespmem:s6+$0x9040]  }
0x247: {  	v3 =	vld.idx.msk [tilespmem:v0+s25+$0x0], $0xffff  }
0x248: {  	v0 =	vld [tilespmem:s6+$0x9070]  }
0x249: {  	v4 =	vld [tilespmem:s6+$0x9050]  }
0x24a: {  	v6 =	vld [tilespmem:s6+$0x9020]  }
0x24b: {  	v5 =	vld [tilespmem:s6+$0x9000]  }
0x24c: {  	v7 =	vld [tilespmem:s6+$0x9010]  }
0x24d: {  	v0 =	vmul.f32 v0, v3  }
0x24e: {  	v1 =	vmul.f32 v1, v3  }
0x24f: {  	v2 =	vld [tilespmem:s6+$0x9030];
	[tilespmem:s6+$0x9070] =	vst v0;
	v0 =	vmul.f32 v6, v3  }
0x250: {  	s28 =	sadd.s32 $0xFFFFFFFE, s15;
	v63 =	vld [tilespmem:s6+$0x9060];
	[tilespmem:s6+$0x9040] =	vst v1;
	v1 =	vmul.f32 v4, v3  }
0x251: {  	v4 =	vmul.f32 v5, v3;
	v5 =	vmul.f32 v7, v3;
	[tilespmem:s6+$0x9020] =	vst v0;
	v0 =	vmov s28  }
0x252: {  	v7 =	vand.u32 $0xFFFFFFFD, v0  }
0x253: {  	s29 =	sadd.s32 $0xFFFFFFFF, s15;
	[tilespmem:s6+$0x9010] =	vst v5;
	v5 =	vbroadcast v7, $0x0  }
0x254: {  	v6 =	vmov s29;
	[tilespmem:s6+$0x9050] =	vst v1;
	v1 =	vld [tilespmem:s6+$0x90F0]  }
0x255: {  	s22 =	smov.u32 s15;
	s8 =	simm.s32 $0x800;
	s9 =	smov.u32 s15;
	[tilespmem:s6+$0x9000] =	vst v4;
	v4 =	vmul.f32 v63, v3;
	v3 =	vmul.f32 v2, v3;
	v2 =	vld [tilespmem:s6+$0x90E0];
	v0 =	vand.u32 $0xFFFFFFFE, v6  }
.LBB2_12:
0x256: {  	p1 =	sne.s32 s8, $0x4800  }
0x257: {  	[tilespmem:s6+$0x9060] =	vst v4;
	v4 =	vld [tilespmem:s6+$0x90B0];
	s9 =	sadd.s32 $0x4, s9;
	s23 =	smov.u32 s8;
	s8 =	sadd.s32 $0x800, s8  }
0x258: {  	s13 =	sadd.s32 $0xFFFFFFFF, s9;
	[tilespmem:s6+$0x9030] =	vst v3;
	v3 =	vld [tilespmem:s6+$0x9090]  }
0x259: {  	v6 =	vmov s13;
	v5 =	vld.idx.msk [tilespmem:v5+s25+$0x0], $0xffff  }
0x25a: {  	v6 =	vand.u32 $0xFFFFFFFE, v6;
	v7 =	vld [tilespmem:s6+$0x9080]  }
0x25b: {  	v8 =	vld [tilespmem:s6+$0x90A0]  }
0x25c: {  	v9 =	vld [tilespmem:s6+$0x90C0]  }
0x25d: {  	v10 =	vld [tilespmem:s6+$0x90D0];
	_ =	sdelay $0x1  }
0x25e: {  	v3 =	vmul.f32 v3, v5;
	v7 =	vmul.f32 v7, v5  }
0x25f: {  	v4 =	vmul.f32 v4, v5;
	v8 =	vmul.f32 v8, v5  }
0x260: {  	v2 =	vmul.f32 v2, v5;
	[tilespmem:s6+$0x9080] =	vst v7;
	v7 =	vmul.f32 v9, v5  }
0x261: {  	v1 =	vmul.f32 v1, v5;
	[tilespmem:s6+$0x90B0] =	vst v4;
	v4 =	vmul.f32 v10, v5  }
0x262: {  	v5 =	vbroadcast v0, $0x0;
	v0 =	vmov v6;
	[tilespmem:s6+$0x90A0] =	vst v8  }
0x263: {  	[tilespmem:s6+$0x9090] =	vst v3  }
0x264: {  	[tilespmem:s6+$0x90F0] =	vst v1  }
0x265: {  	[tilespmem:s6+$0x90C0] =	vst v7;
	v1 =	vld [tilespmem:s6+$0x9150]  }
0x266: {  	[tilespmem:s6+$0x90E0] =	vst v2;
	v2 =	vld [tilespmem:s6+$0x9130]  }
0x267: {  	[tilespmem:s6+$0x90D0] =	vst v4;
	v3 =	vld [tilespmem:s6+$0x9110]  }
0x268: {  	v4 =	vld.idx.msk [tilespmem:v5+s25+$0x0], $0xffff  }
0x269: {  	v5 =	vld [tilespmem:s6+$0x9100]  }
0x26a: {  	v6 =	vld [tilespmem:s6+$0x9140]  }
0x26b: {  	s13 =	sadd.s32 $0xFFFFFFFD, s9;
	v7 =	vld [tilespmem:s6+$0x9120]  }
0x26c: {  	v8 =	vmov s13;
	v9 =	vld [tilespmem:s6+$0x9160]  }
0x26d: {  	v8 =	vand.u32 $0xFFFFFFFC, v8;
	v10 =	vld [tilespmem:s6+$0x9170]  }
0x26e: {  	v8 =	vbroadcast v8, $0x0;
	v5 =	vmul.f32 v5, v4  }
0x26f: {  	v3 =	vmul.f32 v3, v4;
	v6 =	vmul.f32 v6, v4  }
0x270: {  	v2 =	vmul.f32 v2, v4;
	[tilespmem:s6+$0x9100] =	vst v5;
	v5 =	vmul.f32 v7, v4  }
0x271: {  	v1 =	vmul.f32 v1, v4;
	[tilespmem:s6+$0x9110] =	vst v3;
	v3 =	vmul.f32 v9, v4;
	v7 =	vld [tilespmem:s6+$0x91C0]  }
0x272: {  	[tilespmem:s6+$0x9120] =	vst v5;
	v4 =	vmul.f32 v10, v4;
	v5 =	vld [tilespmem:s6+$0x91B0]  }
0x273: {  	[tilespmem:s6+$0x9130] =	vst v2;
	v2 =	vld [tilespmem:s6+$0x9180]  }
0x274: {  	s13 =	sshra.s32 s23, $0x2;
	[tilespmem:s6+$0x9150] =	vst v1;
	v1 =	vmov s22;
	v9 =	vld [tilespmem:s6+$0x91E0];
	s22 =	smov.u32 s9  }
0x275: {  	v10 =	vld [tilespmem:s13+$0x9040];
	[tilespmem:s6+$0x9140] =	vst v6  }
0x276: {  	v6 =	vld [tilespmem:s13+$0x9030];
	[tilespmem:s6+$0x9160] =	vst v3  }
0x277: {  	v11 =	vld [tilespmem:s13+$0x9010];
	[tilespmem:s6+$0x9170] =	vst v4  }
0x278: {  	v12 =	vld [tilespmem:s13+$0x9000]  }
0x279: {  	v1 =	vld.idx.msk [tilespmem:v1+s25+$0x0], $0xffff  }
0x27a: {  	v3 =	vld [tilespmem:s6+$0x9190]  }
0x27b: {  	v4 =	vld [tilespmem:s6+$0x91A0]  }
0x27c: {  	v13 =	vld [tilespmem:s6+$0x91D0]  }
0x27d: {  	v14 =	vld [tilespmem:s6+$0x91F0]  }
0x27e: {  	v15 =	vld [tilespmem:s13+$0x9070]  }
0x27f: {  	v2 =	vmul.f32 v2, v1;
	v16 =	vld [tilespmem:s13+$0x9060];
	v3 =	vmul.f32 v3, v1  }
0x280: {  	v5 =	vmul.f32 v5, v1;
	v4 =	vmul.f32 v4, v1  }
0x281: {  	[tilespmem:s6+$0x9180] =	vst v2;
	v2 =	vmul.f32 v7, v1;
	v7 =	vmul.f32 v13, v1  }
0x282: {  	[tilespmem:s6+$0x91A0] =	vst v4;
	v4 =	vmul.f32 v9, v1;
	v1 =	vmul.f32 v14, v1  }
0x283: {  	[tilespmem:s6+$0x91B0] =	vst v5  }
0x284: {  	[tilespmem:s6+$0x91C0] =	vst v2  }
0x285: {  	[tilespmem:s6+$0x91D0] =	vst v7  }
0x286: {  	[tilespmem:s6+$0x91E0] =	vst v4  }
0x287: {  	[tilespmem:s6+$0x91F0] =	vst v1  }
0x288: {  	[tilespmem:s6+$0x9190] =	vst v3;
	s6 =	smov.u32 s13  }
0x289: {  	v1 =	vld.idx.msk [tilespmem:v8+s25+$0x0], $0xffff;
	_ =	sdelay $0x2  }
0x28a: {  	v2 =	vld [tilespmem:s6+$0x9050]  }
0x28b: {  	v5 =	vld [tilespmem:s6+$0x9020];
	_ =	sdelay $0x1  }
0x28c: {  	v7 =	vmul.f32 v10, v1;
	v4 =	vmul.f32 v16, v1  }
0x28d: {  	s13 =	sadd.s32 $0xFFFFFFFE, s9;
	v3 =	vmul.f32 v6, v1;
	v6 =	vmul.f32 v15, v1  }
0x28e: {  	v8 =	vmul.f32 v11, v1;
	[tilespmem:s6+$0x9040] =	vst v7;
	v2 =	vmul.f32 v2, v1;
	v7 =	vmov s13  }
.Ltmp4:
0x28f: {  	v9 =	vmul.f32 v12, v1;
	v1 =	vmul.f32 v5, v1;
	[tilespmem:s6+$0x9070] =	vst v6;
	v5 =	vand.u32 $0xFFFFFFFD, v7;
	(pc) =	sbr.rel @p1 .LBB2_12-.Ltmp4, $4  }
0x290: {  	[tilespmem:s6+$0x9050] =	vst v2;
	v5 =	vbroadcast v5, $0x0  }
0x291: {  	[tilespmem:s6+$0x9000] =	vst v9  }
0x292: {  	[tilespmem:s6+$0x9020] =	vst v1;
	v1 =	vld [tilespmem:s6+$0x90F0]  }
0x293: {  	[tilespmem:s6+$0x9010] =	vst v8;
	v2 =	vld [tilespmem:s6+$0x90E0]  }
0x294: {  	_ =	sdelay $0x1  }
0x295: {  	[tilespmem:s6+$0x9060] =	vst v4  }
0x296: {  	[tilespmem:s6+$0x9030] =	vst v3;
	v36 =	vld [tilespmem:s6+$0x9080]  }
0x297: {  	v3 =	vld.idx.msk [tilespmem:v5+s25+$0x0], $0xffff  }
0x298: {  	v35 =	vld [tilespmem:s6+$0x90B0]  }
0x299: {  	v6 =	vld [tilespmem:s6+$0x90A0]  }
0x29a: {  	v7 =	vld [tilespmem:s6+$0x9090];
	_ =	sdelay $0x1  }
0x29b: {  	v8 =	vld [tilespmem:s6+$0x90C0];
	v5 =	vmul.f32 v36, v3  }
0x29c: {  	v4 =	vmul.f32 v35, v3  }
0x29d: {  	v9 =	vld [tilespmem:s6+$0x90D0];
	v6 =	vmul.f32 v6, v3;
	[tilespmem:s6+$0x9080] =	vst v5  }
0x29e: {  	v37 =	vmul.f32 v7, v3;
	[tilespmem:s6+$0x90B0] =	vst v4  }
0x29f: {  	v0 =	vbroadcast v0, $0x0;
	v1 =	vmul.f32 v1, v3;
	[tilespmem:s6+$0x90A0] =	vst v6  }
0x2a0: {  	v38 =	vmul.f32 v8, v3;
	[tilespmem:s6+$0x9090] =	vst v37  }
0x2a1: {  	v39 =	vmul.f32 v2, v3;
	[tilespmem:s6+$0x90F0] =	vst v1  }
0x2a2: {  	v3 =	vmul.f32 v9, v3;
	[tilespmem:s6+$0x90C0] =	vst v38  }
0x2a3: {  	[tilespmem:s6+$0x90E0] =	vst v39  }
0x2a4: {  	v42 =	vld [tilespmem:s6+$0x9100];
	[tilespmem:s6+$0x90D0] =	vst v3  }
0x2a5: {  	v0 =	vld.idx.msk [tilespmem:v0+s25+$0x0], $0xffff  }
0x2a6: {  	v43 =	vld [tilespmem:s6+$0x9110]  }
0x2a7: {  	v44 =	vld [tilespmem:s6+$0x9120]  }
0x2a8: {  	v41 =	vld [tilespmem:s6+$0x9130]  }
0x2a9: {  	v40 =	vld [tilespmem:s6+$0x9150]  }
0x2aa: {  	v45 =	vld [tilespmem:s6+$0x9140];
	v3 =	vmul.f32 v42, v0  }
0x2ab: {  	v46 =	vld [tilespmem:s6+$0x9160];
	v4 =	vmul.f32 v43, v0  }
0x2ac: {  	v47 =	vld [tilespmem:s6+$0x9170];
	v48 =	vmul.f32 v44, v0;
	[tilespmem:s6+$0x9100] =	vst v3  }
0x2ad: {  	v1 =	vmul.f32 v41, v0;
	[tilespmem:s6+$0x9110] =	vst v4  }
0x2ae: {  	v2 =	vmul.f32 v40, v0;
	[tilespmem:s6+$0x9120] =	vst v48  }
0x2af: {  	v53 =	vmov s22;
	v52 =	vmul.f32 v45, v0;
	[tilespmem:s6+$0x9130] =	vst v1  }
0x2b0: {  	v54 =	vmul.f32 v46, v0;
	[tilespmem:s6+$0x9150] =	vst v2  }
0x2b1: {  	v0 =	vmul.f32 v47, v0;
	[tilespmem:s6+$0x9140] =	vst v52  }
0x2b2: {  	[tilespmem:s6+$0x9160] =	vst v54  }
0x2b3: {  	v51 =	vld [tilespmem:s6+$0x9180];
	[tilespmem:s6+$0x9170] =	vst v0  }
0x2b4: {  	v0 =	vld.idx.msk [tilespmem:v53+s25+$0x0], $0xffff  }
0x2b5: {  	v56 =	vld [tilespmem:s6+$0x91A0]  }
0x2b6: {  	v50 =	vld [tilespmem:s6+$0x91B0]  }
0x2b7: {  	v49 =	vld [tilespmem:s6+$0x91C0]  }
0x2b8: {  	v57 =	vld [tilespmem:s6+$0x91D0]  }
0x2b9: {  	v55 =	vld [tilespmem:s6+$0x91E0];
	v1 =	vmul.f32 v51, v0  }
0x2ba: {  	v59 =	vld [tilespmem:s6+$0x91F0];
	v2 =	vmul.f32 v56, v0  }
0x2bb: {  	v58 =	vld [tilespmem:s6+$0x9190];
	v3 =	vmul.f32 v50, v0;
	[tilespmem:s6+$0x9180] =	vst v1  }
0x2bc: {  	v60 =	vmul.f32 v49, v0;
	[tilespmem:s6+$0x91A0] =	vst v2  }
0x2bd: {  	v61 =	vmul.f32 v57, v0;
	[tilespmem:s6+$0x91B0] =	vst v3  }
0x2be: {  	v62 =	vmul.f32 v55, v0;
	[tilespmem:s6+$0x91C0] =	vst v60  }
0x2bf: {  	v63 =	vmul.f32 v59, v0;
	[tilespmem:s6+$0x91D0] =	vst v61  }
0x2c0: {  	v0 =	vmul.f32 v58, v0;
	[tilespmem:s6+$0x91E0] =	vst v62  }
0x2c1: {  	p1 =	sne.s32 @!p0 s24, $0xA;
	[tilespmem:s6+$0x91F0] =	vst v63  }
0x2c2: {  	s29 =	sadd.s32 $0x1C00, s11;
	p1 =	por p0, !p1;
	[tilespmem:s6+$0x9190] =	vst v0  }
0x2c3: {  	[spmem:s3] =	stream.indirect.scatter.add.f32 [tilespmem:s21], [sflag:$0xA], $0x80, s29, s16, $0xb8;
	[tilespmem:$0x1E480] =	vst v63  }
.Ltmp5:
0x2c4: {  	s6 =	simm.s32 @!p0 $0x8;
	(pc) =	sbr.rel @!p1 .LBB2_3-.Ltmp5, $4  }
0x2c5: {  	s8 =	simm.s32 @!p0 $0x28;
	_ =	swait.ge @!p0 [sflag:s6], $0x1400  }
0x2c6: {  	s9 =	simm.s32 @!p0 $0x6800;
	s12 =	sadd.s32 @!p0 $0xC8, s12;
	[sflag:s6] =	ssyncset.done @!p0 $0x0  }
0x2c7: {  	s15 =	sadd.s32 @!p0 $0xC8, s15;
	[sflag:s6] =	ssyncadd.s32 @!p0 $0xFFFFEC00;
	s6 =	sadd.s32 @!p0 $0x100, s30  }
0x2c8: {  	[tilespmem:s9], [sflag:$0x3] =	stream.indirect.gather @!p0 [hbm4b:s5+s8], $0x80, s6, s8, $0xb8;
	[tilespmem:$0x1E480] =	vst v63  }
0x2c9: {  	s14 =	sadd.s32 $0x1, s14  }
0x2ca: {  	p0 =	sne.s32 s14, $0x5  }
.Ltmp6:
0x2cb: {  	_ = 	snop;
	(pc) =	sbr.rel @p0 .LBB2_2-.Ltmp6, $2  }
0x2cc: {  	_ =	sdelay $0x2  }
0x2cd: {  	s11 =	simm.s32 $0xB  }
0x2ce: {  	s6 =	simm.s32 $0x6  }
0x2cf: {  	_ =	swait.ge [sflag:s6], $0x1400  }
0x2d0: {  	[sflag:s6] =	ssyncset.done $0x0  }
0x2d1: {  	s26 =	simm.s32 $0x7;
	[sflag:s6] =	ssyncadd.s32 $0xFFFFEC00  }
0x2d2: {  	_ =	swait.ge [sflag:s26], $0x1400  }
0x2d3: {  	[sflag:s26] =	ssyncset.done $0x0  }
0x2d4: {  	s28 =	simm.s32 $0x8;
	[sflag:s26] =	ssyncadd.s32 $0xFFFFEC00  }
0x2d5: {  	_ =	swait.ge [sflag:s28], $0x1400  }
0x2d6: {  	[sflag:s28] =	ssyncset.done $0x0  }
0x2d7: {  	[sflag:s28] =	ssyncadd.s32 $0xFFFFEC00  }
0x2d8: {  	_ =	swait.ge [sflag:s31], $0x1400  }
0x2d9: {  	[sflag:s31] =	ssyncset.done $0x0  }
0x2da: {  	[sflag:s31] =	ssyncadd.s32 $0xFFFFEC00  }
0x2db: {  	_ =	swait.ge [sflag:s2], $0x1400  }
0x2dc: {  	[sflag:s2] =	ssyncset.done $0x0  }
0x2dd: {  	[sflag:s2] =	ssyncadd.s32 $0xFFFFEC00  }
0x2de: {  	[bflag:$0x0] =	sbarrier.arrive $0xFFFF  }
0x2df: {  	s29 =	rddreg [dreg:$0x8]  }
0x2e0: {  	s12 =	rddreg [dreg:$0xa]  }
0x2e1: {  	s13 =	rddreg [dreg:$0xb]  }
0x2e2: {  	[hbm:s29], [sflag:s12] =	dma.local [spmem:s13], $0x2800  }
0x2e3: {  	_ =	swait.ge [sflag:s11], $0x2800  }
0x2e4: {  	s8 =	rddreg [dreg:$0xc]  }
0x2e5: {  	s30 =	rddreg [dreg:$0x9];
	s8 =	sadd.s32 $0x1, s8  }
0x2e6: {  	p0 =	sne.s32 s8, s30  }
.Ltmp7:
0x2e7: {  	_ = 	snop;
	(pc) =	sbr.rel @p0 .LBB2_1-.Ltmp7, $3  }
0x2e8: {  	_ =	sdelay $0x1  }
0x2e9: {  	[sflag:s11] =	ssyncset.done $0x0  }
0x2ea: {  	[sflag:s11] =	ssyncadd.s32 $0xFFFFD800  }
0x2eb: {  	_ =	sfence.sel $0x180000  }
0x2ec: {  	[bflag:$0x0] =	sbarrier.arrive $0xFFFF  }
0x2ed: {  	_ =	strace $0x9000004A  }
0x2ee: {  	s0 =	stileid.u32;
	[bflag:$0x2] =	sbarrier.arrive $0xFFFF  }
0x2ef: {  	p0 =	sne.s32 s0, $0x0;
	s0 =	rddreg [dreg:$0x3]  }
0x2f0: {  	s0 =	sadd.s32 @!p0 $0x100000, s0  }
0x2f1: {  	[sflag:s0] =	ssyncadd.tile.s32 @!p0 $0x1;
	_ =	shalt  }
.Lfunc_end2:
_tile_overlayer_lowered:
.L_overlay_start_2:
0x2f2: {  	(tag) =	ssettag $0x2  }
0x2f3: {  	s0 =	rddreg [dreg:$0x0];
	s2 =	stileid.u32  }
0x2f4: {  	s1 =	rddreg [dreg:$0x1];
	p0 =	sne.s32 s2, $0x0  }
0x2f5: {  	s3 =	rddreg [dreg:$0x2];
	[bflag:$0x3] =	sbarrier.arrive $0xFFFF;
	s2 =	simm.s32 @!p0 $0x1C0B  }
0x2f6: {  	[timem:s3], [sflag:s2] =	dma.local @!p0 [hbm:s0], s1  }
0x2f7: {  	s0 =	simm.s32 @!p0 $0xB  }
0x2f8: {  	_ =	swait.ge @!p0 [sflag:s0], s1  }
0x2f9: {  	s1 =	ssub.s32 @!p0 $0x0, s1;
	[sflag:s0] =	ssyncset.done @!p0 $0x0  }
0x2fa: {  	[sflag:s0] =	ssyncadd.s32 @!p0 s1  }
0x2fb: {  	[bflag:$0x3] =	sbarrier.arrive $0xFFFF  }
0x2fc: {  	_ =	shalt  }

// kernel: kernel.7.cloned.1.call-start
scs
__scs_entry_jumppad:
0x0: {  	(pc) =	sbr.rel $0x88, $3  }
0x1: {  	(tag) =	ssettag $0x0;
	lr =	simm.s32 $0x1  }
0x2: {  	[smem:$0x3F93] =	sst lr;
	_ =	strace $0xD0000000  }
0x3: {  	_ = 	snop  }
0x4: {  	_ = 	snop  }
0x5: {  	_ = 	snop  }
0x6: {  	_ = 	snop  }
0x7: {  	_ = 	snop  }
__scs_overlays_trampoline_lowered:
0x8: {  	[smem:$0x3FA2] =	sst s0  }
0x9: {  	[smem:$0x3FA3] =	sst s1  }
0xa: {  	[smem:$0x3FA4] =	sst s2  }
0xb: {  	[smem:$0x3FA5] =	sst s3  }
0xc: {  	[smem:$0x3FA6] =	sst s4  }
0xd: {  	[smem:$0x3FA7] =	sst s5  }
0xe: {  	[smem:$0x3FA8] =	sst s6  }
0xf: {  	[smem:$0x3FA9] =	sst s7  }
0x10: {  	[smem:$0x3FAA] =	sst s8  }
0x11: {  	[smem:$0x3FAB] =	sst s9;
	s0 =	simm.s32 @!p0 $0x0  }
0x12: {  	s1 =	sld [smem:$0x3F91];
	s0 =	simm.s32 @p0 $0x1  }
0x13: {  	[smem:$0x3FAC] =	sst s0;
	s0 =	simm.s32 @!p1 $0x0  }
0x14: {  	s2 =	sld [smem:$0x3F90];
	s0 =	simm.s32 @p1 $0x1  }
0x15: {  	[smem:$0x3FAD] =	sst s0;
	s0 =	simm.s32 @!p2 $0x0  }
0x16: {  	s3 =	sld [smem:$0x3FDB];
	s0 =	simm.s32 @p2 $0x1  }
0x17: {  	s4 =	simm.s32 $0x1BF5;
	[smem:$0x3FAF] =	sst s0  }
0x18: {  	s0 =	sld [smem:$0x3F92];
	_ =	swait.ge [sflag:s4], $0x0  }
0x19: {  	s7 =	sld [smem:$0x3F93]  }
0x1a: {  	s8 =	sadd.s32 $0xFFFFE003, lr  }
0x1b: {  	s9 =	sadd.s32 $0xFFFFFEF7, lr;
	s5 =	simm.s32 $0xFFFFFFFF;
	p2 =	slt.u32 s8, $0xFFFFF086  }
0x1c: {  	p1 =	slt.u32 s9, $0xF7A;
	s5 =	simm.s32 @!p2 $0x0  }
0x1d: {  	s5 =	simm.s32 @p1 $0x1;
	p0 =	seq.s32 s7, s2  }
0x1e: {  	s7 =	smul.u32 @!p0 $0xF7A, s2;
	p2 =	seq.s32 @!p0 s5, $0x0  }
0x1f: {  	s9 =	smul.u32 $0xF7A, s1;
	s8 =	simm.s32 @!p0 $0x1BF5;
	p2 =	por !p2, p0  }
0x20: {  	[sflag:s8] =	ssyncset.s32 @!p0 $0xFFFFF086;
	s6 =	sadd.s32 @!p0 s3, s7;
	s7 =	simm.s32 @!p0 $0x108  }
0x21: {  	s3 =	sadd.s32 s3, s9;
	s6 =	sadd.s32 @!p0 $0x88, s6;
	s7 =	simm.s32 @p2 $0x1082  }
0x22: {  	[simem:s7], [sflag:s8] =	dma.local @!p0 [hbm:s6], $0xF7A  }
0x23: {  	s9 =	sor.u32 $0xD0000000, s2;
	s6 =	simm.s32 $0x108;
	_ =	swait.ge @!p0 [sflag:s8], $0x0  }
0x24: {  	s3 =	sadd.s32 $0x88, s3;
	s6 =	simm.s32 @!p1 $0x1082;
	[sflag:s4] =	ssyncset.s32 $0xFFFFF086  }
0x25: {  	[simem:s6], [sflag:s4] =	dma.local [hbm:s3], $0xF7A  }
0x26: {  	[smem:$0x3F93] =	sst s1;
	(tag) =	ssettag s2;
	_ =	strace s9  }
0x27: {  	s1 =	sld [smem:$0x3FA3]  }
0x28: {  	s2 =	sld [smem:$0x3FA4]  }
0x29: {  	s4 =	sld [smem:$0x3FA6]  }
0x2a: {  	p0 =	seq.s32 s5, $0x0;
	s5 =	sld [smem:$0x3FA7]  }
0x2b: {  	s6 =	sld [smem:$0x3FA8]  }
0x2c: {  	s7 =	sld [smem:$0x3FA9]  }
0x2d: {  	s3 =	simm.s32 $0x108;
	s8 =	sld [smem:$0x3FAA]  }
0x2e: {  	s3 =	simm.s32 @!p0 $0x1082;
	s9 =	sld [smem:$0x3FAB]  }
0x2f: {  	lr =	sadd.s32 s0, s3;
	s0 =	sld [smem:$0x3FA2]  }
0x30: {  	s3 =	sld [smem:$0x3FA5]  }
0x31: {  	[smem:$0x3FAE] =	sst s10  }
0x32: {  	s10 =	sld [smem:$0x3FAC];
	_ =	sdelay $0x3  }
0x33: {  	p0 =	seq.s32 s10, $0x1;
	s10 =	sld [smem:$0x3FAE];
	_ =	sdelay $0x3  }
0x34: {  	[smem:$0x3FAE] =	sst s10  }
0x35: {  	s10 =	sld [smem:$0x3FAD];
	_ =	sdelay $0x3  }
0x36: {  	p1 =	seq.s32 s10, $0x1;
	s10 =	sld [smem:$0x3FAE];
	_ =	sdelay $0x3  }
0x37: {  	[smem:$0x3FAE] =	sst s10  }
0x38: {  	s10 =	sld [smem:$0x3FAF]  }
0x39: {  	_ = 	snop;
	(pc) =	sbr.ind lr, $3  }
0x3a: {  	_ = 	snop  }
0x3b: {  	_ = 	snop  }
0x3c: {  	p2 =	seq.s32 s10, $0x1;
	s10 =	sld [smem:$0x3FAE]  }
0x3d: {  	_ =	shalt  }
0x3e: {  	_ =	shalt  }
0x3f: {  	_ =	shalt  }
0x40: {  	_ =	shalt  }
0x41: {  	_ =	shalt  }
0x42: {  	_ =	shalt  }
0x43: {  	_ =	shalt  }
0x44: {  	_ =	shalt  }
0x45: {  	_ =	shalt  }
0x46: {  	_ =	shalt  }
0x47: {  	_ =	shalt  }
0x48: {  	_ =	shalt  }
0x49: {  	_ =	shalt  }
0x4a: {  	_ =	shalt  }
0x4b: {  	_ =	shalt  }
0x4c: {  	_ =	shalt  }
0x4d: {  	_ =	shalt  }
0x4e: {  	_ =	shalt  }
0x4f: {  	_ =	shalt  }
0x50: {  	_ =	shalt  }
0x51: {  	_ =	shalt  }
0x52: {  	_ =	shalt  }
0x53: {  	_ =	shalt  }
0x54: {  	_ =	shalt  }
0x55: {  	_ =	shalt  }
0x56: {  	_ =	shalt  }
0x57: {  	_ =	shalt  }
0x58: {  	_ =	shalt  }
0x59: {  	_ =	shalt  }
0x5a: {  	_ =	shalt  }
0x5b: {  	_ =	shalt  }
0x5c: {  	_ =	shalt  }
0x5d: {  	_ =	shalt  }
0x5e: {  	_ =	shalt  }
0x5f: {  	_ =	shalt  }
0x60: {  	_ =	shalt  }
0x61: {  	_ =	shalt  }
0x62: {  	_ =	shalt  }
0x63: {  	_ =	shalt  }
0x64: {  	_ =	shalt  }
0x65: {  	_ =	shalt  }
0x66: {  	_ =	shalt  }
0x67: {  	_ =	shalt  }
0x68: {  	_ =	shalt  }
0x69: {  	_ =	shalt  }
0x6a: {  	_ =	shalt  }
0x6b: {  	_ =	shalt  }
0x6c: {  	_ =	shalt  }
0x6d: {  	_ =	shalt  }
0x6e: {  	_ =	shalt  }
0x6f: {  	_ =	shalt  }
0x70: {  	_ =	shalt  }
0x71: {  	_ =	shalt  }
0x72: {  	_ =	shalt  }
0x73: {  	_ =	shalt  }
0x74: {  	_ =	shalt  }
0x75: {  	_ =	shalt  }
0x76: {  	_ =	shalt  }
0x77: {  	_ =	shalt  }
0x78: {  	_ =	shalt  }
0x79: {  	_ =	shalt  }
0x7a: {  	_ =	shalt  }
0x7b: {  	_ =	shalt  }
0x7c: {  	_ =	shalt  }
0x7d: {  	_ =	shalt  }
0x7e: {  	_ =	shalt  }
0x7f: {  	_ =	shalt  }
0x80: {  	_ =	shalt  }
0x81: {  	_ =	shalt  }
0x82: {  	_ =	shalt  }
0x83: {  	_ =	shalt  }
0x84: {  	_ =	shalt  }
0x85: {  	_ =	shalt  }
0x86: {  	_ =	shalt  }
0x87: {  	_ =	shalt  }
.Lfunc_end0:
.L_simem_size_0:
called_computation_lowered:
.L_overlay_start_0:
0x88: {  	s2 =	sld [smem:$0x3FD9]  }
0x89: {  	s3 =	sld [smem:$0x3FFE];
	_ =	sdelay $0x1  }
0x8a: {  	s1 =	srdreg.scid  }
0x8b: {  	s0 =	sand.u32 $0x1, s1  }
0x8c: {  	s14 =	sshll.u32 s0, $0xA;
	s2 =	sadd.s32 s3, s2  }
0x8d: {  	s2 =	sadd.s32 s2, s14  }
0x8e: {  	[smem:$0x3FBA] =	sst s2  }
0x8f: {  	_ = 	snop  }
0x90: {  	s2 =	sld [smem:$0x3FD0];
	_ =	sdelay $0x2  }
0x91: {  	s15 =	simm.s32 $0xA;
	s4 =	simm.s32 $0x10  }
0x92: {  	[smem:s4], [sflag:s15] =	dma.local [hbm:s2], $0x1  }
0x93: {  	_ =	swait.eq [sflag:s15], $0x1  }
0x94: {  	[sflag:s15] =	ssyncset.done $0x0  }
0x95: {  	s16 =	sld [smem:$0x10];
	[sflag:s15] =	ssyncadd.s32 $0xFFFFFFFF  }
0x96: {  	s17 =	sld [smem:$0x11];
	(tm) =	ssettm $0x1  }
0x97: {  	s18 =	sld [smem:$0x3FFB];
	_ =	sdelay $0x3  }
0x98: {  	_ =	strace s18  }
0x99: {  	s4 =	sld [smem:$0x3FFC];
	_ =	sdelay $0x3  }
0x9a: {  	_ =	strace s4  }
0x9b: {  	s4 =	sld [smem:$0x3FFD];
	_ =	sdelay $0x3  }
0x9c: {  	_ =	strace s4  }
0x9d: {  	_ =	strace $0x8FFFFFFF  }
0x9e: {  	s19 =	sld [smem:$0x3FDB];
	_ =	sdelay $0x1  }
0x9f: {  	s5 =	simm.s32 $_scs_section_size  }
0xa0: {  	s6 =	simm.s32 $_size__tile_overlayer_lowered;
	s7 =	simm.s32 $_tile_overlayer_lowered  }
0xa1: {  	s22 =	simm.s32 $0x1BFF;
	s21 =	sshll.u32 s7, $0x1;
	s4 =	sadd.s32 s5, s19  }
0xa2: {  	s8 =	simm.s32 $0x0;
	s20 =	sshll.u32 s6, $0x1;
	s6 =	sadd.s32 s21, s4  }
0xa3: {  	[timem:s8], [sflag:s22] =	dma.local [hbm:s6], s20  }
0xa4: {  	_ =	swait.ge [sflag:s22], s20  }
0xa5: {  	s5 =	ssub.s32 $0x0, s20;
	[sflag:s22] =	ssyncset.done $0x0  }
0xa6: {  	[sflag:s22] =	ssyncadd.s32 s5;
	_ =	sdelay $0x1  }
0xa7: {  	s23 =	simm.s32 $0x1B8B  }
0xa8: {  	_ =	swait.ge [sflag:s23], $0x1  }
0xa9: {  	[sflag:s23] =	ssyncset.done $0x0  }
0xaa: {  	s25 =	simm.s32 $0x1B8E;
	s24 =	sld [smem:$0x3FFE];
	[sflag:s23] =	ssyncadd.s32 $0xFFFFFFFF  }
0xab: {  	s26 =	simm.s32 $execute0_lowered;
	[smem:$0x3FD2] =	sst s25  }
0xac: {  	s6 =	sshll.u32 s26, $0x1;
	_ =	strace $0x80000046;
	[dreg:$0x1] =	wrdreg $0xFFFFFFFF  }
0xad: {  	s28 =	simm.s32 $_size_execute0_lowered;
	s4 =	sadd.s32 s4, s6;
	[dreg:$0x0] =	wrdreg $0x0  }
0xae: {  	s6 =	sshll.u32 s28, $0x1;
	[dreg:$0x2] =	wrdreg s4  }
0xaf: {  	[dreg:$0x3] =	wrdreg s6  }
0xb0: {  	[dreg:$0x4] =	wrdreg $0xC0  }
0xb1: {  	_ =	task [dreg:s8], $0x5FFFF  }
0xb2: {  	[dreg:$0x1] =	wrdreg $0xFFFFFFFF  }
0xb3: {  	[dreg:$0x0] =	wrdreg $0x60  }
0xb4: {  	[dreg:$0x2] =	wrdreg s24  }
0xb5: {  	[dreg:$0x3] =	wrdreg s16  }
0xb6: {  	[dreg:$0x4] =	wrdreg s17  }
0xb7: {  	[dreg:$0x5] =	wrdreg $0x11B800  }
0xb8: {  	[dreg:$0x6] =	wrdreg $0x11E000  }
0xb9: {  	[dreg:$0x7] =	wrdreg $0x9  }
0xba: {  	_ =	task.clear_ibuf [dreg:s8], $0x8FFFF;
	_ =	strace $0x90000046  }
0xbb: {  	s29 =	simm.s32 $0x9;
	_ =	strace $0x80000048  }
0xbc: {  	_ =	swait.ge [sflag:s29], $0x1  }
0xbd: {  	[sflag:s29] =	ssyncadd.s32 $0xFFFFFFFF  }
0xbe: {  	_ =	strace $0x90000048  }
0xbf: {  	_ =	sfence  }
0xc0: {  	s30 =	sld [smem:$0x0];
	_ =	sdelay $0x2  }
0xc1: {  	s31 =	sshll.u32 s1, $0xD;
	s1 =	sshrl.u32 s1, $0x2  }
0xc2: {  	s3 =	sand.u32 $0x4000, s31;
	s1 =	sadd.s32 s1, s30  }
0xc3: {  	s0 =	sor.u32 s3, s0;
	s1 =	sshll.u32 s1, $0x11  }
0xc4: {  	s0 =	sor.u32 s1, s0  }
0xc5: {  	s0 =	sadd.s32 $0x8F2B, s0  }
0xc6: {  	[sflag:s0] =	ssyncadd.remote.s32 $0x1  }
0xc7: {  	_ =	sfence.sel $0xFFFF  }
0xc8: {  	[dreg:$0x0] =	wrdreg $0xFFFFFFFF;
	(pc) =	sbr.abs _section_cstart, $3  }
0xc9: {  	[dreg:$0x1] =	wrdreg $0xFFFFFFFF  }
0xca: {  	_ =	task.clear_ibuf [dreg:s8], $0x2FFFF;
	_ =	strace $0x9FFFFFFF  }
0xcb: {  	(tm) =	ssettm $0x7FFFFFFF  }
tec
execute0_lowered:
.L_overlay_start_1:
0x0: {  	(tag) =	ssettag $0x1  }
0x1: {  	s0 =	rddreg [dreg:$0x0]  }
0x2: {  	s1 =	srdreg.scid;
	s4 =	rddreg [dreg:$0x3]  }
0x3: {  	s8 =	stileid.u32;
	s5 =	rddreg [dreg:$0x4]  }
0x4: {  	s6 =	simm.s32 $0x0;
	s23 =	simm.s32 $0x5;
	s29 =	simm.s32 $0xFC00  }
0x5: {  	s30 =	simm.s32 $0x11800;
	s31 =	simm.s32 $0x11B00;
	s19 =	simm.s32 $0x3  }
0x6: {  	s20 =	simm.s32 $0x4;
	s21 =	simm.s32 $0x80;
	s22 =	simm.s32 $0x100  }
0x7: {  	s24 =	simm.s32 $0x0;
	s1 =	sand.u32 $0x1, s1;
	s7 =	smul.u32 $0x500, s8  }
0x8: {  	s2 =	sshll.u32 s8, $0x1;
	[smem:$0x7FF] =	sst s6;
	s11 =	smul.u32 $0x280, s8  }
0x9: {  	s2 =	sor.u32 s1, s2;
	s3 =	smul.u32 $0x5000, s1;
	_ =	strace $0x80000047  }
0xa: {  	s1 =	ssub.s32 $0x2, s1;
	s2 =	smul.u32 $0x8C00, s2;
	s26 =	sshrl.u32 s11, $0x3  }
0xb: {  	s28 =	sshrl.u32 s1, $0x1;
	s10 =	sadd.s32 s11, s4;
	s11 =	sadd.s32 s11, s5  }
0xc: {  	s3 =	sadd.s32 s7, s3;
	s9 =	sadd.s32 s26, s0;
	s1 =	ssub.s32 s1, s28  }
0xd: {  	s2 =	sshrl.u32 s2, $0x3;
	s3 =	sshrl.u32 s3, $0x3;
	s9 =	sadd.s32 $0x48E00, s9  }
0xe: {  	s14 =	smax.u32 s1, $0x1;
	s1 =	simm.s32 $0x1;
	s2 =	sadd.s32 s2, s0  }
0xf: {  	s0 =	sadd.s32 s3, s0;
	s3 =	simm.s32 $0x11880;
	s7 =	sadd.s32 $0x2E00, s2  }
0x10: {  	s8 =	sadd.s32 $0x25E00, s2;
	s12 =	sadd.s32 $0x49400, s0;
	s13 =	sadd.s32 $0x49410, s0  }
0x11: {  	s15 =	sadd.s32 $0x3180, s2;
	s16 =	sadd.s32 $0x3500, s2;
	s17 =	sadd.s32 $0x3880, s2  }
0x12: {  	s18 =	sadd.s32 $0x3C00, s2;
	s0 =	simm.s32 $0x28;
	s2 =	simm.s32 $0x2  }
.LBB2_1:
0x13: {  	[tilespmem:s6], [sflag:$0x5] =	stream.linear.gather [hbm4b:s7+s6], $0x1900, $0x38;
	[tilespmem:$0x12080] =	vst v63  }
0x14: {  	s25 =	simm.s32 $0x1C00  }
0x15: {  	[tilespmem:s25], [sflag:$0x5] =	stream.linear.gather [hbm4b:s15+s6], $0x1900, $0x38;
	[tilespmem:$0x12080] =	vst v63  }
0x16: {  	s28 =	simm.s32 $0x3800  }
0x17: {  	[tilespmem:s28], [sflag:$0x5] =	stream.linear.gather [hbm4b:s16+s6], $0x1900, $0x38;
	[tilespmem:$0x12080] =	vst v63  }
0x18: {  	s26 =	simm.s32 $0x5400  }
0x19: {  	[tilespmem:s26], [sflag:$0x5] =	stream.linear.gather [hbm4b:s17+s6], $0x1900, $0x38;
	[tilespmem:$0x12080] =	vst v63  }
0x1a: {  	s28 =	simm.s32 $0x7000  }
0x1b: {  	[tilespmem:s28], [sflag:$0x5] =	stream.linear.gather [hbm4b:s18+s6], $0x1900, $0x38;
	[tilespmem:$0x12080] =	vst v63  }
0x1c: {  	_ =	swait.ge [sflag:s23], $0x7D00  }
0x1d: {  	[sflag:s23] =	ssyncset.done $0x0  }
0x1e: {  	s26 =	simm.s32 $0x8C00;
	[sflag:s23] =	ssyncadd.s32 $0xFFFF8300  }
0x1f: {  	[tilespmem:s26], [sflag:$0x5] =	stream.linear.gather [hbm4b:s8+s6], $0x1900, $0x38;
	[tilespmem:$0x12080] =	vst v63  }
0x20: {  	s28 =	sadd.s32 $0x380, s8;
	s26 =	simm.s32 $0xA800  }
0x21: {  	[tilespmem:s26], [sflag:$0x5] =	stream.linear.gather [hbm4b:s28+s6], $0x1900, $0x38;
	[tilespmem:$0x12080] =	vst v63  }
0x22: {  	s26 =	sadd.s32 $0x700, s8;
	s28 =	simm.s32 $0xC400  }
0x23: {  	[tilespmem:s28], [sflag:$0x5] =	stream.linear.gather [hbm4b:s26+s6], $0x1900, $0x38;
	[tilespmem:$0x12080] =	vst v63  }
0x24: {  	s26 =	sadd.s32 $0xA80, s8;
	s28 =	simm.s32 $0xE000  }
0x25: {  	[tilespmem:s28], [sflag:$0x5] =	stream.linear.gather [hbm4b:s26+s6], $0x1900, $0x38;
	[tilespmem:$0x12080] =	vst v63  }
0x26: {  	s26 =	sadd.s32 $0xE00, s8  }
0x27: {  	[tilespmem:s29], [sflag:$0x5] =	stream.linear.gather [hbm4b:s26+s6], $0x1900, $0x38;
	[tilespmem:$0x12080] =	vst v63  }
0x28: {  	_ =	swait.ge [sflag:s23], $0x7D00  }
0x29: {  	[sflag:s23] =	ssyncset.done $0x0  }
0x2a: {  	[sflag:s23] =	ssyncadd.s32 $0xFFFF8300  }
0x2b: {  	s28 =	rddreg [dreg:$0x1]  }
0x2c: {  	[tilespmem:s30], [sflag:$0x5] =	stream.linear.gather [hbm4b:s28+s6], $0x80, $0x38;
	[tilespmem:$0x12080] =	vst v63  }
0x2d: {  	_ =	swait.ge [sflag:s23], $0x80  }
0x2e: {  	[sflag:s23] =	ssyncset.done $0x0  }
0x2f: {  	[sflag:s23] =	ssyncadd.s32 $0xFFFFFF80  }
0x30: {  	s26 =	rddreg [dreg:$0x2]  }
0x31: {  	[tilespmem:s31], [sflag:$0x5] =	stream.linear.gather [hbm4b:s26+s6], $0x80, $0x38;
	[tilespmem:$0x12080] =	vst v63  }
0x32: {  	_ =	swait.ge [sflag:s23], $0x80  }
0x33: {  	[sflag:s23] =	ssyncset.done $0x0  }
0x34: {  	[sflag:s23] =	ssyncadd.s32 $0xFFFFFF80  }
0x35: {  	[tilespmem:s3], [sflag:$0x5] =	stream.linear.gather [hbm4b:s9+s6], $0x280, $0x38;
	[tilespmem:$0x12080] =	vst v63  }
0x36: {  	_ =	swait.ge [sflag:s23], $0x280  }
0x37: {  	[sflag:s23] =	ssyncset.done $0x0  }
0x38: {  	[sflag:s23] =	ssyncadd.s32 $0xFFFFFD80  }
0x39: {  	[spmem:s10] =	stream.linear.scatter [tilespmem:s3], [sflag:$0x5], $0x280, $0x38;
	[tilespmem:$0x12080] =	vst v63  }
0x3a: {  	_ =	swait.ge [sflag:s23], $0x280  }
0x3b: {  	[sflag:s23] =	ssyncset.done $0x0  }
0x3c: {  	[sflag:s23] =	ssyncadd.s32 $0xFFFFFD80  }
0x3d: {  	[spmem:s11] =	stream.linear.scatter [tilespmem:s3], [sflag:$0x5], $0x280, $0x38;
	[tilespmem:$0x12080] =	vst v63  }
0x3e: {  	_ =	swait.ge [sflag:s23], $0x280  }
0x3f: {  	[sflag:s23] =	ssyncset.done $0x0  }
0x40: {  	[sflag:s23] =	ssyncadd.s32 $0xFFFFFD80  }
0x41: {  	[bflag:$0x0] =	sbarrier.arrive $0xFFFF  }
0x42: {  	[spmem:s4] =	stream.indirect.scatter.add.f32 [tilespmem:s30], [sflag:$0x1], $0x1, s31, s0, $0xb8;
	[tilespmem:$0x12080] =	vst v63  }
0x43: {  	_ = 	snop  }
0x44: {  	[spmem:s5] =	stream.indirect.scatter.add.f32 [tilespmem:s30], [sflag:$0x2], $0x1, s31, s0, $0xb8;
	[tilespmem:$0x12080] =	vst v63  }
0x45: {  	_ = 	snop  }
0x46: {  	[spmem:s4] =	stream.indirect.scatter.add.f32 [tilespmem:s30], [sflag:$0x3], $0x1, s31, s0, $0xb8;
	[tilespmem:$0x12080] =	vst v63  }
0x47: {  	_ = 	snop  }
0x48: {  	[spmem:s5] =	stream.indirect.scatter.add.f32 [tilespmem:s30], [sflag:$0x4], $0x1, s31, s0, $0xb8;
	[tilespmem:$0x12080] =	vst v63  }
0x49: {  	_ =	swait.ge [sflag:s1], $0x28  }
0x4a: {  	[sflag:s1] =	ssyncset.done $0x0  }
0x4b: {  	s28 =	simm.s32 $0x0;
	[sflag:s1] =	ssyncadd.s32 $0xFFFFFFD8  }
0x4c: {  	[spmem:s4] =	stream.indirect.scatter.add.f32 [tilespmem:s30], [sflag:$0x1], $0x1, s28, s0, $0xb8;
	[tilespmem:$0x12080] =	vst v63  }
0x4d: {  	_ =	swait.ge [sflag:s2], $0x28  }
0x4e: {  	[sflag:s2] =	ssyncset.done $0x0  }
0x4f: {  	s26 =	simm.s32 $0x8C00;
	[sflag:s2] =	ssyncadd.s32 $0xFFFFFFD8  }
0x50: {  	[spmem:s5] =	stream.indirect.scatter.add.f32 [tilespmem:s30], [sflag:$0x2], $0x1, s26, s0, $0xb8;
	[tilespmem:$0x12080] =	vst v63  }
0x51: {  	_ =	swait.ge [sflag:s19], $0x28  }
0x52: {  	[sflag:s19] =	ssyncset.done $0x0  }
0x53: {  	s28 =	simm.s32 $0x80;
	[sflag:s19] =	ssyncadd.s32 $0xFFFFFFD8  }
0x54: {  	[spmem:s4] =	stream.indirect.scatter.add.f32 [tilespmem:s30], [sflag:$0x3], $0x1, s28, s0, $0xb8;
	[tilespmem:$0x12080] =	vst v63  }
0x55: {  	_ =	swait.ge [sflag:s20], $0x28  }
0x56: {  	[sflag:s20] =	ssyncset.done $0x0  }
0x57: {  	s25 =	simm.s32 $0x400;
	s26 =	simm.s32 $0x8C80;
	[sflag:s20] =	ssyncadd.s32 $0xFFFFFFD8  }
.LBB2_2:
0x58: {  	[spmem:s5] =	stream.indirect.scatter.add.f32 [tilespmem:s30], [sflag:$0x4], $0x1, s26, s0, $0xb8;
	[tilespmem:$0x12080] =	vst v63  }
0x59: {  	s26 =	smov.u32 s25  }
0x5a: {  	p0 =	sne.s32 s25, $0x6000;
	s25 =	sadd.s32 $0x400, s25;
	_ =	swait.ge [sflag:s1], $0x28  }
0x5b: {  	[sflag:s1] =	ssyncset.done $0x0  }
0x5c: {  	s26 =	sshra.s32 s26, $0x2;
	[sflag:s1] =	ssyncadd.s32 $0xFFFFFFD8  }
0x5d: {  	[spmem:s4] =	stream.indirect.scatter.add.f32 [tilespmem:s30], [sflag:$0x1], $0x1, s26, s0, $0xb8;
	[tilespmem:$0x12080] =	vst v63  }
0x5e: {  	_ =	swait.ge [sflag:s2], $0x28  }
0x5f: {  	[sflag:s2] =	ssyncset.done $0x0  }
0x60: {  	s28 =	sadd.s32 $0x8C00, s26;
	[sflag:s2] =	ssyncadd.s32 $0xFFFFFFD8  }
0x61: {  	[spmem:s5] =	stream.indirect.scatter.add.f32 [tilespmem:s30], [sflag:$0x2], $0x1, s28, s0, $0xb8;
	[tilespmem:$0x12080] =	vst v63  }
0x62: {  	_ =	swait.ge [sflag:s19], $0x28  }
0x63: {  	[sflag:s19] =	ssyncset.done $0x0  }
.Ltmp0:
0x64: {  	s28 =	sadd.s32 $0x80, s26;
	[sflag:s19] =	ssyncadd.s32 $0xFFFFFFD8;
	(pc) =	sbr.rel @p0 .LBB2_2-.Ltmp0, $4  }
0x65: {  	[spmem:s4] =	stream.indirect.scatter.add.f32 [tilespmem:s30], [sflag:$0x3], $0x1, s28, s0, $0xb8;
	[tilespmem:$0x12080] =	vst v63  }
0x66: {  	_ =	swait.ge [sflag:s20], $0x28  }
0x67: {  	[sflag:s20] =	ssyncset.done $0x0  }
0x68: {  	s26 =	sadd.s32 $0x8C80, s26;
	[sflag:s20] =	ssyncadd.s32 $0xFFFFFFD8  }
0x69: {  	[spmem:s5] =	stream.indirect.scatter.add.f32 [tilespmem:s30], [sflag:$0x4], $0x1, s26, s0, $0xb8;
	[tilespmem:$0x12080] =	vst v63  }
0x6a: {  	_ =	swait.ge [sflag:s1], $0x28  }
0x6b: {  	[sflag:s1] =	ssyncset.done $0x0  }
0x6c: {  	s25 =	simm.s32 $0x1C00;
	[sflag:s1] =	ssyncadd.s32 $0xFFFFFFD8  }
0x6d: {  	[spmem:s4] =	stream.indirect.scatter.add.f32 [tilespmem:s30], [sflag:$0x1], $0x1, s25, s0, $0xb8;
	[tilespmem:$0x12080] =	vst v63  }
0x6e: {  	_ =	swait.ge [sflag:s2], $0x28  }
0x6f: {  	[sflag:s2] =	ssyncset.done $0x0  }
0x70: {  	s26 =	simm.s32 $0xA800;
	[sflag:s2] =	ssyncadd.s32 $0xFFFFFFD8  }
0x71: {  	[spmem:s5] =	stream.indirect.scatter.add.f32 [tilespmem:s30], [sflag:$0x2], $0x1, s26, s0, $0xb8;
	[tilespmem:$0x12080] =	vst v63  }
0x72: {  	_ =	swait.ge [sflag:s19], $0x28  }
0x73: {  	[sflag:s19] =	ssyncset.done $0x0  }
0x74: {  	s28 =	simm.s32 $0x1C80;
	[sflag:s19] =	ssyncadd.s32 $0xFFFFFFD8  }
0x75: {  	[spmem:s4] =	stream.indirect.scatter.add.f32 [tilespmem:s30], [sflag:$0x3], $0x1, s28, s0, $0xb8;
	[tilespmem:$0x12080] =	vst v63  }
0x76: {  	_ =	swait.ge [sflag:s20], $0x28  }
0x77: {  	[sflag:s20] =	ssyncset.done $0x0  }
0x78: {  	s25 =	simm.s32 $0xFFFFA000;
	s26 =	simm.s32 $0xA880;
	[sflag:s20] =	ssyncadd.s32 $0xFFFFFFD8  }
.LBB2_4:
0x79: {  	[spmem:s5] =	stream.indirect.scatter.add.f32 [tilespmem:s30], [sflag:$0x4], $0x1, s26, s0, $0xb8;
	[tilespmem:$0x12080] =	vst v63  }
0x7a: {  	s26 =	smov.u32 s25  }
0x7b: {  	p0 =	sne.s32 s25, $0xFFFFFC00;
	s25 =	sadd.s32 $0x400, s25;
	_ =	swait.ge [sflag:s1], $0x28  }
0x7c: {  	s26 =	sshra.s32 s26, $0x2;
	[sflag:s1] =	ssyncset.done $0x0  }
0x7d: {  	s28 =	sadd.s32 $0x3500, s26;
	[sflag:s1] =	ssyncadd.s32 $0xFFFFFFD8  }
0x7e: {  	[spmem:s4] =	stream.indirect.scatter.add.f32 [tilespmem:s30], [sflag:$0x1], $0x1, s28, s0, $0xb8;
	[tilespmem:$0x12080] =	vst v63  }
0x7f: {  	_ =	swait.ge [sflag:s2], $0x28  }
0x80: {  	[sflag:s2] =	ssyncset.done $0x0  }
0x81: {  	s28 =	sadd.s32 $0xC100, s26;
	[sflag:s2] =	ssyncadd.s32 $0xFFFFFFD8  }
0x82: {  	[spmem:s5] =	stream.indirect.scatter.add.f32 [tilespmem:s30], [sflag:$0x2], $0x1, s28, s0, $0xb8;
	[tilespmem:$0x12080] =	vst v63  }
0x83: {  	_ =	swait.ge [sflag:s19], $0x28  }
0x84: {  	[sflag:s19] =	ssyncset.done $0x0  }
.Ltmp1:
0x85: {  	s28 =	sadd.s32 $0x3580, s26;
	[sflag:s19] =	ssyncadd.s32 $0xFFFFFFD8;
	(pc) =	sbr.rel @p0 .LBB2_4-.Ltmp1, $4  }
0x86: {  	[spmem:s4] =	stream.indirect.scatter.add.f32 [tilespmem:s30], [sflag:$0x3], $0x1, s28, s0, $0xb8;
	[tilespmem:$0x12080] =	vst v63  }
0x87: {  	_ =	swait.ge [sflag:s20], $0x28  }
0x88: {  	[sflag:s20] =	ssyncset.done $0x0  }
0x89: {  	s26 =	sadd.s32 $0xC180, s26;
	[sflag:s20] =	ssyncadd.s32 $0xFFFFFFD8  }
0x8a: {  	[spmem:s5] =	stream.indirect.scatter.add.f32 [tilespmem:s30], [sflag:$0x4], $0x1, s26, s0, $0xb8;
	[tilespmem:$0x12080] =	vst v63  }
0x8b: {  	_ =	swait.ge [sflag:s1], $0x28  }
0x8c: {  	[sflag:s1] =	ssyncset.done $0x0  }
0x8d: {  	s25 =	simm.s32 $0x3800;
	[sflag:s1] =	ssyncadd.s32 $0xFFFFFFD8  }
0x8e: {  	[spmem:s4] =	stream.indirect.scatter.add.f32 [tilespmem:s30], [sflag:$0x1], $0x1, s25, s0, $0xb8;
	[tilespmem:$0x12080] =	vst v63  }
0x8f: {  	_ =	swait.ge [sflag:s2], $0x28  }
0x90: {  	[sflag:s2] =	ssyncset.done $0x0  }
0x91: {  	s26 =	simm.s32 $0xC400;
	[sflag:s2] =	ssyncadd.s32 $0xFFFFFFD8  }
0x92: {  	[spmem:s5] =	stream.indirect.scatter.add.f32 [tilespmem:s30], [sflag:$0x2], $0x1, s26, s0, $0xb8;
	[tilespmem:$0x12080] =	vst v63  }
0x93: {  	_ =	swait.ge [sflag:s19], $0x28  }
0x94: {  	[sflag:s19] =	ssyncset.done $0x0  }
0x95: {  	s28 =	simm.s32 $0x3880;
	[sflag:s19] =	ssyncadd.s32 $0xFFFFFFD8  }
0x96: {  	[spmem:s4] =	stream.indirect.scatter.add.f32 [tilespmem:s30], [sflag:$0x3], $0x1, s28, s0, $0xb8;
	[tilespmem:$0x12080] =	vst v63  }
0x97: {  	_ =	swait.ge [sflag:s20], $0x28  }
0x98: {  	[sflag:s20] =	ssyncset.done $0x0  }
0x99: {  	s25 =	simm.s32 $0xFFFFA000;
	s26 =	simm.s32 $0xC480;
	[sflag:s20] =	ssyncadd.s32 $0xFFFFFFD8  }
.LBB2_6:
0x9a: {  	[spmem:s5] =	stream.indirect.scatter.add.f32 [tilespmem:s30], [sflag:$0x4], $0x1, s26, s0, $0xb8;
	[tilespmem:$0x12080] =	vst v63  }
0x9b: {  	s26 =	smov.u32 s25  }
0x9c: {  	p0 =	sne.s32 s25, $0xFFFFFC00;
	s25 =	sadd.s32 $0x400, s25;
	_ =	swait.ge [sflag:s1], $0x28  }
0x9d: {  	s26 =	sshra.s32 s26, $0x2;
	[sflag:s1] =	ssyncset.done $0x0  }
0x9e: {  	s28 =	sadd.s32 $0x5100, s26;
	[sflag:s1] =	ssyncadd.s32 $0xFFFFFFD8  }
0x9f: {  	[spmem:s4] =	stream.indirect.scatter.add.f32 [tilespmem:s30], [sflag:$0x1], $0x1, s28, s0, $0xb8;
	[tilespmem:$0x12080] =	vst v63  }
0xa0: {  	_ =	swait.ge [sflag:s2], $0x28  }
0xa1: {  	[sflag:s2] =	ssyncset.done $0x0  }
0xa2: {  	s28 =	sadd.s32 $0xDD00, s26;
	[sflag:s2] =	ssyncadd.s32 $0xFFFFFFD8  }
0xa3: {  	[spmem:s5] =	stream.indirect.scatter.add.f32 [tilespmem:s30], [sflag:$0x2], $0x1, s28, s0, $0xb8;
	[tilespmem:$0x12080] =	vst v63  }
0xa4: {  	_ =	swait.ge [sflag:s19], $0x28  }
0xa5: {  	[sflag:s19] =	ssyncset.done $0x0  }
.Ltmp2:
0xa6: {  	s28 =	sadd.s32 $0x5180, s26;
	[sflag:s19] =	ssyncadd.s32 $0xFFFFFFD8;
	(pc) =	sbr.rel @p0 .LBB2_6-.Ltmp2, $4  }
0xa7: {  	[spmem:s4] =	stream.indirect.scatter.add.f32 [tilespmem:s30], [sflag:$0x3], $0x1, s28, s0, $0xb8;
	[tilespmem:$0x12080] =	vst v63  }
0xa8: {  	_ =	swait.ge [sflag:s20], $0x28  }
0xa9: {  	[sflag:s20] =	ssyncset.done $0x0  }
0xaa: {  	s26 =	sadd.s32 $0xDD80, s26;
	[sflag:s20] =	ssyncadd.s32 $0xFFFFFFD8  }
0xab: {  	[spmem:s5] =	stream.indirect.scatter.add.f32 [tilespmem:s30], [sflag:$0x4], $0x1, s26, s0, $0xb8;
	[tilespmem:$0x12080] =	vst v63  }
0xac: {  	_ =	swait.ge [sflag:s1], $0x28  }
0xad: {  	[sflag:s1] =	ssyncset.done $0x0  }
0xae: {  	s25 =	simm.s32 $0x5400;
	[sflag:s1] =	ssyncadd.s32 $0xFFFFFFD8  }
0xaf: {  	[spmem:s4] =	stream.indirect.scatter.add.f32 [tilespmem:s30], [sflag:$0x1], $0x1, s25, s0, $0xb8;
	[tilespmem:$0x12080] =	vst v63  }
0xb0: {  	_ =	swait.ge [sflag:s2], $0x28  }
0xb1: {  	[sflag:s2] =	ssyncset.done $0x0  }
0xb2: {  	s26 =	simm.s32 $0xE000;
	[sflag:s2] =	ssyncadd.s32 $0xFFFFFFD8  }
0xb3: {  	[spmem:s5] =	stream.indirect.scatter.add.f32 [tilespmem:s30], [sflag:$0x2], $0x1, s26, s0, $0xb8;
	[tilespmem:$0x12080] =	vst v63  }
0xb4: {  	_ =	swait.ge [sflag:s19], $0x28  }
0xb5: {  	[sflag:s19] =	ssyncset.done $0x0  }
0xb6: {  	s28 =	simm.s32 $0x5480;
	[sflag:s19] =	ssyncadd.s32 $0xFFFFFFD8  }
0xb7: {  	[spmem:s4] =	stream.indirect.scatter.add.f32 [tilespmem:s30], [sflag:$0x3], $0x1, s28, s0, $0xb8;
	[tilespmem:$0x12080] =	vst v63  }
0xb8: {  	_ =	swait.ge [sflag:s20], $0x28  }
0xb9: {  	[sflag:s20] =	ssyncset.done $0x0  }
0xba: {  	s25 =	simm.s32 $0xFFFFA000;
	s26 =	simm.s32 $0xE080;
	[sflag:s20] =	ssyncadd.s32 $0xFFFFFFD8  }
.LBB2_8:
0xbb: {  	[spmem:s5] =	stream.indirect.scatter.add.f32 [tilespmem:s30], [sflag:$0x4], $0x1, s26, s0, $0xb8;
	[tilespmem:$0x12080] =	vst v63  }
0xbc: {  	s26 =	smov.u32 s25  }
0xbd: {  	p0 =	sne.s32 s25, $0xFFFFFC00;
	s25 =	sadd.s32 $0x400, s25;
	_ =	swait.ge [sflag:s1], $0x28  }
0xbe: {  	s26 =	sshra.s32 s26, $0x2;
	[sflag:s1] =	ssyncset.done $0x0  }
0xbf: {  	s28 =	sadd.s32 $0x6D00, s26;
	[sflag:s1] =	ssyncadd.s32 $0xFFFFFFD8  }
0xc0: {  	[spmem:s4] =	stream.indirect.scatter.add.f32 [tilespmem:s30], [sflag:$0x1], $0x1, s28, s0, $0xb8;
	[tilespmem:$0x12080] =	vst v63  }
0xc1: {  	_ =	swait.ge [sflag:s2], $0x28  }
0xc2: {  	[sflag:s2] =	ssyncset.done $0x0  }
0xc3: {  	s28 =	sadd.s32 $0xF900, s26;
	[sflag:s2] =	ssyncadd.s32 $0xFFFFFFD8  }
0xc4: {  	[spmem:s5] =	stream.indirect.scatter.add.f32 [tilespmem:s30], [sflag:$0x2], $0x1, s28, s0, $0xb8;
	[tilespmem:$0x12080] =	vst v63  }
0xc5: {  	_ =	swait.ge [sflag:s19], $0x28  }
0xc6: {  	[sflag:s19] =	ssyncset.done $0x0  }
.Ltmp3:
0xc7: {  	s28 =	sadd.s32 $0x6D80, s26;
	[sflag:s19] =	ssyncadd.s32 $0xFFFFFFD8;
	(pc) =	sbr.rel @p0 .LBB2_8-.Ltmp3, $4  }
0xc8: {  	[spmem:s4] =	stream.indirect.scatter.add.f32 [tilespmem:s30], [sflag:$0x3], $0x1, s28, s0, $0xb8;
	[tilespmem:$0x12080] =	vst v63  }
0xc9: {  	_ =	swait.ge [sflag:s20], $0x28  }
0xca: {  	[sflag:s20] =	ssyncset.done $0x0  }
0xcb: {  	s26 =	sadd.s32 $0xF980, s26;
	[sflag:s20] =	ssyncadd.s32 $0xFFFFFFD8  }
0xcc: {  	[spmem:s5] =	stream.indirect.scatter.add.f32 [tilespmem:s30], [sflag:$0x4], $0x1, s26, s0, $0xb8;
	[tilespmem:$0x12080] =	vst v63  }
0xcd: {  	_ =	swait.ge [sflag:s1], $0x28  }
0xce: {  	[sflag:s1] =	ssyncset.done $0x0  }
0xcf: {  	s25 =	simm.s32 $0x7000;
	[sflag:s1] =	ssyncadd.s32 $0xFFFFFFD8  }
0xd0: {  	[spmem:s4] =	stream.indirect.scatter.add.f32 [tilespmem:s30], [sflag:$0x1], $0x1, s25, s0, $0xb8;
	[tilespmem:$0x12080] =	vst v63  }
0xd1: {  	_ =	swait.ge [sflag:s2], $0x28  }
0xd2: {  	[sflag:s2] =	ssyncset.done $0x0  }
0xd3: {  	s26 =	simm.s32 $0xFC00;
	[sflag:s2] =	ssyncadd.s32 $0xFFFFFFD8  }
0xd4: {  	[spmem:s5] =	stream.indirect.scatter.add.f32 [tilespmem:s30], [sflag:$0x2], $0x1, s26, s0, $0xb8;
	[tilespmem:$0x12080] =	vst v63  }
0xd5: {  	_ =	swait.ge [sflag:s19], $0x28  }
0xd6: {  	[sflag:s19] =	ssyncset.done $0x0  }
0xd7: {  	s28 =	simm.s32 $0x7080;
	[sflag:s19] =	ssyncadd.s32 $0xFFFFFFD8  }
0xd8: {  	[spmem:s4] =	stream.indirect.scatter.add.f32 [tilespmem:s30], [sflag:$0x3], $0x1, s28, s0, $0xb8;
	[tilespmem:$0x12080] =	vst v63  }
0xd9: {  	_ =	swait.ge [sflag:s20], $0x28  }
0xda: {  	[sflag:s20] =	ssyncset.done $0x0  }
0xdb: {  	s25 =	simm.s32 $0xFFFFA000;
	s26 =	simm.s32 $0xFC80;
	[sflag:s20] =	ssyncadd.s32 $0xFFFFFFD8  }
.LBB2_10:
0xdc: {  	[spmem:s5] =	stream.indirect.scatter.add.f32 [tilespmem:s30], [sflag:$0x4], $0x1, s26, s0, $0xb8;
	[tilespmem:$0x12080] =	vst v63  }
0xdd: {  	s26 =	smov.u32 s25  }
0xde: {  	p0 =	sne.s32 s25, $0xFFFFFC00;
	s25 =	sadd.s32 $0x400, s25;
	_ =	swait.ge [sflag:s1], $0x28  }
0xdf: {  	s26 =	sshra.s32 s26, $0x2;
	[sflag:s1] =	ssyncset.done $0x0  }
0xe0: {  	s28 =	sadd.s32 $0x8900, s26;
	[sflag:s1] =	ssyncadd.s32 $0xFFFFFFD8  }
0xe1: {  	[spmem:s4] =	stream.indirect.scatter.add.f32 [tilespmem:s30], [sflag:$0x1], $0x1, s28, s0, $0xb8;
	[tilespmem:$0x12080] =	vst v63  }
0xe2: {  	_ =	swait.ge [sflag:s2], $0x28  }
0xe3: {  	[sflag:s2] =	ssyncset.done $0x0  }
0xe4: {  	s28 =	sadd.s32 $0x11500, s26;
	[sflag:s2] =	ssyncadd.s32 $0xFFFFFFD8  }
0xe5: {  	[spmem:s5] =	stream.indirect.scatter.add.f32 [tilespmem:s30], [sflag:$0x2], $0x1, s28, s0, $0xb8;
	[tilespmem:$0x12080] =	vst v63  }
0xe6: {  	_ =	swait.ge [sflag:s19], $0x28  }
0xe7: {  	[sflag:s19] =	ssyncset.done $0x0  }
.Ltmp4:
0xe8: {  	s28 =	sadd.s32 $0x8980, s26;
	[sflag:s19] =	ssyncadd.s32 $0xFFFFFFD8;
	(pc) =	sbr.rel @p0 .LBB2_10-.Ltmp4, $4  }
0xe9: {  	[spmem:s4] =	stream.indirect.scatter.add.f32 [tilespmem:s30], [sflag:$0x3], $0x1, s28, s0, $0xb8;
	[tilespmem:$0x12080] =	vst v63  }
0xea: {  	_ =	swait.ge [sflag:s20], $0x28  }
0xeb: {  	[sflag:s20] =	ssyncset.done $0x0  }
0xec: {  	s26 =	sadd.s32 $0x11580, s26;
	[sflag:s20] =	ssyncadd.s32 $0xFFFFFFD8  }
0xed: {  	[spmem:s5] =	stream.indirect.scatter.add.f32 [tilespmem:s30], [sflag:$0x4], $0x1, s26, s0, $0xb8;
	[tilespmem:$0x12080] =	vst v63  }
0xee: {  	_ =	swait.ge [sflag:s1], $0x28  }
0xef: {  	[sflag:s1] =	ssyncset.done $0x0  }
0xf0: {  	[sflag:s1] =	ssyncadd.s32 $0xFFFFFFD8  }
0xf1: {  	_ =	swait.ge [sflag:s2], $0x28  }
0xf2: {  	[sflag:s2] =	ssyncset.done $0x0  }
0xf3: {  	[sflag:s2] =	ssyncadd.s32 $0xFFFFFFD8  }
0xf4: {  	_ =	swait.ge [sflag:s19], $0x28  }
0xf5: {  	[sflag:s19] =	ssyncset.done $0x0  }
0xf6: {  	[sflag:s19] =	ssyncadd.s32 $0xFFFFFFD8  }
0xf7: {  	_ =	swait.ge [sflag:s20], $0x28  }
0xf8: {  	[sflag:s20] =	ssyncset.done $0x0  }
0xf9: {  	[sflag:s20] =	ssyncadd.s32 $0xFFFFFFD8  }
0xfa: {  	[bflag:$0x0] =	sbarrier.arrive $0xFFFF  }
0xfb: {  	[tilespmem:s3], [sflag:$0x5] =	stream.linear.gather [spmem:s10], $0x280, $0x38;
	[tilespmem:$0x12080] =	vst v63  }
0xfc: {  	_ =	swait.ge [sflag:s23], $0x280  }
0xfd: {  	[sflag:s23] =	ssyncset.done $0x0  }
0xfe: {  	[sflag:s23] =	ssyncadd.s32 $0xFFFFFD80  }
0xff: {  	[hbm4b:s12+s21] =	stream.strided.scatter [tilespmem:s3], [sflag:$0x5], $0x280, s22, s21, $0x38;
	[tilespmem:$0x12080] =	vst v63  }
0x100: {  	_ =	swait.ge [sflag:s23], $0x280  }
0x101: {  	[sflag:s23] =	ssyncset.done $0x0  }
0x102: {  	[sflag:s23] =	ssyncadd.s32 $0xFFFFFD80  }
0x103: {  	[tilespmem:s3], [sflag:$0x5] =	stream.linear.gather [spmem:s11], $0x280, $0x38;
	[tilespmem:$0x12080] =	vst v63  }
0x104: {  	s24 =	sadd.s32 $0x1, s24;
	_ =	swait.ge [sflag:s23], $0x280  }
0x105: {  	p0 =	sne.s32 s24, s14;
	[sflag:s23] =	ssyncset.done $0x0  }
.Ltmp5:
0x106: {  	[sflag:s23] =	ssyncadd.s32 $0xFFFFFD80;
	(pc) =	sbr.rel @p0 .LBB2_1-.Ltmp5, $4  }
0x107: {  	[hbm4b:s13+s21] =	stream.strided.scatter [tilespmem:s3], [sflag:$0x5], $0x280, s22, s21, $0x38;
	[tilespmem:$0x12080] =	vst v63  }
0x108: {  	_ =	swait.ge [sflag:s23], $0x280  }
0x109: {  	[sflag:s23] =	ssyncset.done $0x0  }
0x10a: {  	[sflag:s23] =	ssyncadd.s32 $0xFFFFFD80  }
0x10b: {  	_ =	sfence.sel $0x180000  }
0x10c: {  	[bflag:$0x0] =	sbarrier.arrive $0xFFFF  }
0x10d: {  	_ =	strace $0x90000047  }
0x10e: {  	s0 =	stileid.u32;
	[bflag:$0x2] =	sbarrier.arrive $0xFFFF  }
0x10f: {  	p0 =	sne.s32 s0, $0x0;
	s0 =	rddreg [dreg:$0x5]  }
0x110: {  	s0 =	sadd.s32 @!p0 $0x100000, s0  }
0x111: {  	[sflag:s0] =	ssyncadd.tile.s32 @!p0 $0x1;
	_ =	shalt  }
.Lfunc_end2:
_tile_overlayer_lowered:
.L_overlay_start_2:
0x112: {  	(tag) =	ssettag $0x2  }
0x113: {  	s0 =	rddreg [dreg:$0x0];
	s2 =	stileid.u32  }
0x114: {  	s1 =	rddreg [dreg:$0x1];
	p0 =	sne.s32 s2, $0x0  }
0x115: {  	s3 =	rddreg [dreg:$0x2];
	[bflag:$0x3] =	sbarrier.arrive $0xFFFF;
	s2 =	simm.s32 @!p0 $0x1C05  }
0x116: {  	[timem:s3], [sflag:s2] =	dma.local @!p0 [hbm:s0], s1  }
0x117: {  	s0 =	simm.s32 @!p0 $0x5  }
0x118: {  	_ =	swait.ge @!p0 [sflag:s0], s1  }
0x119: {  	s1 =	ssub.s32 @!p0 $0x0, s1;
	[sflag:s0] =	ssyncset.done @!p0 $0x0  }
0x11a: {  	[sflag:s0] =	ssyncadd.s32 @!p0 s1  }
0x11b: {  	[bflag:$0x3] =	sbarrier.arrive $0xFFFF  }
0x11c: {  	_ =	shalt  }

</sc_bundles>
